<compile_context>
chip_gen: v7x
topology: tpu7x:2x2x1
jax: 0.10.2.dev20260603
libtpu: 0.0.44.dev20260713+nightly
codegen_flags: <defaults>
</compile_context>

<pallas_src>
import functools

import jax
import jax.numpy as jnp
from jax import lax
from jax.experimental import pallas as pl
from jax.experimental.pallas import tpu as pltpu
from jax.experimental.pallas import tpu_sc as plsc

N = 10000
E = 160000
EP = 163840
D = 256
DH = 128
DE = 16
GW = 32
SW = 64
WPS = (EP // SW) // 16
RB = 1000
EB = 2048

f32 = jnp.float32
HIGH = lax.Precision.HIGHEST


def _lrelu(v):
    return jnp.maximum(v, 0.2 * v)


def _ploop_body(ea64_ref, we_ref, o_ref):
    s = jnp.sum(ea64_ref[...], axis=0, keepdims=True)
    m = s[:, 0:DE]
    for q in range(1, 8):
        m = m + s[:, q * DE:(q + 1) * DE]
    m = m * (1.0 / E)
    o_ref[...] = jax.lax.dot_general(m, we_ref[...], (((1,), (0,)), ((), ())),
                                     precision=HIGH)


def _k0(ea64, we):
    return pl.pallas_call(
        _ploop_body,
        out_shape=jax.ShapeDtypeStruct((1, D), f32),
    )(ea64, we)


def _node_body(x_ref, wl_ref, bl_ref, wr_ref, br_ref, pl_ref, att_ref,
               xl_ref, xr_ref, a0_ref, a1_ref, dn_ref):
    xb = x_ref[...]
    xl = jax.lax.dot_general(xb, wl_ref[...], (((1,), (0,)), ((), ())),
                             precision=HIGH) + bl_ref[...]
    xr = jax.lax.dot_general(xb, wr_ref[...], (((1,), (0,)), ((), ())),
                             precision=HIGH) + br_ref[...]
    xl_ref[...] = xl
    xr_ref[...] = xr
    zl = _lrelu(xl + xr + pl_ref[...])
    wloop = jnp.exp(jnp.sum(zl * att_ref[...], axis=1, keepdims=True))
    a0_ref[...] = xl[:, :DH] * wloop
    a1_ref[...] = xl[:, DH:] * wloop
    col = lax.broadcasted_iota(jnp.int32, (RB, DE), 1)
    dn_ref[...] = jnp.where(col == 0, wloop, 0.0)


def _k1(x, wl, bl, wr, br, ploop, att):
    grid = (N // RB,)
    row_spec = pl.BlockSpec((RB, D), lambda i: (i, 0))
    full = lambda shape: pl.BlockSpec(shape, lambda i: (0, 0))
    return pl.pallas_call(
        _node_body,
        grid=grid,
        in_specs=[row_spec, full((D, D)), full((1, D)), full((D, D)),
                  full((1, D)), full((1, D)), full((1, D))],
        out_specs=[row_spec, row_spec,
                   pl.BlockSpec((RB, DH), lambda i: (i, 0)),
                   pl.BlockSpec((RB, DH), lambda i: (i, 0)),
                   pl.BlockSpec((RB, DE), lambda i: (i, 0))],
        out_shape=[jax.ShapeDtypeStruct((N, D), f32),
                   jax.ShapeDtypeStruct((N, D), f32),
                   jax.ShapeDtypeStruct((N, DH), f32),
                   jax.ShapeDtypeStruct((N, DH), f32),
                   jax.ShapeDtypeStruct((N, DE), f32)],
    )(x, wl, bl, wr, br, ploop, att)


def _sc_mesh():
    return plsc.VectorSubcoreMesh(core_axis_name="c", subcore_axis_name="s",
                                  num_cores=2, num_subcores=16)


def _k2(xl, xr, srcw, dstw):
    @functools.partial(
        pl.kernel,
        out_type=(jax.ShapeDtypeStruct((EP, D), f32),
                  jax.ShapeDtypeStruct((EP, D), f32)),
        mesh=_sc_mesh(),
        scratch_types=[pltpu.SemaphoreType.DMA((2,))],
    )
    def gather_k(xl_hbm, xr_hbm, srcw_hbm, dstw_hbm, gxl_hbm, gxr_hbm, sems):
        def body(si_ref, di_ref, ol_ref, or_ref):
            h1 = pltpu.async_copy(xl_hbm.at[si_ref.at[0]], ol_ref, sems.at[0])
            h2 = pltpu.async_copy(xr_hbm.at[di_ref.at[0]], or_ref, sems.at[1])
            h1.wait()
            h2.wait()

        pltpu.emit_pipeline(
            body,
            grid=(EP // GW,),
            in_specs=[pl.BlockSpec((1, GW), lambda i: (i, 0)),
                      pl.BlockSpec((1, GW), lambda i: (i, 0))],
            out_specs=[pl.BlockSpec((GW, D), lambda i: (i, 0)),
                       pl.BlockSpec((GW, D), lambda i: (i, 0))],
            core_axis_name=("c", "s"),
            dimension_semantics=(pltpu.PARALLEL,),
        )(srcw_hbm, dstw_hbm, gxl_hbm, gxr_hbm)

    return gather_k(xl, xr, srcw, dstw)


def _edge_body(gxl_ref, gxr_ref, ea_ref, we_ref, att_ref,
               u0_ref, u1_ref, ud_ref):
    ep = jax.lax.dot_general(ea_ref[...], we_ref[...], (((1,), (0,)), ((), ())),
                             precision=HIGH)
    gxl = gxl_ref[...]
    z = _lrelu(gxl + gxr_ref[...] + ep)
    logit = jnp.sum(z * att_ref[...], axis=1, keepdims=True)
    rows = pl.program_id(0) * EB + lax.broadcasted_iota(jnp.int32, (EB, 1), 0)
    w = jnp.where(rows < E, jnp.exp(logit), 0.0)
    u0_ref[...] = gxl[:, :DH] * w
    u1_ref[...] = gxl[:, DH:] * w
    col = lax.broadcasted_iota(jnp.int32, (EB, DE), 1)
    ud_ref[...] = jnp.where(col == 0, w, 0.0)


def _k3(gxl, gxr, ea_p, we, att):
    grid = (EP // EB,)
    row_spec = pl.BlockSpec((EB, D), lambda i: (i, 0))
    full = lambda shape: pl.BlockSpec(shape, lambda i: (0, 0))
    return pl.pallas_call(
        _edge_body,
        grid=grid,
        in_specs=[row_spec, row_spec,
                  pl.BlockSpec((EB, DE), lambda i: (i, 0)),
                  full((DE, D)), full((1, D))],
        out_specs=[pl.BlockSpec((EB, DH), lambda i: (i, 0)),
                   pl.BlockSpec((EB, DH), lambda i: (i, 0)),
                   pl.BlockSpec((EB, DE), lambda i: (i, 0))],
        out_shape=[jax.ShapeDtypeStruct((EP, DH), f32),
                   jax.ShapeDtypeStruct((EP, DH), f32),
                   jax.ShapeDtypeStruct((EP, DE), f32)],
    )(gxl, gxr, ea_p, we, att)


NL = 5000
NT = NL + 512


def _route_body(d_ref, lo_ref, hi_ref):
    d = d_ref[...]
    col = lax.broadcasted_iota(jnp.int32, d.shape, 1)
    row = lax.broadcasted_iota(jnp.int32, d.shape, 0)
    trash = NL + col + 64 * (row % 8)
    lo_ref[...] = jnp.where(d < NL, d, trash)
    hi_ref[...] = jnp.where(d >= NL, d - NL, trash)


def _k3i(dstw):
    return pl.pallas_call(
        _route_body,
        out_shape=[jax.ShapeDtypeStruct(dstw.shape, jnp.int32),
                   jax.ShapeDtypeStruct(dstw.shape, jnp.int32)],
    )(dstw)


def _k4(u0, u1, ud, dlo, dhi, dstw, a0i, a1i, dni):
    @functools.partial(
        pl.kernel,
        out_type=(jax.ShapeDtypeStruct((NL, DH), f32),
                  jax.ShapeDtypeStruct((NL, DH), f32),
                  jax.ShapeDtypeStruct((NL, DH), f32),
                  jax.ShapeDtypeStruct((NL, DH), f32),
                  jax.ShapeDtypeStruct((N, DE), f32)),
        mesh=_sc_mesh(),
        scratch_types=[
            pltpu.VMEM_SHARED((NT, DH), f32),
            pltpu.VMEM_SHARED((NT, DH), f32),
            pltpu.VMEM_SHARED((N, DE), f32),
            pltpu.VMEM((SW, DH), f32),
            pltpu.VMEM((SW, DE), f32),
            pltpu.VMEM((1, SW), jnp.int32),
            pltpu.VMEM((1, SW), jnp.int32),
            pltpu.VMEM((1, SW), jnp.int32),
        ],
    )
    def scatter_k(u0_hbm, u1_hbm, ud_hbm, dlo_hbm, dhi_hbm, dstw_hbm,
                  a0i_hbm, a1i_hbm, dni_hbm,
                  o0lo_hbm, o0hi_hbm, o1lo_hbm, o1hi_hbm, den_hbm,
                  acc_lo, acc_hi, den_sh, ub, udb, iblo, ibhi, ibd):
        c = lax.axis_index("c")
        s = lax.axis_index("s")
        CH = 40

        def nch_for(nrows):
            nch = nrows // CH
            return jnp.where(s < (nch % 16), nch // 16 + 1, nch // 16)

        def stage_in(src_hbm, src_off, dst_sh, nrows, buf):
            @pl.loop(0, nch_for(nrows))
            def _(k):
                r0 = (s + k * 16) * CH
                pltpu.sync_copy(src_hbm.at[pl.ds(src_off + r0, CH)],
                                buf.at[pl.ds(0, CH)])
                pltpu.sync_copy(buf.at[pl.ds(0, CH)],
                                dst_sh.at[pl.ds(r0, CH)])

        def stage_out(src_sh, dst_hbm, nrows, buf):
            @pl.loop(0, nch_for(nrows))
            def _(k):
                r0 = (s + k * 16) * CH
                pltpu.sync_copy(src_sh.at[pl.ds(r0, CH)],
                                buf.at[pl.ds(0, CH)])
                pltpu.sync_copy(buf.at[pl.ds(0, CH)],
                                dst_hbm.at[pl.ds(r0, CH)])

        @pl.when(c == 0)
        def _():
            stage_in(a0i_hbm, 0, acc_lo, NL, ub)
            stage_in(a0i_hbm, NL, acc_hi, NL, ub)
            stage_in(dni_hbm, 0, den_sh, N, udb)

        @pl.when(c == 1)
        def _():
            stage_in(a1i_hbm, 0, acc_lo, NL, ub)
            stage_in(a1i_hbm, NL, acc_hi, NL, ub)

        plsc.subcore_barrier()

        base = s * WPS

        def run(u_hbm, with_den):
            @pl.loop(0, WPS)
            def _(g):
                r0 = (base + g) * SW
                pltpu.sync_copy(dlo_hbm.at[pl.ds(base + g, 1)], iblo)
                pltpu.sync_copy(dhi_hbm.at[pl.ds(base + g, 1)], ibhi)
                pltpu.sync_copy(u_hbm.at[pl.ds(r0, SW)], ub)
                if with_den:
                    pltpu.sync_copy(dstw_hbm.at[pl.ds(base + g, 1)], ibd)
                    pltpu.sync_copy(ud_hbm.at[pl.ds(r0, SW)], udb)
                pltpu.sync_copy(ub, acc_lo.at[iblo.at[0]], add=True)
                pltpu.sync_copy(ub, acc_hi.at[ibhi.at[0]], add=True)
                if with_den:
                    pltpu.sync_copy(udb, den_sh.at[ibd.at[0]], add=True)

        @pl.when(c == 0)
        def _():
            run(u0_hbm, True)

        @pl.when(c == 1)
        def _():
            run(u1_hbm, False)

        plsc.subcore_barrier()

        @pl.when(c == 0)
        def _():
            stage_out(acc_lo, o0lo_hbm, NL, ub)
            stage_out(acc_hi, o0hi_hbm, NL, ub)
            stage_out(den_sh, den_hbm, N, udb)

        @pl.when(c == 1)
        def _():
            stage_out(acc_lo, o1lo_hbm, NL, ub)
            stage_out(acc_hi, o1hi_hbm, NL, ub)

    return scatter_k(u0, u1, ud, dlo, dhi, dstw, a0i, a1i, dni)


def _final_body(acc_ref, dn_ref, bias_ref, bw_ref, bb_ref, o_ref):
    den = dn_ref[...][:, 0:1] + 1e-16
    o = _lrelu(acc_ref[...] / den + bias_ref[...])
    mu = jnp.mean(o, axis=0, keepdims=True)
    var = jnp.mean((o - mu) ** 2, axis=0, keepdims=True)
    o_ref[...] = (o - mu) * lax.rsqrt(var + 1e-5) * bw_ref[...] + bb_ref[...]


def _k5(acc, den, bias, bnw, bnb):
    grid = (2,)
    col_spec = pl.BlockSpec((N, DH), lambda j: (0, j))
    vec_spec = pl.BlockSpec((1, DH), lambda j: (0, j))
    return pl.pallas_call(
        _final_body,
        grid=grid,
        in_specs=[col_spec, pl.BlockSpec((N, DE), lambda j: (0, 0)),
                  vec_spec, vec_spec, vec_spec],
        out_specs=col_spec,
        out_shape=jax.ShapeDtypeStruct((N, D), f32),
    )(acc, den, bias, bnw, bnb)


def kernel(x, edge_index, edge_attr, W_l, b_l, W_r, b_r, W_e, att, bias,
           bn_weight, bn_bias):
    src = edge_index[0].astype(jnp.int32)
    dst = edge_index[1].astype(jnp.int32)
    pad_ids = jnp.arange(EP - E, dtype=jnp.int32) % N
    src_p = jnp.concatenate([src, pad_ids])
    dst_p = jnp.concatenate([dst, pad_ids])
    srcw = src_p.reshape(EP // GW, GW)
    dstw_g = dst_p.reshape(EP // GW, GW)
    dstw_s = dst_p.reshape(EP // SW, SW)
    ea_p = jnp.concatenate([edge_attr, jnp.zeros((EP - E, DE), f32)])

    bl2 = b_l.reshape(1, D)
    br2 = b_r.reshape(1, D)
    att2 = att.reshape(1, D)
    bias2 = bias.reshape(1, D)
    bnw2 = bn_weight.reshape(1, D)
    bnb2 = bn_bias.reshape(1, D)

    ploop = _k0(edge_attr.reshape(E * DE // 128, 128), W_e)
    xl, xr, a0i, a1i, dni = _k1(x, W_l, bl2, W_r, br2, ploop, att2)
    gxl, gxr = _k2(xl, xr, srcw, dstw_g)
    u0, u1, ud = _k3(gxl, gxr, ea_p, W_e, att2)
    dstf = dstw_s.reshape(-1)
    acc0 = a0i.at[dstf].add(u0)
    acc1 = a1i.at[dstf].add(u1)
    den = dni.at[dstf].add(ud)
    acc = jnp.concatenate([acc0, acc1], axis=1)
    return _k5(acc, den, bias2, bnw2, bnb2)

# --- scband reference (transcript-rebuilt; emitter-appended) ---
"""Pipeline reference for scband-gatv2-layer-35648228557643 (READ-ONLY COPY).

The authoritative reference and input builder live on the scoring server;
editing this copy changes nothing except your own understanding.
"""

import jax, jax.numpy as jnp
import numpy as np

N_NODES = 10000
N_EDGES = 160000
D_IN = 256
D_OUT = 256
D_EDGE = 16


def setup_inputs(seed: int = 0) -> dict:
    key = jax.random.key(seed)
    ks = jax.random.split(key, 12)
    x = jax.random.normal(ks[0], (N_NODES, D_IN), dtype=jnp.float32)
    edge_index = jax.random.randint(ks[1], (2, N_EDGES), 0, N_NODES)
    edge_attr = jax.random.normal(ks[2], (N_EDGES, D_EDGE), dtype=jnp.float32)
    W_l = jax.random.normal(ks[3], (D_IN, D_OUT), dtype=jnp.float32) * 0.05
    b_l = jax.random.normal(ks[4], (D_OUT,), dtype=jnp.float32) * 0.05
    W_r = jax.random.normal(ks[5], (D_IN, D_OUT), dtype=jnp.float32) * 0.05
    b_r = jax.random.normal(ks[6], (D_OUT,), dtype=jnp.float32) * 0.05
    W_e = jax.random.normal(ks[7], (D_EDGE, D_OUT), dtype=jnp.float32) * 0.05
    att = jax.random.normal(ks[8], (D_OUT,), dtype=jnp.float32) * 0.05
    bias = jax.random.normal(ks[9], (D_OUT,), dtype=jnp.float32) * 0.05
    bn_weight = jnp.ones((D_OUT,), dtype=jnp.float32)
    bn_bias = jnp.zeros((D_OUT,), dtype=jnp.float32)
    return {"x": x, "edge_index": edge_index, "edge_attr": edge_attr,
            "W_l": W_l, "b_l": b_l, "W_r": W_r, "b_r": b_r, "W_e": W_e,
            "att": att, "bias": bias, "bn_weight": bn_weight, "bn_bias": bn_bias}


def reference(x, edge_index, edge_attr, W_l, b_l, W_r, b_r, W_e, att, bias, bn_weight, bn_bias):
    N = x.shape[0]
    # GATv2Conv (heads=1): source transform lin_l, target transform lin_r
    x_l = x @ W_l + b_l  # [N, D_OUT] source features
    x_r = x @ W_r + b_r  # [N, D_OUT] target features
    src = edge_index[0]
    dst = edge_index[1]
    # add_self_loops=True with fill_value='mean' for edge_attr
    loop = jnp.arange(N, dtype=src.dtype)
    src_full = jnp.concatenate([src, loop], axis=0)
    dst_full = jnp.concatenate([dst, loop], axis=0)
    ea_mean = jnp.mean(edge_attr, axis=0, keepdims=True)  # [1, D_EDGE]
    ea_full = jnp.concatenate([edge_attr, jnp.broadcast_to(ea_mean, (N, edge_attr.shape[1]))], axis=0)
    # per-edge attention (GATv2: nonlinearity before attention vector)
    e = x_l[src_full] + x_r[dst_full] + ea_full @ W_e  # [E+N, D_OUT]
    e = jax.nn.leaky_relu(e, negative_slope=0.2)
    logits = e @ att  # [E+N]
    # softmax over incoming edges of each target node
    m = jax.ops.segment_max(logits, dst_full, num_segments=N)
    unnorm = jnp.exp(logits - m[dst_full])
    denom = jax.ops.segment_sum(unnorm, dst_full, num_segments=N)
    alpha = unnorm / (denom[dst_full] + 1e-16)
    # aggregate messages
    out = jax.ops.segment_sum(alpha[:, None] * x_l[src_full], dst_full, num_segments=N)
    out = out + bias
    # outer leaky_relu
    out = jax.nn.leaky_relu(out, negative_slope=0.2)
    # BatchNorm over node dimension (training-mode batch stats, eps=1e-5)
    mean = jnp.mean(out, axis=0)
    var = jnp.var(out, axis=0)
    out = (out - mean) / jnp.sqrt(var + 1e-5) * bn_weight + bn_bias
    # dropout is identity in eval
    return out

if __name__ == "__main__":
    import jax
    _d = setup_inputs()
    print(jax.jit(kernel)(*tuple(_d.values())))

</pallas_src>

<mosaic_0001>
#map = affine_map<(d0, d1) -> (0, 0)>
module attributes {stable_mosaic.version = 14 : i64} {
  func.func @gather_k(%arg0: i32, %arg1: i32, %arg2: memref<10000x256xf32, #tpu.memory_space<hbm>>, %arg3: memref<10000x256xf32, #tpu.memory_space<hbm>>, %arg4: memref<5120x32xi32, #tpu.memory_space<hbm>>, %arg5: memref<5120x32xi32, #tpu.memory_space<hbm>>, %arg6: memref<163840x256xf32, #tpu.memory_space<hbm>>, %arg7: memref<163840x256xf32, #tpu.memory_space<hbm>>, %arg8: memref<2x!tpu.dma_semaphore, #tpu.memory_space<semaphore_mem>>) attributes {dimension_semantics = [#tpu.dimension_semantics<core_parallel>, #tpu.dimension_semantics<subcore_parallel>], iteration_bounds = array<i64: 2, 16>, scalar_prefetch = 0 : i64, scratch_operands = 1 : i64, tpu.core_type = #tpu.core_type<sc_vector_subcore>, window_params = [{transform_indices = #map}, {transform_indices = #map}, {transform_indices = #map}, {transform_indices = #map}, {transform_indices = #map}, {transform_indices = #map}]} {
    %mul3A = arith.constant 1 : i32
    %mul3A_0 = arith.muli %arg1, %mul3A : i32
    %add3A = arith.constant 0 : i32
    %add3A_1 = arith.addi %add3A, %mul3A_0 : i32
    %mul3A_2 = arith.constant 16 : i32
    %mul3A_3 = arith.muli %arg0, %mul3A_2 : i32
    %add3A_4 = arith.addi %add3A_1, %mul3A_3 : i32
    %mul3A_5 = arith.constant 160 : i32
    %mul3A_6 = arith.muli %add3A_4, %mul3A_5 : i32
    "tpu.region"() ({
      %run_scoped3A = memref.alloca() : memref<2x1x32xi32, #tpu.memory_space<vmem>>
      %run_scoped3A_7 = tpu.sem_alloc : memref<2x!tpu.dma_semaphore, #tpu.memory_space<semaphore_mem>>
      %run_scoped3A_8 = memref.alloca() : memref<2x1x32xi32, #tpu.memory_space<vmem>>
      %run_scoped3A_9 = tpu.sem_alloc : memref<2x!tpu.dma_semaphore, #tpu.memory_space<semaphore_mem>>
      %run_scoped3A_10 = memref.alloca() : memref<2x32x256xf32, #tpu.memory_space<vmem>>
      %run_scoped3A_11 = tpu.sem_alloc : memref<2x!tpu.dma_semaphore, #tpu.memory_space<semaphore_mem>>
      %run_scoped3A_12 = memref.alloca() : memref<2x32x256xf32, #tpu.memory_space<vmem>>
      %run_scoped3A_13 = tpu.sem_alloc : memref<2x!tpu.dma_semaphore, #tpu.memory_space<semaphore_mem>>
      %add3A_14 = arith.constant 0 : i32
      %add3A_15 = arith.addi %add3A_14, %mul3A_6 : i32
      %select_n3A = arith.constant true
      %select_n3A_16 = arith.constant 0 : i32
      %select_n3A_17 = arith.constant -1 : i32
      %select_n3A_18 = arith.select %select_n3A, %select_n3A_17, %select_n3A_16 : i32
      %eq3A = arith.constant -1 : i32
      %eq3A_19 = arith.cmpi eq, %select_n3A_18, %eq3A : i32
      %select_n3A_20 = arith.constant 159 : i32
      %select_n3A_21 = arith.select %eq3A_19, %select_n3A_20, %select_n3A_18 : i32
      %add3A_22 = arith.addi %select_n3A_21, %mul3A_6 : i32
      %select_n3A_23 = arith.constant true
      %select_n3A_24 = arith.constant 0 : i32
      %select_n3A_25 = arith.constant 1 : i32
      %select_n3A_26 = arith.select %select_n3A_23, %select_n3A_25, %select_n3A_24 : i32
      %eq3A_27 = arith.constant 160 : i32
      %eq3A_28 = arith.cmpi eq, %select_n3A_26, %eq3A_27 : i32
      %select_n3A_29 = arith.constant 0 : i32
      %select_n3A_30 = arith.select %eq3A_28, %select_n3A_29, %select_n3A_26 : i32
      %add3A_31 = arith.addi %select_n3A_30, %mul3A_6 : i32
      %add3A_32 = arith.constant 1 : i32
      %add3A_33 = arith.addi %select_n3A_30, %add3A_32 : i32
      %select_n3A_34 = arith.constant true
      %select_n3A_35 = arith.select %select_n3A_34, %add3A_33, %select_n3A_30 : i32
      %eq3A_36 = arith.constant 160 : i32
      %eq3A_37 = arith.cmpi eq, %select_n3A_35, %eq3A_36 : i32
      %select_n3A_38 = arith.constant 0 : i32
      %select_n3A_39 = arith.select %eq3A_37, %select_n3A_38, %select_n3A_35 : i32
      %add3A_40 = arith.addi %select_n3A_39, %mul3A_6 : i32
      "tpu.trace_start"() <{level = 10 : i32, message = "ep_initialize_0"}> : () -> ()
      %rem3A = arith.constant 0 : i32
      %rem3A_41 = arith.constant 2 : i32
      %rem3A_42 = arith.remui %rem3A, %rem3A_41 : i32
      %mul3A_43 = arith.constant 1 : i32
      %mul3A_44 = arith.muli %mul3A_43, %add3A_15 : i32
      %dma_start3A = arith.constant 0 : i32
      %dma_start3A_45 = arith.constant 0 : i32
      %dma_start3A_46 = tpu.memref_slice %run_scoped3A[%rem3A_42, %dma_start3A, %dma_start3A_45] : memref<2x1x32xi32, #tpu.memory_space<vmem>> -> memref<1x1x32xi32, #tpu.memory_space<vmem>>
      %dma_start3A_47 = tpu.memref_squeeze %dma_start3A_46 : memref<1x1x32xi32, #tpu.memory_space<vmem>> -> memref<1x32xi32, #tpu.memory_space<vmem>>
      %dma_start3A_48 = arith.constant 0 : i32
      %dma_start3A_49 = tpu.memref_slice %arg4[%mul3A_44, %dma_start3A_48] : memref<5120x32xi32, #tpu.memory_space<hbm>> -> memref<1x32xi32, #tpu.memory_space<hbm>>
      %dma_start3A_50 = tpu.memref_slice %run_scoped3A_7[%rem3A_42] : memref<2x!tpu.dma_semaphore, #tpu.memory_space<semaphore_mem>> -> memref<1x!tpu.dma_semaphore, #tpu.memory_space<semaphore_mem>>
      %dma_start3A_51 = tpu.memref_squeeze %dma_start3A_50 : memref<1x!tpu.dma_semaphore, #tpu.memory_space<semaphore_mem>> -> memref<!tpu.dma_semaphore, #tpu.memory_space<semaphore_mem>>
      %dma_start3A_52 = arith.constant 0 : i32
      %dma_start3A_53 = arith.constant 0 : i32
      %dma_start3A_54 = tpu.memref_slice %run_scoped3A[%rem3A_42, %dma_start3A_52, %dma_start3A_53] : memref<2x1x32xi32, #tpu.memory_space<vmem>> -> memref<1x1x32xi32, #tpu.memory_space<vmem>>
      %dma_start3A_55 = tpu.memref_squeeze %dma_start3A_54 : memref<1x1x32xi32, #tpu.memory_space<vmem>> -> memref<1x32xi32, #tpu.memory_space<vmem>>
      %dma_start3A_56 = arith.constant 0 : i32
      %dma_start3A_57 = tpu.memref_slice %arg4[%mul3A_44, %dma_start3A_56] : memref<5120x32xi32, #tpu.memory_space<hbm>> -> memref<1x32xi32, #tpu.memory_space<hbm>>
      tpu.enqueue_dma source(%dma_start3A_57 : memref<1x32xi32, #tpu.memory_space<hbm>>) target(%dma_start3A_55 : memref<1x32xi32, #tpu.memory_space<vmem>>) target_semaphore(%dma_start3A_51 : memref<!tpu.dma_semaphore, #tpu.memory_space<semaphore_mem>>)
      %add3A_58 = arith.constant 0 : i32
      %add3A_59 = arith.constant 1 : i32
      %add3A_60 = arith.addi %add3A_58, %add3A_59 : i32
      %select_n3A_61 = arith.constant true
      %select_n3A_62 = arith.constant 0 : i32
      %select_n3A_63 = arith.select %select_n3A_61, %add3A_60, %select_n3A_62 : i32
      %rem3A_64 = arith.constant 0 : i32
      %rem3A_65 = arith.constant 2 : i32
      %rem3A_66 = arith.remui %rem3A_64, %rem3A_65 : i32
      %mul3A_67 = arith.constant 1 : i32
      %mul3A_68 = arith.muli %mul3A_67, %add3A_15 : i32
      %dma_start3A_69 = arith.constant 0 : i32
      %dma_start3A_70 = arith.constant 0 : i32
      %dma_start3A_71 = tpu.memref_slice %run_scoped3A_8[%rem3A_66, %dma_start3A_69, %dma_start3A_70] : memref<2x1x32xi32, #tpu.memory_space<vmem>> -> memref<1x1x32xi32, #tpu.memory_space<vmem>>
      %dma_start3A_72 = tpu.memref_squeeze %dma_start3A_71 : memref<1x1x32xi32, #tpu.memory_space<vmem>> -> memref<1x32xi32, #tpu.memory_space<vmem>>
      %dma_start3A_73 = arith.constant 0 : i32
      %dma_start3A_74 = tpu.memref_slice %arg5[%mul3A_68, %dma_start3A_73] : memref<5120x32xi32, #tpu.memory_space<hbm>> -> memref<1x32xi32, #tpu.memory_space<hbm>>
      %dma_start3A_75 = tpu.memref_slice %run_scoped3A_9[%rem3A_66] : memref<2x!tpu.dma_semaphore, #tpu.memory_space<semaphore_mem>> -> memref<1x!tpu.dma_semaphore, #tpu.memory_space<semaphore_mem>>
      %dma_start3A_76 = tpu.memref_squeeze %dma_start3A_75 : memref<1x!tpu.dma_semaphore, #tpu.memory_space<semaphore_mem>> -> memref<!tpu.dma_semaphore, #tpu.memory_space<semaphore_mem>>
      %dma_start3A_77 = arith.constant 0 : i32
      %dma_start3A_78 = arith.constant 0 : i32
      %dma_start3A_79 = tpu.memref_slice %run_scoped3A_8[%rem3A_66, %dma_start3A_77, %dma_start3A_78] : memref<2x1x32xi32, #tpu.memory_space<vmem>> -> memref<1x1x32xi32, #tpu.memory_space<vmem>>
      %dma_start3A_80 = tpu.memref_squeeze %dma_start3A_79 : memref<1x1x32xi32, #tpu.memory_space<vmem>> -> memref<1x32xi32, #tpu.memory_space<vmem>>
      %dma_start3A_81 = arith.constant 0 : i32
      %dma_start3A_82 = tpu.memref_slice %arg5[%mul3A_68, %dma_start3A_81] : memref<5120x32xi32, #tpu.memory_space<hbm>> -> memref<1x32xi32, #tpu.memory_space<hbm>>
      tpu.enqueue_dma source(%dma_start3A_82 : memref<1x32xi32, #tpu.memory_space<hbm>>) target(%dma_start3A_80 : memref<1x32xi32, #tpu.memory_space<vmem>>) target_semaphore(%dma_start3A_76 : memref<!tpu.dma_semaphore, #tpu.memory_space<semaphore_mem>>)
      %add3A_83 = arith.constant 0 : i32
      %add3A_84 = arith.constant 1 : i32
      %add3A_85 = arith.addi %add3A_83, %add3A_84 : i32
      %select_n3A_86 = arith.constant true
      %select_n3A_87 = arith.constant 0 : i32
      %select_n3A_88 = arith.select %select_n3A_86, %add3A_85, %select_n3A_87 : i32
      "tpu.trace_stop"() : () -> ()
      %scan3A = arith.constant 0 : i32
      %scan3A_89 = arith.constant 0 : i32
      %scan3A_90 = arith.constant 0 : i32
      %scan3A_91 = arith.constant 0 : i32
      %scan3A_92 = arith.constant 0 : i32
      %scan3A_93 = arith.constant 0 : i32
      %scan3A_94 = arith.constant 0 : i32
      %scan3A_95 = arith.constant 0 : i32
      %scan3A_96 = arith.constant 160 : i32
      %scan3A_97 = arith.addi %scan3A_95, %scan3A_96 : i32
      %scan3A_98 = arith.constant 1 : i32
      %scan3A_99:9 = scf.for %scan3A_171 = %scan3A_95 to %scan3A_97 step %scan3A_98 iter_args(%scan3A_172 = %select_n3A_63, %scan3A_173 = %scan3A, %scan3A_174 = %select_n3A_88, %scan3A_175 = %scan3A_89, %scan3A_176 = %scan3A_90, %scan3A_177 = %scan3A_91, %scan3A_178 = %scan3A_92, %scan3A_179 = %scan3A_93, %scan3A_180 = %scan3A_94) -> (i32, i32, i32, i32, i32, i32, i32, i32, i32)  : i32 {
        %eq3A_181 = arith.constant 0 : i32
        %eq3A_182 = arith.cmpi eq, %scan3A_171, %eq3A_181 : i32
        %eq3A_183 = arith.constant 159 : i32
        %eq3A_184 = arith.cmpi eq, %scan3A_171, %eq3A_183 : i32
        %add3A_185 = arith.addi %scan3A_180, %mul3A_6 : i32
        %sub3A_186 = arith.constant 1 : i32
        %sub3A_187 = arith.subi %scan3A_180, %sub3A_186 : i32
        %select_n3A_188 = arith.constant true
        %select_n3A_189 = arith.select %select_n3A_188, %sub3A_187, %scan3A_180 : i32
        %eq3A_190 = arith.constant -1 : i32
        %eq3A_191 = arith.cmpi eq, %select_n3A_189, %eq3A_190 : i32
        %select_n3A_192 = arith.constant 159 : i32
        %select_n3A_193 = arith.select %eq3A_191, %select_n3A_192, %select_n3A_189 : i32
        %add3A_194 = arith.addi %select_n3A_193, %mul3A_6 : i32
        %add3A_195 = arith.constant 1 : i32
        %add3A_196 = arith.addi %scan3A_180, %add3A_195 : i32
        %select_n3A_197 = arith.constant true
        %select_n3A_198 = arith.select %select_n3A_197, %add3A_196, %scan3A_180 : i32
        %eq3A_199 = arith.constant 160 : i32
        %eq3A_200 = arith.cmpi eq, %select_n3A_198, %eq3A_199 : i32
        %select_n3A_201 = arith.constant 0 : i32
        %select_n3A_202 = arith.select %eq3A_200, %select_n3A_201, %select_n3A_198 : i32
        %add3A_203 = arith.addi %select_n3A_202, %mul3A_6 : i32
        %add3A_204 = arith.constant 1 : i32
        %add3A_205 = arith.addi %select_n3A_202, %add3A_204 : i32
        %select_n3A_206 = arith.constant true
        %select_n3A_207 = arith.select %select_n3A_206, %add3A_205, %select_n3A_202 : i32
        %eq3A_208 = arith.constant 160 : i32
        %eq3A_209 = arith.cmpi eq, %select_n3A_207, %eq3A_208 : i32
        %select_n3A_210 = arith.constant 0 : i32
        %select_n3A_211 = arith.select %eq3A_209, %select_n3A_210, %select_n3A_207 : i32
        %add3A_212 = arith.addi %select_n3A_211, %mul3A_6 : i32
        %ne3A = arith.cmpi ne, %add3A_185, %add3A_203 : i32
        %or3A = arith.constant false
        %or3A_213 = arith.ori %or3A, %ne3A : i1
        %or3A_214 = arith.constant false
        %or3A_215 = arith.ori %or3A_213, %or3A_214 : i1
        %ge3A = arith.constant 159 : i32
        %ge3A_216 = arith.cmpi sge, %scan3A_171, %ge3A : i32
        %not3A = arith.constant true
        %not3A_217 = arith.xori %ge3A_216, %not3A : i1
        %and3A = arith.andi %or3A_215, %not3A_217 : i1
        %convert_element_type3A = arith.extui %and3A : i1 to i32
        %cond3A = arith.constant 0 : i32
        %cond3A_218 = arith.cmpi ne, %convert_element_type3A, %cond3A : i32
        scf.if %cond3A_218 {
          "tpu.trace_start"() <{level = 10 : i32, message = "ep_copy_in"}> : () -> ()
          %rem3A_512 = arith.constant 2 : i32
          %rem3A_513 = arith.remui %scan3A_172, %rem3A_512 : i32
          %mul3A_514 = arith.constant 1 : i32
          %mul3A_515 = arith.muli %mul3A_514, %add3A_203 : i32
          %dma_start3A_516 = arith.constant 0 : i32
          %dma_start3A_517 = arith.constant 0 : i32
          %dma_start3A_518 = tpu.memref_slice %run_scoped3A[%rem3A_513, %dma_start3A_516, %dma_start3A_517] : memref<2x1x32xi32, #tpu.memory_space<vmem>> -> memref<1x1x32xi32, #tpu.memory_space<vmem>>
          %dma_start3A_519 = tpu.memref_squeeze %dma_start3A_518 : memref<1x1x32xi32, #tpu.memory_space<vmem>> -> memref<1x32xi32, #tpu.memory_space<vmem>>
          %dma_start3A_520 = arith.constant 0 : i32
          %dma_start3A_521 = tpu.memref_slice %arg4[%mul3A_515, %dma_start3A_520] : memref<5120x32xi32, #tpu.memory_space<hbm>> -> memref<1x32xi32, #tpu.memory_space<hbm>>
          %dma_start3A_522 = tpu.memref_slice %run_scoped3A_7[%rem3A_513] : memref<2x!tpu.dma_semaphore, #tpu.memory_space<semaphore_mem>> -> memref<1x!tpu.dma_semaphore, #tpu.memory_space<semaphore_mem>>
          %dma_start3A_523 = tpu.memref_squeeze %dma_start3A_522 : memref<1x!tpu.dma_semaphore, #tpu.memory_space<semaphore_mem>> -> memref<!tpu.dma_semaphore, #tpu.memory_space<semaphore_mem>>
          %dma_start3A_524 = arith.constant 0 : i32
          %dma_start3A_525 = arith.constant 0 : i32
          %dma_start3A_526 = tpu.memref_slice %run_scoped3A[%rem3A_513, %dma_start3A_524, %dma_start3A_525] : memref<2x1x32xi32, #tpu.memory_space<vmem>> -> memref<1x1x32xi32, #tpu.memory_space<vmem>>
          %dma_start3A_527 = tpu.memref_squeeze %dma_start3A_526 : memref<1x1x32xi32, #tpu.memory_space<vmem>> -> memref<1x32xi32, #tpu.memory_space<vmem>>
          %dma_start3A_528 = arith.constant 0 : i32
          %dma_start3A_529 = tpu.memref_slice %arg4[%mul3A_515, %dma_start3A_528] : memref<5120x32xi32, #tpu.memory_space<hbm>> -> memref<1x32xi32, #tpu.memory_space<hbm>>
          tpu.enqueue_dma source(%dma_start3A_529 : memref<1x32xi32, #tpu.memory_space<hbm>>) target(%dma_start3A_527 : memref<1x32xi32, #tpu.memory_space<vmem>>) target_semaphore(%dma_start3A_523 : memref<!tpu.dma_semaphore, #tpu.memory_space<semaphore_mem>>)
          "tpu.trace_stop"() : () -> ()
        } else {
        }
        %and3A_219 = arith.constant true
        %and3A_220 = arith.andi %and3A, %and3A_219 : i1
        %add3A_221 = arith.constant 1 : i32
        %add3A_222 = arith.addi %scan3A_172, %add3A_221 : i32
        %select_n3A_223 = arith.select %and3A_220, %add3A_222, %scan3A_172 : i32
        %ne3A_224 = arith.cmpi ne, %add3A_185, %add3A_203 : i32
        %or3A_225 = arith.constant false
        %or3A_226 = arith.ori %or3A_225, %ne3A_224 : i1
        %or3A_227 = arith.constant false
        %or3A_228 = arith.ori %or3A_226, %or3A_227 : i1
        %ge3A_229 = arith.constant 159 : i32
        %ge3A_230 = arith.cmpi sge, %scan3A_171, %ge3A_229 : i32
        %not3A_231 = arith.constant true
        %not3A_232 = arith.xori %ge3A_230, %not3A_231 : i1
        %and3A_233 = arith.andi %or3A_228, %not3A_232 : i1
        %convert_element_type3A_234 = arith.extui %and3A_233 : i1 to i32
        %cond3A_235 = arith.constant 0 : i32
        %cond3A_236 = arith.cmpi ne, %convert_element_type3A_234, %cond3A_235 : i32
        scf.if %cond3A_236 {
          "tpu.trace_start"() <{level = 10 : i32, message = "ep_copy_in"}> : () -> ()
          %rem3A_512 = arith.constant 2 : i32
          %rem3A_513 = arith.remui %scan3A_174, %rem3A_512 : i32
          %mul3A_514 = arith.constant 1 : i32
          %mul3A_515 = arith.muli %mul3A_514, %add3A_203 : i32
          %dma_start3A_516 = arith.constant 0 : i32
          %dma_start3A_517 = arith.constant 0 : i32
          %dma_start3A_518 = tpu.memref_slice %run_scoped3A_8[%rem3A_513, %dma_start3A_516, %dma_start3A_517] : memref<2x1x32xi32, #tpu.memory_space<vmem>> -> memref<1x1x32xi32, #tpu.memory_space<vmem>>
          %dma_start3A_519 = tpu.memref_squeeze %dma_start3A_518 : memref<1x1x32xi32, #tpu.memory_space<vmem>> -> memref<1x32xi32, #tpu.memory_space<vmem>>
          %dma_start3A_520 = arith.constant 0 : i32
          %dma_start3A_521 = tpu.memref_slice %arg5[%mul3A_515, %dma_start3A_520] : memref<5120x32xi32, #tpu.memory_space<hbm>> -> memref<1x32xi32, #tpu.memory_space<hbm>>
          %dma_start3A_522 = tpu.memref_slice %run_scoped3A_9[%rem3A_513] : memref<2x!tpu.dma_semaphore, #tpu.memory_space<semaphore_mem>> -> memref<1x!tpu.dma_semaphore, #tpu.memory_space<semaphore_mem>>
          %dma_start3A_523 = tpu.memref_squeeze %dma_start3A_522 : memref<1x!tpu.dma_semaphore, #tpu.memory_space<semaphore_mem>> -> memref<!tpu.dma_semaphore, #tpu.memory_space<semaphore_mem>>
          %dma_start3A_524 = arith.constant 0 : i32
          %dma_start3A_525 = arith.constant 0 : i32
          %dma_start3A_526 = tpu.memref_slice %run_scoped3A_8[%rem3A_513, %dma_start3A_524, %dma_start3A_525] : memref<2x1x32xi32, #tpu.memory_space<vmem>> -> memref<1x1x32xi32, #tpu.memory_space<vmem>>
          %dma_start3A_527 = tpu.memref_squeeze %dma_start3A_526 : memref<1x1x32xi32, #tpu.memory_space<vmem>> -> memref<1x32xi32, #tpu.memory_space<vmem>>
          %dma_start3A_528 = arith.constant 0 : i32
          %dma_start3A_529 = tpu.memref_slice %arg5[%mul3A_515, %dma_start3A_528] : memref<5120x32xi32, #tpu.memory_space<hbm>> -> memref<1x32xi32, #tpu.memory_space<hbm>>
          tpu.enqueue_dma source(%dma_start3A_529 : memref<1x32xi32, #tpu.memory_space<hbm>>) target(%dma_start3A_527 : memref<1x32xi32, #tpu.memory_space<vmem>>) target_semaphore(%dma_start3A_523 : memref<!tpu.dma_semaphore, #tpu.memory_space<semaphore_mem>>)
          "tpu.trace_stop"() : () -> ()
        } else {
        }
        %and3A_237 = arith.constant true
        %and3A_238 = arith.andi %and3A_233, %and3A_237 : i1
        %add3A_239 = arith.constant 1 : i32
        %add3A_240 = arith.addi %scan3A_174, %add3A_239 : i32
        %select_n3A_241 = arith.select %and3A_238, %add3A_240, %scan3A_174 : i32
        %ne3A_242 = arith.cmpi ne, %add3A_185, %add3A_203 : i32
        %or3A_243 = arith.constant false
        %or3A_244 = arith.ori %or3A_243, %ne3A_242 : i1
        %or3A_245 = arith.constant false
        %or3A_246 = arith.ori %or3A_244, %or3A_245 : i1
        %ge3A_247 = arith.constant 159 : i32
        %ge3A_248 = arith.cmpi sge, %scan3A_171, %ge3A_247 : i32
        %not3A_249 = arith.constant true
        %not3A_250 = arith.xori %ge3A_248, %not3A_249 : i1
        %and3A_251 = arith.andi %or3A_246, %not3A_250 : i1
        %ne3A_252 = arith.cmpi ne, %add3A_185, %add3A_203 : i32
        %or3A_253 = arith.constant false
        %or3A_254 = arith.ori %or3A_253, %ne3A_252 : i1
        %or3A_255 = arith.constant false
        %or3A_256 = arith.ori %or3A_254, %or3A_255 : i1
        %ge3A_257 = arith.constant 159 : i32
        %ge3A_258 = arith.cmpi sge, %scan3A_171, %ge3A_257 : i32
        %not3A_259 = arith.constant true
        %not3A_260 = arith.xori %ge3A_258, %not3A_259 : i1
        %and3A_261 = arith.andi %or3A_256, %not3A_260 : i1
        %ne3A_262 = arith.cmpi ne, %add3A_185, %add3A_194 : i32
        %or3A_263 = arith.constant false
        %or3A_264 = arith.ori %or3A_263, %ne3A_262 : i1
        %or3A_265 = arith.constant false
        %or3A_266 = arith.ori %or3A_264, %or3A_265 : i1
        %or3A_267 = arith.ori %or3A_266, %eq3A_182 : i1
        %convert_element_type3A_268 = arith.extui %or3A_267 : i1 to i32
        %cond3A_269 = arith.constant 0 : i32
        %cond3A_270 = arith.cmpi ne, %convert_element_type3A_268, %cond3A_269 : i32
        scf.if %cond3A_270 {
          "tpu.trace_start"() <{level = 10 : i32, message = "ep_wait_in"}> : () -> ()
          %mul3A_512 = arith.constant 1 : i32
          %mul3A_513 = arith.muli %mul3A_512, %add3A_185 : i32
          %rem3A_514 = arith.constant 2 : i32
          %rem3A_515 = arith.remui %scan3A_173, %rem3A_514 : i32
          %dma_wait3A_516 = arith.constant 0 : i32
          %dma_wait3A_517 = arith.constant 0 : i32
          %dma_wait3A_518 = tpu.memref_slice %run_scoped3A[%rem3A_515, %dma_wait3A_516, %dma_wait3A_517] : memref<2x1x32xi32, #tpu.memory_space<vmem>> -> memref<1x1x32xi32, #tpu.memory_space<vmem>>
          %dma_wait3A_519 = tpu.memref_squeeze %dma_wait3A_518 : memref<1x1x32xi32, #tpu.memory_space<vmem>> -> memref<1x32xi32, #tpu.memory_space<vmem>>
          %dma_wait3A_520 = arith.constant 0 : i32
          %dma_wait3A_521 = tpu.memref_slice %arg4[%mul3A_513, %dma_wait3A_520] : memref<5120x32xi32, #tpu.memory_space<hbm>> -> memref<1x32xi32, #tpu.memory_space<hbm>>
          %dma_wait3A_522 = tpu.memref_slice %run_scoped3A_7[%rem3A_515] : memref<2x!tpu.dma_semaphore, #tpu.memory_space<semaphore_mem>> -> memref<1x!tpu.dma_semaphore, #tpu.memory_space<semaphore_mem>>
          %dma_wait3A_523 = tpu.memref_squeeze %dma_wait3A_522 : memref<1x!tpu.dma_semaphore, #tpu.memory_space<semaphore_mem>> -> memref<!tpu.dma_semaphore, #tpu.memory_space<semaphore_mem>>
          %dma_wait3A_524 = arith.constant 0 : i32
          %dma_wait3A_525 = arith.constant 0 : i32
          %dma_wait3A_526 = tpu.memref_slice %run_scoped3A[%rem3A_515, %dma_wait3A_524, %dma_wait3A_525] : memref<2x1x32xi32, #tpu.memory_space<vmem>> -> memref<1x1x32xi32, #tpu.memory_space<vmem>>
          %dma_wait3A_527 = tpu.memref_squeeze %dma_wait3A_526 : memref<1x1x32xi32, #tpu.memory_space<vmem>> -> memref<1x32xi32, #tpu.memory_space<vmem>>
          %dma_wait3A_528 = arith.constant 0 : i32
          %dma_wait3A_529 = tpu.memref_slice %arg4[%mul3A_513, %dma_wait3A_528] : memref<5120x32xi32, #tpu.memory_space<hbm>> -> memref<1x32xi32, #tpu.memory_space<hbm>>
          tpu.wait_dma2 semaphore(%dma_wait3A_523 : memref<!tpu.dma_semaphore, #tpu.memory_space<semaphore_mem>>) src(%dma_wait3A_529 : memref<1x32xi32, #tpu.memory_space<hbm>>) dst(%dma_wait3A_527 : memref<1x32xi32, #tpu.memory_space<vmem>>)
          "tpu.trace_stop"() : () -> ()
        } else {
        }
        %ne3A_271 = arith.cmpi ne, %add3A_185, %add3A_194 : i32
        %or3A_272 = arith.constant false
        %or3A_273 = arith.ori %or3A_272, %ne3A_271 : i1
        %or3A_274 = arith.constant false
        %or3A_275 = arith.ori %or3A_273, %or3A_274 : i1
        %or3A_276 = arith.ori %or3A_275, %eq3A_182 : i1
        %convert_element_type3A_277 = arith.extui %or3A_276 : i1 to i32
        %cond3A_278 = arith.constant 0 : i32
        %cond3A_279 = arith.cmpi ne, %convert_element_type3A_277, %cond3A_278 : i32
        scf.if %cond3A_279 {
          "tpu.trace_start"() <{level = 10 : i32, message = "ep_wait_in"}> : () -> ()
          %mul3A_512 = arith.constant 1 : i32
          %mul3A_513 = arith.muli %mul3A_512, %add3A_185 : i32
          %rem3A_514 = arith.constant 2 : i32
          %rem3A_515 = arith.remui %scan3A_175, %rem3A_514 : i32
          %dma_wait3A_516 = arith.constant 0 : i32
          %dma_wait3A_517 = arith.constant 0 : i32
          %dma_wait3A_518 = tpu.memref_slice %run_scoped3A_8[%rem3A_515, %dma_wait3A_516, %dma_wait3A_517] : memref<2x1x32xi32, #tpu.memory_space<vmem>> -> memref<1x1x32xi32, #tpu.memory_space<vmem>>
          %dma_wait3A_519 = tpu.memref_squeeze %dma_wait3A_518 : memref<1x1x32xi32, #tpu.memory_space<vmem>> -> memref<1x32xi32, #tpu.memory_space<vmem>>
          %dma_wait3A_520 = arith.constant 0 : i32
          %dma_wait3A_521 = tpu.memref_slice %arg5[%mul3A_513, %dma_wait3A_520] : memref<5120x32xi32, #tpu.memory_space<hbm>> -> memref<1x32xi32, #tpu.memory_space<hbm>>
          %dma_wait3A_522 = tpu.memref_slice %run_scoped3A_9[%rem3A_515] : memref<2x!tpu.dma_semaphore, #tpu.memory_space<semaphore_mem>> -> memref<1x!tpu.dma_semaphore, #tpu.memory_space<semaphore_mem>>
          %dma_wait3A_523 = tpu.memref_squeeze %dma_wait3A_522 : memref<1x!tpu.dma_semaphore, #tpu.memory_space<semaphore_mem>> -> memref<!tpu.dma_semaphore, #tpu.memory_space<semaphore_mem>>
          %dma_wait3A_524 = arith.constant 0 : i32
          %dma_wait3A_525 = arith.constant 0 : i32
          %dma_wait3A_526 = tpu.memref_slice %run_scoped3A_8[%rem3A_515, %dma_wait3A_524, %dma_wait3A_525] : memref<2x1x32xi32, #tpu.memory_space<vmem>> -> memref<1x1x32xi32, #tpu.memory_space<vmem>>
          %dma_wait3A_527 = tpu.memref_squeeze %dma_wait3A_526 : memref<1x1x32xi32, #tpu.memory_space<vmem>> -> memref<1x32xi32, #tpu.memory_space<vmem>>
          %dma_wait3A_528 = arith.constant 0 : i32
          %dma_wait3A_529 = tpu.memref_slice %arg5[%mul3A_513, %dma_wait3A_528] : memref<5120x32xi32, #tpu.memory_space<hbm>> -> memref<1x32xi32, #tpu.memory_space<hbm>>
          tpu.wait_dma2 semaphore(%dma_wait3A_523 : memref<!tpu.dma_semaphore, #tpu.memory_space<semaphore_mem>>) src(%dma_wait3A_529 : memref<1x32xi32, #tpu.memory_space<hbm>>) dst(%dma_wait3A_527 : memref<1x32xi32, #tpu.memory_space<vmem>>)
          "tpu.trace_stop"() : () -> ()
        } else {
        }
        %ne3A_280 = arith.cmpi ne, %add3A_185, %add3A_194 : i32
        %or3A_281 = arith.constant false
        %or3A_282 = arith.ori %or3A_281, %ne3A_280 : i1
        %or3A_283 = arith.constant false
        %or3A_284 = arith.ori %or3A_282, %or3A_283 : i1
        %or3A_285 = arith.ori %or3A_284, %eq3A_182 : i1
        %convert_element_type3A_286 = arith.extui %or3A_285 : i1 to i32
        %cond3A_287 = arith.constant 0 : i32
        %cond3A_288 = arith.cmpi ne, %convert_element_type3A_286, %cond3A_287 : i32
        scf.if %cond3A_288 {
        } else {
        }
        %ne3A_289 = arith.cmpi ne, %add3A_185, %add3A_194 : i32
        %or3A_290 = arith.constant false
        %or3A_291 = arith.ori %or3A_290, %ne3A_289 : i1
        %or3A_292 = arith.constant false
        %or3A_293 = arith.ori %or3A_291, %or3A_292 : i1
        %or3A_294 = arith.ori %or3A_293, %eq3A_182 : i1
        %convert_element_type3A_295 = arith.extui %or3A_294 : i1 to i32
        %cond3A_296 = arith.constant 0 : i32
        %cond3A_297 = arith.cmpi ne, %convert_element_type3A_295, %cond3A_296 : i32
        scf.if %cond3A_297 {
        } else {
        }
        %rem3A_298 = arith.constant 2 : i32
        %rem3A_299 = arith.remui %scan3A_173, %rem3A_298 : i32
        %rem3A_300 = arith.constant 2 : i32
        %rem3A_301 = arith.remui %scan3A_175, %rem3A_300 : i32
        %rem3A_302 = arith.constant 2 : i32
        %rem3A_303 = arith.remui %scan3A_176, %rem3A_302 : i32
        %rem3A_304 = arith.constant 2 : i32
        %rem3A_305 = arith.remui %scan3A_178, %rem3A_304 : i32
        %dma_start3A_306 = arith.constant 0 : i32
        %dma_start3A_307 = arith.constant 0 : i32
        "tpu.trace_start"() <{level = 10 : i32, message = "ep_run_kernel"}> : () -> ()
        %dma_start3A_308 = arith.constant 0 : i32
        %dma_start3A_309 = arith.constant 0 : i32
        %dma_start3A_310 = tpu.memref_slice %run_scoped3A_10[%rem3A_303, %dma_start3A_308, %dma_start3A_309] : memref<2x32x256xf32, #tpu.memory_space<vmem>> -> memref<1x32x256xf32, #tpu.memory_space<vmem>>
        %dma_start3A_311 = tpu.memref_squeeze %dma_start3A_310 : memref<1x32x256xf32, #tpu.memory_space<vmem>> -> memref<32x256xf32, #tpu.memory_space<vmem>>
        %dma_start3A_312 = arith.constant 0 : i32
        %dma_start3A_313 = arith.constant 0 : i32
        %dma_start3A_314 = tpu.memref_slice %run_scoped3A[%rem3A_299, %dma_start3A_312, %dma_start3A_313] : memref<2x1x32xi32, #tpu.memory_space<vmem>> -> memref<1x1x32xi32, #tpu.memory_space<vmem>>
        %dma_start3A_315 = tpu.memref_squeeze %dma_start3A_314 : memref<1x1x32xi32, #tpu.memory_space<vmem>> -> memref<1x32xi32, #tpu.memory_space<vmem>>
        %dma_start3A_316 = arith.constant 0 : i32
        %dma_start3A_317 = tpu.memref_slice %dma_start3A_315[%dma_start3A_306, %dma_start3A_316] : memref<1x32xi32, #tpu.memory_space<vmem>> -> memref<1x32xi32, #tpu.memory_space<vmem>>
        %dma_start3A_318 = tpu.memref_squeeze %dma_start3A_317 : memref<1x32xi32, #tpu.memory_space<vmem>> -> memref<32xi32, #tpu.memory_space<vmem>>
        %dma_start3A_319 = arith.constant 0 : i32
        %dma_start3A_320 = arith.constant 0 : i32
        %dma_start3A_321 = tpu.memref_slice %arg2[%dma_start3A_319, %dma_start3A_320] : memref<10000x256xf32, #tpu.memory_space<hbm>> -> memref<10000x256xf32, #tpu.memory_space<hbm>>
        %dma_start3A_322 = tpu.memref_slice %arg8[%dma_start3A_307] : memref<2x!tpu.dma_semaphore, #tpu.memory_space<semaphore_mem>> -> memref<1x!tpu.dma_semaphore, #tpu.memory_space<semaphore_mem>>
        %dma_start3A_323 = tpu.memref_squeeze %dma_start3A_322 : memref<1x!tpu.dma_semaphore, #tpu.memory_space<semaphore_mem>> -> memref<!tpu.dma_semaphore, #tpu.memory_space<semaphore_mem>>
        tpu.enqueue_indirect_dma source(%dma_start3A_321 : memref<10000x256xf32, #tpu.memory_space<hbm>>) target(%dma_start3A_311 : memref<32x256xf32, #tpu.memory_space<vmem>>) offsets(%dma_start3A_318 : memref<32xi32, #tpu.memory_space<vmem>>) semaphore(%dma_start3A_323 : memref<!tpu.dma_semaphore, #tpu.memory_space<semaphore_mem>>)
        %dma_start3A_324 = arith.constant 0 : i32
        %dma_start3A_325 = arith.constant 1 : i32
        %dma_start3A_326 = arith.constant 0 : i32
        %dma_start3A_327 = arith.constant 0 : i32
        %dma_start3A_328 = tpu.memref_slice %run_scoped3A_12[%rem3A_305, %dma_start3A_326, %dma_start3A_327] : memref<2x32x256xf32, #tpu.memory_space<vmem>> -> memref<1x32x256xf32, #tpu.memory_space<vmem>>
        %dma_start3A_329 = tpu.memref_squeeze %dma_start3A_328 : memref<1x32x256xf32, #tpu.memory_space<vmem>> -> memref<32x256xf32, #tpu.memory_space<vmem>>
        %dma_start3A_330 = arith.constant 0 : i32
        %dma_start3A_331 = arith.constant 0 : i32
        %dma_start3A_332 = tpu.memref_slice %run_scoped3A_8[%rem3A_301, %dma_start3A_330, %dma_start3A_331] : memref<2x1x32xi32, #tpu.memory_space<vmem>> -> memref<1x1x32xi32, #tpu.memory_space<vmem>>
        %dma_start3A_333 = tpu.memref_squeeze %dma_start3A_332 : memref<1x1x32xi32, #tpu.memory_space<vmem>> -> memref<1x32xi32, #tpu.memory_space<vmem>>
        %dma_start3A_334 = arith.constant 0 : i32
        %dma_start3A_335 = tpu.memref_slice %dma_start3A_333[%dma_start3A_324, %dma_start3A_334] : memref<1x32xi32, #tpu.memory_space<vmem>> -> memref<1x32xi32, #tpu.memory_space<vmem>>
        %dma_start3A_336 = tpu.memref_squeeze %dma_start3A_335 : memref<1x32xi32, #tpu.memory_space<vmem>> -> memref<32xi32, #tpu.memory_space<vmem>>
        %dma_start3A_337 = arith.constant 0 : i32
        %dma_start3A_338 = arith.constant 0 : i32
        %dma_start3A_339 = tpu.memref_slice %arg3[%dma_start3A_337, %dma_start3A_338] : memref<10000x256xf32, #tpu.memory_space<hbm>> -> memref<10000x256xf32, #tpu.memory_space<hbm>>
        %dma_start3A_340 = tpu.memref_slice %arg8[%dma_start3A_325] : memref<2x!tpu.dma_semaphore, #tpu.memory_space<semaphore_mem>> -> memref<1x!tpu.dma_semaphore, #tpu.memory_space<semaphore_mem>>
        %dma_start3A_341 = tpu.memref_squeeze %dma_start3A_340 : memref<1x!tpu.dma_semaphore, #tpu.memory_space<semaphore_mem>> -> memref<!tpu.dma_semaphore, #tpu.memory_space<semaphore_mem>>
        tpu.enqueue_indirect_dma source(%dma_start3A_339 : memref<10000x256xf32, #tpu.memory_space<hbm>>) target(%dma_start3A_329 : memref<32x256xf32, #tpu.memory_space<vmem>>) offsets(%dma_start3A_336 : memref<32xi32, #tpu.memory_space<vmem>>) semaphore(%dma_start3A_341 : memref<!tpu.dma_semaphore, #tpu.memory_space<semaphore_mem>>)
        %dma_wait3A_342 = arith.constant 0 : i32
        %dma_wait3A_343 = arith.constant 0 : i32
        %dma_wait3A_344 = arith.constant 0 : i32
        %dma_wait3A_345 = arith.constant 0 : i32
        %dma_wait3A_346 = tpu.memref_slice %run_scoped3A_10[%rem3A_303, %dma_wait3A_344, %dma_wait3A_345] : memref<2x32x256xf32, #tpu.memory_space<vmem>> -> memref<1x32x256xf32, #tpu.memory_space<vmem>>
        %dma_wait3A_347 = tpu.memref_squeeze %dma_wait3A_346 : memref<1x32x256xf32, #tpu.memory_space<vmem>> -> memref<32x256xf32, #tpu.memory_space<vmem>>
        %dma_wait3A_348 = arith.constant 0 : i32
        %dma_wait3A_349 = arith.constant 0 : i32
        %dma_wait3A_350 = tpu.memref_slice %run_scoped3A[%rem3A_299, %dma_wait3A_348, %dma_wait3A_349] : memref<2x1x32xi32, #tpu.memory_space<vmem>> -> memref<1x1x32xi32, #tpu.memory_space<vmem>>
        %dma_wait3A_351 = tpu.memref_squeeze %dma_wait3A_350 : memref<1x1x32xi32, #tpu.memory_space<vmem>> -> memref<1x32xi32, #tpu.memory_space<vmem>>
        %dma_wait3A_352 = arith.constant 0 : i32
        %dma_wait3A_353 = tpu.memref_slice %dma_wait3A_351[%dma_wait3A_342, %dma_wait3A_352] : memref<1x32xi32, #tpu.memory_space<vmem>> -> memref<1x32xi32, #tpu.memory_space<vmem>>
        %dma_wait3A_354 = tpu.memref_squeeze %dma_wait3A_353 : memref<1x32xi32, #tpu.memory_space<vmem>> -> memref<32xi32, #tpu.memory_space<vmem>>
        %dma_wait3A_355 = arith.constant 0 : i32
        %dma_wait3A_356 = arith.constant 0 : i32
        %dma_wait3A_357 = tpu.memref_slice %arg2[%dma_wait3A_355, %dma_wait3A_356] : memref<10000x256xf32, #tpu.memory_space<hbm>> -> memref<10000x256xf32, #tpu.memory_space<hbm>>
        %dma_wait3A_358 = tpu.memref_slice %arg8[%dma_wait3A_343] : memref<2x!tpu.dma_semaphore, #tpu.memory_space<semaphore_mem>> -> memref<1x!tpu.dma_semaphore, #tpu.memory_space<semaphore_mem>>
        %dma_wait3A_359 = tpu.memref_squeeze %dma_wait3A_358 : memref<1x!tpu.dma_semaphore, #tpu.memory_space<semaphore_mem>> -> memref<!tpu.dma_semaphore, #tpu.memory_space<semaphore_mem>>
        tpu.wait_indirect_dma semaphore(%dma_wait3A_359 : memref<!tpu.dma_semaphore, #tpu.memory_space<semaphore_mem>>) src(%dma_wait3A_357 : memref<10000x256xf32, #tpu.memory_space<hbm>>) dst(%dma_wait3A_347 : memref<32x256xf32, #tpu.memory_space<vmem>>)
        %dma_wait3A_360 = arith.constant 0 : i32
        %dma_wait3A_361 = arith.constant 1 : i32
        %dma_wait3A_362 = arith.constant 0 : i32
        %dma_wait3A_363 = arith.constant 0 : i32
        %dma_wait3A_364 = tpu.memref_slice %run_scoped3A_12[%rem3A_305, %dma_wait3A_362, %dma_wait3A_363] : memref<2x32x256xf32, #tpu.memory_space<vmem>> -> memref<1x32x256xf32, #tpu.memory_space<vmem>>
        %dma_wait3A_365 = tpu.memref_squeeze %dma_wait3A_364 : memref<1x32x256xf32, #tpu.memory_space<vmem>> -> memref<32x256xf32, #tpu.memory_space<vmem>>
        %dma_wait3A_366 = arith.constant 0 : i32
        %dma_wait3A_367 = arith.constant 0 : i32
        %dma_wait3A_368 = tpu.memref_slice %run_scoped3A_8[%rem3A_301, %dma_wait3A_366, %dma_wait3A_367] : memref<2x1x32xi32, #tpu.memory_space<vmem>> -> memref<1x1x32xi32, #tpu.memory_space<vmem>>
        %dma_wait3A_369 = tpu.memref_squeeze %dma_wait3A_368 : memref<1x1x32xi32, #tpu.memory_space<vmem>> -> memref<1x32xi32, #tpu.memory_space<vmem>>
        %dma_wait3A_370 = arith.constant 0 : i32
        %dma_wait3A_371 = tpu.memref_slice %dma_wait3A_369[%dma_wait3A_360, %dma_wait3A_370] : memref<1x32xi32, #tpu.memory_space<vmem>> -> memref<1x32xi32, #tpu.memory_space<vmem>>
        %dma_wait3A_372 = tpu.memref_squeeze %dma_wait3A_371 : memref<1x32xi32, #tpu.memory_space<vmem>> -> memref<32xi32, #tpu.memory_space<vmem>>
        %dma_wait3A_373 = arith.constant 0 : i32
        %dma_wait3A_374 = arith.constant 0 : i32
        %dma_wait3A_375 = tpu.memref_slice %arg3[%dma_wait3A_373, %dma_wait3A_374] : memref<10000x256xf32, #tpu.memory_space<hbm>> -> memref<10000x256xf32, #tpu.memory_space<hbm>>
        %dma_wait3A_376 = tpu.memref_slice %arg8[%dma_wait3A_361] : memref<2x!tpu.dma_semaphore, #tpu.memory_space<semaphore_mem>> -> memref<1x!tpu.dma_semaphore, #tpu.memory_space<semaphore_mem>>
        %dma_wait3A_377 = tpu.memref_squeeze %dma_wait3A_376 : memref<1x!tpu.dma_semaphore, #tpu.memory_space<semaphore_mem>> -> memref<!tpu.dma_semaphore, #tpu.memory_space<semaphore_mem>>
        tpu.wait_indirect_dma semaphore(%dma_wait3A_377 : memref<!tpu.dma_semaphore, #tpu.memory_space<semaphore_mem>>) src(%dma_wait3A_375 : memref<10000x256xf32, #tpu.memory_space<hbm>>) dst(%dma_wait3A_365 : memref<32x256xf32, #tpu.memory_space<vmem>>)
        "tpu.trace_stop"() : () -> ()
        %ne3A_378 = arith.cmpi ne, %add3A_185, %add3A_203 : i32
        %or3A_379 = arith.constant false
        %or3A_380 = arith.ori %or3A_379, %ne3A_378 : i1
        %or3A_381 = arith.constant false
        %or3A_382 = arith.ori %or3A_380, %or3A_381 : i1
        %or3A_383 = arith.ori %or3A_382, %eq3A_184 : i1
        %convert_element_type3A_384 = arith.extui %or3A_383 : i1 to i32
        %cond3A_385 = arith.constant 0 : i32
        %cond3A_386 = arith.cmpi ne, %convert_element_type3A_384, %cond3A_385 : i32
        scf.if %cond3A_386 {
        } else {
        }
        %and3A_387 = arith.constant false
        %and3A_388 = arith.andi %or3A_383, %and3A_387 : i1
        %ne3A_389 = arith.cmpi ne, %add3A_185, %add3A_203 : i32
        %or3A_390 = arith.constant false
        %or3A_391 = arith.ori %or3A_390, %ne3A_389 : i1
        %or3A_392 = arith.constant false
        %or3A_393 = arith.ori %or3A_391, %or3A_392 : i1
        %or3A_394 = arith.ori %or3A_393, %eq3A_184 : i1
        %convert_element_type3A_395 = arith.extui %or3A_394 : i1 to i32
        %cond3A_396 = arith.constant 0 : i32
        %cond3A_397 = arith.cmpi ne, %convert_element_type3A_395, %cond3A_396 : i32
        scf.if %cond3A_397 {
        } else {
        }
        %and3A_398 = arith.constant false
        %and3A_399 = arith.andi %or3A_394, %and3A_398 : i1
        %ne3A_400 = arith.cmpi ne, %add3A_185, %add3A_203 : i32
        %or3A_401 = arith.constant false
        %or3A_402 = arith.ori %or3A_401, %ne3A_400 : i1
        %or3A_403 = arith.constant false
        %or3A_404 = arith.ori %or3A_402, %or3A_403 : i1
        %or3A_405 = arith.ori %or3A_404, %eq3A_184 : i1
        %convert_element_type3A_406 = arith.extui %or3A_405 : i1 to i32
        %cond3A_407 = arith.constant 0 : i32
        %cond3A_408 = arith.cmpi ne, %convert_element_type3A_406, %cond3A_407 : i32
        scf.if %cond3A_408 {
          "tpu.trace_start"() <{level = 10 : i32, message = "ep_copy_out"}> : () -> ()
          %rem3A_512 = arith.constant 2 : i32
          %rem3A_513 = arith.remui %scan3A_176, %rem3A_512 : i32
          %mul3A_514 = arith.constant 32 : i32
          %mul3A_515 = arith.muli %mul3A_514, %add3A_185 : i32
          %dma_start3A_516 = arith.constant 0 : i32
          %dma_start3A_517 = arith.constant 0 : i32
          %dma_start3A_518 = tpu.memref_slice %run_scoped3A_10[%rem3A_513, %dma_start3A_516, %dma_start3A_517] : memref<2x32x256xf32, #tpu.memory_space<vmem>> -> memref<1x32x256xf32, #tpu.memory_space<vmem>>
          %dma_start3A_519 = tpu.memref_squeeze %dma_start3A_518 : memref<1x32x256xf32, #tpu.memory_space<vmem>> -> memref<32x256xf32, #tpu.memory_space<vmem>>
          %dma_start3A_520 = arith.constant 0 : i32
          %dma_start3A_521 = tpu.memref_slice %arg6[%mul3A_515, %dma_start3A_520] : memref<163840x256xf32, #tpu.memory_space<hbm>> -> memref<32x256xf32, #tpu.memory_space<hbm>>
          %dma_start3A_522 = tpu.memref_slice %run_scoped3A_11[%rem3A_513] : memref<2x!tpu.dma_semaphore, #tpu.memory_space<semaphore_mem>> -> memref<1x!tpu.dma_semaphore, #tpu.memory_space<semaphore_mem>>
          %dma_start3A_523 = tpu.memref_squeeze %dma_start3A_522 : memref<1x!tpu.dma_semaphore, #tpu.memory_space<semaphore_mem>> -> memref<!tpu.dma_semaphore, #tpu.memory_space<semaphore_mem>>
          %dma_start3A_524 = arith.constant 0 : i32
          %dma_start3A_525 = tpu.memref_slice %arg6[%mul3A_515, %dma_start3A_524] : memref<163840x256xf32, #tpu.memory_space<hbm>> -> memref<32x256xf32, #tpu.memory_space<hbm>>
          %dma_start3A_526 = arith.constant 0 : i32
          %dma_start3A_527 = arith.constant 0 : i32
          %dma_start3A_528 = tpu.memref_slice %run_scoped3A_10[%rem3A_513, %dma_start3A_526, %dma_start3A_527] : memref<2x32x256xf32, #tpu.memory_space<vmem>> -> memref<1x32x256xf32, #tpu.memory_space<vmem>>
          %dma_start3A_529 = tpu.memref_squeeze %dma_start3A_528 : memref<1x32x256xf32, #tpu.memory_space<vmem>> -> memref<32x256xf32, #tpu.memory_space<vmem>>
          tpu.enqueue_dma source(%dma_start3A_529 : memref<32x256xf32, #tpu.memory_space<vmem>>) target(%dma_start3A_525 : memref<32x256xf32, #tpu.memory_space<hbm>>) target_semaphore(%dma_start3A_523 : memref<!tpu.dma_semaphore, #tpu.memory_space<semaphore_mem>>)
          "tpu.trace_stop"() : () -> ()
        } else {
        }
        %and3A_409 = arith.constant true
        %and3A_410 = arith.andi %or3A_405, %and3A_409 : i1
        %add3A_411 = arith.constant 1 : i32
        %add3A_412 = arith.addi %scan3A_176, %add3A_411 : i32
        %select_n3A_413 = arith.select %and3A_410, %add3A_412, %scan3A_176 : i32
        %ne3A_414 = arith.cmpi ne, %add3A_185, %add3A_203 : i32
        %or3A_415 = arith.constant false
        %or3A_416 = arith.ori %or3A_415, %ne3A_414 : i1
        %or3A_417 = arith.constant false
        %or3A_418 = arith.ori %or3A_416, %or3A_417 : i1
        %or3A_419 = arith.ori %or3A_418, %eq3A_184 : i1
        %convert_element_type3A_420 = arith.extui %or3A_419 : i1 to i32
        %cond3A_421 = arith.constant 0 : i32
        %cond3A_422 = arith.cmpi ne, %convert_element_type3A_420, %cond3A_421 : i32
        scf.if %cond3A_422 {
          "tpu.trace_start"() <{level = 10 : i32, message = "ep_copy_out"}> : () -> ()
          %rem3A_512 = arith.constant 2 : i32
          %rem3A_513 = arith.remui %scan3A_178, %rem3A_512 : i32
          %mul3A_514 = arith.constant 32 : i32
          %mul3A_515 = arith.muli %mul3A_514, %add3A_185 : i32
          %dma_start3A_516 = arith.constant 0 : i32
          %dma_start3A_517 = arith.constant 0 : i32
          %dma_start3A_518 = tpu.memref_slice %run_scoped3A_12[%rem3A_513, %dma_start3A_516, %dma_start3A_517] : memref<2x32x256xf32, #tpu.memory_space<vmem>> -> memref<1x32x256xf32, #tpu.memory_space<vmem>>
          %dma_start3A_519 = tpu.memref_squeeze %dma_start3A_518 : memref<1x32x256xf32, #tpu.memory_space<vmem>> -> memref<32x256xf32, #tpu.memory_space<vmem>>
          %dma_start3A_520 = arith.constant 0 : i32
          %dma_start3A_521 = tpu.memref_slice %arg7[%mul3A_515, %dma_start3A_520] : memref<163840x256xf32, #tpu.memory_space<hbm>> -> memref<32x256xf32, #tpu.memory_space<hbm>>
          %dma_start3A_522 = tpu.memref_slice %run_scoped3A_13[%rem3A_513] : memref<2x!tpu.dma_semaphore, #tpu.memory_space<semaphore_mem>> -> memref<1x!tpu.dma_semaphore, #tpu.memory_space<semaphore_mem>>
          %dma_start3A_523 = tpu.memref_squeeze %dma_start3A_522 : memref<1x!tpu.dma_semaphore, #tpu.memory_space<semaphore_mem>> -> memref<!tpu.dma_semaphore, #tpu.memory_space<semaphore_mem>>
          %dma_start3A_524 = arith.constant 0 : i32
          %dma_start3A_525 = tpu.memref_slice %arg7[%mul3A_515, %dma_start3A_524] : memref<163840x256xf32, #tpu.memory_space<hbm>> -> memref<32x256xf32, #tpu.memory_space<hbm>>
          %dma_start3A_526 = arith.constant 0 : i32
          %dma_start3A_527 = arith.constant 0 : i32
          %dma_start3A_528 = tpu.memref_slice %run_scoped3A_12[%rem3A_513, %dma_start3A_526, %dma_start3A_527] : memref<2x32x256xf32, #tpu.memory_space<vmem>> -> memref<1x32x256xf32, #tpu.memory_space<vmem>>
          %dma_start3A_529 = tpu.memref_squeeze %dma_start3A_528 : memref<1x32x256xf32, #tpu.memory_space<vmem>> -> memref<32x256xf32, #tpu.memory_space<vmem>>
          tpu.enqueue_dma source(%dma_start3A_529 : memref<32x256xf32, #tpu.memory_space<vmem>>) target(%dma_start3A_525 : memref<32x256xf32, #tpu.memory_space<hbm>>) target_semaphore(%dma_start3A_523 : memref<!tpu.dma_semaphore, #tpu.memory_space<semaphore_mem>>)
          "tpu.trace_stop"() : () -> ()
        } else {
        }
        %and3A_423 = arith.constant true
        %and3A_424 = arith.andi %or3A_419, %and3A_423 : i1
        %add3A_425 = arith.constant 1 : i32
        %add3A_426 = arith.addi %scan3A_178, %add3A_425 : i32
        %select_n3A_427 = arith.select %and3A_424, %add3A_426, %scan3A_178 : i32
        %ne3A_428 = arith.cmpi ne, %add3A_185, %add3A_194 : i32
        %or3A_429 = arith.constant false
        %or3A_430 = arith.ori %or3A_429, %ne3A_428 : i1
        %or3A_431 = arith.constant false
        %or3A_432 = arith.ori %or3A_430, %or3A_431 : i1
        %not3A_433 = arith.constant true
        %not3A_434 = arith.xori %eq3A_182, %not3A_433 : i1
        %and3A_435 = arith.andi %or3A_432, %not3A_434 : i1
        %convert_element_type3A_436 = arith.extui %and3A_435 : i1 to i32
        %cond3A_437 = arith.constant 0 : i32
        %cond3A_438 = arith.cmpi ne, %convert_element_type3A_436, %cond3A_437 : i32
        scf.if %cond3A_438 {
        } else {
        }
        %and3A_439 = arith.constant false
        %and3A_440 = arith.andi %and3A_435, %and3A_439 : i1
        %ne3A_441 = arith.cmpi ne, %add3A_185, %add3A_194 : i32
        %or3A_442 = arith.constant false
        %or3A_443 = arith.ori %or3A_442, %ne3A_441 : i1
        %or3A_444 = arith.constant false
        %or3A_445 = arith.ori %or3A_443, %or3A_444 : i1
        %not3A_446 = arith.constant true
        %not3A_447 = arith.xori %eq3A_182, %not3A_446 : i1
        %and3A_448 = arith.andi %or3A_445, %not3A_447 : i1
        %convert_element_type3A_449 = arith.extui %and3A_448 : i1 to i32
        %cond3A_450 = arith.constant 0 : i32
        %cond3A_451 = arith.cmpi ne, %convert_element_type3A_449, %cond3A_450 : i32
        scf.if %cond3A_451 {
        } else {
        }
        %and3A_452 = arith.constant false
        %and3A_453 = arith.andi %and3A_448, %and3A_452 : i1
        %ne3A_454 = arith.cmpi ne, %add3A_185, %add3A_194 : i32
        %or3A_455 = arith.constant false
        %or3A_456 = arith.ori %or3A_455, %ne3A_454 : i1
        %or3A_457 = arith.constant false
        %or3A_458 = arith.ori %or3A_456, %or3A_457 : i1
        %not3A_459 = arith.constant true
        %not3A_460 = arith.xori %eq3A_182, %not3A_459 : i1
        %and3A_461 = arith.andi %or3A_458, %not3A_460 : i1
        %convert_element_type3A_462 = arith.extui %and3A_461 : i1 to i32
        %cond3A_463 = arith.constant 0 : i32
        %cond3A_464 = arith.cmpi ne, %convert_element_type3A_462, %cond3A_463 : i32
        scf.if %cond3A_464 {
          "tpu.trace_start"() <{level = 10 : i32, message = "ep_wait_out"}> : () -> ()
          %rem3A_512 = arith.constant 2 : i32
          %rem3A_513 = arith.remui %scan3A_177, %rem3A_512 : i32
          %mul3A_514 = arith.constant 32 : i32
          %mul3A_515 = arith.muli %mul3A_514, %add3A_194 : i32
          %dma_wait3A_516 = arith.constant 0 : i32
          %dma_wait3A_517 = arith.constant 0 : i32
          %dma_wait3A_518 = tpu.memref_slice %run_scoped3A_10[%rem3A_513, %dma_wait3A_516, %dma_wait3A_517] : memref<2x32x256xf32, #tpu.memory_space<vmem>> -> memref<1x32x256xf32, #tpu.memory_space<vmem>>
          %dma_wait3A_519 = tpu.memref_squeeze %dma_wait3A_518 : memref<1x32x256xf32, #tpu.memory_space<vmem>> -> memref<32x256xf32, #tpu.memory_space<vmem>>
          %dma_wait3A_520 = arith.constant 0 : i32
          %dma_wait3A_521 = tpu.memref_slice %arg6[%mul3A_515, %dma_wait3A_520] : memref<163840x256xf32, #tpu.memory_space<hbm>> -> memref<32x256xf32, #tpu.memory_space<hbm>>
          %dma_wait3A_522 = tpu.memref_slice %run_scoped3A_11[%rem3A_513] : memref<2x!tpu.dma_semaphore, #tpu.memory_space<semaphore_mem>> -> memref<1x!tpu.dma_semaphore, #tpu.memory_space<semaphore_mem>>
          %dma_wait3A_523 = tpu.memref_squeeze %dma_wait3A_522 : memref<1x!tpu.dma_semaphore, #tpu.memory_space<semaphore_mem>> -> memref<!tpu.dma_semaphore, #tpu.memory_space<semaphore_mem>>
          %dma_wait3A_524 = arith.constant 0 : i32
          %dma_wait3A_525 = tpu.memref_slice %arg6[%mul3A_515, %dma_wait3A_524] : memref<163840x256xf32, #tpu.memory_space<hbm>> -> memref<32x256xf32, #tpu.memory_space<hbm>>
          %dma_wait3A_526 = arith.constant 0 : i32
          %dma_wait3A_527 = arith.constant 0 : i32
          %dma_wait3A_528 = tpu.memref_slice %run_scoped3A_10[%rem3A_513, %dma_wait3A_526, %dma_wait3A_527] : memref<2x32x256xf32, #tpu.memory_space<vmem>> -> memref<1x32x256xf32, #tpu.memory_space<vmem>>
          %dma_wait3A_529 = tpu.memref_squeeze %dma_wait3A_528 : memref<1x32x256xf32, #tpu.memory_space<vmem>> -> memref<32x256xf32, #tpu.memory_space<vmem>>
          tpu.wait_dma2 semaphore(%dma_wait3A_523 : memref<!tpu.dma_semaphore, #tpu.memory_space<semaphore_mem>>) src(%dma_wait3A_529 : memref<32x256xf32, #tpu.memory_space<vmem>>) dst(%dma_wait3A_525 : memref<32x256xf32, #tpu.memory_space<hbm>>)
          "tpu.trace_stop"() : () -> ()
        } else {
        }
        %and3A_465 = arith.constant true
        %and3A_466 = arith.andi %and3A_461, %and3A_465 : i1
        %add3A_467 = arith.constant 1 : i32
        %add3A_468 = arith.addi %scan3A_177, %add3A_467 : i32
        %select_n3A_469 = arith.select %and3A_466, %add3A_468, %scan3A_177 : i32
        %ne3A_470 = arith.cmpi ne, %add3A_185, %add3A_194 : i32
        %or3A_471 = arith.constant false
        %or3A_472 = arith.ori %or3A_471, %ne3A_470 : i1
        %or3A_473 = arith.constant false
        %or3A_474 = arith.ori %or3A_472, %or3A_473 : i1
        %not3A_475 = arith.constant true
        %not3A_476 = arith.xori %eq3A_182, %not3A_475 : i1
        %and3A_477 = arith.andi %or3A_474, %not3A_476 : i1
        %convert_element_type3A_478 = arith.extui %and3A_477 : i1 to i32
        %cond3A_479 = arith.constant 0 : i32
        %cond3A_480 = arith.cmpi ne, %convert_element_type3A_478, %cond3A_479 : i32
        scf.if %cond3A_480 {
          "tpu.trace_start"() <{level = 10 : i32, message = "ep_wait_out"}> : () -> ()
          %rem3A_512 = arith.constant 2 : i32
          %rem3A_513 = arith.remui %scan3A_179, %rem3A_512 : i32
          %mul3A_514 = arith.constant 32 : i32
          %mul3A_515 = arith.muli %mul3A_514, %add3A_194 : i32
          %dma_wait3A_516 = arith.constant 0 : i32
          %dma_wait3A_517 = arith.constant 0 : i32
          %dma_wait3A_518 = tpu.memref_slice %run_scoped3A_12[%rem3A_513, %dma_wait3A_516, %dma_wait3A_517] : memref<2x32x256xf32, #tpu.memory_space<vmem>> -> memref<1x32x256xf32, #tpu.memory_space<vmem>>
          %dma_wait3A_519 = tpu.memref_squeeze %dma_wait3A_518 : memref<1x32x256xf32, #tpu.memory_space<vmem>> -> memref<32x256xf32, #tpu.memory_space<vmem>>
          %dma_wait3A_520 = arith.constant 0 : i32
          %dma_wait3A_521 = tpu.memref_slice %arg7[%mul3A_515, %dma_wait3A_520] : memref<163840x256xf32, #tpu.memory_space<hbm>> -> memref<32x256xf32, #tpu.memory_space<hbm>>
          %dma_wait3A_522 = tpu.memref_slice %run_scoped3A_13[%rem3A_513] : memref<2x!tpu.dma_semaphore, #tpu.memory_space<semaphore_mem>> -> memref<1x!tpu.dma_semaphore, #tpu.memory_space<semaphore_mem>>
          %dma_wait3A_523 = tpu.memref_squeeze %dma_wait3A_522 : memref<1x!tpu.dma_semaphore, #tpu.memory_space<semaphore_mem>> -> memref<!tpu.dma_semaphore, #tpu.memory_space<semaphore_mem>>
          %dma_wait3A_524 = arith.constant 0 : i32
          %dma_wait3A_525 = tpu.memref_slice %arg7[%mul3A_515, %dma_wait3A_524] : memref<163840x256xf32, #tpu.memory_space<hbm>> -> memref<32x256xf32, #tpu.memory_space<hbm>>
          %dma_wait3A_526 = arith.constant 0 : i32
          %dma_wait3A_527 = arith.constant 0 : i32
          %dma_wait3A_528 = tpu.memref_slice %run_scoped3A_12[%rem3A_513, %dma_wait3A_526, %dma_wait3A_527] : memref<2x32x256xf32, #tpu.memory_space<vmem>> -> memref<1x32x256xf32, #tpu.memory_space<vmem>>
          %dma_wait3A_529 = tpu.memref_squeeze %dma_wait3A_528 : memref<1x32x256xf32, #tpu.memory_space<vmem>> -> memref<32x256xf32, #tpu.memory_space<vmem>>
          tpu.wait_dma2 semaphore(%dma_wait3A_523 : memref<!tpu.dma_semaphore, #tpu.memory_space<semaphore_mem>>) src(%dma_wait3A_529 : memref<32x256xf32, #tpu.memory_space<vmem>>) dst(%dma_wait3A_525 : memref<32x256xf32, #tpu.memory_space<hbm>>)
          "tpu.trace_stop"() : () -> ()
        } else {
        }
        %and3A_481 = arith.constant true
        %and3A_482 = arith.andi %and3A_477, %and3A_481 : i1
        %add3A_483 = arith.constant 1 : i32
        %add3A_484 = arith.addi %scan3A_179, %add3A_483 : i32
        %select_n3A_485 = arith.select %and3A_482, %add3A_484, %scan3A_179 : i32
        %ne3A_486 = arith.cmpi ne, %add3A_185, %add3A_203 : i32
        %or3A_487 = arith.constant false
        %or3A_488 = arith.ori %or3A_487, %ne3A_486 : i1
        %or3A_489 = arith.constant false
        %or3A_490 = arith.ori %or3A_488, %or3A_489 : i1
        %or3A_491 = arith.ori %or3A_490, %eq3A_184 : i1
        %add3A_492 = arith.constant 1 : i32
        %add3A_493 = arith.addi %scan3A_173, %add3A_492 : i32
        %select_n3A_494 = arith.select %or3A_491, %add3A_493, %scan3A_173 : i32
        %ne3A_495 = arith.cmpi ne, %add3A_185, %add3A_203 : i32
        %or3A_496 = arith.constant false
        %or3A_497 = arith.ori %or3A_496, %ne3A_495 : i1
        %or3A_498 = arith.constant false
        %or3A_499 = arith.ori %or3A_497, %or3A_498 : i1
        %or3A_500 = arith.ori %or3A_499, %eq3A_184 : i1
        %add3A_501 = arith.constant 1 : i32
        %add3A_502 = arith.addi %scan3A_175, %add3A_501 : i32
        %select_n3A_503 = arith.select %or3A_500, %add3A_502, %scan3A_175 : i32
        %add3A_504 = arith.constant 1 : i32
        %add3A_505 = arith.addi %scan3A_180, %add3A_504 : i32
        %select_n3A_506 = arith.constant true
        %select_n3A_507 = arith.select %select_n3A_506, %add3A_505, %scan3A_180 : i32
        %eq3A_508 = arith.constant 160 : i32
        %eq3A_509 = arith.cmpi eq, %select_n3A_507, %eq3A_508 : i32
        %select_n3A_510 = arith.constant 0 : i32
        %select_n3A_511 = arith.select %eq3A_509, %select_n3A_510, %select_n3A_507 : i32
        scf.yield %select_n3A_223, %select_n3A_494, %select_n3A_241, %select_n3A_503, %select_n3A_413, %select_n3A_469, %select_n3A_427, %select_n3A_485, %select_n3A_511 : i32, i32, i32, i32, i32, i32, i32, i32, i32
      }
      %scan3A_100 = arith.constant 160 : i32
      %sub3A = arith.constant 1 : i32
      %sub3A_101 = arith.subi %scan3A_99#8, %sub3A : i32
      %select_n3A_102 = arith.constant true
      %select_n3A_103 = arith.select %select_n3A_102, %sub3A_101, %scan3A_99#8 : i32
      %eq3A_104 = arith.constant -1 : i32
      %eq3A_105 = arith.cmpi eq, %select_n3A_103, %eq3A_104 : i32
      %select_n3A_106 = arith.constant 159 : i32
      %select_n3A_107 = arith.select %eq3A_105, %select_n3A_106, %select_n3A_103 : i32
      %add3A_108 = arith.addi %select_n3A_107, %mul3A_6 : i32
      %sub3A_109 = arith.constant 1 : i32
      %sub3A_110 = arith.subi %select_n3A_107, %sub3A_109 : i32
      %select_n3A_111 = arith.constant true
      %select_n3A_112 = arith.select %select_n3A_111, %sub3A_110, %select_n3A_107 : i32
      %eq3A_113 = arith.constant -1 : i32
      %eq3A_114 = arith.cmpi eq, %select_n3A_112, %eq3A_113 : i32
      %select_n3A_115 = arith.constant 159 : i32
      %select_n3A_116 = arith.select %eq3A_114, %select_n3A_115, %select_n3A_112 : i32
      %add3A_117 = arith.addi %select_n3A_116, %mul3A_6 : i32
      %add3A_118 = arith.constant 1 : i32
      %add3A_119 = arith.addi %select_n3A_107, %add3A_118 : i32
      %select_n3A_120 = arith.constant true
      %select_n3A_121 = arith.select %select_n3A_120, %add3A_119, %select_n3A_107 : i32
      %eq3A_122 = arith.constant 160 : i32
      %eq3A_123 = arith.cmpi eq, %select_n3A_121, %eq3A_122 : i32
      %select_n3A_124 = arith.constant 0 : i32
      %select_n3A_125 = arith.select %eq3A_123, %select_n3A_124, %select_n3A_121 : i32
      %add3A_126 = arith.addi %select_n3A_125, %mul3A_6 : i32
      %add3A_127 = arith.constant 1 : i32
      %add3A_128 = arith.addi %select_n3A_125, %add3A_127 : i32
      %select_n3A_129 = arith.constant true
      %select_n3A_130 = arith.select %select_n3A_129, %add3A_128, %select_n3A_125 : i32
      %eq3A_131 = arith.constant 160 : i32
      %eq3A_132 = arith.cmpi eq, %select_n3A_130, %eq3A_131 : i32
      %select_n3A_133 = arith.constant 0 : i32
      %select_n3A_134 = arith.select %eq3A_132, %select_n3A_133, %select_n3A_130 : i32
      %add3A_135 = arith.addi %select_n3A_134, %mul3A_6 : i32
      "tpu.trace_start"() <{level = 10 : i32, message = "ep_finalize"}> : () -> ()
      %rem3A_136 = arith.constant 2 : i32
      %rem3A_137 = arith.remui %scan3A_99#5, %rem3A_136 : i32
      %mul3A_138 = arith.constant 32 : i32
      %mul3A_139 = arith.muli %mul3A_138, %add3A_108 : i32
      %dma_wait3A = arith.constant 0 : i32
      %dma_wait3A_140 = arith.constant 0 : i32
      %dma_wait3A_141 = tpu.memref_slice %run_scoped3A_10[%rem3A_137, %dma_wait3A, %dma_wait3A_140] : memref<2x32x256xf32, #tpu.memory_space<vmem>> -> memref<1x32x256xf32, #tpu.memory_space<vmem>>
      %dma_wait3A_142 = tpu.memref_squeeze %dma_wait3A_141 : memref<1x32x256xf32, #tpu.memory_space<vmem>> -> memref<32x256xf32, #tpu.memory_space<vmem>>
      %dma_wait3A_143 = arith.constant 0 : i32
      %dma_wait3A_144 = tpu.memref_slice %arg6[%mul3A_139, %dma_wait3A_143] : memref<163840x256xf32, #tpu.memory_space<hbm>> -> memref<32x256xf32, #tpu.memory_space<hbm>>
      %dma_wait3A_145 = tpu.memref_slice %run_scoped3A_11[%rem3A_137] : memref<2x!tpu.dma_semaphore, #tpu.memory_space<semaphore_mem>> -> memref<1x!tpu.dma_semaphore, #tpu.memory_space<semaphore_mem>>
      %dma_wait3A_146 = tpu.memref_squeeze %dma_wait3A_145 : memref<1x!tpu.dma_semaphore, #tpu.memory_space<semaphore_mem>> -> memref<!tpu.dma_semaphore, #tpu.memory_space<semaphore_mem>>
      %dma_wait3A_147 = arith.constant 0 : i32
      %dma_wait3A_148 = tpu.memref_slice %arg6[%mul3A_139, %dma_wait3A_147] : memref<163840x256xf32, #tpu.memory_space<hbm>> -> memref<32x256xf32, #tpu.memory_space<hbm>>
      %dma_wait3A_149 = arith.constant 0 : i32
      %dma_wait3A_150 = arith.constant 0 : i32
      %dma_wait3A_151 = tpu.memref_slice %run_scoped3A_10[%rem3A_137, %dma_wait3A_149, %dma_wait3A_150] : memref<2x32x256xf32, #tpu.memory_space<vmem>> -> memref<1x32x256xf32, #tpu.memory_space<vmem>>
      %dma_wait3A_152 = tpu.memref_squeeze %dma_wait3A_151 : memref<1x32x256xf32, #tpu.memory_space<vmem>> -> memref<32x256xf32, #tpu.memory_space<vmem>>
      tpu.wait_dma2 semaphore(%dma_wait3A_146 : memref<!tpu.dma_semaphore, #tpu.memory_space<semaphore_mem>>) src(%dma_wait3A_152 : memref<32x256xf32, #tpu.memory_space<vmem>>) dst(%dma_wait3A_148 : memref<32x256xf32, #tpu.memory_space<hbm>>)
      %rem3A_153 = arith.constant 2 : i32
      %rem3A_154 = arith.remui %scan3A_99#7, %rem3A_153 : i32
      %mul3A_155 = arith.constant 32 : i32
      %mul3A_156 = arith.muli %mul3A_155, %add3A_108 : i32
      %dma_wait3A_157 = arith.constant 0 : i32
      %dma_wait3A_158 = arith.constant 0 : i32
      %dma_wait3A_159 = tpu.memref_slice %run_scoped3A_12[%rem3A_154, %dma_wait3A_157, %dma_wait3A_158] : memref<2x32x256xf32, #tpu.memory_space<vmem>> -> memref<1x32x256xf32, #tpu.memory_space<vmem>>
      %dma_wait3A_160 = tpu.memref_squeeze %dma_wait3A_159 : memref<1x32x256xf32, #tpu.memory_space<vmem>> -> memref<32x256xf32, #tpu.memory_space<vmem>>
      %dma_wait3A_161 = arith.constant 0 : i32
      %dma_wait3A_162 = tpu.memref_slice %arg7[%mul3A_156, %dma_wait3A_161] : memref<163840x256xf32, #tpu.memory_space<hbm>> -> memref<32x256xf32, #tpu.memory_space<hbm>>
      %dma_wait3A_163 = tpu.memref_slice %run_scoped3A_13[%rem3A_154] : memref<2x!tpu.dma_semaphore, #tpu.memory_space<semaphore_mem>> -> memref<1x!tpu.dma_semaphore, #tpu.memory_space<semaphore_mem>>
      %dma_wait3A_164 = tpu.memref_squeeze %dma_wait3A_163 : memref<1x!tpu.dma_semaphore, #tpu.memory_space<semaphore_mem>> -> memref<!tpu.dma_semaphore, #tpu.memory_space<semaphore_mem>>
      %dma_wait3A_165 = arith.constant 0 : i32
      %dma_wait3A_166 = tpu.memref_slice %arg7[%mul3A_156, %dma_wait3A_165] : memref<163840x256xf32, #tpu.memory_space<hbm>> -> memref<32x256xf32, #tpu.memory_space<hbm>>
      %dma_wait3A_167 = arith.constant 0 : i32
      %dma_wait3A_168 = arith.constant 0 : i32
      %dma_wait3A_169 = tpu.memref_slice %run_scoped3A_12[%rem3A_154, %dma_wait3A_167, %dma_wait3A_168] : memref<2x32x256xf32, #tpu.memory_space<vmem>> -> memref<1x32x256xf32, #tpu.memory_space<vmem>>
      %dma_wait3A_170 = tpu.memref_squeeze %dma_wait3A_169 : memref<1x32x256xf32, #tpu.memory_space<vmem>> -> memref<32x256xf32, #tpu.memory_space<vmem>>
      tpu.wait_dma2 semaphore(%dma_wait3A_164 : memref<!tpu.dma_semaphore, #tpu.memory_space<semaphore_mem>>) src(%dma_wait3A_170 : memref<32x256xf32, #tpu.memory_space<vmem>>) dst(%dma_wait3A_166 : memref<32x256xf32, #tpu.memory_space<hbm>>)
      "tpu.trace_stop"() : () -> ()
      tpu.yield
    }) : () -> ()
    return
  }
}

module attributes {stable_mosaic.version = 14 : i64} {
  func.func @_ploop_body(%arg0: memref<20000x128xf32, #tpu.memory_space<vmem>>, %arg1: memref<16x256xf32, #tpu.memory_space<vmem>>, %arg2: memref<1x256xf32, #tpu.memory_space<vmem>>) attributes {dimension_semantics = [], scalar_prefetch = 0 : i64, scratch_operands = 0 : i64, tpu.core_type = #tpu.core_type<tc>} {
    %get3A = arith.constant 0 : index
    %get3A_0 = arith.constant 0 : index
    %get3A_1 = vector.load %arg0[%get3A, %get3A_0] : memref<20000x128xf32, #tpu.memory_space<vmem>>, vector<20000x128xf32>
    %reduce_sum3A = arith.constant dense<0.000000e+00> : vector<128xf32>
    %reduce_sum3A_2 = vector.multi_reduction <add>, %get3A_1, %reduce_sum3A [0] : vector<20000x128xf32> to vector<128xf32>
    %broadcast_in_dim3A = vector.shape_cast %reduce_sum3A_2 : vector<128xf32> to vector<1x128xf32>
    %slice3A = vector.extract_strided_slice %broadcast_in_dim3A {offsets = [0, 0], sizes = [1, 16], strides = [1, 1]} : vector<1x128xf32> to vector<1x16xf32>
    %slice3A_3 = vector.extract_strided_slice %broadcast_in_dim3A {offsets = [0, 16], sizes = [1, 16], strides = [1, 1]} : vector<1x128xf32> to vector<1x16xf32>
    %add3A = arith.addf %slice3A, %slice3A_3 : vector<1x16xf32>
    %slice3A_4 = vector.extract_strided_slice %broadcast_in_dim3A {offsets = [0, 32], sizes = [1, 16], strides = [1, 1]} : vector<1x128xf32> to vector<1x16xf32>
    %add3A_5 = arith.addf %add3A, %slice3A_4 : vector<1x16xf32>
    %slice3A_6 = vector.extract_strided_slice %broadcast_in_dim3A {offsets = [0, 48], sizes = [1, 16], strides = [1, 1]} : vector<1x128xf32> to vector<1x16xf32>
    %add3A_7 = arith.addf %add3A_5, %slice3A_6 : vector<1x16xf32>
    %slice3A_8 = vector.extract_strided_slice %broadcast_in_dim3A {offsets = [0, 64], sizes = [1, 16], strides = [1, 1]} : vector<1x128xf32> to vector<1x16xf32>
    %add3A_9 = arith.addf %add3A_7, %slice3A_8 : vector<1x16xf32>
    %slice3A_10 = vector.extract_strided_slice %broadcast_in_dim3A {offsets = [0, 80], sizes = [1, 16], strides = [1, 1]} : vector<1x128xf32> to vector<1x16xf32>
    %add3A_11 = arith.addf %add3A_9, %slice3A_10 : vector<1x16xf32>
    %slice3A_12 = vector.extract_strided_slice %broadcast_in_dim3A {offsets = [0, 96], sizes = [1, 16], strides = [1, 1]} : vector<1x128xf32> to vector<1x16xf32>
    %add3A_13 = arith.addf %add3A_11, %slice3A_12 : vector<1x16xf32>
    %slice3A_14 = vector.extract_strided_slice %broadcast_in_dim3A {offsets = [0, 112], sizes = [1, 16], strides = [1, 1]} : vector<1x128xf32> to vector<1x16xf32>
    %add3A_15 = arith.addf %add3A_13, %slice3A_14 : vector<1x16xf32>
    %mul3A = arith.constant 6.250000e-06 : f32
    %mul3A_16 = vector.broadcast %mul3A : f32 to vector<1x16xf32>
    %mul3A_17 = arith.mulf %add3A_15, %mul3A_16 : vector<1x16xf32>
    %get3A_18 = arith.constant 0 : index
    %get3A_19 = arith.constant 0 : index
    %get3A_20 = vector.load %arg1[%get3A_18, %get3A_19] : memref<16x256xf32, #tpu.memory_space<vmem>>, vector<16x256xf32>
    %dot_general3A = arith.constant dense<0.000000e+00> : vector<1x256xf32>
    %dot_general3A_21 = tpu.matmul %mul3A_17, %get3A_20, %dot_general3A {dimension_numbers = #tpu.dot_dimension_numbers<[1], [0], [0], [1], [0, 0, 1, 1], [], []>, precision = #tpu.contract_precision<fp32>, transpose_lhs_hint = false} : vector<1x16xf32>, vector<16x256xf32>, vector<1x256xf32> -> vector<1x256xf32>
    %swap3A = arith.constant 0 : index
    %swap3A_22 = arith.constant 0 : index
    %swap3A_23 = vector.load %arg2[%swap3A, %swap3A_22] : memref<1x256xf32, #tpu.memory_space<vmem>>, vector<1x256xf32>
    tpu.vector_store %arg2[%swap3A, %swap3A_22], %dot_general3A_21 {strides = array<i32>} : memref<1x256xf32, #tpu.memory_space<vmem>>, vector<1x256xf32>,
    return
  }
}

module attributes {stable_mosaic.version = 14 : i64} {
  func.func @_node_body(%arg0: i32, %arg1: memref<1000x256xf32, #tpu.memory_space<vmem>>, %arg2: memref<256x256xf32, #tpu.memory_space<vmem>>, %arg3: memref<1x256xf32, #tpu.memory_space<vmem>>, %arg4: memref<256x256xf32, #tpu.memory_space<vmem>>, %arg5: memref<1x256xf32, #tpu.memory_space<vmem>>, %arg6: memref<1x256xf32, #tpu.memory_space<vmem>>, %arg7: memref<1x256xf32, #tpu.memory_space<vmem>>, %arg8: memref<1000x256xf32, #tpu.memory_space<vmem>>, %arg9: memref<1000x256xf32, #tpu.memory_space<vmem>>, %arg10: memref<1000x128xf32, #tpu.memory_space<vmem>>, %arg11: memref<1000x128xf32, #tpu.memory_space<vmem>>, %arg12: memref<1000x16xf32, #tpu.memory_space<vmem>>) attributes {dimension_semantics = [#tpu.dimension_semantics<arbitrary>], iteration_bounds = array<i64: 10>, scalar_prefetch = 0 : i64, scratch_operands = 0 : i64, tpu.core_type = #tpu.core_type<tc>, window_params = [{transform_indices = @transform_0, window_bounds = array<i64: 1000, 256>}, {pipeline_mode = #tpu.pipeline_mode<synchronous>, transform_indices = @transform_1, window_bounds = array<i64: 256, 256>}, {pipeline_mode = #tpu.pipeline_mode<synchronous>, transform_indices = @transform_2, window_bounds = array<i64: 1, 256>}, {pipeline_mode = #tpu.pipeline_mode<synchronous>, transform_indices = @transform_3, window_bounds = array<i64: 256, 256>}, {pipeline_mode = #tpu.pipeline_mode<synchronous>, transform_indices = @transform_4, window_bounds = array<i64: 1, 256>}, {pipeline_mode = #tpu.pipeline_mode<synchronous>, transform_indices = @transform_5, window_bounds = array<i64: 1, 256>}, {pipeline_mode = #tpu.pipeline_mode<synchronous>, transform_indices = @transform_6, window_bounds = array<i64: 1, 256>}, {transform_indices = @transform_7, window_bounds = array<i64: 1000, 256>}, {transform_indices = @transform_8, window_bounds = array<i64: 1000, 256>}, {transform_indices = @transform_9, window_bounds = array<i64: 1000, 128>}, {transform_indices = @transform_10, window_bounds = array<i64: 1000, 128>}, {transform_indices = @transform_11, window_bounds = array<i64: 1000, 16>}]} {
    %get3A = arith.constant 0 : index
    %get3A_0 = arith.constant 0 : index
    %get3A_1 = vector.load %arg1[%get3A, %get3A_0] : memref<1000x256xf32, #tpu.memory_space<vmem>>, vector<1000x256xf32>
    %get3A_2 = arith.constant 0 : index
    %get3A_3 = arith.constant 0 : index
    %get3A_4 = vector.load %arg2[%get3A_2, %get3A_3] : memref<256x256xf32, #tpu.memory_space<vmem>>, vector<256x256xf32>
    %dot_general3A = arith.constant dense<0.000000e+00> : vector<1000x256xf32>
    %dot_general3A_5 = tpu.matmul %get3A_1, %get3A_4, %dot_general3A {dimension_numbers = #tpu.dot_dimension_numbers<[1], [0], [0], [1], [0, 0, 1, 1], [], []>, precision = #tpu.contract_precision<fp32>, transpose_lhs_hint = false} : vector<1000x256xf32>, vector<256x256xf32>, vector<1000x256xf32> -> vector<1000x256xf32>
    %get3A_6 = arith.constant 0 : index
    %get3A_7 = arith.constant 0 : index
    %get3A_8 = vector.load %arg3[%get3A_6, %get3A_7] : memref<1x256xf32, #tpu.memory_space<vmem>>, vector<1x256xf32>
    %add3A = vector.broadcast %get3A_8 : vector<1x256xf32> to vector<1000x256xf32>
    %add3A_9 = arith.addf %dot_general3A_5, %add3A : vector<1000x256xf32>
    %get3A_10 = arith.constant 0 : index
    %get3A_11 = arith.constant 0 : index
    %get3A_12 = vector.load %arg4[%get3A_10, %get3A_11] : memref<256x256xf32, #tpu.memory_space<vmem>>, vector<256x256xf32>
    %dot_general3A_13 = arith.constant dense<0.000000e+00> : vector<1000x256xf32>
    %dot_general3A_14 = tpu.matmul %get3A_1, %get3A_12, %dot_general3A_13 {dimension_numbers = #tpu.dot_dimension_numbers<[1], [0], [0], [1], [0, 0, 1, 1], [], []>, precision = #tpu.contract_precision<fp32>, transpose_lhs_hint = false} : vector<1000x256xf32>, vector<256x256xf32>, vector<1000x256xf32> -> vector<1000x256xf32>
    %get3A_15 = arith.constant 0 : index
    %get3A_16 = arith.constant 0 : index
    %get3A_17 = vector.load %arg5[%get3A_15, %get3A_16] : memref<1x256xf32, #tpu.memory_space<vmem>>, vector<1x256xf32>
    %add3A_18 = vector.broadcast %get3A_17 : vector<1x256xf32> to vector<1000x256xf32>
    %add3A_19 = arith.addf %dot_general3A_14, %add3A_18 : vector<1000x256xf32>
    %swap3A = arith.constant 0 : index
    %swap3A_20 = arith.constant 0 : index
    %swap3A_21 = vector.load %arg8[%swap3A, %swap3A_20] : memref<1000x256xf32, #tpu.memory_space<vmem>>, vector<1000x256xf32>
    tpu.vector_store %arg8[%swap3A, %swap3A_20], %add3A_9 {strides = array<i32>} : memref<1000x256xf32, #tpu.memory_space<vmem>>, vector<1000x256xf32>,
    %swap3A_22 = arith.constant 0 : index
    %swap3A_23 = arith.constant 0 : index
    %swap3A_24 = vector.load %arg9[%swap3A_22, %swap3A_23] : memref<1000x256xf32, #tpu.memory_space<vmem>>, vector<1000x256xf32>
    tpu.vector_store %arg9[%swap3A_22, %swap3A_23], %add3A_19 {strides = array<i32>} : memref<1000x256xf32, #tpu.memory_space<vmem>>, vector<1000x256xf32>,
    %add3A_25 = arith.addf %add3A_9, %add3A_19 : vector<1000x256xf32>
    %get3A_26 = arith.constant 0 : index
    %get3A_27 = arith.constant 0 : index
    %get3A_28 = vector.load %arg6[%get3A_26, %get3A_27] : memref<1x256xf32, #tpu.memory_space<vmem>>, vector<1x256xf32>
    %add3A_29 = vector.broadcast %get3A_28 : vector<1x256xf32> to vector<1000x256xf32>
    %add3A_30 = arith.addf %add3A_25, %add3A_29 : vector<1000x256xf32>
    %mul3A = arith.constant 2.000000e-01 : f32
    %mul3A_31 = vector.broadcast %mul3A : f32 to vector<1000x256xf32>
    %mul3A_32 = arith.mulf %mul3A_31, %add3A_30 : vector<1000x256xf32>
    %max3A = arith.maximumf %add3A_30, %mul3A_32 : vector<1000x256xf32>
    %get3A_33 = arith.constant 0 : index
    %get3A_34 = arith.constant 0 : index
    %get3A_35 = vector.load %arg7[%get3A_33, %get3A_34] : memref<1x256xf32, #tpu.memory_space<vmem>>, vector<1x256xf32>
    %mul3A_36 = vector.broadcast %get3A_35 : vector<1x256xf32> to vector<1000x256xf32>
    %mul3A_37 = arith.mulf %max3A, %mul3A_36 : vector<1000x256xf32>
    %reduce_sum3A = arith.constant dense<0.000000e+00> : vector<1000xf32>
    %reduce_sum3A_38 = vector.multi_reduction <add>, %mul3A_37, %reduce_sum3A [1] : vector<1000x256xf32> to vector<1000xf32>
    %broadcast_in_dim3A = vector.shape_cast %reduce_sum3A_38 : vector<1000xf32> to vector<1000x1xf32>
    %exp3A = math.exp %broadcast_in_dim3A : vector<1000x1xf32>
    %slice3A = vector.extract_strided_slice %add3A_9 {offsets = [0, 0], sizes = [1000, 128], strides = [1, 1]} : vector<1000x256xf32> to vector<1000x128xf32>
    %mul3A_39 = vector.broadcast %exp3A : vector<1000x1xf32> to vector<1000x128xf32>
    %mul3A_40 = arith.mulf %slice3A, %mul3A_39 : vector<1000x128xf32>
    %swap3A_41 = arith.constant 0 : index
    %swap3A_42 = arith.constant 0 : index
    %swap3A_43 = vector.load %arg10[%swap3A_41, %swap3A_42] : memref<1000x128xf32, #tpu.memory_space<vmem>>, vector<1000x128xf32>
    tpu.vector_store %arg10[%swap3A_41, %swap3A_42], %mul3A_40 {strides = array<i32>} : memref<1000x128xf32, #tpu.memory_space<vmem>>, vector<1000x128xf32>,
    %slice3A_44 = vector.extract_strided_slice %add3A_9 {offsets = [0, 128], sizes = [1000, 128], strides = [1, 1]} : vector<1000x256xf32> to vector<1000x128xf32>
    %mul3A_45 = vector.broadcast %exp3A : vector<1000x1xf32> to vector<1000x128xf32>
    %mul3A_46 = arith.mulf %slice3A_44, %mul3A_45 : vector<1000x128xf32>
    %swap3A_47 = arith.constant 0 : index
    %swap3A_48 = arith.constant 0 : index
    %swap3A_49 = vector.load %arg11[%swap3A_47, %swap3A_48] : memref<1000x128xf32, #tpu.memory_space<vmem>>, vector<1000x128xf32>
    tpu.vector_store %arg11[%swap3A_47, %swap3A_48], %mul3A_46 {strides = array<i32>} : memref<1000x128xf32, #tpu.memory_space<vmem>>, vector<1000x128xf32>,
    %iota3A = tpu.iota {dimensions = array<i32: 1>} : vector<1000x16xi32>
    %eq3A = arith.constant 0 : i32
    %eq3A_50 = vector.broadcast %eq3A : i32 to vector<1000x16xi32>
    %eq3A_51 = arith.cmpi eq, %iota3A, %eq3A_50 : vector<1000x16xi32>
    %jit3A = arith.constant 0.000000e+00 : f32
    %broadcast_in_dim3A_52 = vector.shape_cast %exp3A : vector<1000x1xf32> to vector<1000x1xf32>
    %broadcast_in_dim3A_53 = vector.broadcast %broadcast_in_dim3A_52 : vector<1000x1xf32> to vector<1000x16xf32>
    %broadcast_in_dim3A_54 = vector.broadcast %jit3A : f32 to vector<1000x16xf32>
    %select_n3A = arith.select %eq3A_51, %broadcast_in_dim3A_53, %broadcast_in_dim3A_54 : vector<1000x16xi1>, vector<1000x16xf32>
    %swap3A_55 = arith.constant 0 : index
    %swap3A_56 = arith.constant 0 : index
    %swap3A_57 = vector.load %arg12[%swap3A_55, %swap3A_56] : memref<1000x16xf32, #tpu.memory_space<vmem>>, vector<1000x16xf32>
    tpu.vector_store %arg12[%swap3A_55, %swap3A_56], %select_n3A {strides = array<i32>} : memref<1000x16xf32, #tpu.memory_space<vmem>>, vector<1000x16xf32>,
    return
  }
  func.func @transform_0(%arg0: i32) -> (i32, i32) {
    %c0_i32 = arith.constant 0 : i32
    %c0_i32_0 = arith.constant 0 : i32
    return %arg0, %c0_i32 : i32, i32
  }
  func.func @transform_1(%arg0: i32) -> (i32, i32) {
    %c0_i32 = arith.constant 0 : i32
    %c0_i32_0 = arith.constant 0 : i32
    %c0_i32_1 = arith.constant 0 : i32
    return %c0_i32, %c0_i32_0 : i32, i32
  }
  func.func @transform_2(%arg0: i32) -> (i32, i32) {
    %c0_i32 = arith.constant 0 : i32
    %c0_i32_0 = arith.constant 0 : i32
    %c0_i32_1 = arith.constant 0 : i32
    return %c0_i32, %c0_i32_0 : i32, i32
  }
  func.func @transform_3(%arg0: i32) -> (i32, i32) {
    %c0_i32 = arith.constant 0 : i32
    %c0_i32_0 = arith.constant 0 : i32
    %c0_i32_1 = arith.constant 0 : i32
    return %c0_i32, %c0_i32_0 : i32, i32
  }
  func.func @transform_4(%arg0: i32) -> (i32, i32) {
    %c0_i32 = arith.constant 0 : i32
    %c0_i32_0 = arith.constant 0 : i32
    %c0_i32_1 = arith.constant 0 : i32
    return %c0_i32, %c0_i32_0 : i32, i32
  }
  func.func @transform_5(%arg0: i32) -> (i32, i32) {
    %c0_i32 = arith.constant 0 : i32
    %c0_i32_0 = arith.constant 0 : i32
    %c0_i32_1 = arith.constant 0 : i32
    return %c0_i32, %c0_i32_0 : i32, i32
  }
  func.func @transform_6(%arg0: i32) -> (i32, i32) {
    %c0_i32 = arith.constant 0 : i32
    %c0_i32_0 = arith.constant 0 : i32
    %c0_i32_1 = arith.constant 0 : i32
    return %c0_i32, %c0_i32_0 : i32, i32
  }
  func.func @transform_7(%arg0: i32) -> (i32, i32) {
    %c0_i32 = arith.constant 0 : i32
    %c0_i32_0 = arith.constant 0 : i32
    return %arg0, %c0_i32 : i32, i32
  }
  func.func @transform_8(%arg0: i32) -> (i32, i32) {
    %c0_i32 = arith.constant 0 : i32
    %c0_i32_0 = arith.constant 0 : i32
    return %arg0, %c0_i32 : i32, i32
  }
  func.func @transform_9(%arg0: i32) -> (i32, i32) {
    %c0_i32 = arith.constant 0 : i32
    %c0_i32_0 = arith.constant 0 : i32
    return %arg0, %c0_i32 : i32, i32
  }
  func.func @transform_10(%arg0: i32) -> (i32, i32) {
    %c0_i32 = arith.constant 0 : i32
    %c0_i32_0 = arith.constant 0 : i32
    return %arg0, %c0_i32 : i32, i32
  }
  func.func @transform_11(%arg0: i32) -> (i32, i32) {
    %c0_i32 = arith.constant 0 : i32
    %c0_i32_0 = arith.constant 0 : i32
    return %arg0, %c0_i32 : i32, i32
  }
}

module attributes {stable_mosaic.version = 14 : i64} {
  func.func @_edge_body(%arg0: i32, %arg1: memref<2048x256xf32, #tpu.memory_space<vmem>>, %arg2: memref<2048x256xf32, #tpu.memory_space<vmem>>, %arg3: memref<2048x16xf32, #tpu.memory_space<vmem>>, %arg4: memref<16x256xf32, #tpu.memory_space<vmem>>, %arg5: memref<1x256xf32, #tpu.memory_space<vmem>>, %arg6: memref<2048x128xf32, #tpu.memory_space<vmem>>, %arg7: memref<2048x128xf32, #tpu.memory_space<vmem>>, %arg8: memref<2048x16xf32, #tpu.memory_space<vmem>>) attributes {dimension_semantics = [#tpu.dimension_semantics<arbitrary>], iteration_bounds = array<i64: 80>, scalar_prefetch = 0 : i64, scratch_operands = 0 : i64, tpu.core_type = #tpu.core_type<tc>, window_params = [{transform_indices = @transform_0, window_bounds = array<i64: 2048, 256>}, {transform_indices = @transform_1, window_bounds = array<i64: 2048, 256>}, {transform_indices = @transform_2, window_bounds = array<i64: 2048, 16>}, {pipeline_mode = #tpu.pipeline_mode<synchronous>, transform_indices = @transform_3, window_bounds = array<i64: 16, 256>}, {pipeline_mode = #tpu.pipeline_mode<synchronous>, transform_indices = @transform_4, window_bounds = array<i64: 1, 256>}, {transform_indices = @transform_5, window_bounds = array<i64: 2048, 128>}, {transform_indices = @transform_6, window_bounds = array<i64: 2048, 128>}, {transform_indices = @transform_7, window_bounds = array<i64: 2048, 16>}]} {
    %get3A = arith.constant 0 : index
    %get3A_0 = arith.constant 0 : index
    %get3A_1 = vector.load %arg3[%get3A, %get3A_0] : memref<2048x16xf32, #tpu.memory_space<vmem>>, vector<2048x16xf32>
    %get3A_2 = arith.constant 0 : index
    %get3A_3 = arith.constant 0 : index
    %get3A_4 = vector.load %arg4[%get3A_2, %get3A_3] : memref<16x256xf32, #tpu.memory_space<vmem>>, vector<16x256xf32>
    %dot_general3A = arith.constant dense<0.000000e+00> : vector<2048x256xf32>
    %dot_general3A_5 = tpu.matmul %get3A_1, %get3A_4, %dot_general3A {dimension_numbers = #tpu.dot_dimension_numbers<[1], [0], [0], [1], [0, 0, 1, 1], [], []>, precision = #tpu.contract_precision<fp32>, transpose_lhs_hint = false} : vector<2048x16xf32>, vector<16x256xf32>, vector<2048x256xf32> -> vector<2048x256xf32>
    %get3A_6 = arith.constant 0 : index
    %get3A_7 = arith.constant 0 : index
    %get3A_8 = vector.load %arg1[%get3A_6, %get3A_7] : memref<2048x256xf32, #tpu.memory_space<vmem>>, vector<2048x256xf32>
    %get3A_9 = arith.constant 0 : index
    %get3A_10 = arith.constant 0 : index
    %get3A_11 = vector.load %arg2[%get3A_9, %get3A_10] : memref<2048x256xf32, #tpu.memory_space<vmem>>, vector<2048x256xf32>
    %add3A = arith.addf %get3A_8, %get3A_11 : vector<2048x256xf32>
    %add3A_12 = arith.addf %add3A, %dot_general3A_5 : vector<2048x256xf32>
    %mul3A = arith.constant 2.000000e-01 : f32
    %mul3A_13 = vector.broadcast %mul3A : f32 to vector<2048x256xf32>
    %mul3A_14 = arith.mulf %mul3A_13, %add3A_12 : vector<2048x256xf32>
    %max3A = arith.maximumf %add3A_12, %mul3A_14 : vector<2048x256xf32>
    %get3A_15 = arith.constant 0 : index
    %get3A_16 = arith.constant 0 : index
    %get3A_17 = vector.load %arg5[%get3A_15, %get3A_16] : memref<1x256xf32, #tpu.memory_space<vmem>>, vector<1x256xf32>
    %mul3A_18 = vector.broadcast %get3A_17 : vector<1x256xf32> to vector<2048x256xf32>
    %mul3A_19 = arith.mulf %max3A, %mul3A_18 : vector<2048x256xf32>
    %reduce_sum3A = arith.constant dense<0.000000e+00> : vector<2048xf32>
    %reduce_sum3A_20 = vector.multi_reduction <add>, %mul3A_19, %reduce_sum3A [1] : vector<2048x256xf32> to vector<2048xf32>
    %broadcast_in_dim3A = vector.shape_cast %reduce_sum3A_20 : vector<2048xf32> to vector<2048x1xf32>
    %mul3A_21 = arith.constant 2048 : i32
    %mul3A_22 = arith.muli %arg0, %mul3A_21 : i32
    %iota3A = tpu.iota {dimensions = array<i32: 0>} : vector<2048x1xi32>
    %add3A_23 = vector.broadcast %mul3A_22 : i32 to vector<2048x1xi32>
    %add3A_24 = arith.addi %add3A_23, %iota3A : vector<2048x1xi32>
    %lt3A = arith.constant 160000 : i32
    %lt3A_25 = vector.broadcast %lt3A : i32 to vector<2048x1xi32>
    %lt3A_26 = arith.cmpi slt, %add3A_24, %lt3A_25 : vector<2048x1xi32>
    %exp3A = math.exp %broadcast_in_dim3A : vector<2048x1xf32>
    %jit3A = arith.constant 0.000000e+00 : f32
    %broadcast_in_dim3A_27 = vector.broadcast %jit3A : f32 to vector<2048x1xf32>
    %select_n3A = arith.select %lt3A_26, %exp3A, %broadcast_in_dim3A_27 : vector<2048x1xi1>, vector<2048x1xf32>
    %slice3A = vector.extract_strided_slice %get3A_8 {offsets = [0, 0], sizes = [2048, 128], strides = [1, 1]} : vector<2048x256xf32> to vector<2048x128xf32>
    %mul3A_28 = vector.broadcast %select_n3A : vector<2048x1xf32> to vector<2048x128xf32>
    %mul3A_29 = arith.mulf %slice3A, %mul3A_28 : vector<2048x128xf32>
    %swap3A = arith.constant 0 : index
    %swap3A_30 = arith.constant 0 : index
    %swap3A_31 = vector.load %arg6[%swap3A, %swap3A_30] : memref<2048x128xf32, #tpu.memory_space<vmem>>, vector<2048x128xf32>
    tpu.vector_store %arg6[%swap3A, %swap3A_30], %mul3A_29 {strides = array<i32>} : memref<2048x128xf32, #tpu.memory_space<vmem>>, vector<2048x128xf32>,
    %slice3A_32 = vector.extract_strided_slice %get3A_8 {offsets = [0, 128], sizes = [2048, 128], strides = [1, 1]} : vector<2048x256xf32> to vector<2048x128xf32>
    %mul3A_33 = vector.broadcast %select_n3A : vector<2048x1xf32> to vector<2048x128xf32>
    %mul3A_34 = arith.mulf %slice3A_32, %mul3A_33 : vector<2048x128xf32>
    %swap3A_35 = arith.constant 0 : index
    %swap3A_36 = arith.constant 0 : index
    %swap3A_37 = vector.load %arg7[%swap3A_35, %swap3A_36] : memref<2048x128xf32, #tpu.memory_space<vmem>>, vector<2048x128xf32>
    tpu.vector_store %arg7[%swap3A_35, %swap3A_36], %mul3A_34 {strides = array<i32>} : memref<2048x128xf32, #tpu.memory_space<vmem>>, vector<2048x128xf32>,
    %iota3A_38 = tpu.iota {dimensions = array<i32: 1>} : vector<2048x16xi32>
    %eq3A = arith.constant 0 : i32
    %eq3A_39 = vector.broadcast %eq3A : i32 to vector<2048x16xi32>
    %eq3A_40 = arith.cmpi eq, %iota3A_38, %eq3A_39 : vector<2048x16xi32>
    %jit3A_41 = arith.constant 0.000000e+00 : f32
    %broadcast_in_dim3A_42 = vector.shape_cast %select_n3A : vector<2048x1xf32> to vector<2048x1xf32>
    %broadcast_in_dim3A_43 = vector.broadcast %broadcast_in_dim3A_42 : vector<2048x1xf32> to vector<2048x16xf32>
    %broadcast_in_dim3A_44 = vector.broadcast %jit3A_41 : f32 to vector<2048x16xf32>
    %select_n3A_45 = arith.select %eq3A_40, %broadcast_in_dim3A_43, %broadcast_in_dim3A_44 : vector<2048x16xi1>, vector<2048x16xf32>
    %swap3A_46 = arith.constant 0 : index
    %swap3A_47 = arith.constant 0 : index
    %swap3A_48 = vector.load %arg8[%swap3A_46, %swap3A_47] : memref<2048x16xf32, #tpu.memory_space<vmem>>, vector<2048x16xf32>
    tpu.vector_store %arg8[%swap3A_46, %swap3A_47], %select_n3A_45 {strides = array<i32>} : memref<2048x16xf32, #tpu.memory_space<vmem>>, vector<2048x16xf32>,
    return
  }
  func.func @transform_0(%arg0: i32) -> (i32, i32) {
    %c0_i32 = arith.constant 0 : i32
    %c0_i32_0 = arith.constant 0 : i32
    return %arg0, %c0_i32 : i32, i32
  }
  func.func @transform_1(%arg0: i32) -> (i32, i32) {
    %c0_i32 = arith.constant 0 : i32
    %c0_i32_0 = arith.constant 0 : i32
    return %arg0, %c0_i32 : i32, i32
  }
  func.func @transform_2(%arg0: i32) -> (i32, i32) {
    %c0_i32 = arith.constant 0 : i32
    %c0_i32_0 = arith.constant 0 : i32
    return %arg0, %c0_i32 : i32, i32
  }
  func.func @transform_3(%arg0: i32) -> (i32, i32) {
    %c0_i32 = arith.constant 0 : i32
    %c0_i32_0 = arith.constant 0 : i32
    %c0_i32_1 = arith.constant 0 : i32
    return %c0_i32, %c0_i32_0 : i32, i32
  }
  func.func @transform_4(%arg0: i32) -> (i32, i32) {
    %c0_i32 = arith.constant 0 : i32
    %c0_i32_0 = arith.constant 0 : i32
    %c0_i32_1 = arith.constant 0 : i32
    return %c0_i32, %c0_i32_0 : i32, i32
  }
  func.func @transform_5(%arg0: i32) -> (i32, i32) {
    %c0_i32 = arith.constant 0 : i32
    %c0_i32_0 = arith.constant 0 : i32
    return %arg0, %c0_i32 : i32, i32
  }
  func.func @transform_6(%arg0: i32) -> (i32, i32) {
    %c0_i32 = arith.constant 0 : i32
    %c0_i32_0 = arith.constant 0 : i32
    return %arg0, %c0_i32 : i32, i32
  }
  func.func @transform_7(%arg0: i32) -> (i32, i32) {
    %c0_i32 = arith.constant 0 : i32
    %c0_i32_0 = arith.constant 0 : i32
    return %arg0, %c0_i32 : i32, i32
  }
}

module attributes {stable_mosaic.version = 14 : i64} {
  func.func @_final_body(%arg0: i32, %arg1: memref<10000x128xf32, #tpu.memory_space<vmem>>, %arg2: memref<10000x16xf32, #tpu.memory_space<vmem>>, %arg3: memref<1x128xf32, #tpu.memory_space<vmem>>, %arg4: memref<1x128xf32, #tpu.memory_space<vmem>>, %arg5: memref<1x128xf32, #tpu.memory_space<vmem>>, %arg6: memref<10000x128xf32, #tpu.memory_space<vmem>>) attributes {dimension_semantics = [#tpu.dimension_semantics<arbitrary>], iteration_bounds = array<i64: 2>, scalar_prefetch = 0 : i64, scratch_operands = 0 : i64, tpu.core_type = #tpu.core_type<tc>, window_params = [{transform_indices = @transform_0, window_bounds = array<i64: 10000, 128>}, {pipeline_mode = #tpu.pipeline_mode<synchronous>, transform_indices = @transform_1, window_bounds = array<i64: 10000, 16>}, {transform_indices = @transform_2, window_bounds = array<i64: 1, 128>}, {transform_indices = @transform_3, window_bounds = array<i64: 1, 128>}, {transform_indices = @transform_4, window_bounds = array<i64: 1, 128>}, {transform_indices = @transform_5, window_bounds = array<i64: 10000, 128>}]} {
    %get3A = arith.constant 0 : index
    %get3A_0 = arith.constant 0 : index
    %get3A_1 = vector.load %arg2[%get3A, %get3A_0] : memref<10000x16xf32, #tpu.memory_space<vmem>>, vector<10000x16xf32>
    %slice3A = vector.extract_strided_slice %get3A_1 {offsets = [0, 0], sizes = [10000, 1], strides = [1, 1]} : vector<10000x16xf32> to vector<10000x1xf32>
    %add3A = arith.constant 1.000000e-16 : f32
    %add3A_2 = vector.broadcast %add3A : f32 to vector<10000x1xf32>
    %add3A_3 = arith.addf %slice3A, %add3A_2 : vector<10000x1xf32>
    %get3A_4 = arith.constant 0 : index
    %get3A_5 = arith.constant 0 : index
    %get3A_6 = vector.load %arg1[%get3A_4, %get3A_5] : memref<10000x128xf32, #tpu.memory_space<vmem>>, vector<10000x128xf32>
    %div3A = vector.broadcast %add3A_3 : vector<10000x1xf32> to vector<10000x128xf32>
    %div3A_7 = arith.divf %get3A_6, %div3A : vector<10000x128xf32>
    %get3A_8 = arith.constant 0 : index
    %get3A_9 = arith.constant 0 : index
    %get3A_10 = vector.load %arg3[%get3A_8, %get3A_9] : memref<1x128xf32, #tpu.memory_space<vmem>>, vector<1x128xf32>
    %add3A_11 = vector.broadcast %get3A_10 : vector<1x128xf32> to vector<10000x128xf32>
    %add3A_12 = arith.addf %div3A_7, %add3A_11 : vector<10000x128xf32>
    %mul3A = arith.constant 2.000000e-01 : f32
    %mul3A_13 = vector.broadcast %mul3A : f32 to vector<10000x128xf32>
    %mul3A_14 = arith.mulf %mul3A_13, %add3A_12 : vector<10000x128xf32>
    %max3A = arith.maximumf %add3A_12, %mul3A_14 : vector<10000x128xf32>
    %reduce_sum3A = arith.constant dense<0.000000e+00> : vector<128xf32>
    %reduce_sum3A_15 = vector.multi_reduction <add>, %max3A, %reduce_sum3A [0] : vector<10000x128xf32> to vector<128xf32>
    %broadcast_in_dim3A = vector.shape_cast %reduce_sum3A_15 : vector<128xf32> to vector<1x128xf32>
    %div3A_16 = arith.constant 1.000000e+04 : f32
    %div3A_17 = vector.broadcast %div3A_16 : f32 to vector<1x128xf32>
    %div3A_18 = arith.divf %broadcast_in_dim3A, %div3A_17 : vector<1x128xf32>
    %sub3A = vector.broadcast %div3A_18 : vector<1x128xf32> to vector<10000x128xf32>
    %sub3A_19 = arith.subf %max3A, %sub3A : vector<10000x128xf32>
    %integer_pow3A = arith.mulf %sub3A_19, %sub3A_19 : vector<10000x128xf32>
    %reduce_sum3A_20 = arith.constant dense<0.000000e+00> : vector<128xf32>
    %reduce_sum3A_21 = vector.multi_reduction <add>, %integer_pow3A, %reduce_sum3A_20 [0] : vector<10000x128xf32> to vector<128xf32>
    %broadcast_in_dim3A_22 = vector.shape_cast %reduce_sum3A_21 : vector<128xf32> to vector<1x128xf32>
    %div3A_23 = arith.constant 1.000000e+04 : f32
    %div3A_24 = vector.broadcast %div3A_23 : f32 to vector<1x128xf32>
    %div3A_25 = arith.divf %broadcast_in_dim3A_22, %div3A_24 : vector<1x128xf32>
    %sub3A_26 = vector.broadcast %div3A_18 : vector<1x128xf32> to vector<10000x128xf32>
    %sub3A_27 = arith.subf %max3A, %sub3A_26 : vector<10000x128xf32>
    %add3A_28 = arith.constant 9.99999974E-6 : f32
    %add3A_29 = vector.broadcast %add3A_28 : f32 to vector<1x128xf32>
    %add3A_30 = arith.addf %div3A_25, %add3A_29 : vector<1x128xf32>
    %rsqrt3A = math.rsqrt %add3A_30 : vector<1x128xf32>
    %mul3A_31 = vector.broadcast %rsqrt3A : vector<1x128xf32> to vector<10000x128xf32>
    %mul3A_32 = arith.mulf %sub3A_27, %mul3A_31 : vector<10000x128xf32>
    %get3A_33 = arith.constant 0 : index
    %get3A_34 = arith.constant 0 : index
    %get3A_35 = vector.load %arg4[%get3A_33, %get3A_34] : memref<1x128xf32, #tpu.memory_space<vmem>>, vector<1x128xf32>
    %mul3A_36 = vector.broadcast %get3A_35 : vector<1x128xf32> to vector<10000x128xf32>
    %mul3A_37 = arith.mulf %mul3A_32, %mul3A_36 : vector<10000x128xf32>
    %get3A_38 = arith.constant 0 : index
    %get3A_39 = arith.constant 0 : index
    %get3A_40 = vector.load %arg5[%get3A_38, %get3A_39] : memref<1x128xf32, #tpu.memory_space<vmem>>, vector<1x128xf32>
    %add3A_41 = vector.broadcast %get3A_40 : vector<1x128xf32> to vector<10000x128xf32>
    %add3A_42 = arith.addf %mul3A_37, %add3A_41 : vector<10000x128xf32>
    %swap3A = arith.constant 0 : index
    %swap3A_43 = arith.constant 0 : index
    %swap3A_44 = vector.load %arg6[%swap3A, %swap3A_43] : memref<10000x128xf32, #tpu.memory_space<vmem>>, vector<10000x128xf32>
    tpu.vector_store %arg6[%swap3A, %swap3A_43], %add3A_42 {strides = array<i32>} : memref<10000x128xf32, #tpu.memory_space<vmem>>, vector<10000x128xf32>,
    return
  }
  func.func @transform_0(%arg0: i32) -> (i32, i32) {
    %c0_i32 = arith.constant 0 : i32
    %c0_i32_0 = arith.constant 0 : i32
    return %c0_i32, %arg0 : i32, i32
  }
  func.func @transform_1(%arg0: i32) -> (i32, i32) {
    %c0_i32 = arith.constant 0 : i32
    %c0_i32_0 = arith.constant 0 : i32
    %c0_i32_1 = arith.constant 0 : i32
    return %c0_i32, %c0_i32_0 : i32, i32
  }
  func.func @transform_2(%arg0: i32) -> (i32, i32) {
    %c0_i32 = arith.constant 0 : i32
    %c0_i32_0 = arith.constant 0 : i32
    return %c0_i32, %arg0 : i32, i32
  }
  func.func @transform_3(%arg0: i32) -> (i32, i32) {
    %c0_i32 = arith.constant 0 : i32
    %c0_i32_0 = arith.constant 0 : i32
    return %c0_i32, %arg0 : i32, i32
  }
  func.func @transform_4(%arg0: i32) -> (i32, i32) {
    %c0_i32 = arith.constant 0 : i32
    %c0_i32_0 = arith.constant 0 : i32
    return %c0_i32, %arg0 : i32, i32
  }
  func.func @transform_5(%arg0: i32) -> (i32, i32) {
    %c0_i32 = arith.constant 0 : i32
    %c0_i32_0 = arith.constant 0 : i32
    return %c0_i32, %arg0 : i32, i32
  }
}

</mosaic_0001>

<sc_bundles>
// kernel: kernel.7.cloned.1.call-start
scs
__scs_entry_jumppad:
0x0: {  	(pc) =	sbr.rel $0x88, $3  }
0x1: {  	(tag) =	ssettag $0x0;
	lr =	simm.s32 $0x1  }
0x2: {  	[smem:$0x3F95] =	sst lr;
	_ =	strace $0xD0000000  }
0x3: {  	_ = 	snop  }
0x4: {  	_ = 	snop  }
0x5: {  	_ = 	snop  }
0x6: {  	_ = 	snop  }
0x7: {  	_ = 	snop  }
__scs_overlays_trampoline_lowered:
0x8: {  	[smem:$0x3FA4] =	sst s0  }
0x9: {  	[smem:$0x3FA5] =	sst s1  }
0xa: {  	[smem:$0x3FA6] =	sst s2  }
0xb: {  	[smem:$0x3FA7] =	sst s3  }
0xc: {  	[smem:$0x3FA8] =	sst s4  }
0xd: {  	[smem:$0x3FA9] =	sst s5  }
0xe: {  	[smem:$0x3FAA] =	sst s6  }
0xf: {  	[smem:$0x3FAB] =	sst s7  }
0x10: {  	[smem:$0x3FAC] =	sst s8  }
0x11: {  	[smem:$0x3FAD] =	sst s9;
	s0 =	simm.s32 @!p0 $0x0  }
0x12: {  	s1 =	sld [smem:$0x3F93];
	s0 =	simm.s32 @p0 $0x1  }
0x13: {  	[smem:$0x3FAE] =	sst s0;
	s0 =	simm.s32 @!p1 $0x0  }
0x14: {  	s2 =	sld [smem:$0x3F92];
	s0 =	simm.s32 @p1 $0x1  }
0x15: {  	[smem:$0x3FAF] =	sst s0;
	s0 =	simm.s32 @!p2 $0x0  }
0x16: {  	s3 =	sld [smem:$0x3FDB];
	s0 =	simm.s32 @p2 $0x1  }
0x17: {  	s4 =	simm.s32 $0x1BF5;
	[smem:$0x3FB1] =	sst s0  }
0x18: {  	s0 =	sld [smem:$0x3F94];
	_ =	swait.ge [sflag:s4], $0x0  }
0x19: {  	s7 =	sld [smem:$0x3F95]  }
0x1a: {  	s8 =	sadd.s32 $0xFFFFE003, lr  }
0x1b: {  	s9 =	sadd.s32 $0xFFFFFEF7, lr;
	s5 =	simm.s32 $0xFFFFFFFF;
	p2 =	slt.u32 s8, $0xFFFFF086  }
0x1c: {  	p1 =	slt.u32 s9, $0xF7A;
	s5 =	simm.s32 @!p2 $0x0  }
0x1d: {  	s5 =	simm.s32 @p1 $0x1;
	p0 =	seq.s32 s7, s2  }
0x1e: {  	s7 =	smul.u32 @!p0 $0xF7A, s2;
	p2 =	seq.s32 @!p0 s5, $0x0  }
0x1f: {  	s9 =	smul.u32 $0xF7A, s1;
	s8 =	simm.s32 @!p0 $0x1BF5;
	p2 =	por !p2, p0  }
0x20: {  	[sflag:s8] =	ssyncset.s32 @!p0 $0xFFFFF086;
	s6 =	sadd.s32 @!p0 s3, s7;
	s7 =	simm.s32 @!p0 $0x108  }
0x21: {  	s3 =	sadd.s32 s3, s9;
	s6 =	sadd.s32 @!p0 $0x88, s6;
	s7 =	simm.s32 @p2 $0x1082  }
0x22: {  	[simem:s7], [sflag:s8] =	dma.local @!p0 [hbm:s6], $0xF7A  }
0x23: {  	s9 =	sor.u32 $0xD0000000, s2;
	s6 =	simm.s32 $0x108;
	_ =	swait.ge @!p0 [sflag:s8], $0x0  }
0x24: {  	s3 =	sadd.s32 $0x88, s3;
	s6 =	simm.s32 @!p1 $0x1082;
	[sflag:s4] =	ssyncset.s32 $0xFFFFF086  }
0x25: {  	[simem:s6], [sflag:s4] =	dma.local [hbm:s3], $0xF7A  }
0x26: {  	[smem:$0x3F95] =	sst s1;
	(tag) =	ssettag s2;
	_ =	strace s9  }
0x27: {  	s1 =	sld [smem:$0x3FA5]  }
0x28: {  	s2 =	sld [smem:$0x3FA6]  }
0x29: {  	s4 =	sld [smem:$0x3FA8]  }
0x2a: {  	p0 =	seq.s32 s5, $0x0;
	s5 =	sld [smem:$0x3FA9]  }
0x2b: {  	s6 =	sld [smem:$0x3FAA]  }
0x2c: {  	s7 =	sld [smem:$0x3FAB]  }
0x2d: {  	s3 =	simm.s32 $0x108;
	s8 =	sld [smem:$0x3FAC]  }
0x2e: {  	s3 =	simm.s32 @!p0 $0x1082;
	s9 =	sld [smem:$0x3FAD]  }
0x2f: {  	lr =	sadd.s32 s0, s3;
	s0 =	sld [smem:$0x3FA4]  }
0x30: {  	s3 =	sld [smem:$0x3FA7]  }
0x31: {  	[smem:$0x3FB0] =	sst s10  }
0x32: {  	s10 =	sld [smem:$0x3FAE];
	_ =	sdelay $0x3  }
0x33: {  	p0 =	seq.s32 s10, $0x1;
	s10 =	sld [smem:$0x3FB0];
	_ =	sdelay $0x3  }
0x34: {  	[smem:$0x3FB0] =	sst s10  }
0x35: {  	s10 =	sld [smem:$0x3FAF];
	_ =	sdelay $0x3  }
0x36: {  	p1 =	seq.s32 s10, $0x1;
	s10 =	sld [smem:$0x3FB0];
	_ =	sdelay $0x3  }
0x37: {  	[smem:$0x3FB0] =	sst s10  }
0x38: {  	s10 =	sld [smem:$0x3FB1]  }
0x39: {  	_ = 	snop;
	(pc) =	sbr.ind lr, $3  }
0x3a: {  	_ = 	snop  }
0x3b: {  	_ = 	snop  }
0x3c: {  	p2 =	seq.s32 s10, $0x1;
	s10 =	sld [smem:$0x3FB0]  }
0x3d: {  	_ =	shalt  }
0x3e: {  	_ =	shalt  }
0x3f: {  	_ =	shalt  }
0x40: {  	_ =	shalt  }
0x41: {  	_ =	shalt  }
0x42: {  	_ =	shalt  }
0x43: {  	_ =	shalt  }
0x44: {  	_ =	shalt  }
0x45: {  	_ =	shalt  }
0x46: {  	_ =	shalt  }
0x47: {  	_ =	shalt  }
0x48: {  	_ =	shalt  }
0x49: {  	_ =	shalt  }
0x4a: {  	_ =	shalt  }
0x4b: {  	_ =	shalt  }
0x4c: {  	_ =	shalt  }
0x4d: {  	_ =	shalt  }
0x4e: {  	_ =	shalt  }
0x4f: {  	_ =	shalt  }
0x50: {  	_ =	shalt  }
0x51: {  	_ =	shalt  }
0x52: {  	_ =	shalt  }
0x53: {  	_ =	shalt  }
0x54: {  	_ =	shalt  }
0x55: {  	_ =	shalt  }
0x56: {  	_ =	shalt  }
0x57: {  	_ =	shalt  }
0x58: {  	_ =	shalt  }
0x59: {  	_ =	shalt  }
0x5a: {  	_ =	shalt  }
0x5b: {  	_ =	shalt  }
0x5c: {  	_ =	shalt  }
0x5d: {  	_ =	shalt  }
0x5e: {  	_ =	shalt  }
0x5f: {  	_ =	shalt  }
0x60: {  	_ =	shalt  }
0x61: {  	_ =	shalt  }
0x62: {  	_ =	shalt  }
0x63: {  	_ =	shalt  }
0x64: {  	_ =	shalt  }
0x65: {  	_ =	shalt  }
0x66: {  	_ =	shalt  }
0x67: {  	_ =	shalt  }
0x68: {  	_ =	shalt  }
0x69: {  	_ =	shalt  }
0x6a: {  	_ =	shalt  }
0x6b: {  	_ =	shalt  }
0x6c: {  	_ =	shalt  }
0x6d: {  	_ =	shalt  }
0x6e: {  	_ =	shalt  }
0x6f: {  	_ =	shalt  }
0x70: {  	_ =	shalt  }
0x71: {  	_ =	shalt  }
0x72: {  	_ =	shalt  }
0x73: {  	_ =	shalt  }
0x74: {  	_ =	shalt  }
0x75: {  	_ =	shalt  }
0x76: {  	_ =	shalt  }
0x77: {  	_ =	shalt  }
0x78: {  	_ =	shalt  }
0x79: {  	_ =	shalt  }
0x7a: {  	_ =	shalt  }
0x7b: {  	_ =	shalt  }
0x7c: {  	_ =	shalt  }
0x7d: {  	_ =	shalt  }
0x7e: {  	_ =	shalt  }
0x7f: {  	_ =	shalt  }
0x80: {  	_ =	shalt  }
0x81: {  	_ =	shalt  }
0x82: {  	_ =	shalt  }
0x83: {  	_ =	shalt  }
0x84: {  	_ =	shalt  }
0x85: {  	_ =	shalt  }
0x86: {  	_ =	shalt  }
0x87: {  	_ =	shalt  }
.Lfunc_end0:
.L_simem_size_0:
called_computation.3_lowered:
.L_overlay_start_0:
0x88: {  	s2 =	sld [smem:$0x3FD9]  }
0x89: {  	s3 =	sld [smem:$0x3FFE];
	_ =	sdelay $0x1  }
0x8a: {  	s1 =	srdreg.scid  }
0x8b: {  	s0 =	sand.u32 $0x1, s1  }
0x8c: {  	s17 =	sshll.u32 s0, $0xA;
	s2 =	sadd.s32 s3, s2  }
0x8d: {  	s2 =	sadd.s32 s2, s17  }
0x8e: {  	[smem:$0x3FBC] =	sst s2  }
0x8f: {  	_ = 	snop  }
0x90: {  	s2 =	sld [smem:$0x3FD0];
	(tm) =	ssettm $0x1  }
0x91: {  	s18 =	sld [smem:$0x3FFB];
	_ =	sdelay $0x3  }
0x92: {  	_ =	strace s18  }
0x93: {  	s3 =	sld [smem:$0x3FFC];
	_ =	sdelay $0x3  }
0x94: {  	_ =	strace s3  }
0x95: {  	s3 =	sld [smem:$0x3FFD];
	_ =	sdelay $0x3  }
0x96: {  	_ =	strace s3  }
0x97: {  	_ =	strace $0x8FFFFFFF  }
0x98: {  	s19 =	sld [smem:$0x3FDB];
	_ =	sdelay $0x1  }
0x99: {  	s4 =	simm.s32 $_scs_section_size  }
0x9a: {  	s5 =	simm.s32 $_size__tile_overlayer_lowered;
	s6 =	simm.s32 $_tile_overlayer_lowered  }
0x9b: {  	s22 =	simm.s32 $0x1BFF;
	s21 =	sshll.u32 s6, $0x1;
	s3 =	sadd.s32 s4, s19  }
0x9c: {  	s7 =	simm.s32 $0x0;
	s20 =	sshll.u32 s5, $0x1;
	s5 =	sadd.s32 s21, s3  }
0x9d: {  	[timem:s7], [sflag:s22] =	dma.local [hbm:s5], s20  }
0x9e: {  	_ =	swait.ge [sflag:s22], s20  }
0x9f: {  	s4 =	ssub.s32 $0x0, s20;
	[sflag:s22] =	ssyncset.done $0x0  }
0xa0: {  	[sflag:s22] =	ssyncadd.s32 s4;
	_ =	sdelay $0x1  }
0xa1: {  	s23 =	simm.s32 $0x1B8B  }
0xa2: {  	_ =	swait.ge [sflag:s23], $0x1  }
0xa3: {  	[sflag:s23] =	ssyncset.done $0x0  }
0xa4: {  	s25 =	simm.s32 $0x1B8E;
	s24 =	sld [smem:$0x3FFE];
	[sflag:s23] =	ssyncadd.s32 $0xFFFFFFFF  }
0xa5: {  	s26 =	simm.s32 $execute0_lowered;
	[smem:$0x3FD2] =	sst s25  }
0xa6: {  	s5 =	sshll.u32 s26, $0x1;
	_ =	strace $0x80000046;
	[dreg:$0x1] =	wrdreg $0xFFFFFFFF  }
0xa7: {  	s28 =	simm.s32 $_size_execute0_lowered;
	s3 =	sadd.s32 s3, s5;
	[dreg:$0x0] =	wrdreg $0x0  }
0xa8: {  	s5 =	sshll.u32 s28, $0x1;
	[dreg:$0x2] =	wrdreg s3  }
0xa9: {  	[dreg:$0x3] =	wrdreg s5  }
0xaa: {  	[dreg:$0x4] =	wrdreg $0xC0  }
0xab: {  	_ =	task [dreg:s7], $0x5FFFF  }
0xac: {  	[dreg:$0x1] =	wrdreg $0xFFFFFFFF  }
0xad: {  	[dreg:$0x0] =	wrdreg $0x60  }
0xae: {  	[dreg:$0x2] =	wrdreg s2  }
0xaf: {  	[dreg:$0x3] =	wrdreg s24  }
0xb0: {  	[dreg:$0x4] =	wrdreg $0x9  }
0xb1: {  	_ =	task.clear_ibuf [dreg:s7], $0x5FFFF;
	_ =	strace $0x90000046  }
0xb2: {  	s29 =	simm.s32 $0x9;
	_ =	strace $0x80000053  }
0xb3: {  	_ =	swait.ge [sflag:s29], $0x1  }
0xb4: {  	[sflag:s29] =	ssyncadd.s32 $0xFFFFFFFF  }
0xb5: {  	_ =	strace $0x90000053  }
0xb6: {  	_ =	sfence  }
0xb7: {  	s30 =	sld [smem:$0x0];
	_ =	sdelay $0x2  }
0xb8: {  	s31 =	sshll.u32 s1, $0xD;
	s1 =	sshrl.u32 s1, $0x2  }
0xb9: {  	s3 =	sand.u32 $0x4000, s31;
	s1 =	sadd.s32 s1, s30  }
0xba: {  	s0 =	sor.u32 s3, s0;
	s1 =	sshll.u32 s1, $0x11  }
0xbb: {  	s0 =	sor.u32 s1, s0  }
0xbc: {  	s0 =	sadd.s32 $0x8F2B, s0  }
0xbd: {  	[sflag:s0] =	ssyncadd.remote.s32 $0x1  }
0xbe: {  	_ =	sfence.sel $0xFFFF  }
0xbf: {  	[dreg:$0x0] =	wrdreg $0xFFFFFFFF;
	(pc) =	sbr.abs _section_cstart, $3  }
0xc0: {  	[dreg:$0x1] =	wrdreg $0xFFFFFFFF  }
0xc1: {  	_ =	task.clear_ibuf [dreg:s7], $0x2FFFF;
	_ =	strace $0x9FFFFFFF  }
0xc2: {  	(tm) =	ssettm $0x7FFFFFFF  }
0xc3: {  	_ =	shalt  }
tec
execute0_lowered:
.L_overlay_start_1:
0x0: {  	(tag) =	ssettag $0x1  }
0x1: {  	s1 =	rddreg [dreg:$0x0]  }
0x2: {  	s0 =	rddreg [dreg:$0x1];
	s2 =	simm.s32 $0x0;
	s3 =	srdreg.scid  }
0x3: {  	s7 =	stileid.u32;
	s14 =	simm.s32 $0x1;
	s3 =	sand.u32 $0x1, s3  }
0x4: {  	s15 =	simm.s32 $0x2;
	s16 =	simm.s32 $0x0;
	s6 =	sshll.u32 s3, $0x4  }
0x5: {  	s4 =	sadd.s32 $0x299E00, s0;
	s5 =	sadd.s32 $0x285E00, s0;
	s9 =	sor.u32 s7, s6  }
0x6: {  	[smem:$0x7FF] =	sst s2;
	s8 =	sadd.s32 $0x85D600, s0;
	s11 =	smul.u32 $0xA00, s9  }
0x7: {  	_ =	strace $0x80000047;
	s3 =	ssub.s32 $0x2, s3;
	s6 =	sadd.s32 $0x271E00, s0  }
0x8: {  	v2 =	vlaneseq.u32;
	s7 =	sadd.s32 $0x35D600, s0;
	s29 =	sshrl.u32 s3, $0x1;
	s30 =	sadd.s32 s5, s11  }
0x9: {  	vm0 =	vmmov $0xffff;
	v1 =	vshrl.u32 v2, $0x3;
	s0 =	ssub.s32 s3, s29;
	s31 =	sadd.s32 s6, s11;
	[dreg:$0x3] =	wrdreg s30  }
0xa: {  	v0 =	vand.u32 $0x7, v2;
	v2 =	vor.u32 $0x8, v2;
	v1 =	vmul.u32 $0x8, v1;
	s9 =	smul.u32 $0xA0, s9;
	s12 =	smax.u32 s0, $0x1;
	[dreg:$0x4] =	wrdreg s31  }
.LBB2_1:
0xb: {  	_ =	strace $0x80000048;
	s3 =	simm.s32 $0x100;
	s18 =	simm.s32 $0xA0  }
0xc: {  	s28 =	simm.s32 $0x0;
	s17 =	simm.s32 $0x0;
	s19 =	simm.s32 $0x0  }
0xd: {  	s24 =	simm.s32 $0x0;
	s20 =	simm.s32 $0x0;
	s0 =	rddreg [dreg:$0x3]  }
0xe: {  	[tilespmem:s2], [sflag:$0x3] =	stream.linear.gather [hbm4b:s0+s2], $0x80, $0x200038;
	[tilespmem:$0x8200] =	vst v63  }
0xf: {  	s21 =	simm.s32 $0x0;
	s22 =	simm.s32 $0x1;
	s31 =	rddreg [dreg:$0x4]  }
0x10: {  	[tilespmem:s3], [sflag:$0x5] =	stream.linear.gather [hbm4b:s31+s2], $0x80, $0x200038;
	[tilespmem:$0x8200] =	vst v63  }
0x11: {  	s23 =	simm.s32 $0x0;
	s26 =	simm.s32 $0x1;
	_ =	strace $0x90000048  }
.LBB2_2:
0x12: {  	s25 =	sadd.s32 $0x1, s28  }
0x13: {  	p0 =	seq.s32 s25, $0xA0  }
0x14: {  	s25 =	simm.s32 @p0 $0x0;
	p0 =	seq.s32 s18, $0x1  }
0x15: {  	p1 =	seq.s32 @!p0 s28, s25  }
0x16: {  	p2 =	por p1, p0  }
0x17: {  	s0 =	sadd.s32 @!p2 s9, s25  }
0x18: {  	s3 =	sshll.u32 @!p2 s25, $0x7;
	s0 =	sshll.u32 @!p2 s0, $0x7  }
0x19: {  	s3 =	sand.u32 @!p2 $0x380, s3;
	s0 =	sand.u32 @!p2 $0xFFFFFC00, s0  }
0x1a: {  	_ =	strace @!p2 $0x80000049;
	s0 =	sor.u32 @!p2 s3, s0  }
0x1b: {  	s31 =	simm.s32 @!p2 $0x0;
	s3 =	sand.u32 @!p2 $0x1, s26;
	s0 =	sshrl.u32 @!p2 s0, $0x3  }
0x1c: {  	s29 =	sshll.u32 @!p2 s3, $0x7;
	s3 =	sadd.s32 @!p2 $0x3, s3;
	s30 =	sadd.s32 @!p2 s5, s0  }
0x1d: {  	[tilespmem:s29], [sflag:s3] =	stream.linear.gather @!p2 [hbm4b:s30+s31], $0x80, $0x200038;
	[tilespmem:$0x8200] =	vst v63  }
0x1e: {  	s3 =	sand.u32 @!p2 $0x1, s22  }
0x1f: {  	s0 =	sadd.s32 @!p2 s6, s0;
	_ =	strace @!p2 $0x90000049;
	s29 =	sshll.u32 @!p2 s3, $0x7  }
0x20: {  	s3 =	sadd.s32 @!p2 $0x5, s3;
	_ =	strace @!p2 $0x8000004A;
	s29 =	sor.u32 @!p2 $0x100, s29  }
0x21: {  	[tilespmem:s29], [sflag:s3] =	stream.linear.gather @!p2 [hbm4b:s0+s31], $0x80, $0x200038;
	[tilespmem:$0x8200] =	vst v63  }
0x22: {  	s31 =	sand.u32 $0x1, s23;
	_ =	strace @!p2 $0x9000004A  }
0x23: {  	s0 =	sadd.s32 $0x3, s31;
	_ =	strace $0x8000004B  }
0x24: {  	_ =	swait.ge [sflag:s0], $0x80  }
0x25: {  	[sflag:s0] =	ssyncset.done $0x0  }
0x26: {  	[sflag:s0] =	ssyncadd.s32 $0xFFFFFF80  }
0x27: {  	s3 =	sand.u32 $0x1, s21;
	_ =	strace $0x9000004B  }
0x28: {  	s0 =	sadd.s32 $0x5, s3;
	_ =	strace $0x8000004C  }
0x29: {  	_ =	swait.ge [sflag:s0], $0x80  }
0x2a: {  	[sflag:s0] =	ssyncset.done $0x0  }
0x2b: {  	[sflag:s0] =	ssyncadd.s32 $0xFFFFFF80  }
0x2c: {  	s10 =	sshll.u32 s23, $0x7;
	_ =	strace $0x9000004C  }
0x2d: {  	s0 =	sand.u32 $0x80, s10;
	_ =	strace $0x8000004D  }
0x2e: {  	v3 =	vld [tilespmem:s0+$0x0];
	_ =	sdelay $0x4  }
0x2f: {  	v4 =	vshll.u32 v3, $0x1  }
0x30: {  	v3 =	vand.u32 $0x7, v3;
	v4 =	vand.u32 $0xFFFFFFF0, v4  }
0x31: {  	v3 =	vor.u32 v3, v4  }
0x32: {  	v4 =	vperm.xlane v3, v0;
	_ =	sdelay $0x1  }
0x33: {  	v3 =	vperm.xlane v3, v2;
	v4 =	vadd.s32 v1, v4;
	_ =	sdelay $0x1  }
0x34: {  	s30 =	sand.u32 $0x1, s20;
	v3 =	vadd.s32 v1, v3  }
0x35: {  	s11 =	sshll.u32 s30, $0xD  }
0x36: {  	s29 =	simm.s32 $0x0;
	s31 =	sor.u32 $0x200, s11  }
0x37: {  	[tilespmem:s31], [sflag:$0x1] =	stream.indirect_vreg.gather [hbm4b:s1+s29], $0x80, v4, vm0, $0x2000b8;
	[tilespmem:$0x8200] =	vst v63  }
0x38: {  	s13 =	sor.u32 $0xA00, s11  }
0x39: {  	[tilespmem:s13], [sflag:$0x1] =	stream.indirect_vreg.gather [hbm4b:s1+s29], $0x80, v3, vm0, $0x2000b8;
	[tilespmem:$0x8200] =	vst v63  }
0x3a: {  	v3 =	vld [tilespmem:s0+$0x10];
	_ =	sdelay $0x4  }
0x3b: {  	v61 =	vshll.u32 v3, $0x1  }
0x3c: {  	v3 =	vand.u32 $0x7, v3;
	v4 =	vand.u32 $0xFFFFFFF0, v61  }
0x3d: {  	v3 =	vor.u32 v3, v4  }
0x3e: {  	v4 =	vperm.xlane v3, v0;
	_ =	sdelay $0x1  }
0x3f: {  	v3 =	vperm.xlane v3, v2;
	v4 =	vadd.s32 v1, v4;
	_ =	sdelay $0x1  }
0x40: {  	v3 =	vadd.s32 v1, v3;
	_ =	sdelay $0x1  }
0x41: {  	s10 =	sor.u32 $0x1A00, s11;
	s13 =	sor.u32 $0x1200, s11;
	s11 =	sshll.u32 s21, $0x7  }
0x42: {  	[tilespmem:s13], [sflag:$0x1] =	stream.indirect_vreg.gather [hbm4b:s1+s29], $0x80, v4, vm0, $0x2000b8;
	[tilespmem:$0x8200] =	vst v63  }
0x43: {  	s13 =	sand.u32 $0x80, s11  }
0x44: {  	[tilespmem:s10], [sflag:$0x1] =	stream.indirect_vreg.gather [hbm4b:s1+s29], $0x80, v3, vm0, $0x2000b8;
	[tilespmem:$0x8200] =	vst v63  }
0x45: {  	v3 =	vld [tilespmem:s13+$0x100];
	_ =	sdelay $0x4  }
0x46: {  	v62 =	vshll.u32 v3, $0x1  }
0x47: {  	v3 =	vand.u32 $0x7, v3;
	v4 =	vand.u32 $0xFFFFFFF0, v62  }
0x48: {  	v3 =	vor.u32 v3, v4  }
0x49: {  	v4 =	vperm.xlane v3, v0;
	_ =	sdelay $0x1  }
0x4a: {  	v3 =	vperm.xlane v3, v2;
	v4 =	vadd.s32 v1, v4;
	_ =	sdelay $0x1  }
0x4b: {  	s0 =	sand.u32 $0x1, s19;
	v3 =	vadd.s32 v1, v3  }
0x4c: {  	s10 =	sshll.u32 s0, $0xD  }
0x4d: {  	s3 =	sor.u32 $0x4200, s10  }
0x4e: {  	[tilespmem:s3], [sflag:$0x2] =	stream.indirect_vreg.gather [hbm4b:s4+s29], $0x80, v4, vm0, $0x2000b8;
	[tilespmem:$0x8200] =	vst v63  }
0x4f: {  	s11 =	sor.u32 $0x4A00, s10  }
0x50: {  	[tilespmem:s11], [sflag:$0x2] =	stream.indirect_vreg.gather [hbm4b:s4+s29], $0x80, v3, vm0, $0x2000b8;
	[tilespmem:$0x8200] =	vst v63  }
0x51: {  	v3 =	vld [tilespmem:s13+$0x110];
	_ =	sdelay $0x4  }
0x52: {  	v63 =	vshll.u32 v3, $0x1  }
0x53: {  	v3 =	vand.u32 $0x7, v3;
	v4 =	vand.u32 $0xFFFFFFF0, v63  }
0x54: {  	v3 =	vor.u32 v3, v4  }
0x55: {  	v4 =	vperm.xlane v3, v0;
	_ =	sdelay $0x1  }
0x56: {  	v3 =	vperm.xlane v3, v2;
	v4 =	vadd.s32 v1, v4;
	_ =	sdelay $0x1  }
0x57: {  	v3 =	vadd.s32 v1, v3;
	_ =	sdelay $0x1  }
0x58: {  	s13 =	sor.u32 $0x5200, s10  }
0x59: {  	[tilespmem:s13], [sflag:$0x2] =	stream.indirect_vreg.gather [hbm4b:s4+s29], $0x80, v4, vm0, $0x2000b8;
	[tilespmem:$0x8200] =	vst v63  }
0x5a: {  	s10 =	sor.u32 $0x5A00, s10  }
0x5b: {  	[tilespmem:s10], [sflag:$0x2] =	stream.indirect_vreg.gather [hbm4b:s4+s29], $0x80, v3, vm0, $0x2000b8;
	[tilespmem:$0x8200] =	vst v63  }
0x5c: {  	_ =	swait.ge [sflag:s14], $0x2000  }
0x5d: {  	[sflag:s14] =	ssyncset.done $0x0  }
0x5e: {  	[sflag:s14] =	ssyncadd.s32 $0xFFFFE000  }
0x5f: {  	p3 =	por p0, !p1;
	_ =	swait.ge [sflag:s15], $0x2000  }
0x60: {  	s10 =	sadd.s32 @p3 s9, s28;
	[sflag:s15] =	ssyncset.done $0x0  }
0x61: {  	s10 =	sshll.u32 @p3 s10, $0xA;
	[sflag:s15] =	ssyncadd.s32 $0xFFFFE000  }
0x62: {  	s10 =	sand.u32 @p3 $0x1FFFFC00, s10;
	_ =	strace $0x9000004D  }
0x63: {  	s11 =	sadd.s32 @p3 $0x7, s30;
	s13 =	sadd.s32 @p3 s7, s10;
	_ =	strace @p3 $0x8000004E  }
0x64: {  	[hbm4b:s13+s2] =	stream.linear.scatter @p3 [tilespmem:s31], [sflag:s11], $0x2000, $0x200038;
	[tilespmem:$0x8200] =	vst v63  }
0x65: {  	p1 =	por !p1, p0;
	s20 =	sadd.s32 @p3 $0x1, s20;
	_ =	strace @p3 $0x9000004E  }
0x66: {  	s0 =	sadd.s32 @p3 $0x9, s0;
	s10 =	sadd.s32 @p3 s8, s10;
	_ =	strace @p3 $0x8000004F  }
0x67: {  	[hbm4b:s10+s2] =	stream.linear.scatter @p3 [tilespmem:s3], [sflag:s0], $0x2000, $0x200038;
	[tilespmem:$0x8200] =	vst v63  }
0x68: {  	s29 =	simm.s32 @p3 $0x1;
	_ =	strace @p3 $0x9000004F;
	p3 =	seq.s32 s18, $0xA0  }
0x69: {  	s28 =	smov.u32 s25;
	s19 =	sadd.s32 s19, s29;
	s0 =	sand.u32 @!p3 $0x1, s24  }
0x6a: {  	s23 =	sadd.s32 s23, s29;
	_ =	strace @!p3 $0x80000050;
	s0 =	sadd.s32 @!p3 $0x7, s0  }
0x6b: {  	s11 =	smov.u32 s26;
	s3 =	sadd.s32 @!p2 $0x1, s26;
	_ =	swait.ge @!p3 [sflag:s0], $0x2000  }
0x6c: {  	s11 =	smov.u32 @p1 s3;
	s18 =	sadd.s32 $0xFFFFFFFF, s18;
	[sflag:s0] =	ssyncset.done @!p3 $0x0  }
0x6d: {  	s10 =	sand.u32 @!p3 $0x1, s17;
	[sflag:s0] =	ssyncadd.s32 @!p3 $0xFFFFE000;
	s0 =	simm.s32 $0x0  }
0x6e: {  	s11 =	smov.u32 @p0 s26;
	s3 =	simm.s32 @!p3 $0x1;
	s0 =	simm.s32 @p1 $0x1  }
0x6f: {  	_ =	strace @!p3 $0x90000050;
	s0 =	simm.s32 @p0 $0x0;
	p0 =	sne.s32 s18, $0x0  }
.Ltmp0:
0x70: {  	s10 =	sadd.s32 @!p3 $0x9, s10;
	_ =	strace @!p3 $0x80000051;
	(pc) =	sbr.rel @p0 .LBB2_2-.Ltmp0, $4  }
0x71: {  	s21 =	sadd.s32 s21, s29;
	s3 =	simm.s32 @p3 $0x0;
	_ =	swait.ge @!p3 [sflag:s10], $0x2000  }
0x72: {  	s22 =	sadd.s32 s22, s0;
	s0 =	sadd.s32 @!p3 $0x1, s24;
	[sflag:s10] =	ssyncset.done @!p3 $0x0  }
0x73: {  	s26 =	smov.u32 s11;
	s0 =	smov.u32 @p3 s24;
	[sflag:s10] =	ssyncadd.s32 @!p3 $0xFFFFE000  }
0x74: {  	s17 =	sadd.s32 s17, s3;
	s24 =	smov.u32 s0;
	_ =	strace @!p3 $0x90000051  }
0x75: {  	s0 =	sand.u32 $0x1, s0  }
0x76: {  	_ =	strace $0x80000052;
	s0 =	sadd.s32 $0x7, s0  }
0x77: {  	s16 =	sadd.s32 $0x1, s16;
	_ =	swait.ge [sflag:s0], $0x2000  }
0x78: {  	s3 =	sand.u32 $0x1, s17;
	p0 =	sne.s32 s16, s12;
	[sflag:s0] =	ssyncset.done $0x0  }
.Ltmp1:
0x79: {  	s31 =	sadd.s32 $0x9, s3;
	[sflag:s0] =	ssyncadd.s32 $0xFFFFE000;
	(pc) =	sbr.rel @p0 .LBB2_1-.Ltmp1, $4  }
0x7a: {  	_ =	swait.ge [sflag:s31], $0x2000  }
0x7b: {  	[sflag:s31] =	ssyncset.done $0x0  }
0x7c: {  	[sflag:s31] =	ssyncadd.s32 $0xFFFFE000  }
0x7d: {  	_ =	strace $0x90000052  }
0x7e: {  	_ =	sfence.sel $0x180000  }
0x7f: {  	[bflag:$0x0] =	sbarrier.arrive $0xFFFF  }
0x80: {  	_ =	strace $0x90000047  }
0x81: {  	s0 =	stileid.u32;
	[bflag:$0x2] =	sbarrier.arrive $0xFFFF  }
0x82: {  	p0 =	sne.s32 s0, $0x0;
	s0 =	rddreg [dreg:$0x2]  }
0x83: {  	s0 =	sadd.s32 @!p0 $0x100000, s0  }
0x84: {  	[sflag:s0] =	ssyncadd.tile.s32 @!p0 $0x1;
	_ =	shalt  }
.Lfunc_end2:
_tile_overlayer_lowered:
.L_overlay_start_2:
0x85: {  	(tag) =	ssettag $0x2  }
0x86: {  	s0 =	rddreg [dreg:$0x0];
	s2 =	stileid.u32  }
0x87: {  	s1 =	rddreg [dreg:$0x1];
	p0 =	sne.s32 s2, $0x0  }
0x88: {  	s3 =	rddreg [dreg:$0x2];
	[bflag:$0x3] =	sbarrier.arrive $0xFFFF;
	s2 =	simm.s32 @!p0 $0x1C03  }
0x89: {  	[timem:s3], [sflag:s2] =	dma.local @!p0 [hbm:s0], s1  }
0x8a: {  	s0 =	simm.s32 @!p0 $0x3  }
0x8b: {  	_ =	swait.ge @!p0 [sflag:s0], s1  }
0x8c: {  	s1 =	ssub.s32 @!p0 $0x0, s1;
	[sflag:s0] =	ssyncset.done @!p0 $0x0  }
0x8d: {  	[sflag:s0] =	ssyncadd.s32 @!p0 s1  }
0x8e: {  	[bflag:$0x3] =	sbarrier.arrive $0xFFFF  }
0x8f: {  	_ =	shalt  }

// kernel: scatter_offload_async_start.1
scs
__scs_entry_jumppad:
0x0: {  	(pc) =	sbr.rel $0x88, $3  }
0x1: {  	(tag) =	ssettag $0x0;
	lr =	simm.s32 $0x1  }
0x2: {  	[smem:$0x3F95] =	sst lr;
	_ =	strace $0xD0000000  }
0x3: {  	_ = 	snop  }
0x4: {  	_ = 	snop  }
0x5: {  	_ = 	snop  }
0x6: {  	_ = 	snop  }
0x7: {  	_ = 	snop  }
__scs_overlays_trampoline_lowered:
0x8: {  	[smem:$0x3FA4] =	sst s0  }
0x9: {  	[smem:$0x3FA5] =	sst s1  }
0xa: {  	[smem:$0x3FA6] =	sst s2  }
0xb: {  	[smem:$0x3FA7] =	sst s3  }
0xc: {  	[smem:$0x3FA8] =	sst s4  }
0xd: {  	[smem:$0x3FA9] =	sst s5  }
0xe: {  	[smem:$0x3FAA] =	sst s6  }
0xf: {  	[smem:$0x3FAB] =	sst s7  }
0x10: {  	[smem:$0x3FAC] =	sst s8  }
0x11: {  	[smem:$0x3FAD] =	sst s9;
	s0 =	simm.s32 @!p0 $0x0  }
0x12: {  	s1 =	sld [smem:$0x3F93];
	s0 =	simm.s32 @p0 $0x1  }
0x13: {  	[smem:$0x3FAE] =	sst s0;
	s0 =	simm.s32 @!p1 $0x0  }
0x14: {  	s2 =	sld [smem:$0x3F92];
	s0 =	simm.s32 @p1 $0x1  }
0x15: {  	[smem:$0x3FAF] =	sst s0;
	s0 =	simm.s32 @!p2 $0x0  }
0x16: {  	s3 =	sld [smem:$0x3FDB];
	s0 =	simm.s32 @p2 $0x1  }
0x17: {  	s4 =	simm.s32 $0x1BF5;
	[smem:$0x3FB1] =	sst s0  }
0x18: {  	s0 =	sld [smem:$0x3F94];
	_ =	swait.ge [sflag:s4], $0x0  }
0x19: {  	s7 =	sld [smem:$0x3F95]  }
0x1a: {  	s8 =	sadd.s32 $0xFFFFE003, lr  }
0x1b: {  	s9 =	sadd.s32 $0xFFFFFEF7, lr;
	s5 =	simm.s32 $0xFFFFFFFF;
	p2 =	slt.u32 s8, $0xFFFFF086  }
0x1c: {  	p1 =	slt.u32 s9, $0xF7A;
	s5 =	simm.s32 @!p2 $0x0  }
0x1d: {  	s5 =	simm.s32 @p1 $0x1;
	p0 =	seq.s32 s7, s2  }
0x1e: {  	s7 =	smul.u32 @!p0 $0xF7A, s2;
	p2 =	seq.s32 @!p0 s5, $0x0  }
0x1f: {  	s9 =	smul.u32 $0xF7A, s1;
	s8 =	simm.s32 @!p0 $0x1BF5;
	p2 =	por !p2, p0  }
0x20: {  	[sflag:s8] =	ssyncset.s32 @!p0 $0xFFFFF086;
	s6 =	sadd.s32 @!p0 s3, s7;
	s7 =	simm.s32 @!p0 $0x108  }
0x21: {  	s3 =	sadd.s32 s3, s9;
	s6 =	sadd.s32 @!p0 $0x88, s6;
	s7 =	simm.s32 @p2 $0x1082  }
0x22: {  	[simem:s7], [sflag:s8] =	dma.local @!p0 [hbm:s6], $0xF7A  }
0x23: {  	s9 =	sor.u32 $0xD0000000, s2;
	s6 =	simm.s32 $0x108;
	_ =	swait.ge @!p0 [sflag:s8], $0x0  }
0x24: {  	s3 =	sadd.s32 $0x88, s3;
	s6 =	simm.s32 @!p1 $0x1082;
	[sflag:s4] =	ssyncset.s32 $0xFFFFF086  }
0x25: {  	[simem:s6], [sflag:s4] =	dma.local [hbm:s3], $0xF7A  }
0x26: {  	[smem:$0x3F95] =	sst s1;
	(tag) =	ssettag s2;
	_ =	strace s9  }
0x27: {  	s1 =	sld [smem:$0x3FA5]  }
0x28: {  	s2 =	sld [smem:$0x3FA6]  }
0x29: {  	s4 =	sld [smem:$0x3FA8]  }
0x2a: {  	p0 =	seq.s32 s5, $0x0;
	s5 =	sld [smem:$0x3FA9]  }
0x2b: {  	s6 =	sld [smem:$0x3FAA]  }
0x2c: {  	s7 =	sld [smem:$0x3FAB]  }
0x2d: {  	s3 =	simm.s32 $0x108;
	s8 =	sld [smem:$0x3FAC]  }
0x2e: {  	s3 =	simm.s32 @!p0 $0x1082;
	s9 =	sld [smem:$0x3FAD]  }
0x2f: {  	lr =	sadd.s32 s0, s3;
	s0 =	sld [smem:$0x3FA4]  }
0x30: {  	s3 =	sld [smem:$0x3FA7]  }
0x31: {  	[smem:$0x3FB0] =	sst s10  }
0x32: {  	s10 =	sld [smem:$0x3FAE];
	_ =	sdelay $0x3  }
0x33: {  	p0 =	seq.s32 s10, $0x1;
	s10 =	sld [smem:$0x3FB0];
	_ =	sdelay $0x3  }
0x34: {  	[smem:$0x3FB0] =	sst s10  }
0x35: {  	s10 =	sld [smem:$0x3FAF];
	_ =	sdelay $0x3  }
0x36: {  	p1 =	seq.s32 s10, $0x1;
	s10 =	sld [smem:$0x3FB0];
	_ =	sdelay $0x3  }
0x37: {  	[smem:$0x3FB0] =	sst s10  }
0x38: {  	s10 =	sld [smem:$0x3FB1]  }
0x39: {  	_ = 	snop;
	(pc) =	sbr.ind lr, $3  }
0x3a: {  	_ = 	snop  }
0x3b: {  	_ = 	snop  }
0x3c: {  	p2 =	seq.s32 s10, $0x1;
	s10 =	sld [smem:$0x3FB0]  }
0x3d: {  	_ =	shalt  }
0x3e: {  	_ =	shalt  }
0x3f: {  	_ =	shalt  }
0x40: {  	_ =	shalt  }
0x41: {  	_ =	shalt  }
0x42: {  	_ =	shalt  }
0x43: {  	_ =	shalt  }
0x44: {  	_ =	shalt  }
0x45: {  	_ =	shalt  }
0x46: {  	_ =	shalt  }
0x47: {  	_ =	shalt  }
0x48: {  	_ =	shalt  }
0x49: {  	_ =	shalt  }
0x4a: {  	_ =	shalt  }
0x4b: {  	_ =	shalt  }
0x4c: {  	_ =	shalt  }
0x4d: {  	_ =	shalt  }
0x4e: {  	_ =	shalt  }
0x4f: {  	_ =	shalt  }
0x50: {  	_ =	shalt  }
0x51: {  	_ =	shalt  }
0x52: {  	_ =	shalt  }
0x53: {  	_ =	shalt  }
0x54: {  	_ =	shalt  }
0x55: {  	_ =	shalt  }
0x56: {  	_ =	shalt  }
0x57: {  	_ =	shalt  }
0x58: {  	_ =	shalt  }
0x59: {  	_ =	shalt  }
0x5a: {  	_ =	shalt  }
0x5b: {  	_ =	shalt  }
0x5c: {  	_ =	shalt  }
0x5d: {  	_ =	shalt  }
0x5e: {  	_ =	shalt  }
0x5f: {  	_ =	shalt  }
0x60: {  	_ =	shalt  }
0x61: {  	_ =	shalt  }
0x62: {  	_ =	shalt  }
0x63: {  	_ =	shalt  }
0x64: {  	_ =	shalt  }
0x65: {  	_ =	shalt  }
0x66: {  	_ =	shalt  }
0x67: {  	_ =	shalt  }
0x68: {  	_ =	shalt  }
0x69: {  	_ =	shalt  }
0x6a: {  	_ =	shalt  }
0x6b: {  	_ =	shalt  }
0x6c: {  	_ =	shalt  }
0x6d: {  	_ =	shalt  }
0x6e: {  	_ =	shalt  }
0x6f: {  	_ =	shalt  }
0x70: {  	_ =	shalt  }
0x71: {  	_ =	shalt  }
0x72: {  	_ =	shalt  }
0x73: {  	_ =	shalt  }
0x74: {  	_ =	shalt  }
0x75: {  	_ =	shalt  }
0x76: {  	_ =	shalt  }
0x77: {  	_ =	shalt  }
0x78: {  	_ =	shalt  }
0x79: {  	_ =	shalt  }
0x7a: {  	_ =	shalt  }
0x7b: {  	_ =	shalt  }
0x7c: {  	_ =	shalt  }
0x7d: {  	_ =	shalt  }
0x7e: {  	_ =	shalt  }
0x7f: {  	_ =	shalt  }
0x80: {  	_ =	shalt  }
0x81: {  	_ =	shalt  }
0x82: {  	_ =	shalt  }
0x83: {  	_ =	shalt  }
0x84: {  	_ =	shalt  }
0x85: {  	_ =	shalt  }
0x86: {  	_ =	shalt  }
0x87: {  	_ =	shalt  }
.Lfunc_end0:
.L_simem_size_0:
called_computation.1_lowered:
.L_overlay_start_0:
0x88: {  	s2 =	sld [smem:$0x3FD9]  }
0x89: {  	s3 =	sld [smem:$0x3FFE];
	_ =	sdelay $0x1  }
0x8a: {  	s1 =	srdreg.scid  }
0x8b: {  	s0 =	sand.u32 $0x1, s1  }
0x8c: {  	s17 =	sshll.u32 s0, $0xA;
	s2 =	sadd.s32 s3, s2  }
0x8d: {  	s2 =	sadd.s32 s2, s17  }
0x8e: {  	[smem:$0x3FBC] =	sst s2  }
0x8f: {  	_ = 	snop  }
0x90: {  	(tm) =	ssettm $0x1  }
0x91: {  	s18 =	sld [smem:$0x3FFB];
	_ =	sdelay $0x3  }
0x92: {  	_ =	strace s18  }
0x93: {  	s2 =	sld [smem:$0x3FFC];
	_ =	sdelay $0x3  }
0x94: {  	_ =	strace s2  }
0x95: {  	s2 =	sld [smem:$0x3FFD];
	_ =	sdelay $0x3  }
0x96: {  	_ =	strace s2  }
0x97: {  	_ =	strace $0x8FFFFFFF  }
0x98: {  	s19 =	sld [smem:$0x3FDB];
	_ =	sdelay $0x1  }
0x99: {  	s20 =	simm.s32 $_scs_section_size  }
0x9a: {  	s4 =	simm.s32 $_size__tile_overlayer_lowered;
	s5 =	simm.s32 $_tile_overlayer_lowered  }
0x9b: {  	s6 =	simm.s32 $0x1BFF;
	s21 =	sshll.u32 s5, $0x1;
	s3 =	sadd.s32 s20, s19  }
0x9c: {  	s22 =	simm.s32 $0x0;
	s4 =	sshll.u32 s4, $0x1;
	s5 =	sadd.s32 s21, s3  }
0x9d: {  	[timem:s22], [sflag:s6] =	dma.local [hbm:s5], s4  }
0x9e: {  	_ =	swait.ge [sflag:s6], s4  }
0x9f: {  	s4 =	ssub.s32 $0x0, s4;
	[sflag:s6] =	ssyncset.done $0x0  }
0xa0: {  	[sflag:s6] =	ssyncadd.s32 s4;
	_ =	sdelay $0x1  }
0xa1: {  	s23 =	simm.s32 $0x1B8B  }
0xa2: {  	_ =	swait.ge [sflag:s23], $0x1  }
0xa3: {  	[sflag:s23] =	ssyncset.done $0x0  }
0xa4: {  	[sflag:s23] =	ssyncadd.s32 $0xFFFFFFFF  }
0xa5: {  	s4 =	sld [smem:$0x0]  }
0xa6: {  	s5 =	sand.u32 $0xFFFFFFFE, s1  }
0xa7: {  	p0 =	sne.s32 s1, s5  }
0xa8: {  	s5 =	sshll.u32 @p0 s5, $0xE  }
0xa9: {  	s5 =	sadd.s32 @p0 $0x11B8D, s5;
	s6 =	sshll.u32 @p0 s4, $0x11  }
0xaa: {  	s5 =	sor.u32 @p0 s6, s5  }
0xab: {  	[sflag:s5] =	ssyncadd.remote.s32 @p0 $0x1;
	_ =	sdelay $0x1  }
0xac: {  	s5 =	simm.s32 @p0 $0x1B8D  }
0xad: {  	_ =	swait.eq @p0 [sflag:s5], $0x1  }
0xae: {  	[sflag:s5] =	ssyncadd.s32 @p0 $0xFFFFFFFF  }
0xaf: {  	s6 =	sshll.u32 @!p0 s1, $0xE  }
0xb0: {  	s6 =	sor.u32 @!p0 $0x4000, s6;
	s5 =	simm.s32 @!p0 $0x1B8D  }
0xb1: {  	s7 =	sshll.u32 @!p0 s4, $0x11;
	s6 =	sadd.s32 @!p0 $0x11B8D, s6;
	_ =	swait.eq @!p0 [sflag:s5], $0x1  }
0xb2: {  	[sflag:s5] =	ssyncadd.s32 @!p0 $0xFFFFFFFF;
	s5 =	sor.u32 @!p0 s7, s6  }
0xb3: {  	s25 =	simm.s32 $0x1B8E;
	s24 =	sld [smem:$0x3FFE];
	[sflag:s5] =	ssyncadd.remote.s32 @!p0 $0x1  }
0xb4: {  	s26 =	simm.s32 $execute0_lowered;
	[smem:$0x3FD2] =	sst s25  }
0xb5: {  	s6 =	sshll.u32 s26, $0x1;
	_ =	strace $0x80000057;
	[dreg:$0x1] =	wrdreg $0xFFFFFFFF  }
0xb6: {  	s28 =	simm.s32 $_size_execute0_lowered;
	s3 =	sadd.s32 s3, s6;
	[dreg:$0x0] =	wrdreg $0x0  }
0xb7: {  	s6 =	sshll.u32 s28, $0x1;
	[dreg:$0x2] =	wrdreg s3  }
0xb8: {  	[dreg:$0x3] =	wrdreg s6  }
0xb9: {  	[dreg:$0x4] =	wrdreg $0xC0  }
0xba: {  	_ =	task [dreg:s22], $0x5FFFF  }
0xbb: {  	[dreg:$0x1] =	wrdreg $0xFFFFFFFF  }
0xbc: {  	[dreg:$0x0] =	wrdreg $0x60  }
0xbd: {  	[dreg:$0x2] =	wrdreg s24  }
0xbe: {  	[dreg:$0x3] =	wrdreg s1  }
0xbf: {  	[dreg:$0x4] =	wrdreg s4  }
0xc0: {  	[dreg:$0x5] =	wrdreg $0xA  }
0xc1: {  	_ =	task.clear_ibuf [dreg:s22], $0x6FFFF;
	_ =	strace $0x90000057  }
0xc2: {  	s29 =	simm.s32 $0xA;
	_ =	strace $0x80000059  }
0xc3: {  	_ =	swait.ge [sflag:s29], $0x1  }
0xc4: {  	[sflag:s29] =	ssyncadd.s32 $0xFFFFFFFF  }
0xc5: {  	_ =	strace $0x90000059  }
0xc6: {  	_ =	sfence  }
0xc7: {  	s30 =	sld [smem:$0x0];
	_ =	sdelay $0x2  }
0xc8: {  	s31 =	sshll.u32 s1, $0xD;
	s1 =	sshrl.u32 s1, $0x2  }
0xc9: {  	s4 =	sand.u32 $0x4000, s31;
	s1 =	sadd.s32 s1, s30  }
0xca: {  	s0 =	sor.u32 s4, s0;
	s1 =	sshll.u32 s1, $0x11  }
0xcb: {  	s0 =	sor.u32 s1, s0  }
0xcc: {  	s0 =	sadd.s32 $0x8F2B, s0  }
0xcd: {  	[sflag:s0] =	ssyncadd.remote.s32 $0x1  }
0xce: {  	_ =	sfence.sel $0xFFFF  }
0xcf: {  	[dreg:$0x0] =	wrdreg $0xFFFFFFFF;
	(pc) =	sbr.abs _section_cstart, $3  }
0xd0: {  	[dreg:$0x1] =	wrdreg $0xFFFFFFFF  }
0xd1: {  	_ =	task.clear_ibuf [dreg:s22], $0x2FFFF;
	_ =	strace $0x9FFFFFFF  }
0xd2: {  	(tm) =	ssettm $0x7FFFFFFF  }
0xd3: {  	_ =	shalt  }
tec
execute0_lowered:
.L_overlay_start_1:
0x0: {  	(tag) =	ssettag $0x1  }
0x1: {  	s2 =	rddreg [dreg:$0x0]  }
0x2: {  	s3 =	rddreg [dreg:$0x1];
	_ =	strace $0x80000058;
	s0 =	simm.s32 $0x1  }
0x3: {  	v0 =	vimm.s32 $0x0;
	[sflag:s0] =	ssyncpa.u1 $0x0;
	s0 =	simm.s32 $0x108  }
0x4: {  	[tilespmem:s0+$0x70] =	vst v0  }
0x5: {  	[tilespmem:s0+$0x60] =	vst v0  }
0x6: {  	[tilespmem:s0+$0x50] =	vst v0  }
0x7: {  	[tilespmem:s0+$0x40] =	vst v0  }
0x8: {  	s1 =	sadd.s32 $0x30F200, s2;
	[tilespmem:s0+$0x30] =	vst v0  }
0x9: {  	s15 =	sadd.s32 $0xE00, s2;
	s6 =	sadd.s32 $0xFDD600, s2;
	[tilespmem:s0+$0x20] =	vst v0  }
0xa: {  	s14 =	sadd.s32 $0x5E00, s2;
	s5 =	sand.u32 $0x1, s3;
	s3 =	simm.s32 $0x40;
	[tilespmem:s0+$0x10] =	vst v0  }
.LBB2_1:
0xb: {  	s3 =	sadd.s32 $0x40, s3;
	[tilespmem:s0+$0x0] =	vst v0;
	s0 =	sadd.s32 $0x80, s0  }
0xc: {  	p0 =	slt.u32 s3, $0x3C40;
	[tilespmem:s0+$0x70] =	vst v0  }
0xd: {  	[tilespmem:s0+$0x60] =	vst v0  }
.Ltmp0:
0xe: {  	[tilespmem:s0+$0x50] =	vst v0;
	(pc) =	sbr.rel @p0 .LBB2_1-.Ltmp0, $4  }
0xf: {  	[tilespmem:s0+$0x40] =	vst v0  }
0x10: {  	[tilespmem:s0+$0x30] =	vst v0  }
0x11: {  	[tilespmem:s0+$0x20] =	vst v0  }
0x12: {  	[tilespmem:s0+$0x10] =	vst v0  }
0x13: {  	s9 =	stileid.u32  }
0x14: {  	s2 =	smul.u32 $0x15, s9  }
0x15: {  	s3 =	smin.u32 s9, $0x6  }
0x16: {  	s2 =	sadd.s32 s3, s2  }
0x17: {  	p0 =	slt.u32 s9, $0x6;
	s7 =	smul.u32 $0xF0, s2;
	s2 =	simm.s32 $0x14A0  }
0x18: {  	s2 =	simm.s32 @!p0 $0x13B0  }
0x19: {  	s2 =	sadd.s32 s2, s7  }
0x1a: {  	s8 =	smin.u32 s2, $0x14000  }
0x1b: {  	s2 =	ssub.s32 s8, s7  }
0x1c: {  	p0 =	sgt.s32 s2, $0x0  }
0x1d: {  	s29 =	simm.s32 $0x2;
	s10 =	simm.s32 $0x9;
	s2 =	simm.s32 @!p0 $0x0  }
0x1e: {  	s4 =	simm.s32 $0xA;
	s11 =	simm.s32 $0xB;
	s28 =	smulhi.u32 $0x88888889, s2  }
0x1f: {  	[dreg:$0x4] =	wrdreg s5;
	s31 =	smul.u32 $0x2800, s5;
	s12 =	simm.s32 $0x1  }
0x20: {  	s22 =	simm.s32 $0x0;
	s18 =	simm.s32 $0xC;
	s30 =	sshrl.u32 s28, $0x7  }
0x21: {  	s20 =	simm.s32 $0x0;
	s21 =	simm.s32 $0x0;
	s3 =	smul.u32 $0xF0, s30  }
.Ltmp1:
0x22: {  	[tilespmem:s0+$0x0] =	vst v0;
	v0 =	vimm.s32 $0xFFFFFFFF;
	[sflag:s29] =	ssyncpa.u1 $0x0;
	s16 =	sshll.u32 s9, $0x8;
	(pc) =	sbr.rel .LBB2_3-.Ltmp1, $4  }
0x23: {  	[tilespmem:$0xF208] =	vst v0;
	[sflag:s10] =	ssyncpa.u1 $0x0;
	p0 =	sne.s32 s2, s3;
	s2 =	simm.s32 $0x1  }
0x24: {  	s14 =	sadd.s32 s31, s14;
	[sflag:s4] =	ssyncpa.u1 $0x0;
	s2 =	simm.s32 @!p0 $0x0  }
0x25: {  	s15 =	sadd.s32 s31, s15;
	[sflag:s11] =	ssyncpa.u1 $0x0;
	s13 =	sadd.s32 s2, s30  }
0x26: {  	v0 =	vlaneseq.u32;
	s19 =	smov.u32 s7;
	p0 =	por $0x0, $0x0;
	s17 =	sadd.s32 $0x1, s13  }
.LBB2_18:
0x27: {  	s0 =	sshrl.u32 s31, $0x2  }
.LBB2_20:
0x28: {  	_ =	swait.ge [sflag:s18], s0  }
0x29: {  	s31 =	ssub.s32 $0x0, s0;
	v1 =	vmov s24;
	vm0 =	veq.s32 v0, $0x0;
	[sflag:s18] =	ssyncset.done $0x0  }
0x2a: {  	vm15 =	veq.s32 v0, $0x2;
	v1 =	vsel vm0, s30, v1;
	[sflag:s18] =	ssyncadd.s32 s31  }
0x2b: {  	v1 =	vsel vm15, s22, v1;
	[sflag:s18] =	ssyncpa.u1 $0x1  }
0x2c: {  	[tilespmem:$0xF208] =	vst v1  }
.LBB2_21:
0x2d: {  	s0 =	sadd.s32 $0xF0, s19  }
0x2e: {  	s2 =	smov.u32 s7;
	p1 =	slt.s32 s0, s8  }
0x2f: {  	s2 =	smov.u32 @p1 s0;
	p1 =	sne.s32 s21, s17  }
.Ltmp2:
0x30: {  	_ = 	snop;
	(pc) =	sbr.rel @!p1 .LBB2_22-.Ltmp2, $3  }
0x31: {  	_ =	sdelay $0x1  }
0x32: {  	s22 =	smov.u32 s20;
	s31 =	sadd.s32 $0x1, s21;
	s20 =	smov.u32 s19  }
0x33: {  	p0 =	por !p0, !p0;
	s21 =	smov.u32 s31;
	s19 =	smov.u32 s2  }
.LBB2_3:
0x34: {  	p1 =	sge.u32 s21, s13  }
0x35: {  	s0 =	smulhi.u32 @!p1 $0xAAAAAAAB, s21  }
0x36: {  	s2 =	smov.u32 s19;
	p2 =	sgt.s32 @!p1 s19, $0x13F10  }
0x37: {  	s3 =	sshra.s32 @!p1 s19, $0x1F;
	p2 =	por !p2, p1;
	s0 =	sshrl.u32 @!p1 s0, $0x1  }
0x38: {  	s3 =	sand.u32 @!p1 s3, s19;
	s2 =	simm.s32 @p2 $0x13F10;
	s0 =	smul.u32 @!p1 $0x3, s0  }
0x39: {  	s2 =	ssub.s32 @!p1 s2, s3  }
0x3a: {  	s2 =	sadd.s32 @!p1 $0xFFFEC0F0, s2;
	s0 =	ssub.s32 @!p1 s21, s0  }
0x3b: {  	s3 =	sshll.u32 @!p1 s2, $0x2;
	p2 =	sgt.s32 @!p1 s2, $0xEF;
	s0 =	smul.u32 @!p1 $0x3C0, s0  }
0x3c: {  	s4 =	sand.u32 @!p1 $0x7, s19;
	s2 =	ssub.s32 @!p1 $0x3C0, s3;
	p2 =	por !p2, p1  }
0x3d: {  	s3 =	sshrl.u32 @!p1 s19, $0x3;
	s2 =	sshrl.u32 @!p1 s2, $0x2;
	s0 =	sshrl.u32 @!p1 s0, $0x2  }
0x3e: {  	s3 =	sadd.s32 @!p1 s3, s14;
	s2 =	simm.s32 @!p2 $0x0;
	s0 =	sadd.s32 @!p1 $0x10248, s0  }
0x3f: {  	[tilespmem:s0], [sflag:$0xA] =	stream.linear.gather @!p1 [hbm4b:s3+s4], s2, $0x38;
	[tilespmem:$0x1F6F8] =	vst v63  }
0x40: {  	s0 =	sadd.s32 $0xFFFFFFFF, s21  }
0x41: {  	p1 =	sge.u32 s0, s13  }
0x42: {  	p2 =	sgt.s32 @!p1 s20, $0x13F10  }
0x43: {  	s2 =	smov.u32 s20;
	s3 =	sshra.s32 @!p1 s20, $0x1F;
	p2 =	por !p2, p1  }
0x44: {  	s3 =	sand.u32 @!p1 s3, s20;
	s2 =	simm.s32 @p2 $0x13F10  }
0x45: {  	s2 =	ssub.s32 @!p1 s2, s3  }
0x46: {  	s2 =	sadd.s32 @!p1 $0xFFFEC0F0, s2  }
0x47: {  	s4 =	sand.u32 @!p1 $0x1, s0;
	s3 =	sshll.u32 @!p1 s2, $0x2  }
0x48: {  	p2 =	sgt.s32 @!p1 s2, $0xEF;
	s2 =	ssub.s32 @!p1 $0x3C0, s3;
	s3 =	smulhi.u32 @!p1 $0xAAAAAAAB, s0  }
0x49: {  	s23 =	smul.u32 @!p1 $0x3C0, s4;
	p2 =	por !p2, p1;
	s2 =	sshrl.u32 @!p1 s2, $0x2  }
0x4a: {  	s5 =	simm.s32 @!p1 $0xA;
	s2 =	simm.s32 @!p2 $0x0;
	s3 =	sshrl.u32 @!p1 s3, $0x1  }
0x4b: {  	s23 =	sshrl.u32 @!p1 s23, $0x2;
	_ =	swait.ge @!p1 [sflag:s5], s2;
	s3 =	smul.u32 @!p1 $0x3, s3  }
0x4c: {  	s23 =	sadd.s32 @!p1 $0x10518, s23;
	s24 =	ssub.s32 @!p1 $0x0, s2;
	[sflag:s5] =	ssyncset.done @!p1 $0x0  }
0x4d: {  	[sflag:s5] =	ssyncadd.s32 @!p1 s24;
	s5 =	sshrl.u32 @!p1 s20, $0x3;
	s0 =	ssub.s32 @!p1 s0, s3  }
0x4e: {  	s24 =	sand.u32 @!p1 $0x7, s20;
	s5 =	sadd.s32 @!p1 s5, s15;
	s0 =	smul.u32 @!p1 $0x3C0, s0  }
0x4f: {  	[tilespmem:s23], [sflag:$0xB] =	stream.linear.gather @!p1 [hbm4b:s5+s24], s2, $0x38;
	[tilespmem:$0x1F6F8] =	vst v63  }
0x50: {  	s3 =	ssub.s32 @!p1 $0x14000, s20;
	s2 =	smul.u32 @!p1 $0x1E000, s4  }
0x51: {  	p2 =	slt.s32 @!p1 s3, $0xF0  }
0x52: {  	p2 =	por !p2, p1;
	s0 =	sshrl.u32 @!p1 s0, $0x2;
	s2 =	sshrl.u32 @!p1 s2, $0x2  }
0x53: {  	s3 =	simm.s32 @p2 $0xF0;
	s0 =	sadd.s32 @!p1 $0x10248, s0;
	s2 =	sor.u32 @!p1 $0x106F8, s2  }
0x54: {  	[tilespmem:s2], [sflag:$0x9] =	stream.indirect.gather @!p1 [hbm4b:s6+s3], $0x80, s0, s3, $0xb8;
	[tilespmem:$0x1F6F8] =	vst v63  }
0x55: {  	p1 =	slt.u32 s21, $0x2  }
.Ltmp3:
0x56: {  	_ = 	snop;
	(pc) =	sbr.rel @p1 .LBB2_21-.Ltmp3, $1  }
0x57: {  	_ =	sdelay $0x3  }
0x58: {  	p1 =	sgt.s32 s22, $0x13F10  }
0x59: {  	s0 =	smov.u32 s22;
	s2 =	sshra.s32 s22, $0x1F;
	s3 =	ssub.s32 $0x14000, s22  }
0x5a: {  	s0 =	simm.s32 @!p1 $0x13F10;
	s2 =	sand.u32 s2, s22;
	p1 =	slt.s32 s3, $0xF0  }
0x5b: {  	s0 =	ssub.s32 s0, s2;
	s3 =	simm.s32 @!p1 $0xF0  }
0x5c: {  	s0 =	sadd.s32 $0xFFFEC0F0, s0;
	s25 =	sshll.u32 s3, $0x7  }
0x5d: {  	s26 =	sshll.u32 s0, $0x2;
	s2 =	sand.u32 $0x3FFFFF80, s25  }
0x5e: {  	p1 =	sgt.s32 s0, $0xEF;
	s29 =	ssub.s32 $0x3C0, s26;
	_ =	swait.ge [sflag:s10], s2  }
0x5f: {  	s2 =	ssub.s32 $0x0, s2;
	[sflag:s10] =	ssyncset.done $0x0;
	s0 =	sshrl.u32 s29, $0x2  }
0x60: {  	[sflag:s10] =	ssyncadd.s32 s2;
	s0 =	simm.s32 @p1 $0x0  }
0x61: {  	_ =	swait.ge [sflag:s11], s0  }
0x62: {  	s0 =	ssub.s32 $0x0, s0;
	[sflag:s11] =	ssyncset.done $0x0  }
0x63: {  	[sflag:s11] =	ssyncadd.s32 s0  }
0x64: {  	v1 =	vld [tilespmem:$0xF208];
	_ =	sdelay $0x4  }
0x65: {  	(v2sf) =	vpush v1, $0x0  }
0x66: {  	(v2sf) =	vpush v1, $0x1  }
0x67: {  	(v2sf) =	vpush v1, $0x2;
	_ =	sdelay $0x3  }
0x68: {  	s0 =	sadd.s32 $0xF0, s22  }
0x69: {  	s2 =	ssub.s32 $0x28000, s22;
	p1 =	slt.s32 s8, s0  }
0x6a: {  	s0 =	smov.u32 @p1 s8;
	p1 =	sgt.s32 s2, $0x0  }
0x6b: {  	s26 =	ssub.s32 s0, s22;
	s2 =	simm.s32 @!p1 $0x0  }
0x6c: {  	p1 =	slt.s32 s2, s26  }
0x6d: {  	s26 =	smov.u32 @p1 s2  }
0x6e: {  	s25 =	simm.s32 $0x1;
	p1 =	slt.s32 s26, $0x1  }
.Ltmp4:
0x6f: {  	s25 =	simm.s32 @!p0 $0x0;
	(pc) =	sbr.rel @p1 .LBB2_8-.Ltmp4, $4  }
0x70: {  	s31 =	smul.u32 $0x3C0, s25  }
0x71: {  	s28 =	spop (v2sf)  }
0x72: {  	s0 =	sshrl.u32 s31, $0x2;
	s30 =	spop (v2sf)  }
0x73: {  	s23 =	sadd.s32 $0x10518, s0;
	s22 =	spop (v2sf)  }
0x74: {  	s0 =	smin.u32 s26, $0x10  }
0x75: {  	v1 =	vmov s0  }
0x76: {  	p2 =	sgt.s32 s26, $0x10;
	vm1 =	vgt.u32 v1, v0  }
.Ltmp5:
0x77: {  	_ = 	snop;
	(pc) =	sbr.rel @!p2 .LBB2_7-.Ltmp5, $2  }
0x78: {  	_ =	sdelay $0x2  }
0x79: {  	s4 =	simm.s32 $0x10;
	s24 =	sadd.s32 $0xFFFFFFF0, s26;
	s0 =	smov.u32 s23;
	vm0 =	vmmov vm1  }
.LBB2_6:
0x7a: {  	s2 =	smin.u32 s24, $0x10;
	s4 =	sadd.s32 $0x10, s4;
	v1 =	vld.msk [tilespmem:s0+$0x0 ss:$0x1], vm1  }
0x7b: {  	v2 =	vmov s2;
	p2 =	slt.s32 s4, s26  }
0x7c: {  	vm1 =	vgt.u32 v2, v0  }
.Ltmp6:
0x7d: {  	(pc) =	sbr.rel @p2 .LBB2_6-.Ltmp6, $3  }
0x7e: {  	_ =	sdelay $0x1  }
0x7f: {  	v1 =	vshll.u32 v1, $0x4  }
0x80: {  	s24 =	sadd.s32 $0xFFFFFFF0, s24;
	[tilespmem:s0+$0x0] =	vst.msk vm0, v1;
	s0 =	sadd.s32 $0x10, s0;
	vm0 =	vmmov vm1  }
.LBB2_7:
0x81: {  	_ =	sdelay $0x4  }
0x82: {  	v1 =	vld.msk [tilespmem:s0+$0x0 ss:$0x1], vm1;
	_ =	sdelay $0x4  }
0x83: {  	v1 =	vshll.u32 v1, $0x4  }
0x84: {  	[tilespmem:s0+$0x0] =	vst.msk vm0, v1  }
.LBB2_8:
0x85: {  	s0 =	sand.u32 $0x1, s21  }
0x86: {  	s0 =	smul.u32 $0xF0, s0  }
0x87: {  	p2 =	sne.s32 s30, $0xFFFFFFFF  }
0x88: {  	v1 =	vld.msk @!p2 [tilespmem:s0+$0x10518], $0x1;
	_ =	sdelay $0x4  }
0x89: {  	(v2sf) =	vpush @!p2 v1, $0x0;
	_ =	sdelay $0xc  }
.Ltmp7:
0x8a: {  	_ = 	snop;
	(pc) =	sbr.rel @p1 .LBB2_19-.Ltmp7, $4  }
0x8b: {  	_ = 	snop  }
0x8c: {  	s29 =	spop @!p2 (v2sf)  }
0x8d: {  	s22 =	simm.s32 @!p2 $0x0;
	s24 =	smov.u32 s29  }
0x8e: {  	[sflag:s18] =	ssyncpa.u1 $0x0;
	s29 =	smov.u32 @p2 s28;
	s24 =	smov.u32 @p2 s30  }
0x8f: {  	v1 =	vld.msk [tilespmem:s23+$0x0], $0x1;
	_ =	sdelay $0x4  }
0x90: {  	(v2sf) =	vpush v1, $0x0;
	_ =	sdelay $0xe  }
0x91: {  	s2 =	smul.u32 $0x1E000, s25;
	s0 =	spop (v2sf)  }
0x92: {  	s26 =	ssub.s32 $0x0, s26;
	p1 =	seq.s32 s29, s0  }
0x93: {  	s30 =	sadd.s32 $0x1, s26;
	s2 =	sshrl.u32 s2, $0x2;
	p2 =	sgt.s32 @!p1 s29, $0x0  }
0x94: {  	s25 =	sor.u32 $0x10738, s2;
	s2 =	smov.u32 s29;
	p2 =	por !p2, p1  }
0x95: {  	s2 =	simm.s32 @p2 $0x0;
	p2 =	seq.s32 s30, $0x0  }
.Ltmp8:
0x96: {  	_ = 	snop;
	(pc) =	sbr.rel @p2 .LBB2_11-.Ltmp8, $4  }
0x97: {  	_ = 	snop  }
0x98: {  	s28 =	simm.s32 $0x0;
	s31 =	sadd.s32 $0x1, s23;
	s2 =	smin.u32 @!p1 s2, $0x270F0  }
0x99: {  	s4 =	simm.s32 @!p1 $0x1;
	s5 =	simm.s32 @!p1 $0x7988;
	s3 =	sand.u32 @!p1 $0x3FFF8, s2  }
0x9a: {  	s4 =	smov.u32 @p1 s28;
	s2 =	sand.u32 @!p1 $0x7, s2;
	s3 =	sadd.s32 @!p1 s1, s3  }
.LBB2_10:
0x9b: {  	s9 =	smov.u32 s4  }
0x9c: {  	[tilespmem:s5], [sflag:$0x2] =	stream.linear.gather @!p1 [hbm4b:s3+s2], $0x80, $0x38;
	[tilespmem:$0x1F6F8] =	vst v63  }
0x9d: {  	s30 =	sadd.s32 $0x1, s30;
	s2 =	smov.u32 s0;
	v1 =	vld.msk [tilespmem:s31+$0x0], $0x1  }
0x9e: {  	p2 =	seq.s32 s30, $0x0;
	_ =	sdelay $0x3  }
0x9f: {  	(v2sf) =	vpush v1, $0x0;
	_ =	sdelay $0xe  }
0xa0: {  	s0 =	spop (v2sf)  }
0xa1: {  	p1 =	seq.s32 s2, s0  }
0xa2: {  	p3 =	sgt.s32 @!p1 s2, $0x0;
	s3 =	sshll.u32 @!p1 s4, $0x9;
	s4 =	sadd.s32 @!p1 $0x1, s4  }
.Ltmp9:
0xa3: {  	p3 =	por !p3, p1;
	s3 =	sshra.s32 @!p1 s3, $0x2;
	(pc) =	sbr.rel @!p2 .LBB2_10-.Ltmp9, $4  }
0xa4: {  	s4 =	smov.u32 @p1 s9;
	s2 =	simm.s32 @p3 $0x0;
	s5 =	sadd.s32 @!p1 $0x7988, s3  }
0xa5: {  	s2 =	smin.u32 @!p1 s2, $0x270F0  }
0xa6: {  	s3 =	sand.u32 @!p1 $0x3FFF8, s2;
	s2 =	sand.u32 @!p1 $0x7, s2  }
0xa7: {  	s31 =	sadd.s32 $0x1, s31;
	s3 =	sadd.s32 @!p1 s1, s3  }
.LBB2_11:
0xa8: {  	[tilespmem:s5], [sflag:$0x2] =	stream.linear.gather @!p1 [hbm4b:s3+s2], $0x80, $0x38;
	[tilespmem:$0x1F6F8] =	vst v63  }
.Ltmp10:
0xa9: {  	s0 =	sshll.u32 s4, $0x7;
	(pc) =	sbr.rel .LBB2_12-.Ltmp10, $4  }
0xaa: {  	s30 =	simm.s32 $0x2;
	s0 =	sand.u32 $0x3FFFFF80, s0  }
0xab: {  	_ =	swait.ge [sflag:s30], s0  }
0xac: {  	s0 =	ssub.s32 $0x0, s0;
	[sflag:s30] =	ssyncset.done $0x0  }
0xad: {  	s31 =	simm.s32 $0x0;
	[sflag:s30] =	ssyncadd.s32 s0  }
.LBB2_13:
0xae: {  	v1 =	vld [tilespmem:s25+$0xFFFFFFC0];
	_ =	sdelay $0x3  }
0xaf: {  	s0 =	sshra.s32 s0, $0x2  }
0xb0: {  	[tilespmem:s0+$0x108] =	vst.add.f32.msk $0xffff, v1  }
0xb1: {  	v1 =	vld [tilespmem:s25+$0xFFFFFFD0];
	_ =	sdelay $0x4  }
0xb2: {  	[tilespmem:s0+$0x118] =	vst.add.f32.msk $0xffff, v1  }
0xb3: {  	v1 =	vld [tilespmem:s25+$0xFFFFFFE0];
	_ =	sdelay $0x4  }
0xb4: {  	[tilespmem:s0+$0x128] =	vst.add.f32.msk $0xffff, v1  }
0xb5: {  	v1 =	vld [tilespmem:s25+$0xFFFFFFF0];
	_ =	sdelay $0x4  }
0xb6: {  	[tilespmem:s0+$0x138] =	vst.add.f32.msk $0xffff, v1  }
0xb7: {  	v1 =	vld [tilespmem:s25+$0x0];
	_ =	sdelay $0x4  }
0xb8: {  	[tilespmem:s0+$0x148] =	vst.add.f32.msk $0xffff, v1  }
0xb9: {  	v1 =	vld [tilespmem:s25+$0x10];
	_ =	sdelay $0x4  }
0xba: {  	[tilespmem:s0+$0x158] =	vst.add.f32.msk $0xffff, v1  }
0xbb: {  	v1 =	vld [tilespmem:s25+$0x20];
	_ =	sdelay $0x4  }
0xbc: {  	[tilespmem:s0+$0x168] =	vst.add.f32.msk $0xffff, v1  }
0xbd: {  	v1 =	vld [tilespmem:s25+$0x30];
	_ =	sdelay $0x4  }
0xbe: {  	[tilespmem:s0+$0x178] =	vst.add.f32.msk $0xffff, v1  }
.LBB2_17:
0xbf: {  	s26 =	sadd.s32 $0x1, s26  }
0xc0: {  	p1 =	seq.s32 s26, $0x0  }
.Ltmp11:
0xc1: {  	_ = 	snop;
	(pc) =	sbr.rel @p1 .LBB2_18-.Ltmp11, $2  }
0xc2: {  	_ =	sdelay $0x2  }
0xc3: {  	s23 =	sadd.s32 $0x1, s23;
	s25 =	sadd.s32 $0x80, s25;
	s29 =	smov.u32 s30  }
.LBB2_12:
0xc4: {  	v1 =	vld.msk [tilespmem:s23+$0x0], $0x1;
	_ =	sdelay $0x4  }
0xc5: {  	(v2sf) =	vpush v1, $0x0;
	_ =	sdelay $0xe  }
0xc6: {  	s30 =	spop (v2sf)  }
0xc7: {  	p1 =	sne.s32 s29, s30  }
.Ltmp12:
0xc8: {  	_ = 	snop;
	(pc) =	sbr.rel @!p1 .LBB2_13-.Ltmp12, $2  }
0xc9: {  	_ =	sdelay $0x2  }
0xca: {  	s0 =	sshll.u32 s22, $0x9  }
0xcb: {  	p1 =	seq.s32 s29, s24  }
.Ltmp13:
0xcc: {  	_ = 	snop;
	(pc) =	sbr.rel @!p1 .LBB2_15-.Ltmp13, $1  }
0xcd: {  	_ =	sdelay $0x3  }
0xce: {  	s0 =	sshra.s32 s0, $0x2  }
.Ltmp14:
0xcf: {  	s0 =	sadd.s32 $0x108, s0;
	(pc) =	sbr.rel .LBB2_16-.Ltmp14, $4  }
0xd0: {  	[spmem:s16] =	stream.linear.scatter [tilespmem:s0], [sflag:$0x1], $0x80, $0x38;
	[tilespmem:$0x1F6F8] =	vst v63  }
0xd1: {  	_ =	swait.ge [sflag:s12], $0x80  }
0xd2: {  	[sflag:s12] =	ssyncset.done $0x0  }
0xd3: {  	[sflag:s12] =	ssyncadd.s32 $0xFFFFFF80  }
.LBB2_15:
0xd4: {  	s2 =	sshll.u32 s28, $0x9  }
0xd5: {  	s2 =	sshra.s32 s2, $0x2  }
0xd6: {  	v1 =	vld [tilespmem:s2+$0x7988];
	_ =	sdelay $0x3  }
0xd7: {  	s0 =	sshra.s32 s0, $0x2  }
0xd8: {  	[tilespmem:s0+$0x108] =	vst.add.f32.msk $0xffff, v1  }
0xd9: {  	v1 =	vld [tilespmem:s2+$0x7998];
	_ =	sdelay $0x4  }
0xda: {  	[tilespmem:s0+$0x118] =	vst.add.f32.msk $0xffff, v1  }
0xdb: {  	v1 =	vld [tilespmem:s2+$0x79A8];
	_ =	sdelay $0x4  }
0xdc: {  	[tilespmem:s0+$0x128] =	vst.add.f32.msk $0xffff, v1  }
0xdd: {  	v1 =	vld [tilespmem:s2+$0x79B8];
	_ =	sdelay $0x4  }
0xde: {  	[tilespmem:s0+$0x138] =	vst.add.f32.msk $0xffff, v1  }
0xdf: {  	v1 =	vld [tilespmem:s2+$0x79C8];
	_ =	sdelay $0x4  }
0xe0: {  	[tilespmem:s0+$0x148] =	vst.add.f32.msk $0xffff, v1  }
0xe1: {  	v1 =	vld [tilespmem:s2+$0x79D8];
	_ =	sdelay $0x4  }
0xe2: {  	[tilespmem:s0+$0x158] =	vst.add.f32.msk $0xffff, v1  }
0xe3: {  	v1 =	vld [tilespmem:s2+$0x79E8];
	_ =	sdelay $0x4  }
0xe4: {  	[tilespmem:s0+$0x168] =	vst.add.f32.msk $0xffff, v1  }
0xe5: {  	v1 =	vld [tilespmem:s2+$0x79F8];
	_ =	sdelay $0x2  }
0xe6: {  	p1 =	sgt.u32 s29, $0x270F0  }
0xe7: {  	s2 =	sand.u32 @!p1 $0x3FFF8, s29  }
0xe8: {  	s3 =	sadd.s32 $0x108, s0;
	[tilespmem:s0+$0x178] =	vst.add.f32.msk $0xffff, v1;
	s0 =	sadd.s32 @!p1 s1, s2;
	s2 =	sand.u32 @!p1 $0x7, s29  }
0xe9: {  	[hbm4b:s0+s2] =	stream.linear.scatter @!p1 [tilespmem:s3], [sflag:$0xC], $0x80, $0x38;
	[tilespmem:$0x1F6F8] =	vst v63  }
0xea: {  	s0 =	simm.s32 $0x0  }
0xeb: {  	s0 =	simm.s32 @!p1 $0x200  }
0xec: {  	s31 =	sadd.s32 s0, s31  }
.LBB2_16:
0xed: {  	s0 =	sadd.s32 $0x1, s22  }
0xee: {  	s2 =	smulhi.u32 $0x88888889, s0;
	_ =	sdelay $0x1  }
0xef: {  	v1 =	vld [tilespmem:s25+$0xFFFFFFC0];
	s2 =	sshrl.u32 s2, $0x7  }
0xf0: {  	s2 =	smul.u32 $0xF0, s2;
	_ =	sdelay $0x1  }
0xf1: {  	s22 =	ssub.s32 s0, s2  }
0xf2: {  	s0 =	sshll.u32 s22, $0x7  }
0xf3: {  	[tilespmem:s0+$0x108] =	vst v1  }
0xf4: {  	v1 =	vld [tilespmem:s25+$0xFFFFFFD0];
	_ =	sdelay $0x4  }
0xf5: {  	[tilespmem:s0+$0x118] =	vst v1  }
0xf6: {  	v1 =	vld [tilespmem:s25+$0xFFFFFFE0];
	_ =	sdelay $0x4  }
0xf7: {  	[tilespmem:s0+$0x128] =	vst v1  }
0xf8: {  	v1 =	vld [tilespmem:s25+$0xFFFFFFF0];
	_ =	sdelay $0x4  }
0xf9: {  	[tilespmem:s0+$0x138] =	vst v1  }
0xfa: {  	v1 =	vld [tilespmem:s25+$0x0];
	_ =	sdelay $0x4  }
0xfb: {  	[tilespmem:s0+$0x148] =	vst v1  }
0xfc: {  	v1 =	vld [tilespmem:s25+$0x10];
	_ =	sdelay $0x4  }
0xfd: {  	[tilespmem:s0+$0x158] =	vst v1  }
0xfe: {  	v1 =	vld [tilespmem:s25+$0x20];
	_ =	sdelay $0x4  }
0xff: {  	[tilespmem:s0+$0x168] =	vst v1  }
0x100: {  	v1 =	vld [tilespmem:s25+$0x30]  }
.Ltmp15:
0x101: {  	_ = 	snop;
	(pc) =	sbr.rel .LBB2_17-.Ltmp15, $2  }
0x102: {  	_ =	sdelay $0x2  }
0x103: {  	s28 =	sadd.s32 $0x1, s28;
	[tilespmem:s0+$0x178] =	vst v1  }
.LBB2_19:
.Ltmp16:
0x104: {  	(pc) =	sbr.rel .LBB2_20-.Ltmp16, $4  }
0x105: {  	_ = 	snop  }
0x106: {  	s0 =	simm.s32 $0x2  }
0x107: {  	_ =	swait.ge [sflag:s0], $0x0  }
0x108: {  	s30 =	smov.u32 s29;
	[sflag:s0] =	ssyncset.done $0x0;
	s0 =	simm.s32 $0x0  }
.LBB2_22:
0x109: {  	_ =	sfence.sel $0x180000  }
0x10a: {  	s0 =	simm.s32 $0x9;
	[bflag:$0x0] =	sbarrier.arrive $0xFFFF  }
0x10b: {  	s24 =	simm.s32 $0xA;
	[sflag:s0] =	ssyncpa.u1 $0x1  }
0x10c: {  	s25 =	simm.s32 $0xB;
	[sflag:s24] =	ssyncpa.u1 $0x1  }
0x10d: {  	s26 =	simm.s32 $0x2;
	[sflag:s25] =	ssyncpa.u1 $0x1  }
0x10e: {  	[sflag:s26] =	ssyncpa.u1 $0x1  }
0x10f: {  	v0 =	vld [tilespmem:$0xF208];
	_ =	sdelay $0x4  }
0x110: {  	(v2sf) =	vpush v0, $0x0  }
0x111: {  	(v2sf) =	vpush v0, $0x1;
	_ =	sdelay $0x1  }
0x112: {  	(v2sf) =	vpush v0, $0x2;
	_ =	sdelay $0xb  }
0x113: {  	s0 =	spop (v2sf)  }
0x114: {  	s2 =	spop (v2sf)  }
0x115: {  	s3 =	smov.u32 s0;
	p0 =	sne.s32 s0, s2  }
0x116: {  	s4 =	spop (v2sf);
	s3 =	simm.s32 @!p0 $0xFFFFFFFF  }
0x117: {  	v2 =	vimm.s32 $0x1;
	v3 =	vlaneseq.u32;
	p0 =	seq.s32 s4, $0xFFFFFFFF;
	v1 =	vmov s3  }
0x118: {  	s16 =	stileid.u32;
	v0 =	vperm.xlane v0, v2;
	p1 =	sne.s32 @!p0 s0, s2;
	v1 =	vperm.xlane v1, v3  }
0x119: {  	vm0 =	vcmask $0x3F04;
	s6 =	simm.s32 $0xF208;
	s0 =	simm.s32 @!p0 $0x1;
	p1 =	por !p1, p0  }
0x11a: {  	s3 =	sshll.u32 s16, $0x1;
	s2 =	sshll.u32 @!p0 s4, $0x9;
	s0 =	simm.s32 @p1 $0x0;
	v0 =	vsel vm0, v1, v0  }
0x11b: {  	s5 =	sor.u32 $0x1000, s3;
	s2 =	sshra.s32 @!p0 s2, $0x2;
	s0 =	sor.u32 @!p0 s0, s3;
	[tilespmem:$0xF208] =	vst v0  }
0x11c: {  	[spmem:s5] =	stream.linear.scatter [tilespmem:s6], [sflag:$0x1], $0x2, $0x38;
	[tilespmem:$0x1F6F8] =	vst v63  }
0x11d: {  	s2 =	sadd.s32 @!p0 $0x108, s2;
	s0 =	sshll.u32 @!p0 s0, $0x7  }
0x11e: {  	[spmem:s0] =	stream.linear.scatter @!p0 [tilespmem:s2], [sflag:$0x1], $0x80, $0x38;
	[tilespmem:$0x1F6F8] =	vst v63  }
0x11f: {  	s0 =	simm.s32 @!p0 $0x82  }
0x120: {  	s28 =	simm.s32 $0x1;
	s0 =	simm.s32 @p0 $0x2  }
0x121: {  	_ =	swait.ge [sflag:s28], s0  }
0x122: {  	s0 =	ssub.s32 $0x0, s0;
	[sflag:s28] =	ssyncset.done $0x0  }
0x123: {  	p0 =	sne.s32 s16, $0x0;
	[sflag:s28] =	ssyncadd.s32 s0  }
.Ltmp17:
0x124: {  	_ =	sfence.stream.spmem;
	(pc) =	sbr.rel @p0 .LBB2_39-.Ltmp17, $4  }
0x125: {  	s29 =	simm.s32 $0x3;
	[bflag:$0x0] =	sbarrier.arrive $0xFFFF  }
0x126: {  	s30 =	simm.s32 $0x4;
	[sflag:s29] =	ssyncpa.u1 $0x1  }
0x127: {  	s31 =	simm.s32 $0x3C;
	[sflag:s30] =	ssyncpa.u1 $0x1  }
0x128: {  	s15 =	rddreg [dreg:$0x4];
	[sflag:s31] =	ssyncpa.u1 $0x1  }
0x129: {  	_ =	sfence.stream.spmem;
	s0 =	simm.s32 $0x5  }
0x12a: {  	s2 =	simm.s32 $0x1000;
	s3 =	simm.s32 $0xF218;
	[sflag:s0] =	ssyncpa.u1 $0x0  }
0x12b: {  	[tilespmem:s3], [sflag:$0x5] =	stream.linear.gather [spmem:s2], $0x20, $0x38;
	[tilespmem:$0x1F6F8] =	vst v63  }
0x12c: {  	s26 =	simm.s32 $0x0;
	s28 =	simm.s32 $0xF238  }
0x12d: {  	[tilespmem:s28], [sflag:$0x5] =	stream.linear.gather [spmem:s26], $0x1000, $0x38;
	[tilespmem:$0x1F6F8] =	vst v63  }
0x12e: {  	_ =	swait.ge [sflag:s0], $0x1020  }
0x12f: {  	[sflag:s0] =	ssyncset.done $0x0  }
0x130: {  	s29 =	simm.s32 $0x0;
	[sflag:s0] =	ssyncadd.s32 $0xFFFFEFE0  }
0x131: {  	v0 =	vld.msk [tilespmem:s29+$0xF218], $0x1;
	_ =	sdelay $0x1  }
0x132: {  	s30 =	simm.s32 $0x1  }
0x133: {  	v1 =	vld.msk [tilespmem:s30+$0xF218], $0x1;
	_ =	sdelay $0x1  }
0x134: {  	(v2sf) =	vpush v0, $0x0;
	_ =	sdelay $0x2  }
0x135: {  	(v2sf) =	vpush v1, $0x0;
	_ =	sdelay $0x2  }
0x136: {  	s31 =	simm.s32 $0x2  }
0x137: {  	v0 =	vld.msk [tilespmem:s31+$0xF218], $0x1;
	_ =	sdelay $0x2  }
0x138: {  	s4 =	simm.s32 $0xFFFFFFFF;
	s5 =	simm.s32 $0xFFFFFFFF;
	s0 =	simm.s32 $0xC  }
.LBB2_24:
0x139: {  	s2 =	smov.u32 s5;
	s3 =	smov.u32 s4  }
0x13a: {  	s4 =	sshra.s32 s0, $0x2;
	p1 =	sne.s32 s0, $0x7C;
	s0 =	sadd.s32 $0x4, s0;
	(v2sf) =	vpush v0, $0x0  }
0x13b: {  	v0 =	vld.msk [tilespmem:s4+$0xF218], $0x1  }
.Ltmp18:
0x13c: {  	(pc) =	sbr.rel @p1 .LBB2_24-.Ltmp18, $4  }
0x13d: {  	s5 =	spop (v2sf)  }
0x13e: {  	p2 =	sne.s32 s3, $0xFFFFFFFF;
	s4 =	smov.u32 s5  }
0x13f: {  	p3 =	seq.s32 s5, $0xFFFFFFFF;
	s4 =	smov.u32 @p2 s3  }
0x140: {  	s5 =	smov.u32 @p3 s2;
	s4 =	smov.u32 @p3 s3  }
0x141: {  	(v2sf) =	vpush v0, $0x0;
	_ =	sdelay $0x8  }
0x142: {  	s0 =	spop (v2sf)  }
0x143: {  	p1 =	sne.s32 s4, $0xFFFFFFFF;
	s2 =	smov.u32 s0  }
0x144: {  	s9 =	simm.s32 $0x6;
	p2 =	seq.s32 s0, $0xFFFFFFFF;
	s2 =	smov.u32 @p1 s4  }
0x145: {  	s6 =	simm.s32 $0x0;
	s2 =	smov.u32 @p2 s4;
	s3 =	spop (v2sf)  }
0x146: {  	s0 =	smov.u32 @p2 s5;
	p1 =	sne.s32 s2, $0xFFFFFFFF;
	s4 =	smov.u32 s3  }
.Ltmp19:
0x147: {  	p2 =	seq.s32 s3, $0xFFFFFFFF;
	s4 =	smov.u32 @p1 s2;
	(pc) =	sbr.rel .LBB2_26-.Ltmp19, $4  }
0x148: {  	s10 =	simm.s32 $0xF188;
	s4 =	smov.u32 @p2 s2;
	s7 =	spop (v2sf)  }
0x149: {  	s11 =	simm.s32 $0x0;
	p1 =	sne.s32 s4, $0xFFFFFFFF;
	s8 =	smov.u32 s7  }
0x14a: {  	s3 =	smov.u32 @p2 s0;
	p2 =	seq.s32 s7, $0xFFFFFFFF;
	s8 =	smov.u32 @p1 s4  }
0x14b: {  	[sflag:s9] =	ssyncpa.u1 $0x0;
	s7 =	smov.u32 @p2 s3;
	s8 =	smov.u32 @p2 s4  }
.LBB2_32:
0x14c: {  	p1 =	sgt.u32 s12, $0x270F0  }
0x14d: {  	p2 =	seq.s32 @!p1 s12, s8  }
0x14e: {  	p1 =	por p1, p2  }
0x14f: {  	p2 =	sne.s32 @!p1 s12, s7  }
0x150: {  	p1 =	por p1, !p2  }
0x151: {  	s0 =	sshll.u32 @p1 s11, $0x9  }
0x152: {  	s0 =	sand.u32 @!p1 $0x3FFF8, s12  }
0x153: {  	s2 =	sand.u32 @!p1 $0x7, s12;
	s0 =	sadd.s32 @!p1 s1, s0  }
0x154: {  	[tilespmem:s10], [sflag:$0x6] =	stream.linear.gather @!p1 [hbm4b:s0+s2], $0x80, $0x38;
	[tilespmem:$0x1F6F8] =	vst v63  }
0x155: {  	_ =	swait.ge @!p1 [sflag:s9], $0x80  }
0x156: {  	[sflag:s9] =	ssyncset.done @!p1 $0x0  }
0x157: {  	[sflag:s9] =	ssyncadd.s32 @!p1 $0xFFFFFF80  }
0x158: {  	v1 =	vld @!p1 [tilespmem:$0xF188];
	_ =	sdelay $0x2  }
0x159: {  	s0 =	sshll.u32 @!p1 s11, $0x9  }
0x15a: {  	s2 =	sshrl.u32 @!p1 s0, $0x2  }
0x15b: {  	[tilespmem:s2+$0xF238] =	vst.add.f32.msk @!p1 $0xffff, v1  }
0x15c: {  	v1 =	vld @!p1 [tilespmem:$0xF198];
	_ =	sdelay $0x4  }
0x15d: {  	[tilespmem:s2+$0xF248] =	vst.add.f32.msk @!p1 $0xffff, v1  }
0x15e: {  	v1 =	vld @!p1 [tilespmem:$0xF1A8];
	_ =	sdelay $0x4  }
0x15f: {  	[tilespmem:s2+$0xF258] =	vst.add.f32.msk @!p1 $0xffff, v1  }
0x160: {  	v1 =	vld @!p1 [tilespmem:$0xF1B8];
	_ =	sdelay $0x4  }
0x161: {  	[tilespmem:s2+$0xF268] =	vst.add.f32.msk @!p1 $0xffff, v1  }
0x162: {  	v1 =	vld @!p1 [tilespmem:$0xF1C8];
	_ =	sdelay $0x4  }
0x163: {  	[tilespmem:s2+$0xF278] =	vst.add.f32.msk @!p1 $0xffff, v1  }
0x164: {  	v1 =	vld @!p1 [tilespmem:$0xF1D8];
	_ =	sdelay $0x4  }
0x165: {  	[tilespmem:s2+$0xF288] =	vst.add.f32.msk @!p1 $0xffff, v1  }
0x166: {  	v1 =	vld @!p1 [tilespmem:$0xF1E8];
	_ =	sdelay $0x4  }
0x167: {  	[tilespmem:s2+$0xF298] =	vst.add.f32.msk @!p1 $0xffff, v1  }
0x168: {  	v1 =	vld @!p1 [tilespmem:$0xF1F8];
	_ =	sdelay $0x4  }
0x169: {  	[tilespmem:s2+$0xF2A8] =	vst.add.f32.msk @!p1 $0xffff, v1  }
0x16a: {  	s0 =	sshrl.u32 s0, $0x2;
	[tilespmem:s6+$0xF218] =	vst.msk $0x1, v0  }
0x16b: {  	v0 =	vld [tilespmem:s0+$0xF238];
	_ =	sdelay $0x2  }
0x16c: {  	s31 =	sshll.u32 s6, $0x9  }
0x16d: {  	s2 =	sshra.s32 s31, $0x2  }
0x16e: {  	[tilespmem:s2+$0xF238] =	vst v0  }
0x16f: {  	v0 =	vld [tilespmem:s0+$0xF248];
	_ =	sdelay $0x4  }
0x170: {  	[tilespmem:s2+$0xF248] =	vst v0  }
0x171: {  	v0 =	vld [tilespmem:s0+$0xF258];
	_ =	sdelay $0x4  }
0x172: {  	[tilespmem:s2+$0xF258] =	vst v0  }
0x173: {  	v0 =	vld [tilespmem:s0+$0xF268];
	_ =	sdelay $0x4  }
0x174: {  	[tilespmem:s2+$0xF268] =	vst v0  }
0x175: {  	v0 =	vld [tilespmem:s0+$0xF278];
	_ =	sdelay $0x4  }
0x176: {  	[tilespmem:s2+$0xF278] =	vst v0  }
0x177: {  	v0 =	vld [tilespmem:s0+$0xF288];
	_ =	sdelay $0x4  }
0x178: {  	[tilespmem:s2+$0xF288] =	vst v0  }
0x179: {  	v0 =	vld [tilespmem:s0+$0xF298];
	_ =	sdelay $0x4  }
0x17a: {  	[tilespmem:s2+$0xF298] =	vst v0  }
0x17b: {  	v0 =	vld [tilespmem:s0+$0xF2A8];
	_ =	sdelay $0x4  }
0x17c: {  	s6 =	sadd.s32 $0x1, s6;
	[tilespmem:s2+$0xF2A8] =	vst v0  }
.LBB2_33:
0x17d: {  	s11 =	sadd.s32 $0x1, s11  }
0x17e: {  	p1 =	sne.s32 s11, $0x20  }
.Ltmp20:
0x17f: {  	_ = 	snop;
	(pc) =	sbr.rel @!p1 .LBB2_34-.Ltmp20, $1  }
0x180: {  	_ =	sdelay $0x3  }
.LBB2_26:
0x181: {  	v0 =	vld.msk [tilespmem:s11+$0xF218], $0x1;
	_ =	sdelay $0x4  }
0x182: {  	(v2sf) =	vpush v0, $0x0;
	_ =	sdelay $0xe  }
0x183: {  	s12 =	spop (v2sf)  }
0x184: {  	p1 =	seq.s32 s12, $0xFFFFFFFF  }
.Ltmp21:
0x185: {  	_ = 	snop;
	(pc) =	sbr.rel @p1 .LBB2_33-.Ltmp21, $1  }
0x186: {  	_ =	sdelay $0x3  }
0x187: {  	p1 =	slt.s32 s6, $0x1  }
.Ltmp22:
0x188: {  	_ = 	snop;
	(pc) =	sbr.rel @p1 .LBB2_32-.Ltmp22, $1  }
0x189: {  	_ =	sdelay $0x3  }
0x18a: {  	s13 =	simm.s32 $0xF218;
	p1 =	por $0x0, $0x0  }
0x18b: {  	v1 =	vld.msk @!p1 [tilespmem:s13+$0x0], $0x1;
	_ =	sdelay $0x4  }
0x18c: {  	(v2sf) =	vpush @!p1 v1, $0x0;
	_ =	sdelay $0xd  }
0x18d: {  	p3 =	sne.s32 s6, $0x1  }
.Ltmp23:
0x18e: {  	s0 =	spop @!p1 (v2sf);
	(pc) =	sbr.rel @!p3 .LBB2_30-.Ltmp23, $4  }
0x18f: {  	p2 =	seq.s32 @!p1 s12, s0  }
0x190: {  	s14 =	simm.s32 $0x0;
	p2 =	por !p2, p1  }
0x191: {  	s2 =	simm.s32 $0xFFFFFFFF;
	s14 =	simm.s32 @p2 $0xFFFFFFFF  }
0x192: {  	s0 =	simm.s32 $0x1;
	s14 =	smov.u32 @p1 s2  }
.LBB2_29:
0x193: {  	s2 =	smov.u32 s14;
	p1 =	sne.s32 s14, $0xFFFFFFFF  }
0x194: {  	s13 =	sadd.s32 $0x1, s13;
	s14 =	smov.u32 s0;
	s0 =	sadd.s32 $0x1, s0  }
0x195: {  	p2 =	sne.s32 s6, s0;
	v1 =	vld.msk @!p1 [tilespmem:s13+$0x0], $0x1;
	_ =	sdelay $0x4  }
0x196: {  	(v2sf) =	vpush @!p1 v1, $0x0;
	_ =	sdelay $0xe  }
.Ltmp24:
0x197: {  	s3 =	spop @!p1 (v2sf);
	(pc) =	sbr.rel @p2 .LBB2_29-.Ltmp24, $4  }
0x198: {  	p3 =	seq.s32 @!p1 s12, s3  }
0x199: {  	p3 =	por !p3, p1  }
0x19a: {  	s14 =	simm.s32 @p3 $0xFFFFFFFF  }
0x19b: {  	s14 =	smov.u32 @p1 s2  }
.LBB2_30:
0x19c: {  	p1 =	seq.s32 s14, $0xFFFFFFFF  }
.Ltmp25:
0x19d: {  	_ = 	snop;
	(pc) =	sbr.rel @p1 .LBB2_32-.Ltmp25, $1  }
0x19e: {  	_ =	sdelay $0x3  }
0x19f: {  	s0 =	sshll.u32 s11, $0x7  }
0x1a0: {  	s0 =	sand.u32 $0x3FFFFF80, s0  }
0x1a1: {  	v0 =	vld [tilespmem:s0+$0xF238];
	_ =	sdelay $0x2  }
0x1a2: {  	s2 =	sshll.u32 s14, $0x9  }
0x1a3: {  	s2 =	sshra.s32 s2, $0x2  }
0x1a4: {  	[tilespmem:s2+$0xF238] =	vst.add.f32.msk $0xffff, v0  }
0x1a5: {  	v0 =	vld [tilespmem:s0+$0xF248];
	_ =	sdelay $0x4  }
0x1a6: {  	[tilespmem:s2+$0xF248] =	vst.add.f32.msk $0xffff, v0  }
0x1a7: {  	v0 =	vld [tilespmem:s0+$0xF258];
	_ =	sdelay $0x4  }
0x1a8: {  	[tilespmem:s2+$0xF258] =	vst.add.f32.msk $0xffff, v0  }
0x1a9: {  	v0 =	vld [tilespmem:s0+$0xF268];
	_ =	sdelay $0x4  }
0x1aa: {  	[tilespmem:s2+$0xF268] =	vst.add.f32.msk $0xffff, v0  }
0x1ab: {  	v0 =	vld [tilespmem:s0+$0xF278];
	_ =	sdelay $0x4  }
0x1ac: {  	[tilespmem:s2+$0xF278] =	vst.add.f32.msk $0xffff, v0  }
0x1ad: {  	v0 =	vld [tilespmem:s0+$0xF288];
	_ =	sdelay $0x4  }
0x1ae: {  	[tilespmem:s2+$0xF288] =	vst.add.f32.msk $0xffff, v0  }
0x1af: {  	v0 =	vld [tilespmem:s0+$0xF298];
	_ =	sdelay $0x4  }
0x1b0: {  	[tilespmem:s2+$0xF298] =	vst.add.f32.msk $0xffff, v0  }
0x1b1: {  	v0 =	vld [tilespmem:s0+$0xF2A8]  }
.Ltmp26:
0x1b2: {  	_ = 	snop;
	(pc) =	sbr.rel .LBB2_33-.Ltmp26, $2  }
0x1b3: {  	_ =	sdelay $0x2  }
0x1b4: {  	[tilespmem:s2+$0xF2A8] =	vst.add.f32.msk $0xffff, v0  }
.LBB2_34:
0x1b5: {  	s0 =	simm.s32 $0x6;
	p1 =	seq.s32 s6, $0x0  }
0x1b6: {  	[sflag:s0] =	ssyncpa.u1 $0x1;
	v0 =	vimm.s32 @p1 $0xFFFFFFFF  }
0x1b7: {  	s9 =	sadd.s32 $0xFFFFFFFF, s6;
	[tilespmem:$0x10238] =	vst @p1 v0  }
0x1b8: {  	v0 =	vld.msk @!p1 [tilespmem:s9+$0xF218], $0x1;
	_ =	sdelay $0x1  }
0x1b9: {  	v1 =	vld.msk @!p1 [tilespmem:$0xF218], $0x1;
	_ =	sdelay $0x2  }
0x1ba: {  	p2 =	seq.s32 @!p1 s9, $0x0;
	v0 =	vbroadcast @!p1 v0, $0x0  }
0x1bb: {  	vm0 =	vmmov @!p1 $0x1;
	p2 =	por !p2, p1  }
0x1bc: {  	v1 =	vnsel @!p1 vm0, $0xFFFFFFFF, v1;
	vm0 =	vcmask @!p1 $0x308;
	v0 =	vpsel !p2, $0xFFFFFFFF, v0  }
0x1bd: {  	p2 =	sne.s32 @!p1 s8, s7;
	v0 =	vsel @!p1 vm0, v1, v0  }
0x1be: {  	s0 =	simm.s32 @!p1 $0xF238;
	s2 =	simm.s32 @!p1 $0x0;
	p3 =	por !p2, p1;
	[tilespmem:$0x10238] =	vst @!p1 v0  }
0x1bf: {  	[spmem:s2] =	stream.linear.scatter @!p1 [tilespmem:s0], [sflag:$0x1], $0x80, $0x38;
	[tilespmem:$0x1F6F8] =	vst v63  }
0x1c0: {  	s0 =	sshll.u32 @!p3 s9, $0x9  }
0x1c1: {  	s0 =	sshra.s32 @!p3 s0, $0x2  }
0x1c2: {  	s2 =	simm.s32 @!p3 $0x80;
	s0 =	sadd.s32 @!p3 $0xF238, s0  }
0x1c3: {  	[spmem:s2] =	stream.linear.scatter @!p3 [tilespmem:s0], [sflag:$0x1], $0x80, $0x38;
	[tilespmem:$0x1F6F8] =	vst v63  }
0x1c4: {  	s0 =	simm.s32 @!p3 $0x1  }
0x1c5: {  	_ =	swait.ge @!p3 [sflag:s0], $0x100  }
0x1c6: {  	p1 =	por p2, p1;
	[sflag:s0] =	ssyncset.done @!p3 $0x0  }
0x1c7: {  	[sflag:s0] =	ssyncadd.s32 @!p3 $0xFFFFFF00;
	s0 =	simm.s32 @!p1 $0x1  }
0x1c8: {  	_ =	swait.ge @!p1 [sflag:s0], $0x80  }
0x1c9: {  	s29 =	simm.s32 $0x10238;
	[sflag:s0] =	ssyncset.done @!p1 $0x0  }
0x1ca: {  	s30 =	simm.s32 $0x1000;
	s31 =	simm.s32 $0x1;
	[sflag:s0] =	ssyncadd.s32 @!p1 $0xFFFFFF80  }
0x1cb: {  	[spmem:s30] =	stream.linear.scatter [tilespmem:s29], [sflag:$0x1], $0x10, $0x38;
	[tilespmem:$0x1F6F8] =	vst v63  }
0x1cc: {  	_ =	swait.ge [sflag:s31], $0x10  }
0x1cd: {  	[sflag:s31] =	ssyncset.done $0x0  }
0x1ce: {  	p1 =	seq.s32 s15, $0x0;
	s8 =	rddreg [dreg:$0x1];
	[sflag:s31] =	ssyncadd.s32 $0xFFFFFFF0  }
0x1cf: {  	s2 =	sshll.u32 @p1 s8, $0xE;
	s7 =	rddreg [dreg:$0x2]  }
0x1d0: {  	s0 =	sadd.s32 @p1 $0x15C3C, s2;
	s2 =	sshll.u32 @p1 s7, $0x11  }
0x1d1: {  	_ =	sfence.stream.spmem;
	s0 =	sor.u32 @p1 s2, s0  }
0x1d2: {  	[sflag:s0] =	ssyncadd.remote.s32 @p1 $0x1;
	s0 =	simm.s32 @p1 $0x4  }
0x1d3: {  	s3 =	simm.s32 @!p1 $0x3C;
	s2 =	sand.u32 $0xFFFFFFFE, s8;
	_ =	swait.ge @p1 [sflag:s0], $0x22  }
0x1d4: {  	s4 =	simm.s32 @!p1 $0x0;
	s2 =	sadd.s32 @!p1 $0x4, s2;
	[sflag:s0] =	ssyncset.done @p1 $0x0  }
0x1d5: {  	s5 =	simm.s32 @!p1 $0x100;
	[sflag:s0] =	ssyncadd.s32 @p1 $0xFFFFFFDE;
	s0 =	sshll.u32 @!p1 s2, $0x1A  }
0x1d6: {  	s2 =	sshll.u32 @!p1 s2, $0xD;
	s0 =	sor.u32 @!p1 s0, s7;
	_ =	swait.eq @!p1 [sflag:s3], $0x1  }
0x1d7: {  	s2 =	sor.u32 @!p1 $0x1C04, s2;
	s3 =	simm.s32 @!p1 $0x1C03;
	s0 =	sor.u32 @!p1 $0x80004000, s0  }
0x1d8: {  	[spmem:s5], [sflag:s2] =	dma.general @!p1 [spmem:s4], [sflag:s3], length:$0x20, [dreg:$0x0], stride_count:$0x0, ici_dest:s0, dma_misc:DstOpCode:WRITE  }
0x1d9: {  	p2 =	slt.s32 s9, $0x2;
	s4 =	simm.s32 @!p1 $0x200;
	s5 =	simm.s32 @!p1 $0x202  }
0x1da: {  	[spmem:s5], [sflag:s2] =	dma.general @!p1 [spmem:s4], [sflag:s3], length:$0x2, [dreg:$0x0], stride_count:$0x0, ici_dest:s0, dma_misc:DstOpCode:WRITE  }
.Ltmp27:
0x1db: {  	s0 =	simm.s32 @!p1 $0x3;
	(pc) =	sbr.rel @p2 .LBB2_38-.Ltmp27, $4  }
0x1dc: {  	s2 =	sshll.u32 @!p1 s8, $0xE;
	_ =	swait.ge @!p1 [sflag:s0], $0x22  }
0x1dd: {  	s3 =	sshll.u32 @!p1 s7, $0x11;
	s2 =	sadd.s32 @!p1 $0x11C3C, s2;
	[sflag:s0] =	ssyncset.done @!p1 $0x0  }
0x1de: {  	[sflag:s0] =	ssyncadd.s32 @!p1 $0xFFFFFFDE;
	s0 =	sor.u32 @!p1 s3, s2  }
0x1df: {  	[sflag:s0] =	ssyncadd.remote.s32 @!p1 $0xFFFFFFFF;
	s0 =	simm.s32 $0x0  }
0x1e0: {  	s0 =	simm.s32 $0xF219  }
0x1e1: {  	v0 =	vld.msk [tilespmem:s0+$0x0], $0x1;
	_ =	sdelay $0x4  }
0x1e2: {  	(v2sf) =	vpush v0, $0x0;
	_ =	sdelay $0xb  }
0x1e3: {  	s31 =	sadd.s32 $0xFFFFFFFE, s6  }
0x1e4: {  	s0 =	sadd.s32 $0xFFFFFFFF, s31  }
0x1e5: {  	p2 =	sne.s32 s0, $0x0  }
.Ltmp28:
0x1e6: {  	s2 =	spop (v2sf);
	(pc) =	sbr.rel @!p2 .LBB2_37-.Ltmp28, $4  }
0x1e7: {  	s4 =	simm.s32 $0xF2B8;
	s7 =	simm.s32 $0x0;
	p1 =	sgt.u32 s2, $0x270F0  }
0x1e8: {  	s5 =	simm.s32 $0x0;
	s6 =	simm.s32 $0xF21A;
	s3 =	sand.u32 @!p1 $0x3FFF8, s2  }
0x1e9: {  	s2 =	sand.u32 @!p1 $0x7, s2;
	s7 =	simm.s32 @!p1 $0x200;
	s3 =	sadd.s32 @!p1 s1, s3  }
0x1ea: {  	[hbm4b:s3+s2] =	stream.linear.scatter @!p1 [tilespmem:s4], [sflag:$0x5], $0x80, $0x38;
	[tilespmem:$0x1F6F8] =	vst v63  }
.LBB2_36:
0x1eb: {  	v0 =	vld.msk [tilespmem:s6+$0x0], $0x1;
	s0 =	sadd.s32 $0xFFFFFFFF, s0;
	s5 =	sadd.s32 s5, s7  }
0x1ec: {  	p1 =	sne.s32 s0, $0x0;
	_ =	sdelay $0x3  }
0x1ed: {  	(v2sf) =	vpush v0, $0x0;
	_ =	sdelay $0xe  }
.Ltmp29:
0x1ee: {  	s2 =	spop (v2sf);
	(pc) =	sbr.rel @p1 .LBB2_36-.Ltmp29, $4  }
0x1ef: {  	s7 =	simm.s32 $0x0;
	p2 =	sgt.u32 s2, $0x270F0  }
0x1f0: {  	s4 =	sadd.s32 $0x80, s4;
	s7 =	simm.s32 @!p2 $0x200;
	s3 =	sand.u32 @!p2 $0x3FFF8, s2  }
0x1f1: {  	s6 =	sadd.s32 $0x1, s6;
	s2 =	sand.u32 @!p2 $0x7, s2;
	s3 =	sadd.s32 @!p2 s1, s3  }
0x1f2: {  	[hbm4b:s3+s2] =	stream.linear.scatter @!p2 [tilespmem:s4], [sflag:$0x5], $0x80, $0x38;
	[tilespmem:$0x1F6F8] =	vst v63  }
.LBB2_37:
0x1f3: {  	s0 =	sadd.s32 s5, s7  }
0x1f4: {  	s0 =	sshrl.u32 s0, $0x2  }
.LBB2_38:
0x1f5: {  	s2 =	simm.s32 $0x5  }
0x1f6: {  	_ =	swait.ge [sflag:s2], s0  }
0x1f7: {  	s31 =	ssub.s32 $0x0, s0;
	[sflag:s2] =	ssyncset.done $0x0  }
0x1f8: {  	[sflag:s2] =	ssyncadd.s32 s31  }
0x1f9: {  	[sflag:s2] =	ssyncpa.u1 $0x1  }
.LBB2_39:
0x1fa: {  	s0 =	sor.u32 s15, s16  }
0x1fb: {  	p1 =	sne.s32 s0, $0x0  }
.Ltmp30:
0x1fc: {  	_ = 	snop;
	(pc) =	sbr.rel @p1 .LBB2_54-.Ltmp30, $3  }
0x1fd: {  	_ =	sdelay $0x1  }
0x1fe: {  	[bflag:$0x0] =	sbarrier.arrive $0xFFFF  }
0x1ff: {  	_ =	sfence  }
0x200: {  	s0 =	simm.s32 $0x7  }
0x201: {  	s2 =	simm.s32 $0x1000;
	s3 =	simm.s32 $0xF218;
	[sflag:s0] =	ssyncpa.u1 $0x0  }
0x202: {  	[tilespmem:s3], [sflag:$0x7] =	stream.linear.gather [spmem:s2], $0x20, $0x38;
	[tilespmem:$0x1F6F8] =	vst v63  }
0x203: {  	s30 =	simm.s32 $0xF238;
	s2 =	simm.s32 $0x0  }
0x204: {  	[tilespmem:s30], [sflag:$0x7] =	stream.linear.gather [spmem:s2], $0x1000, $0x38;
	[tilespmem:$0x1F6F8] =	vst v63  }
.Ltmp31:
0x205: {  	_ = 	snop;
	(pc) =	sbr.rel .LBB2_41-.Ltmp31, $4  }
0x206: {  	_ =	swait.ge [sflag:s0], $0x1020  }
0x207: {  	[sflag:s0] =	ssyncset.done $0x0  }
0x208: {  	s31 =	simm.s32 $0x8;
	[sflag:s0] =	ssyncadd.s32 $0xFFFFEFE0  }
0x209: {  	s3 =	simm.s32 $0x0;
	[sflag:s31] =	ssyncpa.u1 $0x0  }
.LBB2_47:
0x20a: {  	p1 =	slt.u32 s4, $0x270F1  }
0x20b: {  	s0 =	sand.u32 @p1 $0x3FFF8, s4  }
0x20c: {  	s4 =	sand.u32 @p1 $0x7, s4;
	s5 =	simm.s32 @p1 $0xF188;
	s0 =	sadd.s32 @p1 s1, s0  }
0x20d: {  	[tilespmem:s5], [sflag:$0x8] =	stream.linear.gather @p1 [hbm4b:s0+s4], $0x80, $0x38;
	[tilespmem:$0x1F6F8] =	vst v63  }
0x20e: {  	s0 =	simm.s32 @p1 $0x8  }
0x20f: {  	_ =	swait.ge @p1 [sflag:s0], $0x80  }
0x210: {  	[sflag:s0] =	ssyncset.done @p1 $0x0  }
0x211: {  	[sflag:s0] =	ssyncadd.s32 @p1 $0xFFFFFF80  }
0x212: {  	v1 =	vld @p1 [tilespmem:$0xF188];
	_ =	sdelay $0x2  }
0x213: {  	s0 =	sshll.u32 @p1 s3, $0x9  }
0x214: {  	s4 =	sshrl.u32 @p1 s0, $0x2  }
0x215: {  	[tilespmem:s4+$0xF238] =	vst.add.f32.msk @p1 $0xffff, v1  }
0x216: {  	v1 =	vld @p1 [tilespmem:$0xF198];
	_ =	sdelay $0x4  }
0x217: {  	[tilespmem:s4+$0xF248] =	vst.add.f32.msk @p1 $0xffff, v1  }
0x218: {  	v1 =	vld @p1 [tilespmem:$0xF1A8];
	_ =	sdelay $0x4  }
0x219: {  	[tilespmem:s4+$0xF258] =	vst.add.f32.msk @p1 $0xffff, v1  }
0x21a: {  	v1 =	vld @p1 [tilespmem:$0xF1B8];
	_ =	sdelay $0x4  }
0x21b: {  	[tilespmem:s4+$0xF268] =	vst.add.f32.msk @p1 $0xffff, v1  }
0x21c: {  	v1 =	vld @p1 [tilespmem:$0xF1C8];
	_ =	sdelay $0x4  }
0x21d: {  	[tilespmem:s4+$0xF278] =	vst.add.f32.msk @p1 $0xffff, v1  }
0x21e: {  	v1 =	vld @p1 [tilespmem:$0xF1D8];
	_ =	sdelay $0x4  }
0x21f: {  	[tilespmem:s4+$0xF288] =	vst.add.f32.msk @p1 $0xffff, v1  }
0x220: {  	v1 =	vld @p1 [tilespmem:$0xF1E8];
	_ =	sdelay $0x4  }
0x221: {  	[tilespmem:s4+$0xF298] =	vst.add.f32.msk @p1 $0xffff, v1  }
0x222: {  	v1 =	vld @p1 [tilespmem:$0xF1F8];
	_ =	sdelay $0x3  }
0x223: {  	s5 =	sshll.u32 @!p1 s3, $0x9  }
0x224: {  	s5 =	smov.u32 @p1 s0;
	[tilespmem:s4+$0xF2A8] =	vst.add.f32.msk @p1 $0xffff, v1  }
0x225: {  	s0 =	sshrl.u32 s5, $0x2;
	[tilespmem:s2+$0xF218] =	vst.msk $0x1, v0  }
0x226: {  	v0 =	vld [tilespmem:s0+$0xF238];
	_ =	sdelay $0x2  }
0x227: {  	s31 =	sshll.u32 s2, $0x9  }
0x228: {  	s4 =	sshra.s32 s31, $0x2  }
0x229: {  	[tilespmem:s4+$0xF238] =	vst v0  }
0x22a: {  	v0 =	vld [tilespmem:s0+$0xF248];
	_ =	sdelay $0x4  }
0x22b: {  	[tilespmem:s4+$0xF248] =	vst v0  }
0x22c: {  	v0 =	vld [tilespmem:s0+$0xF258];
	_ =	sdelay $0x4  }
0x22d: {  	[tilespmem:s4+$0xF258] =	vst v0  }
0x22e: {  	v0 =	vld [tilespmem:s0+$0xF268];
	_ =	sdelay $0x4  }
0x22f: {  	[tilespmem:s4+$0xF268] =	vst v0  }
0x230: {  	v0 =	vld [tilespmem:s0+$0xF278];
	_ =	sdelay $0x4  }
0x231: {  	[tilespmem:s4+$0xF278] =	vst v0  }
0x232: {  	v0 =	vld [tilespmem:s0+$0xF288];
	_ =	sdelay $0x4  }
0x233: {  	[tilespmem:s4+$0xF288] =	vst v0  }
0x234: {  	v0 =	vld [tilespmem:s0+$0xF298];
	_ =	sdelay $0x4  }
0x235: {  	[tilespmem:s4+$0xF298] =	vst v0  }
0x236: {  	v0 =	vld [tilespmem:s0+$0xF2A8];
	_ =	sdelay $0x4  }
0x237: {  	s2 =	sadd.s32 $0x1, s2;
	[tilespmem:s4+$0xF2A8] =	vst v0  }
.LBB2_48:
0x238: {  	s3 =	sadd.s32 $0x1, s3  }
0x239: {  	p1 =	sne.s32 s3, $0x20  }
.Ltmp32:
0x23a: {  	_ = 	snop;
	(pc) =	sbr.rel @!p1 .LBB2_49-.Ltmp32, $1  }
0x23b: {  	_ =	sdelay $0x3  }
.LBB2_41:
0x23c: {  	v0 =	vld.msk [tilespmem:s3+$0xF218], $0x1;
	_ =	sdelay $0x4  }
0x23d: {  	(v2sf) =	vpush v0, $0x0;
	_ =	sdelay $0xe  }
0x23e: {  	s4 =	spop (v2sf)  }
0x23f: {  	p1 =	seq.s32 s4, $0xFFFFFFFF  }
.Ltmp33:
0x240: {  	_ = 	snop;
	(pc) =	sbr.rel @p1 .LBB2_48-.Ltmp33, $1  }
0x241: {  	_ =	sdelay $0x3  }
0x242: {  	p1 =	slt.s32 s2, $0x1  }
.Ltmp34:
0x243: {  	_ = 	snop;
	(pc) =	sbr.rel @p1 .LBB2_47-.Ltmp34, $1  }
0x244: {  	_ =	sdelay $0x3  }
0x245: {  	s5 =	simm.s32 $0xF218;
	p1 =	por $0x0, $0x0  }
0x246: {  	v1 =	vld.msk @!p1 [tilespmem:s5+$0x0], $0x1;
	_ =	sdelay $0x4  }
0x247: {  	(v2sf) =	vpush @!p1 v1, $0x0;
	_ =	sdelay $0xd  }
0x248: {  	p3 =	sne.s32 s2, $0x1  }
.Ltmp35:
0x249: {  	s0 =	spop @!p1 (v2sf);
	(pc) =	sbr.rel @!p3 .LBB2_45-.Ltmp35, $4  }
0x24a: {  	p2 =	seq.s32 @!p1 s4, s0  }
0x24b: {  	s6 =	simm.s32 $0x0;
	p2 =	por !p2, p1  }
0x24c: {  	s7 =	simm.s32 $0xFFFFFFFF;
	s6 =	simm.s32 @p2 $0xFFFFFFFF  }
0x24d: {  	s0 =	simm.s32 $0x1;
	s6 =	smov.u32 @p1 s7  }
.LBB2_44:
0x24e: {  	s7 =	smov.u32 s6;
	p1 =	sne.s32 s6, $0xFFFFFFFF  }
0x24f: {  	s5 =	sadd.s32 $0x1, s5;
	s6 =	smov.u32 s0;
	s0 =	sadd.s32 $0x1, s0  }
0x250: {  	p2 =	sne.s32 s2, s0;
	v1 =	vld.msk @!p1 [tilespmem:s5+$0x0], $0x1;
	_ =	sdelay $0x4  }
0x251: {  	(v2sf) =	vpush @!p1 v1, $0x0;
	_ =	sdelay $0xe  }
.Ltmp36:
0x252: {  	s8 =	spop @!p1 (v2sf);
	(pc) =	sbr.rel @p2 .LBB2_44-.Ltmp36, $4  }
0x253: {  	p3 =	seq.s32 @!p1 s4, s8  }
0x254: {  	p3 =	por !p3, p1  }
0x255: {  	s6 =	simm.s32 @p3 $0xFFFFFFFF  }
0x256: {  	s6 =	smov.u32 @p1 s7  }
.LBB2_45:
0x257: {  	p1 =	seq.s32 s6, $0xFFFFFFFF  }
.Ltmp37:
0x258: {  	_ = 	snop;
	(pc) =	sbr.rel @p1 .LBB2_47-.Ltmp37, $1  }
0x259: {  	_ =	sdelay $0x3  }
0x25a: {  	s0 =	sshll.u32 s3, $0x7  }
0x25b: {  	s0 =	sand.u32 $0x3FFFFF80, s0  }
0x25c: {  	v0 =	vld [tilespmem:s0+$0xF238];
	_ =	sdelay $0x2  }
0x25d: {  	s4 =	sshll.u32 s6, $0x9  }
0x25e: {  	s4 =	sshra.s32 s4, $0x2  }
0x25f: {  	[tilespmem:s4+$0xF238] =	vst.add.f32.msk $0xffff, v0  }
0x260: {  	v0 =	vld [tilespmem:s0+$0xF248];
	_ =	sdelay $0x4  }
0x261: {  	[tilespmem:s4+$0xF248] =	vst.add.f32.msk $0xffff, v0  }
0x262: {  	v0 =	vld [tilespmem:s0+$0xF258];
	_ =	sdelay $0x4  }
0x263: {  	[tilespmem:s4+$0xF258] =	vst.add.f32.msk $0xffff, v0  }
0x264: {  	v0 =	vld [tilespmem:s0+$0xF268];
	_ =	sdelay $0x4  }
0x265: {  	[tilespmem:s4+$0xF268] =	vst.add.f32.msk $0xffff, v0  }
0x266: {  	v0 =	vld [tilespmem:s0+$0xF278];
	_ =	sdelay $0x4  }
0x267: {  	[tilespmem:s4+$0xF278] =	vst.add.f32.msk $0xffff, v0  }
0x268: {  	v0 =	vld [tilespmem:s0+$0xF288];
	_ =	sdelay $0x4  }
0x269: {  	[tilespmem:s4+$0xF288] =	vst.add.f32.msk $0xffff, v0  }
0x26a: {  	v0 =	vld [tilespmem:s0+$0xF298];
	_ =	sdelay $0x4  }
0x26b: {  	[tilespmem:s4+$0xF298] =	vst.add.f32.msk $0xffff, v0  }
0x26c: {  	v0 =	vld [tilespmem:s0+$0xF2A8]  }
.Ltmp38:
0x26d: {  	_ = 	snop;
	(pc) =	sbr.rel .LBB2_48-.Ltmp38, $2  }
0x26e: {  	_ =	sdelay $0x2  }
0x26f: {  	[tilespmem:s4+$0xF2A8] =	vst.add.f32.msk $0xffff, v0  }
.LBB2_49:
0x270: {  	p1 =	slt.s32 s2, $0x1  }
.Ltmp39:
0x271: {  	_ = 	snop;
	(pc) =	sbr.rel @p1 .LBB2_53-.Ltmp39, $3  }
0x272: {  	_ =	sdelay $0x1  }
0x273: {  	s0 =	simm.s32 $0x8  }
0x274: {  	s3 =	simm.s32 $0x0;
	[sflag:s0] =	ssyncpa.u1 $0x1  }
0x275: {  	s0 =	simm.s32 $0xF218  }
0x276: {  	v0 =	vld.msk [tilespmem:s0+$0x0], $0x1;
	_ =	sdelay $0x4  }
0x277: {  	(v2sf) =	vpush v0, $0x0;
	_ =	sdelay $0xe  }
0x278: {  	s0 =	sadd.s32 $0xFFFFFFFF, s2;
	s5 =	spop (v2sf)  }
0x279: {  	p2 =	sne.s32 s0, $0x0;
	p1 =	sgt.u32 s5, $0x270F0  }
.Ltmp40:
0x27a: {  	s6 =	sand.u32 @!p1 $0x3FFF8, s5;
	(pc) =	sbr.rel @!p2 .LBB2_52-.Ltmp40, $4  }
0x27b: {  	s4 =	simm.s32 $0xF238;
	s5 =	sand.u32 @!p1 $0x7, s5;
	s2 =	sadd.s32 @!p1 s1, s6  }
0x27c: {  	[hbm4b:s2+s5] =	stream.linear.scatter @!p1 [tilespmem:s4], [sflag:$0x7], $0x80, $0x38;
	[tilespmem:$0x1F6F8] =	vst v63  }
0x27d: {  	s5 =	simm.s32 $0x0  }
0x27e: {  	s2 =	simm.s32 $0xF219;
	s5 =	simm.s32 @!p1 $0x200  }
.LBB2_51:
0x27f: {  	v0 =	vld.msk [tilespmem:s2+$0x0], $0x1;
	s0 =	sadd.s32 $0xFFFFFFFF, s0;
	s3 =	sadd.s32 s3, s5  }
0x280: {  	p1 =	sne.s32 s0, $0x0;
	_ =	sdelay $0x3  }
0x281: {  	(v2sf) =	vpush v0, $0x0;
	_ =	sdelay $0xe  }
.Ltmp41:
0x282: {  	s6 =	spop (v2sf);
	(pc) =	sbr.rel @p1 .LBB2_51-.Ltmp41, $4  }
0x283: {  	s5 =	simm.s32 $0x0;
	p2 =	sgt.u32 s6, $0x270F0  }
0x284: {  	s4 =	sadd.s32 $0x80, s4;
	s5 =	simm.s32 @!p2 $0x200;
	s7 =	sand.u32 @!p2 $0x3FFF8, s6  }
0x285: {  	s2 =	sadd.s32 $0x1, s2;
	s6 =	sand.u32 @!p2 $0x7, s6;
	s7 =	sadd.s32 @!p2 s1, s7  }
0x286: {  	[hbm4b:s7+s6] =	stream.linear.scatter @!p2 [tilespmem:s4], [sflag:$0x7], $0x80, $0x38;
	[tilespmem:$0x1F6F8] =	vst v63  }
.LBB2_52:
0x287: {  	s0 =	sadd.s32 s3, s5  }
0x288: {  	s3 =	sshrl.u32 s0, $0x2  }
.LBB2_53:
0x289: {  	s0 =	simm.s32 $0x7  }
0x28a: {  	_ =	swait.ge [sflag:s0], s3  }
0x28b: {  	s1 =	ssub.s32 $0x0, s3;
	[sflag:s0] =	ssyncset.done $0x0  }
0x28c: {  	[sflag:s0] =	ssyncadd.s32 s1  }
0x28d: {  	[sflag:s0] =	ssyncpa.u1 $0x1  }
.LBB2_54:
0x28e: {  	_ =	sfence;
	s0 =	simm.s32 $0x1  }
0x28f: {  	[sflag:s0] =	ssyncpa.u1 $0x1  }
0x290: {  	_ =	strace $0x90000058  }
0x291: {  	[bflag:$0x2] =	sbarrier.arrive $0xFFFF  }
0x292: {  	s0 =	rddreg [dreg:$0x3]  }
0x293: {  	s0 =	sadd.s32 @!p0 $0x100000, s0  }
0x294: {  	[sflag:s0] =	ssyncadd.tile.s32 @!p0 $0x1;
	_ =	shalt  }
.Lfunc_end2:
_tile_overlayer_lowered:
.L_overlay_start_2:
0x295: {  	(tag) =	ssettag $0x2  }
0x296: {  	s0 =	rddreg [dreg:$0x0];
	s2 =	stileid.u32  }
0x297: {  	s1 =	rddreg [dreg:$0x1];
	p0 =	sne.s32 s2, $0x0  }
0x298: {  	s3 =	rddreg [dreg:$0x2];
	[bflag:$0x3] =	sbarrier.arrive $0xFFFF;
	s2 =	simm.s32 @!p0 $0x1C01  }
0x299: {  	[timem:s3], [sflag:s2] =	dma.local @!p0 [hbm:s0], s1  }
0x29a: {  	s0 =	simm.s32 @!p0 $0x1  }
0x29b: {  	_ =	swait.ge @!p0 [sflag:s0], s1  }
0x29c: {  	s1 =	ssub.s32 @!p0 $0x0, s1;
	[sflag:s0] =	ssyncset.done @!p0 $0x0  }
0x29d: {  	[sflag:s0] =	ssyncadd.s32 @!p0 s1  }
0x29e: {  	[bflag:$0x3] =	sbarrier.arrive $0xFFFF  }
0x29f: {  	_ =	shalt  }

// kernel: scatter_offload_async_start.2
scs
__scs_entry_jumppad:
0x0: {  	(pc) =	sbr.rel $0x88, $3  }
0x1: {  	(tag) =	ssettag $0x0;
	lr =	simm.s32 $0x1  }
0x2: {  	[smem:$0x3F95] =	sst lr;
	_ =	strace $0xD0000000  }
0x3: {  	_ = 	snop  }
0x4: {  	_ = 	snop  }
0x5: {  	_ = 	snop  }
0x6: {  	_ = 	snop  }
0x7: {  	_ = 	snop  }
__scs_overlays_trampoline_lowered:
0x8: {  	[smem:$0x3FA4] =	sst s0  }
0x9: {  	[smem:$0x3FA5] =	sst s1  }
0xa: {  	[smem:$0x3FA6] =	sst s2  }
0xb: {  	[smem:$0x3FA7] =	sst s3  }
0xc: {  	[smem:$0x3FA8] =	sst s4  }
0xd: {  	[smem:$0x3FA9] =	sst s5  }
0xe: {  	[smem:$0x3FAA] =	sst s6  }
0xf: {  	[smem:$0x3FAB] =	sst s7  }
0x10: {  	[smem:$0x3FAC] =	sst s8  }
0x11: {  	[smem:$0x3FAD] =	sst s9;
	s0 =	simm.s32 @!p0 $0x0  }
0x12: {  	s1 =	sld [smem:$0x3F93];
	s0 =	simm.s32 @p0 $0x1  }
0x13: {  	[smem:$0x3FAE] =	sst s0;
	s0 =	simm.s32 @!p1 $0x0  }
0x14: {  	s2 =	sld [smem:$0x3F92];
	s0 =	simm.s32 @p1 $0x1  }
0x15: {  	[smem:$0x3FAF] =	sst s0;
	s0 =	simm.s32 @!p2 $0x0  }
0x16: {  	s3 =	sld [smem:$0x3FDB];
	s0 =	simm.s32 @p2 $0x1  }
0x17: {  	s4 =	simm.s32 $0x1BF5;
	[smem:$0x3FB1] =	sst s0  }
0x18: {  	s0 =	sld [smem:$0x3F94];
	_ =	swait.ge [sflag:s4], $0x0  }
0x19: {  	s7 =	sld [smem:$0x3F95]  }
0x1a: {  	s8 =	sadd.s32 $0xFFFFE003, lr  }
0x1b: {  	s9 =	sadd.s32 $0xFFFFFEF7, lr;
	s5 =	simm.s32 $0xFFFFFFFF;
	p2 =	slt.u32 s8, $0xFFFFF086  }
0x1c: {  	p1 =	slt.u32 s9, $0xF7A;
	s5 =	simm.s32 @!p2 $0x0  }
0x1d: {  	s5 =	simm.s32 @p1 $0x1;
	p0 =	seq.s32 s7, s2  }
0x1e: {  	s7 =	smul.u32 @!p0 $0xF7A, s2;
	p2 =	seq.s32 @!p0 s5, $0x0  }
0x1f: {  	s9 =	smul.u32 $0xF7A, s1;
	s8 =	simm.s32 @!p0 $0x1BF5;
	p2 =	por !p2, p0  }
0x20: {  	[sflag:s8] =	ssyncset.s32 @!p0 $0xFFFFF086;
	s6 =	sadd.s32 @!p0 s3, s7;
	s7 =	simm.s32 @!p0 $0x108  }
0x21: {  	s3 =	sadd.s32 s3, s9;
	s6 =	sadd.s32 @!p0 $0x88, s6;
	s7 =	simm.s32 @p2 $0x1082  }
0x22: {  	[simem:s7], [sflag:s8] =	dma.local @!p0 [hbm:s6], $0xF7A  }
0x23: {  	s9 =	sor.u32 $0xD0000000, s2;
	s6 =	simm.s32 $0x108;
	_ =	swait.ge @!p0 [sflag:s8], $0x0  }
0x24: {  	s3 =	sadd.s32 $0x88, s3;
	s6 =	simm.s32 @!p1 $0x1082;
	[sflag:s4] =	ssyncset.s32 $0xFFFFF086  }
0x25: {  	[simem:s6], [sflag:s4] =	dma.local [hbm:s3], $0xF7A  }
0x26: {  	[smem:$0x3F95] =	sst s1;
	(tag) =	ssettag s2;
	_ =	strace s9  }
0x27: {  	s1 =	sld [smem:$0x3FA5]  }
0x28: {  	s2 =	sld [smem:$0x3FA6]  }
0x29: {  	s4 =	sld [smem:$0x3FA8]  }
0x2a: {  	p0 =	seq.s32 s5, $0x0;
	s5 =	sld [smem:$0x3FA9]  }
0x2b: {  	s6 =	sld [smem:$0x3FAA]  }
0x2c: {  	s7 =	sld [smem:$0x3FAB]  }
0x2d: {  	s3 =	simm.s32 $0x108;
	s8 =	sld [smem:$0x3FAC]  }
0x2e: {  	s3 =	simm.s32 @!p0 $0x1082;
	s9 =	sld [smem:$0x3FAD]  }
0x2f: {  	lr =	sadd.s32 s0, s3;
	s0 =	sld [smem:$0x3FA4]  }
0x30: {  	s3 =	sld [smem:$0x3FA7]  }
0x31: {  	[smem:$0x3FB0] =	sst s10  }
0x32: {  	s10 =	sld [smem:$0x3FAE];
	_ =	sdelay $0x3  }
0x33: {  	p0 =	seq.s32 s10, $0x1;
	s10 =	sld [smem:$0x3FB0];
	_ =	sdelay $0x3  }
0x34: {  	[smem:$0x3FB0] =	sst s10  }
0x35: {  	s10 =	sld [smem:$0x3FAF];
	_ =	sdelay $0x3  }
0x36: {  	p1 =	seq.s32 s10, $0x1;
	s10 =	sld [smem:$0x3FB0];
	_ =	sdelay $0x3  }
0x37: {  	[smem:$0x3FB0] =	sst s10  }
0x38: {  	s10 =	sld [smem:$0x3FB1]  }
0x39: {  	_ = 	snop;
	(pc) =	sbr.ind lr, $3  }
0x3a: {  	_ = 	snop  }
0x3b: {  	_ = 	snop  }
0x3c: {  	p2 =	seq.s32 s10, $0x1;
	s10 =	sld [smem:$0x3FB0]  }
0x3d: {  	_ =	shalt  }
0x3e: {  	_ =	shalt  }
0x3f: {  	_ =	shalt  }
0x40: {  	_ =	shalt  }
0x41: {  	_ =	shalt  }
0x42: {  	_ =	shalt  }
0x43: {  	_ =	shalt  }
0x44: {  	_ =	shalt  }
0x45: {  	_ =	shalt  }
0x46: {  	_ =	shalt  }
0x47: {  	_ =	shalt  }
0x48: {  	_ =	shalt  }
0x49: {  	_ =	shalt  }
0x4a: {  	_ =	shalt  }
0x4b: {  	_ =	shalt  }
0x4c: {  	_ =	shalt  }
0x4d: {  	_ =	shalt  }
0x4e: {  	_ =	shalt  }
0x4f: {  	_ =	shalt  }
0x50: {  	_ =	shalt  }
0x51: {  	_ =	shalt  }
0x52: {  	_ =	shalt  }
0x53: {  	_ =	shalt  }
0x54: {  	_ =	shalt  }
0x55: {  	_ =	shalt  }
0x56: {  	_ =	shalt  }
0x57: {  	_ =	shalt  }
0x58: {  	_ =	shalt  }
0x59: {  	_ =	shalt  }
0x5a: {  	_ =	shalt  }
0x5b: {  	_ =	shalt  }
0x5c: {  	_ =	shalt  }
0x5d: {  	_ =	shalt  }
0x5e: {  	_ =	shalt  }
0x5f: {  	_ =	shalt  }
0x60: {  	_ =	shalt  }
0x61: {  	_ =	shalt  }
0x62: {  	_ =	shalt  }
0x63: {  	_ =	shalt  }
0x64: {  	_ =	shalt  }
0x65: {  	_ =	shalt  }
0x66: {  	_ =	shalt  }
0x67: {  	_ =	shalt  }
0x68: {  	_ =	shalt  }
0x69: {  	_ =	shalt  }
0x6a: {  	_ =	shalt  }
0x6b: {  	_ =	shalt  }
0x6c: {  	_ =	shalt  }
0x6d: {  	_ =	shalt  }
0x6e: {  	_ =	shalt  }
0x6f: {  	_ =	shalt  }
0x70: {  	_ =	shalt  }
0x71: {  	_ =	shalt  }
0x72: {  	_ =	shalt  }
0x73: {  	_ =	shalt  }
0x74: {  	_ =	shalt  }
0x75: {  	_ =	shalt  }
0x76: {  	_ =	shalt  }
0x77: {  	_ =	shalt  }
0x78: {  	_ =	shalt  }
0x79: {  	_ =	shalt  }
0x7a: {  	_ =	shalt  }
0x7b: {  	_ =	shalt  }
0x7c: {  	_ =	shalt  }
0x7d: {  	_ =	shalt  }
0x7e: {  	_ =	shalt  }
0x7f: {  	_ =	shalt  }
0x80: {  	_ =	shalt  }
0x81: {  	_ =	shalt  }
0x82: {  	_ =	shalt  }
0x83: {  	_ =	shalt  }
0x84: {  	_ =	shalt  }
0x85: {  	_ =	shalt  }
0x86: {  	_ =	shalt  }
0x87: {  	_ =	shalt  }
.Lfunc_end0:
.L_simem_size_0:
called_computation.2_lowered:
.L_overlay_start_0:
0x88: {  	s2 =	sld [smem:$0x3FD9]  }
0x89: {  	s3 =	sld [smem:$0x3FFE];
	_ =	sdelay $0x1  }
0x8a: {  	s1 =	srdreg.scid  }
0x8b: {  	s0 =	sand.u32 $0x1, s1  }
0x8c: {  	s17 =	sshll.u32 s0, $0xA;
	s2 =	sadd.s32 s3, s2  }
0x8d: {  	s2 =	sadd.s32 s2, s17  }
0x8e: {  	[smem:$0x3FBC] =	sst s2  }
0x8f: {  	_ = 	snop  }
0x90: {  	(tm) =	ssettm $0x1  }
0x91: {  	s18 =	sld [smem:$0x3FFB];
	_ =	sdelay $0x3  }
0x92: {  	_ =	strace s18  }
0x93: {  	s2 =	sld [smem:$0x3FFC];
	_ =	sdelay $0x3  }
0x94: {  	_ =	strace s2  }
0x95: {  	s2 =	sld [smem:$0x3FFD];
	_ =	sdelay $0x3  }
0x96: {  	_ =	strace s2  }
0x97: {  	_ =	strace $0x8FFFFFFF  }
0x98: {  	s19 =	sld [smem:$0x3FDB];
	_ =	sdelay $0x1  }
0x99: {  	s20 =	simm.s32 $_scs_section_size  }
0x9a: {  	s4 =	simm.s32 $_size__tile_overlayer_lowered;
	s5 =	simm.s32 $_tile_overlayer_lowered  }
0x9b: {  	s6 =	simm.s32 $0x1BFF;
	s21 =	sshll.u32 s5, $0x1;
	s3 =	sadd.s32 s20, s19  }
0x9c: {  	s22 =	simm.s32 $0x0;
	s4 =	sshll.u32 s4, $0x1;
	s5 =	sadd.s32 s21, s3  }
0x9d: {  	[timem:s22], [sflag:s6] =	dma.local [hbm:s5], s4  }
0x9e: {  	_ =	swait.ge [sflag:s6], s4  }
0x9f: {  	s4 =	ssub.s32 $0x0, s4;
	[sflag:s6] =	ssyncset.done $0x0  }
0xa0: {  	[sflag:s6] =	ssyncadd.s32 s4;
	_ =	sdelay $0x1  }
0xa1: {  	s23 =	simm.s32 $0x1B8B  }
0xa2: {  	_ =	swait.ge [sflag:s23], $0x1  }
0xa3: {  	[sflag:s23] =	ssyncset.done $0x0  }
0xa4: {  	[sflag:s23] =	ssyncadd.s32 $0xFFFFFFFF  }
0xa5: {  	s4 =	sld [smem:$0x0]  }
0xa6: {  	s5 =	sand.u32 $0xFFFFFFFE, s1  }
0xa7: {  	p0 =	sne.s32 s1, s5  }
0xa8: {  	s5 =	sshll.u32 @p0 s5, $0xE  }
0xa9: {  	s5 =	sadd.s32 @p0 $0x11B8D, s5;
	s6 =	sshll.u32 @p0 s4, $0x11  }
0xaa: {  	s5 =	sor.u32 @p0 s6, s5  }
0xab: {  	[sflag:s5] =	ssyncadd.remote.s32 @p0 $0x1;
	_ =	sdelay $0x1  }
0xac: {  	s5 =	simm.s32 @p0 $0x1B8D  }
0xad: {  	_ =	swait.eq @p0 [sflag:s5], $0x1  }
0xae: {  	[sflag:s5] =	ssyncadd.s32 @p0 $0xFFFFFFFF  }
0xaf: {  	s6 =	sshll.u32 @!p0 s1, $0xE  }
0xb0: {  	s6 =	sor.u32 @!p0 $0x4000, s6;
	s5 =	simm.s32 @!p0 $0x1B8D  }
0xb1: {  	s7 =	sshll.u32 @!p0 s4, $0x11;
	s6 =	sadd.s32 @!p0 $0x11B8D, s6;
	_ =	swait.eq @!p0 [sflag:s5], $0x1  }
0xb2: {  	[sflag:s5] =	ssyncadd.s32 @!p0 $0xFFFFFFFF;
	s5 =	sor.u32 @!p0 s7, s6  }
0xb3: {  	s25 =	simm.s32 $0x1B8E;
	s24 =	sld [smem:$0x3FFE];
	[sflag:s5] =	ssyncadd.remote.s32 @!p0 $0x1  }
0xb4: {  	s26 =	simm.s32 $execute0_lowered;
	[smem:$0x3FD2] =	sst s25  }
0xb5: {  	s6 =	sshll.u32 s26, $0x1;
	_ =	strace $0x8000005A;
	[dreg:$0x1] =	wrdreg $0xFFFFFFFF  }
0xb6: {  	s28 =	simm.s32 $_size_execute0_lowered;
	s3 =	sadd.s32 s3, s6;
	[dreg:$0x0] =	wrdreg $0x0  }
0xb7: {  	s6 =	sshll.u32 s28, $0x1;
	[dreg:$0x2] =	wrdreg s3  }
0xb8: {  	[dreg:$0x3] =	wrdreg s6  }
0xb9: {  	[dreg:$0x4] =	wrdreg $0xC0  }
0xba: {  	_ =	task [dreg:s22], $0x5FFFF  }
0xbb: {  	[dreg:$0x1] =	wrdreg $0xFFFFFFFF  }
0xbc: {  	[dreg:$0x0] =	wrdreg $0x60  }
0xbd: {  	[dreg:$0x2] =	wrdreg s24  }
0xbe: {  	[dreg:$0x3] =	wrdreg s1  }
0xbf: {  	[dreg:$0x4] =	wrdreg s4  }
0xc0: {  	[dreg:$0x5] =	wrdreg $0xB  }
0xc1: {  	_ =	task.clear_ibuf [dreg:s22], $0x6FFFF;
	_ =	strace $0x9000005A  }
0xc2: {  	s29 =	simm.s32 $0xB;
	_ =	strace $0x8000005C  }
0xc3: {  	_ =	swait.ge [sflag:s29], $0x1  }
0xc4: {  	[sflag:s29] =	ssyncadd.s32 $0xFFFFFFFF  }
0xc5: {  	_ =	strace $0x9000005C  }
0xc6: {  	_ =	sfence  }
0xc7: {  	s30 =	sld [smem:$0x0];
	_ =	sdelay $0x2  }
0xc8: {  	s31 =	sshll.u32 s1, $0xD;
	s1 =	sshrl.u32 s1, $0x2  }
0xc9: {  	s4 =	sand.u32 $0x4000, s31;
	s1 =	sadd.s32 s1, s30  }
0xca: {  	s0 =	sor.u32 s4, s0;
	s1 =	sshll.u32 s1, $0x11  }
0xcb: {  	s0 =	sor.u32 s1, s0  }
0xcc: {  	s0 =	sadd.s32 $0x8F2B, s0  }
0xcd: {  	[sflag:s0] =	ssyncadd.remote.s32 $0x1  }
0xce: {  	_ =	sfence.sel $0xFFFF  }
0xcf: {  	[dreg:$0x0] =	wrdreg $0xFFFFFFFF;
	(pc) =	sbr.abs _section_cstart, $3  }
0xd0: {  	[dreg:$0x1] =	wrdreg $0xFFFFFFFF  }
0xd1: {  	_ =	task.clear_ibuf [dreg:s22], $0x2FFFF;
	_ =	strace $0x9FFFFFFF  }
0xd2: {  	(tm) =	ssettm $0x7FFFFFFF  }
0xd3: {  	_ =	shalt  }
tec
execute0_lowered:
.L_overlay_start_1:
0x0: {  	(tag) =	ssettag $0x1  }
0x1: {  	s11 =	rddreg [dreg:$0x0]  }
0x2: {  	s2 =	rddreg [dreg:$0x1];
	_ =	strace $0x8000005B;
	s12 =	simm.s32 $0x1  }
0x3: {  	v0 =	vimm.s32 $0x0;
	[sflag:s12] =	ssyncpa.u1 $0x0  }
0x4: {  	[tilespmem:$0x28] =	vst v0  }
0x5: {  	[tilespmem:$0x38] =	vst v0  }
0x6: {  	[tilespmem:$0x48] =	vst v0  }
0x7: {  	[tilespmem:$0x58] =	vst v0  }
0x8: {  	[tilespmem:$0x68] =	vst v0  }
0x9: {  	[tilespmem:$0x78] =	vst v0  }
0xa: {  	[tilespmem:$0x88] =	vst v0  }
0xb: {  	[tilespmem:$0x98] =	vst v0  }
0xc: {  	[tilespmem:$0xA8] =	vst v0  }
0xd: {  	[tilespmem:$0xB8] =	vst v0  }
0xe: {  	[tilespmem:$0xC8] =	vst v0  }
0xf: {  	[tilespmem:$0xD8] =	vst v0  }
0x10: {  	[tilespmem:$0xE8] =	vst v0  }
0x11: {  	[tilespmem:$0xF8] =	vst v0  }
0x12: {  	[tilespmem:$0x108] =	vst v0  }
0x13: {  	[tilespmem:$0x118] =	vst v0  }
0x14: {  	[tilespmem:$0x128] =	vst v0  }
0x15: {  	[tilespmem:$0x138] =	vst v0  }
0x16: {  	[tilespmem:$0x148] =	vst v0  }
0x17: {  	[tilespmem:$0x158] =	vst v0  }
0x18: {  	[tilespmem:$0x168] =	vst v0  }
0x19: {  	[tilespmem:$0x178] =	vst v0  }
0x1a: {  	[tilespmem:$0x188] =	vst v0  }
0x1b: {  	[tilespmem:$0x198] =	vst v0  }
0x1c: {  	[tilespmem:$0x1A8] =	vst v0  }
0x1d: {  	[tilespmem:$0x1B8] =	vst v0  }
0x1e: {  	[tilespmem:$0x1C8] =	vst v0  }
0x1f: {  	[tilespmem:$0x1D8] =	vst v0  }
0x20: {  	[tilespmem:$0x1E8] =	vst v0  }
0x21: {  	[tilespmem:$0x1F8] =	vst v0  }
0x22: {  	[tilespmem:$0x208] =	vst v0  }
0x23: {  	[tilespmem:$0x218] =	vst v0  }
0x24: {  	[tilespmem:$0x228] =	vst v0  }
0x25: {  	[tilespmem:$0x238] =	vst v0  }
0x26: {  	[tilespmem:$0x248] =	vst v0  }
0x27: {  	[tilespmem:$0x258] =	vst v0  }
0x28: {  	[tilespmem:$0x268] =	vst v0  }
0x29: {  	[tilespmem:$0x278] =	vst v0  }
0x2a: {  	[tilespmem:$0x288] =	vst v0  }
0x2b: {  	[tilespmem:$0x298] =	vst v0  }
0x2c: {  	[tilespmem:$0x2A8] =	vst v0  }
0x2d: {  	[tilespmem:$0x2B8] =	vst v0  }
0x2e: {  	[tilespmem:$0x2C8] =	vst v0  }
0x2f: {  	[tilespmem:$0x2D8] =	vst v0  }
0x30: {  	[tilespmem:$0x2E8] =	vst v0  }
0x31: {  	[tilespmem:$0x2F8] =	vst v0  }
0x32: {  	[tilespmem:$0x308] =	vst v0  }
0x33: {  	[tilespmem:$0x318] =	vst v0  }
0x34: {  	[tilespmem:$0x328] =	vst v0  }
0x35: {  	[tilespmem:$0x338] =	vst v0  }
0x36: {  	[tilespmem:$0x348] =	vst v0  }
0x37: {  	[tilespmem:$0x358] =	vst v0  }
0x38: {  	[tilespmem:$0x368] =	vst v0  }
0x39: {  	[tilespmem:$0x378] =	vst v0  }
0x3a: {  	[tilespmem:$0x388] =	vst v0  }
0x3b: {  	[tilespmem:$0x398] =	vst v0  }
0x3c: {  	[tilespmem:$0x3A8] =	vst v0  }
0x3d: {  	[tilespmem:$0x3B8] =	vst v0  }
0x3e: {  	[tilespmem:$0x3C8] =	vst v0  }
0x3f: {  	[tilespmem:$0x3D8] =	vst v0  }
0x40: {  	[tilespmem:$0x3E8] =	vst v0  }
0x41: {  	[tilespmem:$0x3F8] =	vst v0  }
0x42: {  	[tilespmem:$0x408] =	vst v0  }
0x43: {  	[tilespmem:$0x418] =	vst v0  }
0x44: {  	[tilespmem:$0x428] =	vst v0  }
0x45: {  	[tilespmem:$0x438] =	vst v0  }
0x46: {  	[tilespmem:$0x448] =	vst v0  }
0x47: {  	[tilespmem:$0x458] =	vst v0  }
0x48: {  	[tilespmem:$0x468] =	vst v0  }
0x49: {  	[tilespmem:$0x478] =	vst v0  }
0x4a: {  	[tilespmem:$0x488] =	vst v0  }
0x4b: {  	[tilespmem:$0x498] =	vst v0  }
0x4c: {  	[tilespmem:$0x4A8] =	vst v0  }
0x4d: {  	[tilespmem:$0x4B8] =	vst v0  }
0x4e: {  	[tilespmem:$0x4C8] =	vst v0  }
0x4f: {  	[tilespmem:$0x4D8] =	vst v0  }
0x50: {  	[tilespmem:$0x4E8] =	vst v0  }
0x51: {  	[tilespmem:$0x4F8] =	vst v0  }
0x52: {  	[tilespmem:$0x508] =	vst v0  }
0x53: {  	[tilespmem:$0x518] =	vst v0  }
0x54: {  	[tilespmem:$0x528] =	vst v0  }
0x55: {  	[tilespmem:$0x538] =	vst v0  }
0x56: {  	[tilespmem:$0x548] =	vst v0  }
0x57: {  	[tilespmem:$0x558] =	vst v0  }
0x58: {  	[tilespmem:$0x568] =	vst v0  }
0x59: {  	[tilespmem:$0x578] =	vst v0  }
0x5a: {  	[tilespmem:$0x588] =	vst v0  }
0x5b: {  	[tilespmem:$0x598] =	vst v0  }
0x5c: {  	[tilespmem:$0x5A8] =	vst v0  }
0x5d: {  	[tilespmem:$0x5B8] =	vst v0  }
0x5e: {  	[tilespmem:$0x5C8] =	vst v0  }
0x5f: {  	[tilespmem:$0x5D8] =	vst v0  }
0x60: {  	[tilespmem:$0x5E8] =	vst v0  }
0x61: {  	[tilespmem:$0x5F8] =	vst v0  }
0x62: {  	[tilespmem:$0x608] =	vst v0  }
0x63: {  	[tilespmem:$0x618] =	vst v0  }
0x64: {  	[tilespmem:$0x628] =	vst v0  }
0x65: {  	[tilespmem:$0x638] =	vst v0  }
0x66: {  	[tilespmem:$0x648] =	vst v0  }
0x67: {  	[tilespmem:$0x658] =	vst v0  }
0x68: {  	[tilespmem:$0x668] =	vst v0  }
0x69: {  	[tilespmem:$0x678] =	vst v0  }
0x6a: {  	[tilespmem:$0x688] =	vst v0  }
0x6b: {  	[tilespmem:$0x698] =	vst v0  }
0x6c: {  	[tilespmem:$0x6A8] =	vst v0  }
0x6d: {  	[tilespmem:$0x6B8] =	vst v0  }
0x6e: {  	[tilespmem:$0x6C8] =	vst v0  }
0x6f: {  	[tilespmem:$0x6D8] =	vst v0  }
0x70: {  	[tilespmem:$0x6E8] =	vst v0  }
0x71: {  	[tilespmem:$0x6F8] =	vst v0  }
0x72: {  	[tilespmem:$0x708] =	vst v0  }
0x73: {  	[tilespmem:$0x718] =	vst v0  }
0x74: {  	[tilespmem:$0x728] =	vst v0  }
0x75: {  	[tilespmem:$0x738] =	vst v0  }
0x76: {  	[tilespmem:$0x748] =	vst v0  }
0x77: {  	[tilespmem:$0x758] =	vst v0  }
0x78: {  	[tilespmem:$0x768] =	vst v0  }
0x79: {  	[tilespmem:$0x778] =	vst v0  }
0x7a: {  	[tilespmem:$0x788] =	vst v0  }
0x7b: {  	[tilespmem:$0x798] =	vst v0  }
0x7c: {  	[tilespmem:$0x7A8] =	vst v0  }
0x7d: {  	[tilespmem:$0x7B8] =	vst v0  }
0x7e: {  	[tilespmem:$0x7C8] =	vst v0  }
0x7f: {  	[tilespmem:$0x7D8] =	vst v0  }
0x80: {  	[tilespmem:$0x7E8] =	vst v0  }
0x81: {  	[tilespmem:$0x7F8] =	vst v0  }
0x82: {  	[tilespmem:$0x808] =	vst v0  }
0x83: {  	[tilespmem:$0x818] =	vst v0  }
0x84: {  	[tilespmem:$0x828] =	vst v0  }
0x85: {  	[tilespmem:$0x838] =	vst v0  }
0x86: {  	[tilespmem:$0x848] =	vst v0  }
0x87: {  	[tilespmem:$0x858] =	vst v0  }
0x88: {  	[tilespmem:$0x868] =	vst v0  }
0x89: {  	[tilespmem:$0x878] =	vst v0  }
0x8a: {  	[tilespmem:$0x888] =	vst v0  }
0x8b: {  	[tilespmem:$0x898] =	vst v0  }
0x8c: {  	[tilespmem:$0x8A8] =	vst v0  }
0x8d: {  	[tilespmem:$0x8B8] =	vst v0  }
0x8e: {  	[tilespmem:$0x8C8] =	vst v0  }
0x8f: {  	[tilespmem:$0x8D8] =	vst v0  }
0x90: {  	[tilespmem:$0x8E8] =	vst v0  }
0x91: {  	[tilespmem:$0x8F8] =	vst v0  }
0x92: {  	[tilespmem:$0x908] =	vst v0  }
0x93: {  	[tilespmem:$0x918] =	vst v0  }
0x94: {  	[tilespmem:$0x928] =	vst v0  }
0x95: {  	[tilespmem:$0x938] =	vst v0  }
0x96: {  	[tilespmem:$0x948] =	vst v0  }
0x97: {  	[tilespmem:$0x958] =	vst v0  }
0x98: {  	[tilespmem:$0x968] =	vst v0  }
0x99: {  	[tilespmem:$0x978] =	vst v0  }
0x9a: {  	[tilespmem:$0x988] =	vst v0  }
0x9b: {  	[tilespmem:$0x998] =	vst v0  }
0x9c: {  	[tilespmem:$0x9A8] =	vst v0  }
0x9d: {  	[tilespmem:$0x9B8] =	vst v0  }
0x9e: {  	[tilespmem:$0x9C8] =	vst v0  }
0x9f: {  	[tilespmem:$0x9D8] =	vst v0  }
0xa0: {  	[tilespmem:$0x9E8] =	vst v0  }
0xa1: {  	[tilespmem:$0x9F8] =	vst v0  }
0xa2: {  	[tilespmem:$0xA08] =	vst v0  }
0xa3: {  	[tilespmem:$0xA18] =	vst v0  }
0xa4: {  	[tilespmem:$0xA28] =	vst v0  }
0xa5: {  	[tilespmem:$0xA38] =	vst v0  }
0xa6: {  	[tilespmem:$0xA48] =	vst v0  }
0xa7: {  	[tilespmem:$0xA58] =	vst v0  }
0xa8: {  	[tilespmem:$0xA68] =	vst v0  }
0xa9: {  	[tilespmem:$0xA78] =	vst v0  }
0xaa: {  	[tilespmem:$0xA88] =	vst v0  }
0xab: {  	[tilespmem:$0xA98] =	vst v0  }
0xac: {  	[tilespmem:$0xAA8] =	vst v0  }
0xad: {  	[tilespmem:$0xAB8] =	vst v0  }
0xae: {  	[tilespmem:$0xAC8] =	vst v0  }
0xaf: {  	[tilespmem:$0xAD8] =	vst v0  }
0xb0: {  	[tilespmem:$0xAE8] =	vst v0  }
0xb1: {  	[tilespmem:$0xAF8] =	vst v0  }
0xb2: {  	[tilespmem:$0xB08] =	vst v0  }
0xb3: {  	[tilespmem:$0xB18] =	vst v0  }
0xb4: {  	[tilespmem:$0xB28] =	vst v0  }
0xb5: {  	[tilespmem:$0xB38] =	vst v0  }
0xb6: {  	[tilespmem:$0xB48] =	vst v0  }
0xb7: {  	[tilespmem:$0xB58] =	vst v0  }
0xb8: {  	[tilespmem:$0xB68] =	vst v0  }
0xb9: {  	[tilespmem:$0xB78] =	vst v0  }
0xba: {  	[tilespmem:$0xB88] =	vst v0  }
0xbb: {  	[tilespmem:$0xB98] =	vst v0  }
0xbc: {  	[tilespmem:$0xBA8] =	vst v0  }
0xbd: {  	[tilespmem:$0xBB8] =	vst v0  }
0xbe: {  	[tilespmem:$0xBC8] =	vst v0  }
0xbf: {  	[tilespmem:$0xBD8] =	vst v0  }
0xc0: {  	[tilespmem:$0xBE8] =	vst v0  }
0xc1: {  	[tilespmem:$0xBF8] =	vst v0  }
0xc2: {  	[tilespmem:$0xC08] =	vst v0  }
0xc3: {  	[tilespmem:$0xC18] =	vst v0  }
0xc4: {  	[tilespmem:$0xC28] =	vst v0  }
0xc5: {  	[tilespmem:$0xC38] =	vst v0  }
0xc6: {  	[tilespmem:$0xC48] =	vst v0  }
0xc7: {  	[tilespmem:$0xC58] =	vst v0  }
0xc8: {  	[tilespmem:$0xC68] =	vst v0  }
0xc9: {  	[tilespmem:$0xC78] =	vst v0  }
0xca: {  	[tilespmem:$0xC88] =	vst v0  }
0xcb: {  	[tilespmem:$0xC98] =	vst v0  }
0xcc: {  	[tilespmem:$0xCA8] =	vst v0  }
0xcd: {  	[tilespmem:$0xCB8] =	vst v0  }
0xce: {  	[tilespmem:$0xCC8] =	vst v0  }
0xcf: {  	[tilespmem:$0xCD8] =	vst v0  }
0xd0: {  	[tilespmem:$0xCE8] =	vst v0  }
0xd1: {  	[tilespmem:$0xCF8] =	vst v0  }
0xd2: {  	[tilespmem:$0xD08] =	vst v0  }
0xd3: {  	[tilespmem:$0xD18] =	vst v0  }
0xd4: {  	[tilespmem:$0xD28] =	vst v0  }
0xd5: {  	[tilespmem:$0xD38] =	vst v0  }
0xd6: {  	[tilespmem:$0xD48] =	vst v0  }
0xd7: {  	[tilespmem:$0xD58] =	vst v0  }
0xd8: {  	[tilespmem:$0xD68] =	vst v0  }
0xd9: {  	[tilespmem:$0xD78] =	vst v0  }
0xda: {  	[tilespmem:$0xD88] =	vst v0  }
0xdb: {  	[tilespmem:$0xD98] =	vst v0  }
0xdc: {  	[tilespmem:$0xDA8] =	vst v0  }
0xdd: {  	[tilespmem:$0xDB8] =	vst v0  }
0xde: {  	[tilespmem:$0xDC8] =	vst v0  }
0xdf: {  	[tilespmem:$0xDD8] =	vst v0  }
0xe0: {  	[tilespmem:$0xDE8] =	vst v0  }
0xe1: {  	[tilespmem:$0xDF8] =	vst v0  }
0xe2: {  	[tilespmem:$0xE08] =	vst v0  }
0xe3: {  	[tilespmem:$0xE18] =	vst v0  }
0xe4: {  	[tilespmem:$0xE28] =	vst v0  }
0xe5: {  	[tilespmem:$0xE38] =	vst v0  }
0xe6: {  	[tilespmem:$0xE48] =	vst v0  }
0xe7: {  	[tilespmem:$0xE58] =	vst v0  }
0xe8: {  	[tilespmem:$0xE68] =	vst v0  }
0xe9: {  	[tilespmem:$0xE78] =	vst v0  }
0xea: {  	[tilespmem:$0xE88] =	vst v0  }
0xeb: {  	[tilespmem:$0xE98] =	vst v0  }
0xec: {  	[tilespmem:$0xEA8] =	vst v0  }
0xed: {  	[tilespmem:$0xEB8] =	vst v0  }
0xee: {  	[tilespmem:$0xEC8] =	vst v0  }
0xef: {  	[tilespmem:$0xED8] =	vst v0  }
0xf0: {  	[tilespmem:$0xEE8] =	vst v0  }
0xf1: {  	[tilespmem:$0xEF8] =	vst v0  }
0xf2: {  	[tilespmem:$0xF08] =	vst v0  }
0xf3: {  	[tilespmem:$0xF18] =	vst v0  }
0xf4: {  	[tilespmem:$0xF28] =	vst v0  }
0xf5: {  	[tilespmem:$0xF38] =	vst v0  }
0xf6: {  	[tilespmem:$0xF48] =	vst v0  }
0xf7: {  	[tilespmem:$0xF58] =	vst v0  }
0xf8: {  	[tilespmem:$0xF68] =	vst v0  }
0xf9: {  	[tilespmem:$0xF78] =	vst v0  }
0xfa: {  	[tilespmem:$0xF88] =	vst v0  }
0xfb: {  	[tilespmem:$0xF98] =	vst v0  }
0xfc: {  	[tilespmem:$0xFA8] =	vst v0  }
0xfd: {  	[tilespmem:$0xFB8] =	vst v0  }
0xfe: {  	[tilespmem:$0xFC8] =	vst v0  }
0xff: {  	[tilespmem:$0xFD8] =	vst v0  }
0x100: {  	[tilespmem:$0xFE8] =	vst v0  }
0x101: {  	[tilespmem:$0xFF8] =	vst v0  }
0x102: {  	[tilespmem:$0x1028] =	vst v0  }
0x103: {  	[tilespmem:$0x10E8] =	vst v0  }
0x104: {  	[tilespmem:$0x1068] =	vst v0  }
0x105: {  	[tilespmem:$0x1B28] =	vst v0  }
0x106: {  	[tilespmem:$0x1B18] =	vst v0  }
0x107: {  	[tilespmem:$0x1B08] =	vst v0  }
0x108: {  	[tilespmem:$0x1AF8] =	vst v0  }
0x109: {  	[tilespmem:$0x1AE8] =	vst v0  }
0x10a: {  	[tilespmem:$0x1AD8] =	vst v0  }
0x10b: {  	[tilespmem:$0x1AC8] =	vst v0  }
0x10c: {  	[tilespmem:$0x1AB8] =	vst v0  }
0x10d: {  	[tilespmem:$0x1AA8] =	vst v0  }
0x10e: {  	[tilespmem:$0x1A98] =	vst v0  }
0x10f: {  	[tilespmem:$0x1A88] =	vst v0  }
0x110: {  	[tilespmem:$0x1A78] =	vst v0  }
0x111: {  	[tilespmem:$0x1A68] =	vst v0  }
0x112: {  	[tilespmem:$0x1A58] =	vst v0  }
0x113: {  	[tilespmem:$0x1A48] =	vst v0  }
0x114: {  	[tilespmem:$0x1A38] =	vst v0  }
0x115: {  	[tilespmem:$0x1A28] =	vst v0  }
0x116: {  	[tilespmem:$0x1A18] =	vst v0  }
0x117: {  	[tilespmem:$0x1A08] =	vst v0  }
0x118: {  	[tilespmem:$0x19F8] =	vst v0  }
0x119: {  	[tilespmem:$0x19E8] =	vst v0  }
0x11a: {  	[tilespmem:$0x19D8] =	vst v0  }
0x11b: {  	[tilespmem:$0x19C8] =	vst v0  }
0x11c: {  	[tilespmem:$0x19B8] =	vst v0  }
0x11d: {  	[tilespmem:$0x19A8] =	vst v0  }
0x11e: {  	[tilespmem:$0x1998] =	vst v0  }
0x11f: {  	[tilespmem:$0x1988] =	vst v0  }
0x120: {  	[tilespmem:$0x1978] =	vst v0  }
0x121: {  	[tilespmem:$0x1968] =	vst v0  }
0x122: {  	[tilespmem:$0x1958] =	vst v0  }
0x123: {  	[tilespmem:$0x1948] =	vst v0  }
0x124: {  	[tilespmem:$0x1938] =	vst v0  }
0x125: {  	[tilespmem:$0x1928] =	vst v0  }
0x126: {  	[tilespmem:$0x1918] =	vst v0  }
0x127: {  	[tilespmem:$0x1908] =	vst v0  }
0x128: {  	[tilespmem:$0x18F8] =	vst v0  }
0x129: {  	[tilespmem:$0x18E8] =	vst v0  }
0x12a: {  	[tilespmem:$0x18D8] =	vst v0  }
0x12b: {  	[tilespmem:$0x18C8] =	vst v0  }
0x12c: {  	[tilespmem:$0x18B8] =	vst v0  }
0x12d: {  	[tilespmem:$0x18A8] =	vst v0  }
0x12e: {  	[tilespmem:$0x1898] =	vst v0  }
0x12f: {  	[tilespmem:$0x1888] =	vst v0  }
0x130: {  	[tilespmem:$0x1878] =	vst v0  }
0x131: {  	[tilespmem:$0x1868] =	vst v0  }
0x132: {  	[tilespmem:$0x1858] =	vst v0  }
0x133: {  	[tilespmem:$0x1848] =	vst v0  }
0x134: {  	[tilespmem:$0x1838] =	vst v0  }
0x135: {  	[tilespmem:$0x1828] =	vst v0  }
0x136: {  	[tilespmem:$0x1818] =	vst v0  }
0x137: {  	[tilespmem:$0x1808] =	vst v0  }
0x138: {  	[tilespmem:$0x17F8] =	vst v0  }
0x139: {  	[tilespmem:$0x17E8] =	vst v0  }
0x13a: {  	[tilespmem:$0x17D8] =	vst v0  }
0x13b: {  	[tilespmem:$0x17C8] =	vst v0  }
0x13c: {  	[tilespmem:$0x17B8] =	vst v0  }
0x13d: {  	[tilespmem:$0x17A8] =	vst v0  }
0x13e: {  	[tilespmem:$0x1798] =	vst v0  }
0x13f: {  	[tilespmem:$0x1788] =	vst v0  }
0x140: {  	[tilespmem:$0x1778] =	vst v0  }
0x141: {  	[tilespmem:$0x1768] =	vst v0  }
0x142: {  	[tilespmem:$0x1758] =	vst v0  }
0x143: {  	[tilespmem:$0x1748] =	vst v0  }
0x144: {  	[tilespmem:$0x1738] =	vst v0  }
0x145: {  	[tilespmem:$0x1728] =	vst v0  }
0x146: {  	[tilespmem:$0x1718] =	vst v0  }
0x147: {  	[tilespmem:$0x1708] =	vst v0  }
0x148: {  	[tilespmem:$0x16F8] =	vst v0  }
0x149: {  	[tilespmem:$0x16E8] =	vst v0  }
0x14a: {  	[tilespmem:$0x16D8] =	vst v0  }
0x14b: {  	[tilespmem:$0x16C8] =	vst v0  }
0x14c: {  	[tilespmem:$0x16B8] =	vst v0  }
0x14d: {  	[tilespmem:$0x16A8] =	vst v0  }
0x14e: {  	[tilespmem:$0x1698] =	vst v0  }
0x14f: {  	[tilespmem:$0x1688] =	vst v0  }
0x150: {  	[tilespmem:$0x1678] =	vst v0  }
0x151: {  	[tilespmem:$0x1668] =	vst v0  }
0x152: {  	[tilespmem:$0x1658] =	vst v0  }
0x153: {  	[tilespmem:$0x1648] =	vst v0  }
0x154: {  	[tilespmem:$0x1638] =	vst v0  }
0x155: {  	[tilespmem:$0x1628] =	vst v0  }
0x156: {  	[tilespmem:$0x1618] =	vst v0  }
0x157: {  	[tilespmem:$0x1608] =	vst v0  }
0x158: {  	[tilespmem:$0x15F8] =	vst v0  }
0x159: {  	[tilespmem:$0x15E8] =	vst v0  }
0x15a: {  	[tilespmem:$0x15D8] =	vst v0  }
0x15b: {  	[tilespmem:$0x15C8] =	vst v0  }
0x15c: {  	[tilespmem:$0x15B8] =	vst v0  }
0x15d: {  	[tilespmem:$0x15A8] =	vst v0  }
0x15e: {  	[tilespmem:$0x1598] =	vst v0  }
0x15f: {  	[tilespmem:$0x1588] =	vst v0  }
0x160: {  	[tilespmem:$0x1578] =	vst v0  }
0x161: {  	[tilespmem:$0x1568] =	vst v0  }
0x162: {  	[tilespmem:$0x1558] =	vst v0  }
0x163: {  	[tilespmem:$0x1548] =	vst v0  }
0x164: {  	[tilespmem:$0x1538] =	vst v0  }
0x165: {  	[tilespmem:$0x1528] =	vst v0  }
0x166: {  	[tilespmem:$0x1518] =	vst v0  }
0x167: {  	[tilespmem:$0x1508] =	vst v0  }
0x168: {  	[tilespmem:$0x14F8] =	vst v0  }
0x169: {  	[tilespmem:$0x14E8] =	vst v0  }
0x16a: {  	[tilespmem:$0x14D8] =	vst v0  }
0x16b: {  	[tilespmem:$0x14C8] =	vst v0  }
0x16c: {  	[tilespmem:$0x14B8] =	vst v0  }
0x16d: {  	[tilespmem:$0x14A8] =	vst v0  }
0x16e: {  	[tilespmem:$0x1498] =	vst v0  }
0x16f: {  	[tilespmem:$0x1488] =	vst v0  }
0x170: {  	[tilespmem:$0x1478] =	vst v0  }
0x171: {  	[tilespmem:$0x1468] =	vst v0  }
0x172: {  	[tilespmem:$0x1458] =	vst v0  }
0x173: {  	[tilespmem:$0x1448] =	vst v0  }
0x174: {  	[tilespmem:$0x1438] =	vst v0  }
0x175: {  	[tilespmem:$0x1428] =	vst v0  }
0x176: {  	[tilespmem:$0x1418] =	vst v0  }
0x177: {  	[tilespmem:$0x1408] =	vst v0  }
0x178: {  	[tilespmem:$0x13F8] =	vst v0  }
0x179: {  	[tilespmem:$0x13E8] =	vst v0  }
0x17a: {  	[tilespmem:$0x13D8] =	vst v0  }
0x17b: {  	[tilespmem:$0x13C8] =	vst v0  }
0x17c: {  	[tilespmem:$0x13B8] =	vst v0  }
0x17d: {  	[tilespmem:$0x13A8] =	vst v0  }
0x17e: {  	[tilespmem:$0x1398] =	vst v0  }
0x17f: {  	[tilespmem:$0x1388] =	vst v0  }
0x180: {  	[tilespmem:$0x1378] =	vst v0  }
0x181: {  	[tilespmem:$0x1368] =	vst v0  }
0x182: {  	[tilespmem:$0x1358] =	vst v0  }
0x183: {  	[tilespmem:$0x1348] =	vst v0  }
0x184: {  	[tilespmem:$0x1338] =	vst v0  }
0x185: {  	[tilespmem:$0x1328] =	vst v0  }
0x186: {  	[tilespmem:$0x1318] =	vst v0  }
0x187: {  	[tilespmem:$0x1308] =	vst v0  }
0x188: {  	[tilespmem:$0x12F8] =	vst v0  }
0x189: {  	[tilespmem:$0x12E8] =	vst v0  }
0x18a: {  	[tilespmem:$0x12D8] =	vst v0  }
0x18b: {  	[tilespmem:$0x12C8] =	vst v0  }
0x18c: {  	[tilespmem:$0x12B8] =	vst v0  }
0x18d: {  	[tilespmem:$0x12A8] =	vst v0  }
0x18e: {  	[tilespmem:$0x1298] =	vst v0  }
0x18f: {  	[tilespmem:$0x1288] =	vst v0  }
0x190: {  	[tilespmem:$0x1278] =	vst v0  }
0x191: {  	[tilespmem:$0x1268] =	vst v0  }
0x192: {  	[tilespmem:$0x1258] =	vst v0  }
0x193: {  	[tilespmem:$0x1248] =	vst v0  }
0x194: {  	[tilespmem:$0x1238] =	vst v0  }
0x195: {  	[tilespmem:$0x1228] =	vst v0  }
0x196: {  	[tilespmem:$0x1218] =	vst v0  }
0x197: {  	[tilespmem:$0x1208] =	vst v0  }
0x198: {  	[tilespmem:$0x11F8] =	vst v0  }
0x199: {  	[tilespmem:$0x11E8] =	vst v0  }
0x19a: {  	[tilespmem:$0x11D8] =	vst v0  }
0x19b: {  	[tilespmem:$0x11C8] =	vst v0  }
0x19c: {  	[tilespmem:$0x11B8] =	vst v0  }
0x19d: {  	[tilespmem:$0x11A8] =	vst v0  }
0x19e: {  	[tilespmem:$0x1198] =	vst v0  }
0x19f: {  	[tilespmem:$0x1188] =	vst v0  }
0x1a0: {  	[tilespmem:$0x1178] =	vst v0  }
0x1a1: {  	[tilespmem:$0x1168] =	vst v0  }
0x1a2: {  	[tilespmem:$0x1158] =	vst v0  }
0x1a3: {  	[tilespmem:$0x1148] =	vst v0  }
0x1a4: {  	[tilespmem:$0x1138] =	vst v0  }
0x1a5: {  	[tilespmem:$0x1128] =	vst v0  }
0x1a6: {  	[tilespmem:$0x1118] =	vst v0  }
0x1a7: {  	s4 =	stileid.u32;
	[tilespmem:$0x1108] =	vst v0  }
0x1a8: {  	s0 =	smul.u32 $0xB, s4;
	[tilespmem:$0x10F8] =	vst v0  }
0x1a9: {  	s1 =	smin.u32 s4, $0xE;
	[tilespmem:$0x10C8] =	vst v0  }
0x1aa: {  	[tilespmem:$0x10D8] =	vst v0;
	s0 =	sadd.s32 s1, s0  }
0x1ab: {  	p0 =	slt.u32 s4, $0xE;
	[tilespmem:$0x10B8] =	vst v0;
	s1 =	simm.s32 $0x1440;
	s6 =	smul.u32 $0x1B0, s0  }
0x1ac: {  	s1 =	simm.s32 @!p0 $0x1290;
	[tilespmem:$0x1038] =	vst v0  }
0x1ad: {  	[tilespmem:$0x10A8] =	vst v0;
	s0 =	sadd.s32 s1, s6  }
0x1ae: {  	s3 =	simm.s32 $0x2;
	s8 =	simm.s32 $0x9;
	[tilespmem:$0x1098] =	vst v0;
	s7 =	smin.u32 s0, $0x14000  }
0x1af: {  	s10 =	simm.s32 $0xA;
	s30 =	simm.s32 $0xB;
	[tilespmem:$0x1088] =	vst v0;
	s0 =	ssub.s32 s7, s6  }
0x1b0: {  	s16 =	simm.s32 $0x0;
	p4 =	por $0x0, $0x0;
	[tilespmem:$0x1078] =	vst v0;
	p0 =	sgt.s32 s0, $0x0  }
0x1b1: {  	s17 =	simm.s32 $0xC;
	s21 =	simm.s32 $0x0;
	[tilespmem:$0x1058] =	vst v0;
	s0 =	simm.s32 @!p0 $0x0  }
0x1b2: {  	s18 =	simm.s32 $0x0;
	s2 =	sand.u32 $0x1, s2;
	[tilespmem:$0x1048] =	vst v0;
	s29 =	smulhi.u32 $0x4BDA12F7, s0  }
0x1b3: {  	s20 =	simm.s32 $0x0;
	s31 =	sshll.u32 s4, $0x5;
	[tilespmem:$0x1018] =	vst v0;
	[dreg:$0x5] =	wrdreg s2  }
0x1b4: {  	s2 =	smul.u32 $0x2800, s2;
	[tilespmem:$0x1008] =	vst v0;
	[sflag:s3] =	ssyncpa.u1 $0x0;
	s1 =	sshrl.u32 s29, $0x7  }
0x1b5: {  	v0 =	vimm.s32 $0xFFFFFFFF;
	s3 =	sadd.s32 $0x2E8000, s11;
	[dreg:$0x4] =	wrdreg s31;
	s5 =	smul.u32 $0x1B0, s1  }
.Ltmp0:
0x1b6: {  	[tilespmem:$0x3648] =	vst v0;
	[sflag:s8] =	ssyncpa.u1 $0x0;
	s2 =	sadd.s32 s2, s11;
	(pc) =	sbr.rel .LBB2_1-.Ltmp0, $4  }
0x1b7: {  	[sflag:s10] =	ssyncpa.u1 $0x0;
	s11 =	sadd.s32 $0x125D600, s11;
	p0 =	sne.s32 s0, s5  }
0x1b8: {  	[sflag:s30] =	ssyncpa.u1 $0x0;
	s14 =	sadd.s32 $0x5E00, s2;
	s12 =	simm.s32 @!p0 $0x0  }
0x1b9: {  	s15 =	sadd.s32 $0xE00, s2;
	s19 =	smov.u32 s6;
	s12 =	sadd.s32 s12, s1  }
0x1ba: {  	v0 =	vlaneseq.u32;
	[dreg:$0x6] =	wrdreg s6;
	p0 =	por $0x1, $0x1;
	s4 =	sadd.s32 $0x1, s12  }
.LBB2_18:
0x1bb: {  	s0 =	simm.s32 $0x2  }
0x1bc: {  	_ =	swait.ge [sflag:s0], $0x0  }
0x1bd: {  	[sflag:s0] =	ssyncset.done $0x0;
	s0 =	simm.s32 $0x0  }
.LBB2_19:
0x1be: {  	_ =	swait.ge [sflag:s17], s0  }
0x1bf: {  	s31 =	ssub.s32 $0x0, s0;
	v1 =	vmov s23;
	vm0 =	veq.s32 v0, $0x0;
	[sflag:s17] =	ssyncset.done $0x0  }
0x1c0: {  	vm15 =	veq.s32 v0, $0x2;
	v1 =	vsel vm0, s28, v1;
	[sflag:s17] =	ssyncadd.s32 s31  }
0x1c1: {  	v1 =	vsel vm15, s21, v1;
	[sflag:s17] =	ssyncpa.u1 $0x1  }
0x1c2: {  	[tilespmem:$0x3648] =	vst v1  }
.LBB2_20:
0x1c3: {  	s0 =	sadd.s32 $0x1B0, s19  }
0x1c4: {  	s1 =	smov.u32 s6;
	p1 =	slt.s32 s0, s7  }
0x1c5: {  	s1 =	smov.u32 @p1 s0;
	p1 =	sne.s32 s20, s4  }
.Ltmp1:
0x1c6: {  	_ = 	snop;
	(pc) =	sbr.rel @!p1 .LBB2_21-.Ltmp1, $4  }
0x1c7: {  	_ = 	snop  }
0x1c8: {  	s21 =	smov.u32 s18  }
0x1c9: {  	s31 =	sadd.s32 $0x1, s20;
	s18 =	smov.u32 s19;
	p0 =	por !p0, !p0  }
0x1ca: {  	p4 =	por !p4, !p4;
	s20 =	smov.u32 s31;
	s19 =	smov.u32 s1  }
.LBB2_1:
0x1cb: {  	p2 =	sge.u32 s20, s12  }
0x1cc: {  	s0 =	smulhi.u32 @!p2 $0xAAAAAAAB, s20  }
0x1cd: {  	s1 =	smov.u32 s19;
	p3 =	sgt.s32 @!p2 s19, $0x13E50  }
0x1ce: {  	s2 =	sshra.s32 @!p2 s19, $0x1F;
	p3 =	por !p3, p2;
	s0 =	sshrl.u32 @!p2 s0, $0x1  }
0x1cf: {  	s2 =	sand.u32 @!p2 s2, s19;
	s1 =	simm.s32 @p3 $0x13E50;
	s0 =	smul.u32 @!p2 $0x3, s0  }
0x1d0: {  	s1 =	ssub.s32 @!p2 s1, s2  }
0x1d1: {  	s23 =	sadd.s32 $0xFFFFFFFF, s20;
	s1 =	sadd.s32 @!p2 $0xFFFEC1B0, s1;
	s0 =	ssub.s32 @!p2 s20, s0  }
0x1d2: {  	s2 =	sshll.u32 @!p2 s1, $0x2;
	p3 =	sgt.s32 @!p2 s1, $0x1AF;
	s0 =	smul.u32 @!p2 $0x6C0, s0  }
0x1d3: {  	s5 =	sand.u32 @!p2 $0x7, s19;
	s1 =	ssub.s32 @!p2 $0x6C0, s2;
	p3 =	por !p3, p2  }
0x1d4: {  	s2 =	sshrl.u32 @!p2 s19, $0x3;
	s1 =	sshrl.u32 @!p2 s1, $0x2;
	s0 =	sshrl.u32 @!p2 s0, $0x2  }
0x1d5: {  	s2 =	sadd.s32 @!p2 s2, s14;
	s1 =	simm.s32 @!p3 $0x0;
	s0 =	sadd.s32 @!p2 $0x3888, s0  }
0x1d6: {  	[tilespmem:s0], [sflag:$0xA] =	stream.linear.gather @!p2 [hbm4b:s2+s5], s1, $0x38;
	[tilespmem:$0x1F0F8] =	vst v63  }
0x1d7: {  	p2 =	sge.u32 s23, s12  }
0x1d8: {  	p3 =	sgt.s32 @!p2 s18, $0x13E50  }
0x1d9: {  	s0 =	smov.u32 s18;
	s1 =	sshra.s32 @!p2 s18, $0x1F;
	p3 =	por !p3, p2  }
0x1da: {  	s1 =	sand.u32 @!p2 s1, s18;
	s0 =	simm.s32 @p3 $0x13E50  }
0x1db: {  	s0 =	ssub.s32 @!p2 s0, s1  }
0x1dc: {  	s0 =	sadd.s32 @!p2 $0xFFFEC1B0, s0  }
0x1dd: {  	s1 =	sshll.u32 @!p2 s0, $0x2  }
0x1de: {  	p3 =	sgt.s32 @!p2 s0, $0x1AF;
	s0 =	ssub.s32 @!p2 $0x6C0, s1  }
0x1df: {  	s22 =	ssub.s32 @!p2 $0x14000, s18;
	p3 =	por !p3, p2;
	s0 =	sshrl.u32 @!p2 s0, $0x2  }
0x1e0: {  	s1 =	sand.u32 @!p2 $0x1, s23;
	s0 =	simm.s32 @!p3 $0x0;
	p3 =	slt.s32 @!p2 s22, $0x1  }
0x1e1: {  	s2 =	simm.s32 @!p2 $0xA;
	s1 =	smul.u32 @!p2 $0x6C0, s1;
	p3 =	por p2, p3  }
.Ltmp2:
0x1e2: {  	_ =	swait.ge @!p2 [sflag:s2], s0;
	(pc) =	sbr.rel @p3 .LBB2_7-.Ltmp2, $4  }
0x1e3: {  	s5 =	ssub.s32 @!p2 $0x0, s0;
	[sflag:s2] =	ssyncset.done @!p2 $0x0  }
0x1e4: {  	s1 =	sshrl.u32 @!p2 s1, $0x2;
	[sflag:s2] =	ssyncadd.s32 @!p2 s5;
	s2 =	sshrl.u32 @!p2 s18, $0x3  }
0x1e5: {  	s1 =	sadd.s32 @!p2 $0x3D98, s1;
	s5 =	sand.u32 @!p2 $0x7, s18;
	s2 =	sadd.s32 @!p2 s2, s15  }
0x1e6: {  	[tilespmem:s1], [sflag:$0xB] =	stream.linear.gather @!p2 [hbm4b:s2+s5], s0, $0x38;
	[tilespmem:$0x1F0F8] =	vst v63  }
0x1e7: {  	s0 =	smulhi.u32 $0xAAAAAAAB, s23;
	_ =	sdelay $0x1  }
0x1e8: {  	s0 =	sshrl.u32 s0, $0x1  }
0x1e9: {  	s0 =	smul.u32 $0x3, s0;
	_ =	sdelay $0x1  }
0x1ea: {  	s0 =	ssub.s32 s23, s0  }
0x1eb: {  	s1 =	simm.s32 $0x1;
	s0 =	smul.u32 $0x6C0, s0  }
.Ltmp3:
0x1ec: {  	s1 =	simm.s32 @!p0 $0x0;
	(pc) =	sbr.rel .LBB2_4-.Ltmp3, $4  }
0x1ed: {  	s1 =	smul.u32 $0x36000, s1  }
0x1ee: {  	p3 =	slt.s32 @!p2 s22, $0x1B0;
	s0 =	sshrl.u32 s0, $0x2  }
0x1ef: {  	p2 =	por !p3, p2;
	s1 =	sshrl.u32 s1, $0x2;
	s0 =	sadd.s32 $0x3888, s0  }
0x1f0: {  	s24 =	simm.s32 $0x0;
	s22 =	simm.s32 @p2 $0x1B0;
	s23 =	sadd.s32 $0x40F8, s1;
	v1 =	vmov s0  }
.LBB2_3:
0x1f1: {  	p2 =	sge.s32 s24, s22  }
.Ltmp4:
0x1f2: {  	_ = 	snop;
	(pc) =	sbr.rel @p2 .LBB2_7-.Ltmp4, $2  }
0x1f3: {  	_ =	sdelay $0x2  }
0x1f4: {  	s23 =	sadd.s32 $0x800, s23  }
.LBB2_4:
0x1f5: {  	p2 =	sle.s32 s22, s24  }
.Ltmp5:
0x1f6: {  	_ = 	snop;
	(pc) =	sbr.rel @p2 .LBB2_3-.Ltmp5, $2  }
0x1f7: {  	_ =	sdelay $0x2  }
0x1f8: {  	s0 =	smov.u32 s24;
	s24 =	sadd.s32 $0x10, s24  }
0x1f9: {  	s1 =	ssub.s32 s22, s0  }
0x1fa: {  	p2 =	slt.s32 s1, $0x10  }
0x1fb: {  	s1 =	simm.s32 @!p2 $0x10  }
0x1fc: {  	v2 =	vmov s1  }
0x1fd: {  	vm0 =	vgt.s32 v2, v0;
	_ =	sdelay $0x5  }
0x1fe: {  	v2 =	vld.idx.msk [tilespmem:v1+s0+$0x0 ss:$0x1], vm0;
	_ =	sdelay $0x2  }
0x1ff: {  	p2 =	slt.s32 s24, s22;
	s1 =	smov.u32 s22  }
0x200: {  	s2 =	smov.u32 s23;
	s25 =	simm.s32 $0x0;
	s1 =	smov.u32 @p2 s24  }
.LBB2_6:
0x201: {  	(v2sf) =	vpush v2, s25;
	_ =	sdelay $0xc  }
0x202: {  	s25 =	sadd.s32 $0x1, s25  }
0x203: {  	s31 =	sadd.s32 s25, s0  }
0x204: {  	p2 =	slt.s32 s31, s1;
	s5 =	spop (v2sf)  }
.Ltmp6:
0x205: {  	s5 =	sshll.u32 s5, $0x4;
	(pc) =	sbr.rel @p2 .LBB2_6-.Ltmp6, $4  }
0x206: {  	s5 =	sand.u32 $0x1FFFFFF0, s5  }
0x207: {  	s5 =	sadd.s32 s11, s5  }
0x208: {  	[tilespmem:s2], [sflag:$0x9] =	stream.linear.gather [hbm4b:s5+s16], $0x10, $0x38;
	[tilespmem:$0x1F0F8] =	vst v63  }
0x209: {  	s2 =	sadd.s32 $0x80, s2  }
.Ltmp7:
0x20a: {  	_ = 	snop;
	(pc) =	sbr.rel .LBB2_3-.Ltmp7, $1  }
0x20b: {  	_ =	sdelay $0x3  }
.LBB2_7:
0x20c: {  	p2 =	slt.u32 s20, $0x2  }
.Ltmp8:
0x20d: {  	_ = 	snop;
	(pc) =	sbr.rel @p2 .LBB2_20-.Ltmp8, $1  }
0x20e: {  	_ =	sdelay $0x3  }
0x20f: {  	p2 =	sgt.s32 s21, $0x13E50  }
0x210: {  	s0 =	smov.u32 s21;
	s1 =	sshra.s32 s21, $0x1F;
	s2 =	ssub.s32 $0x14000, s21  }
0x211: {  	s0 =	simm.s32 @!p2 $0x13E50;
	s1 =	sand.u32 s1, s21;
	p2 =	slt.s32 s2, $0x1B0  }
0x212: {  	s0 =	ssub.s32 s0, s1;
	s2 =	simm.s32 @!p2 $0x1B0  }
0x213: {  	s0 =	sadd.s32 $0xFFFEC1B0, s0;
	s24 =	sshll.u32 s2, $0x4  }
0x214: {  	s28 =	simm.s32 $0x9;
	s25 =	sshll.u32 s0, $0x2;
	s1 =	sand.u32 $0x3FFFFFF0, s24  }
0x215: {  	p2 =	sgt.s32 s0, $0x1AF;
	s26 =	ssub.s32 $0x6C0, s25;
	_ =	swait.ge [sflag:s28], s1  }
0x216: {  	s1 =	ssub.s32 $0x0, s1;
	[sflag:s28] =	ssyncset.done $0x0;
	s0 =	sshrl.u32 s26, $0x2  }
0x217: {  	s30 =	simm.s32 $0xB;
	[sflag:s28] =	ssyncadd.s32 s1;
	s0 =	simm.s32 @p2 $0x0  }
0x218: {  	_ =	swait.ge [sflag:s30], s0  }
0x219: {  	s0 =	ssub.s32 $0x0, s0;
	[sflag:s30] =	ssyncset.done $0x0  }
0x21a: {  	[sflag:s30] =	ssyncadd.s32 s0  }
0x21b: {  	v1 =	vld [tilespmem:$0x3648];
	_ =	sdelay $0x4  }
0x21c: {  	(v2sf) =	vpush v1, $0x0  }
0x21d: {  	(v2sf) =	vpush v1, $0x1  }
0x21e: {  	(v2sf) =	vpush v1, $0x2;
	_ =	sdelay $0x3  }
0x21f: {  	s0 =	sadd.s32 $0x1B0, s21  }
0x220: {  	s1 =	ssub.s32 $0x28000, s21;
	p2 =	slt.s32 s7, s0  }
0x221: {  	s0 =	smov.u32 @p2 s7;
	p2 =	sgt.s32 s1, $0x0  }
0x222: {  	s25 =	ssub.s32 s0, s21;
	s1 =	simm.s32 @!p2 $0x0  }
0x223: {  	p2 =	slt.s32 s1, s25  }
0x224: {  	s25 =	smov.u32 @p2 s1  }
0x225: {  	s24 =	simm.s32 $0x1;
	p2 =	slt.s32 s25, $0x1  }
.Ltmp9:
0x226: {  	s24 =	simm.s32 @!p4 $0x0;
	(pc) =	sbr.rel @p2 .LBB2_12-.Ltmp9, $4  }
0x227: {  	s31 =	smul.u32 $0x6C0, s24  }
0x228: {  	s26 =	spop (v2sf)  }
0x229: {  	s0 =	sshrl.u32 s31, $0x2;
	s29 =	spop (v2sf)  }
0x22a: {  	s22 =	sadd.s32 $0x3D98, s0;
	s21 =	spop (v2sf)  }
0x22b: {  	s0 =	smin.u32 s25, $0x10  }
0x22c: {  	v1 =	vmov s0  }
0x22d: {  	p3 =	sgt.s32 s25, $0x10;
	vm1 =	vgt.u32 v1, v0  }
.Ltmp10:
0x22e: {  	_ = 	snop;
	(pc) =	sbr.rel @!p3 .LBB2_11-.Ltmp10, $2  }
0x22f: {  	_ =	sdelay $0x2  }
0x230: {  	s23 =	simm.s32 $0x10;
	s28 =	sadd.s32 $0xFFFFFFF0, s25;
	s0 =	smov.u32 s22;
	vm0 =	vmmov vm1  }
.LBB2_10:
0x231: {  	s1 =	smin.u32 s28, $0x10;
	s23 =	sadd.s32 $0x10, s23;
	v1 =	vld.msk [tilespmem:s0+$0x0 ss:$0x1], vm1  }
0x232: {  	v2 =	vmov s1;
	p3 =	slt.s32 s23, s25  }
0x233: {  	vm1 =	vgt.u32 v2, v0  }
.Ltmp11:
0x234: {  	(pc) =	sbr.rel @p3 .LBB2_10-.Ltmp11, $3  }
0x235: {  	_ =	sdelay $0x1  }
0x236: {  	v1 =	vshll.u32 v1, $0x4  }
0x237: {  	s28 =	sadd.s32 $0xFFFFFFF0, s28;
	[tilespmem:s0+$0x0] =	vst.msk vm0, v1;
	s0 =	sadd.s32 $0x10, s0;
	vm0 =	vmmov vm1  }
.LBB2_11:
0x238: {  	_ =	sdelay $0x4  }
0x239: {  	v1 =	vld.msk [tilespmem:s0+$0x0 ss:$0x1], vm1;
	_ =	sdelay $0x4  }
0x23a: {  	v1 =	vshll.u32 v1, $0x4  }
0x23b: {  	[tilespmem:s0+$0x0] =	vst.msk vm0, v1  }
.LBB2_12:
0x23c: {  	s0 =	sand.u32 $0x1, s20  }
0x23d: {  	s0 =	smul.u32 $0x1B0, s0  }
0x23e: {  	p3 =	sne.s32 s29, $0xFFFFFFFF  }
0x23f: {  	v1 =	vld.msk @!p3 [tilespmem:s0+$0x3D98], $0x1;
	_ =	sdelay $0x4  }
0x240: {  	(v2sf) =	vpush @!p3 v1, $0x0;
	_ =	sdelay $0xc  }
.Ltmp12:
0x241: {  	_ = 	snop;
	(pc) =	sbr.rel @p2 .LBB2_18-.Ltmp12, $4  }
0x242: {  	_ = 	snop  }
0x243: {  	s28 =	spop @!p3 (v2sf)  }
0x244: {  	s21 =	simm.s32 @!p3 $0x0;
	s23 =	smov.u32 s28  }
0x245: {  	[sflag:s17] =	ssyncpa.u1 $0x0;
	s28 =	smov.u32 @p3 s26;
	s23 =	smov.u32 @p3 s29  }
0x246: {  	v1 =	vld.msk [tilespmem:s22+$0x0], $0x1;
	_ =	sdelay $0x4  }
0x247: {  	(v2sf) =	vpush v1, $0x0;
	_ =	sdelay $0xe  }
0x248: {  	s0 =	simm.s32 @!p4 $0x0;
	s26 =	smul.u32 $0x36000, s24;
	s31 =	spop (v2sf)  }
0x249: {  	s29 =	ssub.s32 $0x0, s25;
	s0 =	simm.s32 @p4 $0x1;
	p2 =	seq.s32 s28, s31  }
0x24a: {  	s1 =	smov.u32 s28;
	[smem:$0x7FD] =	sst s0;
	p3 =	sgt.s32 @!p2 s28, $0x0  }
0x24b: {  	s0 =	sshrl.u32 s26, $0x2;
	s26 =	sadd.s32 $0x1, s29;
	p3 =	por !p3, p2  }
0x24c: {  	s1 =	simm.s32 @p3 $0x0;
	p3 =	seq.s32 s26, $0x0  }
.Ltmp13:
0x24d: {  	_ = 	snop;
	(pc) =	sbr.rel @p3 .LBB2_15-.Ltmp13, $4  }
0x24e: {  	s6 =	smov.u32 s4;
	s25 =	simm.s32 $0x0  }
0x24f: {  	s24 =	sadd.s32 $0x40F8, s0;
	s0 =	simm.s32 @!p2 $0x1;
	s2 =	smin.u32 @!p2 s1, $0x270FE  }
0x250: {  	s30 =	sadd.s32 $0x1, s22;
	s0 =	smov.u32 @p2 s25;
	s5 =	sand.u32 @!p2 $0x3FFF8, s2  }
0x251: {  	s1 =	simm.s32 @!p2 $0x1B38;
	s2 =	sand.u32 @!p2 $0x7, s2;
	s5 =	sadd.s32 @!p2 s3, s5  }
.LBB2_14:
0x252: {  	s4 =	smov.u32 s0  }
0x253: {  	[tilespmem:s1], [sflag:$0x2] =	stream.linear.gather @!p2 [hbm4b:s5+s2], $0x10, $0x38;
	[tilespmem:$0x1F0F8] =	vst v63  }
0x254: {  	s26 =	sadd.s32 $0x1, s26;
	s2 =	smov.u32 s31;
	v1 =	vld.msk [tilespmem:s30+$0x0], $0x1  }
0x255: {  	p3 =	seq.s32 s26, $0x0;
	_ =	sdelay $0x3  }
0x256: {  	(v2sf) =	vpush v1, $0x0;
	_ =	sdelay $0xe  }
0x257: {  	s31 =	spop (v2sf)  }
0x258: {  	p2 =	seq.s32 s2, s31  }
0x259: {  	p4 =	sgt.s32 @!p2 s2, $0x0;
	s1 =	sshll.u32 @!p2 s0, $0x6;
	s0 =	sadd.s32 @!p2 $0x1, s0  }
.Ltmp14:
0x25a: {  	p4 =	por !p4, p2;
	s1 =	sshra.s32 @!p2 s1, $0x2;
	(pc) =	sbr.rel @!p3 .LBB2_14-.Ltmp14, $4  }
0x25b: {  	s0 =	smov.u32 @p2 s4;
	s2 =	simm.s32 @p4 $0x0;
	s1 =	sadd.s32 @!p2 $0x1B38, s1  }
0x25c: {  	s2 =	smin.u32 @!p2 s2, $0x270FE  }
0x25d: {  	s4 =	sand.u32 @!p2 $0x3FFF8, s2;
	s2 =	sand.u32 @!p2 $0x7, s2  }
0x25e: {  	s30 =	sadd.s32 $0x1, s30;
	s5 =	sadd.s32 @!p2 s3, s4  }
.LBB2_15:
0x25f: {  	[tilespmem:s1], [sflag:$0x2] =	stream.linear.gather @!p2 [hbm4b:s5+s2], $0x10, $0x38;
	[tilespmem:$0x1F0F8] =	vst v63  }
0x260: {  	s0 =	sshll.u32 s0, $0x4  }
0x261: {  	s31 =	simm.s32 $0x2;
	s0 =	sand.u32 $0x3FFFFFF0, s0  }
0x262: {  	_ =	swait.ge [sflag:s31], s0  }
0x263: {  	s0 =	ssub.s32 $0x0, s0;
	[sflag:s31] =	ssyncset.done $0x0  }
0x264: {  	[sflag:s31] =	ssyncadd.s32 s0  }
0x265: {  	v1 =	vld.msk [tilespmem:s22+$0x0], $0x1;
	_ =	sdelay $0x4  }
0x266: {  	(v2sf) =	vpush v1, $0x0;
	_ =	sdelay $0xe  }
0x267: {  	s26 =	spop (v2sf)  }
0x268: {  	p2 =	sne.s32 s28, s26  }
0x269: {  	p4 =	sne.s32 @p2 s28, s23  }
0x26a: {  	p3 =	por !p4, !p2  }
0x26b: {  	s0 =	simm.s32 @!p3 $0x0  }
0x26c: {  	v1 =	vld @!p3 [tilespmem:s0+$0x1B38]  }
0x26d: {  	p5 =	sgt.u32 @!p3 s28, $0x270FE  }
0x26e: {  	s1 =	sshll.u32 @!p3 s21, $0x6;
	p6 =	por @p2 p5, !p4  }
0x26f: {  	s1 =	sshra.s32 @!p3 s1, $0x2;
	p1 =	por p6, !p2;
	p6 =	por p4, !p2  }
0x270: {  	s2 =	sadd.s32 @!p3 $0x28, s1;
	s4 =	sand.u32 @!p1 $0x3FFF8, s28;
	s5 =	sshll.u32 @!p6 s21, $0x6  }
0x271: {  	s28 =	sand.u32 @!p1 $0x7, s28;
	[tilespmem:s1+$0x28] =	vst.add.f32.msk @!p3 $0xffff, v1;
	s1 =	sadd.s32 @!p1 s3, s4;
	s4 =	sshra.s32 @!p6 s5, $0x2  }
0x272: {  	[hbm4b:s1+s28] =	stream.linear.scatter @!p1 [tilespmem:s2], [sflag:$0xC], $0x10, $0x38;
	[tilespmem:$0x1F0F8] =	vst v63  }
0x273: {  	s0 =	rddreg [dreg:$0x4];
	s1 =	sadd.s32 @!p6 $0x28, s4;
	s2 =	simm.s32 @!p6 $0x1  }
0x274: {  	[spmem:s0] =	stream.linear.scatter @!p6 [tilespmem:s1], [sflag:$0x1], $0x10, $0x38;
	[tilespmem:$0x1F0F8] =	vst v63  }
0x275: {  	s0 =	sadd.s32 @p2 $0x1, s21;
	_ =	swait.ge @!p6 [sflag:s2], $0x10  }
0x276: {  	s1 =	sshrl.u32 @p2 s0, $0x4;
	[sflag:s2] =	ssyncset.done @!p6 $0x0  }
0x277: {  	s1 =	smulhi.u32 @p2 $0x97B425F, s1;
	[sflag:s2] =	ssyncadd.s32 @!p6 $0xFFFFFFF0  }
0x278: {  	s28 =	sadd.s32 $0x1, s29;
	v1 =	vld @p2 [tilespmem:s24+$0x0]  }
0x279: {  	p1 =	por @p2 !p5, !p4;
	p4 =	seq.s32 s28, $0x0;
	s1 =	smul.u32 @p2 $0x1B0, s1  }
.Ltmp15:
0x27a: {  	p1 =	por !p1, !p2;
	s2 =	simm.s32 @!p3 $0x0;
	(pc) =	sbr.rel @p4 .LBB2_17-.Ltmp15, $4  }
0x27b: {  	s4 =	sshll.u32 @!p2 s21, $0x6;
	s2 =	simm.s32 @!p1 $0x40;
	s0 =	ssub.s32 @p2 s0, s1  }
0x27c: {  	s29 =	simm.s32 $0x0;
	s2 =	sadd.s32 @!p3 $0x0, s2;
	s5 =	sshll.u32 @p2 s0, $0x4  }
0x27d: {  	s30 =	sshra.s32 @!p2 s4, $0x2;
	s1 =	simm.s32 @p2 $0x1;
	s2 =	smov.u32 @p3 s25;
	[tilespmem:s5+$0x28] =	vst @p2 v1  }
0x27e: {  	s21 =	smov.u32 @p2 s0;
	s29 =	smov.u32 @p2 s2;
	s25 =	smov.u32 @p2 s1;
	v1 =	vld @!p2 [tilespmem:s24+$0x0]  }
.LBB2_16:
0x27f: {  	_ =	sdelay $0x3  }
0x280: {  	s22 =	sadd.s32 $0x1, s22;
	[tilespmem:s30+$0x28] =	vst.add.f32.msk @!p2 $0xffff, v1  }
0x281: {  	v1 =	vld.msk [tilespmem:s22+$0x0], $0x1;
	_ =	sdelay $0x4  }
0x282: {  	(v2sf) =	vpush v1, $0x0;
	_ =	sdelay $0xe  }
0x283: {  	s0 =	smov.u32 s26;
	s26 =	spop (v2sf)  }
0x284: {  	p2 =	sne.s32 s0, s26  }
0x285: {  	p5 =	sne.s32 @p2 s0, s23  }
0x286: {  	s4 =	sshll.u32 @!p2 s21, $0x6;
	p4 =	por !p5, !p2  }
0x287: {  	s30 =	sshra.s32 @!p2 s4, $0x2;
	s4 =	sshll.u32 @!p4 s25, $0x6  }
0x288: {  	s4 =	sshra.s32 @!p4 s4, $0x2  }
0x289: {  	p1 =	sgt.u32 @!p4 s0, $0x270FE;
	v1 =	vld @!p4 [tilespmem:s4+$0x1B38]  }
0x28a: {  	s31 =	sshll.u32 @!p4 s21, $0x6;
	p6 =	por @p2 p1, !p5;
	p1 =	por @p2 !p1, !p5  }
0x28b: {  	s8 =	simm.s32 @!p4 $0x0;
	s31 =	sshra.s32 @!p4 s31, $0x2;
	p1 =	por !p1, !p2  }
0x28c: {  	p5 =	por p5, !p2;
	s8 =	simm.s32 @!p1 $0x40;
	p1 =	por p6, !p2  }
0x28d: {  	s4 =	sadd.s32 @!p4 $0x28, s31;
	s13 =	sshll.u32 @!p5 s21, $0x6;
	s10 =	sand.u32 @!p1 $0x3FFF8, s0  }
0x28e: {  	s13 =	sshra.s32 @!p5 s13, $0x2;
	s0 =	sand.u32 @!p1 $0x7, s0;
	s10 =	sadd.s32 @!p1 s3, s10;
	[tilespmem:s31+$0x28] =	vst.add.f32.msk @!p4 $0xffff, v1  }
0x28f: {  	[hbm4b:s10+s0] =	stream.linear.scatter @!p1 [tilespmem:s4], [sflag:$0xC], $0x10, $0x38;
	[tilespmem:$0x1F0F8] =	vst v63  }
0x290: {  	s1 =	rddreg [dreg:$0x4];
	s0 =	sadd.s32 @!p5 $0x28, s13;
	s4 =	simm.s32 @!p5 $0x1  }
0x291: {  	[spmem:s1] =	stream.linear.scatter @!p5 [tilespmem:s0], [sflag:$0x1], $0x10, $0x38;
	[tilespmem:$0x1F0F8] =	vst v63  }
0x292: {  	s2 =	sadd.s32 @p2 $0x1, s21;
	_ =	swait.ge @!p5 [sflag:s4], $0x10  }
0x293: {  	s5 =	sshrl.u32 @p2 s2, $0x4;
	[sflag:s4] =	ssyncset.done @!p5 $0x0  }
0x294: {  	s24 =	sadd.s32 $0x80, s24;
	s5 =	smulhi.u32 @p2 $0x97B425F, s5;
	[sflag:s4] =	ssyncadd.s32 @!p5 $0xFFFFFFF0  }
0x295: {  	s28 =	sadd.s32 $0x1, s28;
	v1 =	vld @p2 [tilespmem:s24+$0x0]  }
0x296: {  	p3 =	seq.s32 s28, $0x0;
	s5 =	smul.u32 @p2 $0x1B0, s5  }
.Ltmp16:
0x297: {  	_ = 	snop;
	(pc) =	sbr.rel @!p3 .LBB2_16-.Ltmp16, $4  }
0x298: {  	s2 =	ssub.s32 @p2 s2, s5  }
0x299: {  	s8 =	sadd.s32 @!p4 s8, s29;
	s5 =	sshll.u32 @p2 s2, $0x4  }
0x29a: {  	s9 =	sadd.s32 @p2 $0x1, s25;
	s8 =	smov.u32 @p4 s29;
	[tilespmem:s5+$0x28] =	vst @p2 v1  }
0x29b: {  	s25 =	smov.u32 @p2 s9;
	s21 =	smov.u32 @p2 s2;
	s29 =	smov.u32 @p2 s8;
	v1 =	vld @!p2 [tilespmem:s24+$0x0]  }
.LBB2_17:
.Ltmp17:
0x29c: {  	_ = 	snop;
	(pc) =	sbr.rel .LBB2_19-.Ltmp17, $3  }
0x29d: {  	s1 =	sld [smem:$0x7FD];
	_ =	sdelay $0x1  }
0x29e: {  	s0 =	sshrl.u32 s29, $0x2;
	s28 =	smov.u32 s26  }
0x29f: {  	s4 =	smov.u32 s6;
	s6 =	rddreg [dreg:$0x6];
	p4 =	seq.s32 s1, $0x1;
	[tilespmem:s30+$0x28] =	vst.add.f32.msk @!p2 $0xffff, v1  }
.LBB2_21:
0x2a0: {  	_ =	sfence.sel $0x180000  }
0x2a1: {  	s0 =	simm.s32 $0x9;
	[bflag:$0x0] =	sbarrier.arrive $0xFFFF  }
0x2a2: {  	s24 =	simm.s32 $0xA;
	[sflag:s0] =	ssyncpa.u1 $0x1  }
0x2a3: {  	s25 =	simm.s32 $0xB;
	[sflag:s24] =	ssyncpa.u1 $0x1  }
0x2a4: {  	s26 =	simm.s32 $0x2;
	[sflag:s25] =	ssyncpa.u1 $0x1  }
0x2a5: {  	[sflag:s26] =	ssyncpa.u1 $0x1  }
0x2a6: {  	v0 =	vld [tilespmem:$0x3648];
	_ =	sdelay $0x4  }
0x2a7: {  	(v2sf) =	vpush v0, $0x0  }
0x2a8: {  	(v2sf) =	vpush v0, $0x1;
	_ =	sdelay $0x1  }
0x2a9: {  	(v2sf) =	vpush v0, $0x2;
	_ =	sdelay $0xb  }
0x2aa: {  	s0 =	spop (v2sf)  }
0x2ab: {  	s1 =	spop (v2sf)  }
0x2ac: {  	s2 =	smov.u32 s0;
	p0 =	sne.s32 s0, s1  }
0x2ad: {  	s4 =	spop (v2sf);
	s2 =	simm.s32 @!p0 $0xFFFFFFFF  }
0x2ae: {  	v2 =	vimm.s32 $0x1;
	v3 =	vlaneseq.u32;
	p0 =	seq.s32 s4, $0xFFFFFFFF;
	v1 =	vmov s2  }
0x2af: {  	s16 =	stileid.u32;
	v0 =	vperm.xlane v0, v2;
	p1 =	sne.s32 @!p0 s0, s1;
	v1 =	vperm.xlane v1, v3  }
0x2b0: {  	vm0 =	vcmask $0x3F04;
	s6 =	simm.s32 $0x3648;
	s0 =	simm.s32 @!p0 $0x1;
	p1 =	por !p1, p0  }
0x2b1: {  	s2 =	sshll.u32 s16, $0x1;
	s1 =	sshll.u32 @!p0 s4, $0x6;
	s0 =	simm.s32 @p1 $0x0;
	v0 =	vsel vm0, v1, v0  }
0x2b2: {  	s5 =	sor.u32 $0x200, s2;
	s1 =	sshra.s32 @!p0 s1, $0x2;
	s0 =	sor.u32 @!p0 s0, s2;
	[tilespmem:$0x3648] =	vst v0  }
0x2b3: {  	[spmem:s5] =	stream.linear.scatter [tilespmem:s6], [sflag:$0x1], $0x2, $0x38;
	[tilespmem:$0x1F0F8] =	vst v63  }
0x2b4: {  	s1 =	sadd.s32 @!p0 $0x28, s1;
	s0 =	sshll.u32 @!p0 s0, $0x4  }
0x2b5: {  	[spmem:s0] =	stream.linear.scatter @!p0 [tilespmem:s1], [sflag:$0x1], $0x10, $0x38;
	[tilespmem:$0x1F0F8] =	vst v63  }
0x2b6: {  	s0 =	simm.s32 @!p0 $0x12  }
0x2b7: {  	s28 =	simm.s32 $0x1;
	s0 =	simm.s32 @p0 $0x2  }
0x2b8: {  	_ =	swait.ge [sflag:s28], s0  }
0x2b9: {  	s0 =	ssub.s32 $0x0, s0;
	[sflag:s28] =	ssyncset.done $0x0  }
0x2ba: {  	p0 =	sne.s32 s16, $0x0;
	[sflag:s28] =	ssyncadd.s32 s0  }
.Ltmp18:
0x2bb: {  	_ =	sfence.stream.spmem;
	(pc) =	sbr.rel @p0 .LBB2_38-.Ltmp18, $4  }
0x2bc: {  	s29 =	simm.s32 $0x3;
	[bflag:$0x0] =	sbarrier.arrive $0xFFFF  }
0x2bd: {  	s30 =	simm.s32 $0x4;
	[sflag:s29] =	ssyncpa.u1 $0x1  }
0x2be: {  	s31 =	simm.s32 $0x3C;
	[sflag:s30] =	ssyncpa.u1 $0x1  }
0x2bf: {  	s17 =	rddreg [dreg:$0x5];
	[sflag:s31] =	ssyncpa.u1 $0x1  }
0x2c0: {  	_ =	sfence.stream.spmem;
	s0 =	simm.s32 $0x5  }
0x2c1: {  	s1 =	simm.s32 $0x200;
	s2 =	simm.s32 $0x3658;
	[sflag:s0] =	ssyncpa.u1 $0x0  }
0x2c2: {  	[tilespmem:s2], [sflag:$0x5] =	stream.linear.gather [spmem:s1], $0x20, $0x38;
	[tilespmem:$0x1F0F8] =	vst v63  }
0x2c3: {  	s26 =	simm.s32 $0x0;
	s28 =	simm.s32 $0x3678  }
0x2c4: {  	[tilespmem:s28], [sflag:$0x5] =	stream.linear.gather [spmem:s26], $0x200, $0x38;
	[tilespmem:$0x1F0F8] =	vst v63  }
0x2c5: {  	_ =	swait.ge [sflag:s0], $0x220  }
0x2c6: {  	[sflag:s0] =	ssyncset.done $0x0  }
0x2c7: {  	s29 =	simm.s32 $0x0;
	[sflag:s0] =	ssyncadd.s32 $0xFFFFFDE0  }
0x2c8: {  	v0 =	vld.msk [tilespmem:s29+$0x3658], $0x1;
	_ =	sdelay $0x1  }
0x2c9: {  	s30 =	simm.s32 $0x1  }
0x2ca: {  	v1 =	vld.msk [tilespmem:s30+$0x3658], $0x1;
	_ =	sdelay $0x1  }
0x2cb: {  	(v2sf) =	vpush v0, $0x0;
	_ =	sdelay $0x2  }
0x2cc: {  	(v2sf) =	vpush v1, $0x0;
	_ =	sdelay $0x2  }
0x2cd: {  	s31 =	simm.s32 $0x2  }
0x2ce: {  	v0 =	vld.msk [tilespmem:s31+$0x3658], $0x1;
	_ =	sdelay $0x2  }
0x2cf: {  	s6 =	simm.s32 $0xFFFFFFFF;
	s1 =	simm.s32 $0xFFFFFFFF;
	s0 =	simm.s32 $0xC  }
.LBB2_23:
0x2d0: {  	s2 =	smov.u32 s6;
	s4 =	smov.u32 s1  }
0x2d1: {  	s1 =	sshra.s32 s0, $0x2;
	p1 =	sne.s32 s0, $0x7C;
	s0 =	sadd.s32 $0x4, s0;
	(v2sf) =	vpush v0, $0x0  }
0x2d2: {  	v0 =	vld.msk [tilespmem:s1+$0x3658], $0x1  }
.Ltmp19:
0x2d3: {  	(pc) =	sbr.rel @p1 .LBB2_23-.Ltmp19, $4  }
0x2d4: {  	s6 =	spop (v2sf)  }
0x2d5: {  	p2 =	sne.s32 s4, $0xFFFFFFFF;
	s1 =	smov.u32 s6  }
0x2d6: {  	p3 =	seq.s32 s6, $0xFFFFFFFF;
	s1 =	smov.u32 @p2 s4  }
0x2d7: {  	s6 =	smov.u32 @p3 s2;
	s1 =	smov.u32 @p3 s4  }
0x2d8: {  	(v2sf) =	vpush v0, $0x0;
	_ =	sdelay $0x8  }
0x2d9: {  	s0 =	spop (v2sf)  }
0x2da: {  	p1 =	sne.s32 s1, $0xFFFFFFFF;
	s2 =	smov.u32 s0  }
0x2db: {  	s9 =	simm.s32 $0x6;
	p2 =	seq.s32 s0, $0xFFFFFFFF;
	s2 =	smov.u32 @p1 s1  }
0x2dc: {  	s10 =	simm.s32 $0x3638;
	s2 =	smov.u32 @p2 s1;
	s1 =	spop (v2sf)  }
0x2dd: {  	s0 =	smov.u32 @p2 s6;
	p1 =	sne.s32 s2, $0xFFFFFFFF;
	s4 =	smov.u32 s1  }
.Ltmp20:
0x2de: {  	p2 =	seq.s32 s1, $0xFFFFFFFF;
	s4 =	smov.u32 @p1 s2;
	(pc) =	sbr.rel .LBB2_25-.Ltmp20, $4  }
0x2df: {  	s11 =	simm.s32 $0x0;
	s4 =	smov.u32 @p2 s2;
	s7 =	spop (v2sf)  }
0x2e0: {  	[sflag:s9] =	ssyncpa.u1 $0x0;
	p1 =	sne.s32 s4, $0xFFFFFFFF;
	s8 =	smov.u32 s7  }
0x2e1: {  	s1 =	smov.u32 @p2 s0;
	p2 =	seq.s32 s7, $0xFFFFFFFF;
	s8 =	smov.u32 @p1 s4  }
0x2e2: {  	s6 =	simm.s32 $0x0;
	s7 =	smov.u32 @p2 s1;
	s8 =	smov.u32 @p2 s4  }
.LBB2_30:
0x2e3: {  	p1 =	sgt.u32 s12, $0x270FE  }
0x2e4: {  	p2 =	seq.s32 @!p1 s12, s8  }
0x2e5: {  	p1 =	por p1, p2  }
0x2e6: {  	p2 =	sne.s32 @!p1 s12, s7  }
0x2e7: {  	p1 =	por p1, !p2  }
0x2e8: {  	s0 =	sshll.u32 @p1 s11, $0x6  }
0x2e9: {  	s0 =	sand.u32 @!p1 $0x3FFF8, s12  }
0x2ea: {  	s1 =	sand.u32 @!p1 $0x7, s12;
	s0 =	sadd.s32 @!p1 s3, s0  }
0x2eb: {  	[tilespmem:s10], [sflag:$0x6] =	stream.linear.gather @!p1 [hbm4b:s0+s1], $0x10, $0x38;
	[tilespmem:$0x1F0F8] =	vst v63  }
0x2ec: {  	_ =	swait.ge @!p1 [sflag:s9], $0x10  }
0x2ed: {  	[sflag:s9] =	ssyncset.done @!p1 $0x0  }
0x2ee: {  	[sflag:s9] =	ssyncadd.s32 @!p1 $0xFFFFFFF0  }
0x2ef: {  	v1 =	vld @!p1 [tilespmem:$0x3638];
	_ =	sdelay $0x2  }
0x2f0: {  	s0 =	sshll.u32 @!p1 s11, $0x6  }
0x2f1: {  	s1 =	sshrl.u32 @!p1 s0, $0x2  }
0x2f2: {  	[tilespmem:s1+$0x3678] =	vst.add.f32.msk @!p1 $0xffff, v1  }
0x2f3: {  	s0 =	sshrl.u32 s0, $0x2;
	[tilespmem:s6+$0x3658] =	vst.msk $0x1, v0  }
0x2f4: {  	v0 =	vld [tilespmem:s0+$0x3678];
	_ =	sdelay $0x2  }
0x2f5: {  	s31 =	sshll.u32 s6, $0x6  }
0x2f6: {  	s0 =	sshra.s32 s31, $0x2  }
0x2f7: {  	s6 =	sadd.s32 $0x1, s6;
	[tilespmem:s0+$0x3678] =	vst v0  }
.LBB2_32:
0x2f8: {  	s11 =	sadd.s32 $0x1, s11  }
0x2f9: {  	p1 =	sne.s32 s11, $0x20  }
.Ltmp21:
0x2fa: {  	_ = 	snop;
	(pc) =	sbr.rel @!p1 .LBB2_33-.Ltmp21, $1  }
0x2fb: {  	_ =	sdelay $0x3  }
.LBB2_25:
0x2fc: {  	v0 =	vld.msk [tilespmem:s11+$0x3658], $0x1;
	_ =	sdelay $0x4  }
0x2fd: {  	(v2sf) =	vpush v0, $0x0;
	_ =	sdelay $0xe  }
0x2fe: {  	s12 =	spop (v2sf)  }
0x2ff: {  	p1 =	seq.s32 s12, $0xFFFFFFFF  }
.Ltmp22:
0x300: {  	_ = 	snop;
	(pc) =	sbr.rel @p1 .LBB2_32-.Ltmp22, $1  }
0x301: {  	_ =	sdelay $0x3  }
0x302: {  	p1 =	slt.s32 s6, $0x1  }
.Ltmp23:
0x303: {  	_ = 	snop;
	(pc) =	sbr.rel @p1 .LBB2_30-.Ltmp23, $1  }
0x304: {  	_ =	sdelay $0x3  }
0x305: {  	s13 =	simm.s32 $0x3658;
	p1 =	por $0x0, $0x0  }
0x306: {  	v1 =	vld.msk @!p1 [tilespmem:s13+$0x0], $0x1;
	_ =	sdelay $0x4  }
0x307: {  	(v2sf) =	vpush @!p1 v1, $0x0;
	_ =	sdelay $0xd  }
0x308: {  	p3 =	sne.s32 s6, $0x1  }
.Ltmp24:
0x309: {  	s0 =	spop @!p1 (v2sf);
	(pc) =	sbr.rel @!p3 .LBB2_29-.Ltmp24, $4  }
0x30a: {  	p2 =	seq.s32 @!p1 s12, s0  }
0x30b: {  	s14 =	simm.s32 $0x0;
	p2 =	por !p2, p1  }
0x30c: {  	s0 =	simm.s32 $0xFFFFFFFF;
	s14 =	simm.s32 @p2 $0xFFFFFFFF  }
0x30d: {  	s15 =	simm.s32 $0x1;
	s14 =	smov.u32 @p1 s0  }
.LBB2_28:
0x30e: {  	s0 =	smov.u32 s14;
	p1 =	sne.s32 s14, $0xFFFFFFFF  }
0x30f: {  	s13 =	sadd.s32 $0x1, s13;
	s14 =	smov.u32 s15;
	s15 =	sadd.s32 $0x1, s15  }
0x310: {  	p2 =	sne.s32 s6, s15;
	v1 =	vld.msk @!p1 [tilespmem:s13+$0x0], $0x1;
	_ =	sdelay $0x4  }
0x311: {  	(v2sf) =	vpush @!p1 v1, $0x0;
	_ =	sdelay $0xe  }
.Ltmp25:
0x312: {  	s1 =	spop @!p1 (v2sf);
	(pc) =	sbr.rel @p2 .LBB2_28-.Ltmp25, $4  }
0x313: {  	p3 =	seq.s32 @!p1 s12, s1  }
0x314: {  	p3 =	por !p3, p1  }
0x315: {  	s14 =	simm.s32 @p3 $0xFFFFFFFF  }
0x316: {  	s14 =	smov.u32 @p1 s0  }
.LBB2_29:
0x317: {  	p1 =	sne.s32 s14, $0xFFFFFFFF  }
.Ltmp26:
0x318: {  	_ = 	snop;
	(pc) =	sbr.rel @!p1 .LBB2_30-.Ltmp26, $1  }
0x319: {  	_ =	sdelay $0x3  }
0x31a: {  	s0 =	sshll.u32 s11, $0x4  }
0x31b: {  	s0 =	sand.u32 $0x3FFFFFF0, s0  }
0x31c: {  	v0 =	vld [tilespmem:s0+$0x3678]  }
.Ltmp27:
0x31d: {  	_ = 	snop;
	(pc) =	sbr.rel .LBB2_32-.Ltmp27, $4  }
0x31e: {  	_ = 	snop  }
0x31f: {  	s31 =	sshll.u32 s14, $0x6  }
0x320: {  	s0 =	sshra.s32 s31, $0x2  }
0x321: {  	[tilespmem:s0+$0x3678] =	vst.add.f32.msk $0xffff, v0  }
.LBB2_33:
0x322: {  	s0 =	simm.s32 $0x6;
	p1 =	seq.s32 s6, $0x0  }
0x323: {  	[sflag:s0] =	ssyncpa.u1 $0x1;
	v0 =	vimm.s32 @p1 $0xFFFFFFFF  }
0x324: {  	s9 =	sadd.s32 $0xFFFFFFFF, s6;
	[tilespmem:$0x3878] =	vst @p1 v0  }
0x325: {  	v0 =	vld.msk @!p1 [tilespmem:s9+$0x3658], $0x1;
	_ =	sdelay $0x1  }
0x326: {  	v1 =	vld.msk @!p1 [tilespmem:$0x3658], $0x1;
	_ =	sdelay $0x2  }
0x327: {  	p2 =	seq.s32 @!p1 s9, $0x0;
	v0 =	vbroadcast @!p1 v0, $0x0  }
0x328: {  	vm0 =	vmmov @!p1 $0x1;
	p2 =	por !p2, p1  }
0x329: {  	v1 =	vnsel @!p1 vm0, $0xFFFFFFFF, v1;
	vm0 =	vcmask @!p1 $0x308;
	v0 =	vpsel !p2, $0xFFFFFFFF, v0  }
0x32a: {  	p2 =	sne.s32 @!p1 s8, s7;
	v0 =	vsel @!p1 vm0, v1, v0  }
0x32b: {  	s0 =	simm.s32 @!p1 $0x3678;
	s1 =	simm.s32 @!p1 $0x0;
	p3 =	por !p2, p1;
	[tilespmem:$0x3878] =	vst @!p1 v0  }
0x32c: {  	[spmem:s1] =	stream.linear.scatter @!p1 [tilespmem:s0], [sflag:$0x1], $0x10, $0x38;
	[tilespmem:$0x1F0F8] =	vst v63  }
0x32d: {  	s0 =	sshll.u32 @!p3 s9, $0x6  }
0x32e: {  	s0 =	sshra.s32 @!p3 s0, $0x2  }
0x32f: {  	s1 =	simm.s32 @!p3 $0x10;
	s0 =	sadd.s32 @!p3 $0x3678, s0  }
0x330: {  	[spmem:s1] =	stream.linear.scatter @!p3 [tilespmem:s0], [sflag:$0x1], $0x10, $0x38;
	[tilespmem:$0x1F0F8] =	vst v63  }
0x331: {  	s0 =	simm.s32 @!p3 $0x1  }
0x332: {  	_ =	swait.ge @!p3 [sflag:s0], $0x20  }
0x333: {  	p1 =	por p2, p1;
	[sflag:s0] =	ssyncset.done @!p3 $0x0  }
0x334: {  	[sflag:s0] =	ssyncadd.s32 @!p3 $0xFFFFFFE0;
	s0 =	simm.s32 @!p1 $0x1  }
0x335: {  	_ =	swait.ge @!p1 [sflag:s0], $0x10  }
0x336: {  	s29 =	simm.s32 $0x3878;
	[sflag:s0] =	ssyncset.done @!p1 $0x0  }
0x337: {  	s30 =	simm.s32 $0x200;
	s31 =	simm.s32 $0x1;
	[sflag:s0] =	ssyncadd.s32 @!p1 $0xFFFFFFF0  }
0x338: {  	[spmem:s30] =	stream.linear.scatter [tilespmem:s29], [sflag:$0x1], $0x10, $0x38;
	[tilespmem:$0x1F0F8] =	vst v63  }
0x339: {  	_ =	swait.ge [sflag:s31], $0x10  }
0x33a: {  	[sflag:s31] =	ssyncset.done $0x0  }
0x33b: {  	p1 =	seq.s32 s17, $0x0;
	s8 =	rddreg [dreg:$0x1];
	[sflag:s31] =	ssyncadd.s32 $0xFFFFFFF0  }
0x33c: {  	s1 =	sshll.u32 @p1 s8, $0xE;
	s7 =	rddreg [dreg:$0x2]  }
0x33d: {  	s0 =	sadd.s32 @p1 $0x15C3C, s1;
	s1 =	sshll.u32 @p1 s7, $0x11  }
0x33e: {  	_ =	sfence.stream.spmem;
	s0 =	sor.u32 @p1 s1, s0  }
0x33f: {  	[sflag:s0] =	ssyncadd.remote.s32 @p1 $0x1;
	s0 =	simm.s32 @p1 $0x4  }
0x340: {  	s2 =	simm.s32 @!p1 $0x3C;
	s1 =	sand.u32 $0xFFFFFFFE, s8;
	_ =	swait.ge @p1 [sflag:s0], $0x6  }
0x341: {  	s4 =	simm.s32 @!p1 $0x0;
	s1 =	sadd.s32 @!p1 $0x4, s1;
	[sflag:s0] =	ssyncset.done @p1 $0x0  }
0x342: {  	s5 =	simm.s32 @!p1 $0x20;
	[sflag:s0] =	ssyncadd.s32 @p1 $0xFFFFFFFA;
	s0 =	sshll.u32 @!p1 s1, $0x1A  }
0x343: {  	s1 =	sshll.u32 @!p1 s1, $0xD;
	s0 =	sor.u32 @!p1 s0, s7;
	_ =	swait.eq @!p1 [sflag:s2], $0x1  }
0x344: {  	s1 =	sor.u32 @!p1 $0x1C04, s1;
	s2 =	simm.s32 @!p1 $0x1C03;
	s0 =	sor.u32 @!p1 $0x80004000, s0  }
0x345: {  	[spmem:s5], [sflag:s1] =	dma.general @!p1 [spmem:s4], [sflag:s2], length:$0x4, [dreg:$0x0], stride_count:$0x0, ici_dest:s0, dma_misc:DstOpCode:WRITE  }
0x346: {  	p2 =	slt.s32 s9, $0x2;
	s4 =	simm.s32 @!p1 $0x40;
	s5 =	simm.s32 @!p1 $0x42  }
0x347: {  	[spmem:s5], [sflag:s1] =	dma.general @!p1 [spmem:s4], [sflag:s2], length:$0x2, [dreg:$0x0], stride_count:$0x0, ici_dest:s0, dma_misc:DstOpCode:WRITE  }
.Ltmp28:
0x348: {  	s0 =	simm.s32 @!p1 $0x3;
	(pc) =	sbr.rel @p2 .LBB2_37-.Ltmp28, $4  }
0x349: {  	s1 =	sshll.u32 @!p1 s8, $0xE;
	_ =	swait.ge @!p1 [sflag:s0], $0x6  }
0x34a: {  	s2 =	sshll.u32 @!p1 s7, $0x11;
	s1 =	sadd.s32 @!p1 $0x11C3C, s1;
	[sflag:s0] =	ssyncset.done @!p1 $0x0  }
0x34b: {  	[sflag:s0] =	ssyncadd.s32 @!p1 $0xFFFFFFFA;
	s0 =	sor.u32 @!p1 s2, s1  }
0x34c: {  	[sflag:s0] =	ssyncadd.remote.s32 @!p1 $0xFFFFFFFF;
	s0 =	simm.s32 $0x0  }
0x34d: {  	s0 =	simm.s32 $0x3659  }
0x34e: {  	v0 =	vld.msk [tilespmem:s0+$0x0], $0x1;
	_ =	sdelay $0x4  }
0x34f: {  	(v2sf) =	vpush v0, $0x0;
	_ =	sdelay $0xd  }
0x350: {  	s2 =	sadd.s32 $0xFFFFFFFE, s6  }
0x351: {  	s2 =	sadd.s32 $0xFFFFFFFF, s2;
	s0 =	spop (v2sf)  }
0x352: {  	p2 =	sne.s32 s2, $0x0;
	p1 =	sgt.u32 s0, $0x270FE  }
.Ltmp29:
0x353: {  	s4 =	sand.u32 @!p1 $0x3FFF8, s0;
	(pc) =	sbr.rel @!p2 .LBB2_36-.Ltmp29, $4  }
0x354: {  	s1 =	simm.s32 $0x3688;
	s0 =	sand.u32 @!p1 $0x7, s0;
	s4 =	sadd.s32 @!p1 s3, s4  }
0x355: {  	[hbm4b:s4+s0] =	stream.linear.scatter @!p1 [tilespmem:s1], [sflag:$0x5], $0x10, $0x38;
	[tilespmem:$0x1F0F8] =	vst v63  }
0x356: {  	s0 =	simm.s32 $0x0  }
0x357: {  	s6 =	simm.s32 $0x0;
	s7 =	simm.s32 $0x365A;
	s0 =	simm.s32 @!p1 $0x40  }
.LBB2_35:
0x358: {  	v0 =	vld.msk [tilespmem:s7+$0x0], $0x1;
	s2 =	sadd.s32 $0xFFFFFFFF, s2;
	s6 =	sadd.s32 s6, s0  }
0x359: {  	p1 =	sne.s32 s2, $0x0;
	_ =	sdelay $0x3  }
0x35a: {  	(v2sf) =	vpush v0, $0x0;
	_ =	sdelay $0xe  }
.Ltmp30:
0x35b: {  	s4 =	spop (v2sf);
	(pc) =	sbr.rel @p1 .LBB2_35-.Ltmp30, $4  }
0x35c: {  	s0 =	simm.s32 $0x0;
	p2 =	sgt.u32 s4, $0x270FE  }
0x35d: {  	s1 =	sadd.s32 $0x10, s1;
	s0 =	simm.s32 @!p2 $0x40;
	s5 =	sand.u32 @!p2 $0x3FFF8, s4  }
0x35e: {  	s7 =	sadd.s32 $0x1, s7;
	s4 =	sand.u32 @!p2 $0x7, s4;
	s5 =	sadd.s32 @!p2 s3, s5  }
0x35f: {  	[hbm4b:s5+s4] =	stream.linear.scatter @!p2 [tilespmem:s1], [sflag:$0x5], $0x10, $0x38;
	[tilespmem:$0x1F0F8] =	vst v63  }
.LBB2_36:
0x360: {  	s0 =	sadd.s32 s6, s0  }
0x361: {  	s0 =	sshrl.u32 s0, $0x2  }
.LBB2_37:
0x362: {  	s1 =	simm.s32 $0x5  }
0x363: {  	_ =	swait.ge [sflag:s1], s0  }
0x364: {  	s31 =	ssub.s32 $0x0, s0;
	[sflag:s1] =	ssyncset.done $0x0  }
0x365: {  	[sflag:s1] =	ssyncadd.s32 s31  }
0x366: {  	[sflag:s1] =	ssyncpa.u1 $0x1  }
.LBB2_38:
0x367: {  	s0 =	sor.u32 s17, s16  }
0x368: {  	p1 =	sne.s32 s0, $0x0  }
.Ltmp31:
0x369: {  	_ = 	snop;
	(pc) =	sbr.rel @p1 .LBB2_53-.Ltmp31, $3  }
0x36a: {  	_ =	sdelay $0x1  }
0x36b: {  	[bflag:$0x0] =	sbarrier.arrive $0xFFFF  }
0x36c: {  	_ =	sfence  }
0x36d: {  	s0 =	simm.s32 $0x7  }
0x36e: {  	s1 =	simm.s32 $0x200;
	s2 =	simm.s32 $0x3658;
	[sflag:s0] =	ssyncpa.u1 $0x0  }
0x36f: {  	[tilespmem:s2], [sflag:$0x7] =	stream.linear.gather [spmem:s1], $0x20, $0x38;
	[tilespmem:$0x1F0F8] =	vst v63  }
0x370: {  	s30 =	simm.s32 $0x3678;
	s1 =	simm.s32 $0x0  }
0x371: {  	[tilespmem:s30], [sflag:$0x7] =	stream.linear.gather [spmem:s1], $0x200, $0x38;
	[tilespmem:$0x1F0F8] =	vst v63  }
.Ltmp32:
0x372: {  	_ = 	snop;
	(pc) =	sbr.rel .LBB2_40-.Ltmp32, $4  }
0x373: {  	_ =	swait.ge [sflag:s0], $0x220  }
0x374: {  	[sflag:s0] =	ssyncset.done $0x0  }
0x375: {  	s31 =	simm.s32 $0x8;
	[sflag:s0] =	ssyncadd.s32 $0xFFFFFDE0  }
0x376: {  	s2 =	simm.s32 $0x0;
	[sflag:s31] =	ssyncpa.u1 $0x0  }
.LBB2_45:
0x377: {  	p1 =	slt.u32 s4, $0x270FF  }
0x378: {  	s0 =	sand.u32 @p1 $0x3FFF8, s4  }
0x379: {  	s4 =	sand.u32 @p1 $0x7, s4;
	s5 =	simm.s32 @p1 $0x3638;
	s0 =	sadd.s32 @p1 s3, s0  }
0x37a: {  	[tilespmem:s5], [sflag:$0x8] =	stream.linear.gather @p1 [hbm4b:s0+s4], $0x10, $0x38;
	[tilespmem:$0x1F0F8] =	vst v63  }
0x37b: {  	s0 =	simm.s32 @p1 $0x8  }
0x37c: {  	_ =	swait.ge @p1 [sflag:s0], $0x10  }
0x37d: {  	[sflag:s0] =	ssyncset.done @p1 $0x0  }
0x37e: {  	[sflag:s0] =	ssyncadd.s32 @p1 $0xFFFFFFF0  }
0x37f: {  	v1 =	vld @p1 [tilespmem:$0x3638];
	_ =	sdelay $0x2  }
0x380: {  	s0 =	sshll.u32 @p1 s2, $0x6  }
0x381: {  	s5 =	sshll.u32 @!p1 s2, $0x6;
	s4 =	sshrl.u32 @p1 s0, $0x2  }
0x382: {  	s5 =	smov.u32 @p1 s0;
	[tilespmem:s4+$0x3678] =	vst.add.f32.msk @p1 $0xffff, v1  }
0x383: {  	s0 =	sshrl.u32 s5, $0x2;
	[tilespmem:s1+$0x3658] =	vst.msk $0x1, v0  }
0x384: {  	v0 =	vld [tilespmem:s0+$0x3678];
	_ =	sdelay $0x2  }
0x385: {  	s31 =	sshll.u32 s1, $0x6  }
0x386: {  	s0 =	sshra.s32 s31, $0x2  }
0x387: {  	s1 =	sadd.s32 $0x1, s1;
	[tilespmem:s0+$0x3678] =	vst v0  }
.LBB2_47:
0x388: {  	s2 =	sadd.s32 $0x1, s2  }
0x389: {  	p1 =	sne.s32 s2, $0x20  }
.Ltmp33:
0x38a: {  	_ = 	snop;
	(pc) =	sbr.rel @!p1 .LBB2_48-.Ltmp33, $1  }
0x38b: {  	_ =	sdelay $0x3  }
.LBB2_40:
0x38c: {  	v0 =	vld.msk [tilespmem:s2+$0x3658], $0x1;
	_ =	sdelay $0x4  }
0x38d: {  	(v2sf) =	vpush v0, $0x0;
	_ =	sdelay $0xe  }
0x38e: {  	s4 =	spop (v2sf)  }
0x38f: {  	p1 =	seq.s32 s4, $0xFFFFFFFF  }
.Ltmp34:
0x390: {  	_ = 	snop;
	(pc) =	sbr.rel @p1 .LBB2_47-.Ltmp34, $1  }
0x391: {  	_ =	sdelay $0x3  }
0x392: {  	p1 =	slt.s32 s1, $0x1  }
.Ltmp35:
0x393: {  	_ = 	snop;
	(pc) =	sbr.rel @p1 .LBB2_45-.Ltmp35, $1  }
0x394: {  	_ =	sdelay $0x3  }
0x395: {  	s5 =	simm.s32 $0x3658;
	p1 =	por $0x0, $0x0  }
0x396: {  	v1 =	vld.msk @!p1 [tilespmem:s5+$0x0], $0x1;
	_ =	sdelay $0x4  }
0x397: {  	(v2sf) =	vpush @!p1 v1, $0x0;
	_ =	sdelay $0xd  }
0x398: {  	p3 =	sne.s32 s1, $0x1  }
.Ltmp36:
0x399: {  	s0 =	spop @!p1 (v2sf);
	(pc) =	sbr.rel @!p3 .LBB2_44-.Ltmp36, $4  }
0x39a: {  	p2 =	seq.s32 @!p1 s4, s0  }
0x39b: {  	s6 =	simm.s32 $0x0;
	p2 =	por !p2, p1  }
0x39c: {  	s0 =	simm.s32 $0xFFFFFFFF;
	s6 =	simm.s32 @p2 $0xFFFFFFFF  }
0x39d: {  	s7 =	simm.s32 $0x1;
	s6 =	smov.u32 @p1 s0  }
.LBB2_43:
0x39e: {  	s0 =	smov.u32 s6;
	p1 =	sne.s32 s6, $0xFFFFFFFF  }
0x39f: {  	s5 =	sadd.s32 $0x1, s5;
	s6 =	smov.u32 s7;
	s7 =	sadd.s32 $0x1, s7  }
0x3a0: {  	p2 =	sne.s32 s1, s7;
	v1 =	vld.msk @!p1 [tilespmem:s5+$0x0], $0x1;
	_ =	sdelay $0x4  }
0x3a1: {  	(v2sf) =	vpush @!p1 v1, $0x0;
	_ =	sdelay $0xe  }
.Ltmp37:
0x3a2: {  	s8 =	spop @!p1 (v2sf);
	(pc) =	sbr.rel @p2 .LBB2_43-.Ltmp37, $4  }
0x3a3: {  	p3 =	seq.s32 @!p1 s4, s8  }
0x3a4: {  	p3 =	por !p3, p1  }
0x3a5: {  	s6 =	simm.s32 @p3 $0xFFFFFFFF  }
0x3a6: {  	s6 =	smov.u32 @p1 s0  }
.LBB2_44:
0x3a7: {  	p1 =	sne.s32 s6, $0xFFFFFFFF  }
.Ltmp38:
0x3a8: {  	_ = 	snop;
	(pc) =	sbr.rel @!p1 .LBB2_45-.Ltmp38, $1  }
0x3a9: {  	_ =	sdelay $0x3  }
0x3aa: {  	s0 =	sshll.u32 s2, $0x4  }
0x3ab: {  	s0 =	sand.u32 $0x3FFFFFF0, s0  }
0x3ac: {  	v0 =	vld [tilespmem:s0+$0x3678]  }
.Ltmp39:
0x3ad: {  	_ = 	snop;
	(pc) =	sbr.rel .LBB2_47-.Ltmp39, $4  }
0x3ae: {  	_ = 	snop  }
0x3af: {  	s31 =	sshll.u32 s6, $0x6  }
0x3b0: {  	s0 =	sshra.s32 s31, $0x2  }
0x3b1: {  	[tilespmem:s0+$0x3678] =	vst.add.f32.msk $0xffff, v0  }
.LBB2_48:
0x3b2: {  	p1 =	slt.s32 s1, $0x1  }
.Ltmp40:
0x3b3: {  	_ = 	snop;
	(pc) =	sbr.rel @p1 .LBB2_52-.Ltmp40, $3  }
0x3b4: {  	_ =	sdelay $0x1  }
0x3b5: {  	s0 =	simm.s32 $0x8  }
0x3b6: {  	s2 =	simm.s32 $0x0;
	[sflag:s0] =	ssyncpa.u1 $0x1  }
0x3b7: {  	s0 =	simm.s32 $0x3658  }
0x3b8: {  	v0 =	vld.msk [tilespmem:s0+$0x0], $0x1;
	_ =	sdelay $0x4  }
0x3b9: {  	(v2sf) =	vpush v0, $0x0;
	_ =	sdelay $0xe  }
0x3ba: {  	s1 =	sadd.s32 $0xFFFFFFFF, s1;
	s0 =	spop (v2sf)  }
0x3bb: {  	p2 =	sne.s32 s1, $0x0;
	p1 =	sgt.u32 s0, $0x270FE  }
.Ltmp41:
0x3bc: {  	s5 =	sand.u32 @!p1 $0x3FFF8, s0;
	(pc) =	sbr.rel @!p2 .LBB2_51-.Ltmp41, $4  }
0x3bd: {  	s4 =	simm.s32 $0x3678;
	s0 =	sand.u32 @!p1 $0x7, s0;
	s5 =	sadd.s32 @!p1 s3, s5  }
0x3be: {  	[hbm4b:s5+s0] =	stream.linear.scatter @!p1 [tilespmem:s4], [sflag:$0x7], $0x10, $0x38;
	[tilespmem:$0x1F0F8] =	vst v63  }
0x3bf: {  	s0 =	simm.s32 $0x0  }
0x3c0: {  	s5 =	simm.s32 $0x3659;
	s0 =	simm.s32 @!p1 $0x40  }
.LBB2_50:
0x3c1: {  	v0 =	vld.msk [tilespmem:s5+$0x0], $0x1;
	s1 =	sadd.s32 $0xFFFFFFFF, s1;
	s2 =	sadd.s32 s2, s0  }
0x3c2: {  	p1 =	sne.s32 s1, $0x0;
	_ =	sdelay $0x3  }
0x3c3: {  	(v2sf) =	vpush v0, $0x0;
	_ =	sdelay $0xe  }
.Ltmp42:
0x3c4: {  	s6 =	spop (v2sf);
	(pc) =	sbr.rel @p1 .LBB2_50-.Ltmp42, $4  }
0x3c5: {  	s0 =	simm.s32 $0x0;
	p2 =	sgt.u32 s6, $0x270FE  }
0x3c6: {  	s4 =	sadd.s32 $0x10, s4;
	s0 =	simm.s32 @!p2 $0x40;
	s7 =	sand.u32 @!p2 $0x3FFF8, s6  }
0x3c7: {  	s5 =	sadd.s32 $0x1, s5;
	s6 =	sand.u32 @!p2 $0x7, s6;
	s7 =	sadd.s32 @!p2 s3, s7  }
0x3c8: {  	[hbm4b:s7+s6] =	stream.linear.scatter @!p2 [tilespmem:s4], [sflag:$0x7], $0x10, $0x38;
	[tilespmem:$0x1F0F8] =	vst v63  }
.LBB2_51:
0x3c9: {  	s0 =	sadd.s32 s2, s0  }
0x3ca: {  	s2 =	sshrl.u32 s0, $0x2  }
.LBB2_52:
0x3cb: {  	s0 =	simm.s32 $0x7  }
0x3cc: {  	_ =	swait.ge [sflag:s0], s2  }
0x3cd: {  	s1 =	ssub.s32 $0x0, s2;
	[sflag:s0] =	ssyncset.done $0x0  }
0x3ce: {  	[sflag:s0] =	ssyncadd.s32 s1  }
0x3cf: {  	[sflag:s0] =	ssyncpa.u1 $0x1  }
.LBB2_53:
0x3d0: {  	_ =	sfence;
	s0 =	simm.s32 $0x1  }
0x3d1: {  	[sflag:s0] =	ssyncpa.u1 $0x1  }
0x3d2: {  	_ =	strace $0x9000005B  }
0x3d3: {  	[bflag:$0x2] =	sbarrier.arrive $0xFFFF  }
0x3d4: {  	s0 =	rddreg [dreg:$0x3]  }
0x3d5: {  	s0 =	sadd.s32 @!p0 $0x100000, s0  }
0x3d6: {  	[sflag:s0] =	ssyncadd.tile.s32 @!p0 $0x1;
	_ =	shalt  }
.Lfunc_end2:
_tile_overlayer_lowered:
.L_overlay_start_2:
0x3d7: {  	(tag) =	ssettag $0x2  }
0x3d8: {  	s0 =	rddreg [dreg:$0x0];
	s2 =	stileid.u32  }
0x3d9: {  	s1 =	rddreg [dreg:$0x1];
	p0 =	sne.s32 s2, $0x0  }
0x3da: {  	s3 =	rddreg [dreg:$0x2];
	[bflag:$0x3] =	sbarrier.arrive $0xFFFF;
	s2 =	simm.s32 @!p0 $0x1C01  }
0x3db: {  	[timem:s3], [sflag:s2] =	dma.local @!p0 [hbm:s0], s1  }
0x3dc: {  	s0 =	simm.s32 @!p0 $0x1  }
0x3dd: {  	_ =	swait.ge @!p0 [sflag:s0], s1  }
0x3de: {  	s1 =	ssub.s32 @!p0 $0x0, s1;
	[sflag:s0] =	ssyncset.done @!p0 $0x0  }
0x3df: {  	[sflag:s0] =	ssyncadd.s32 @!p0 s1  }
0x3e0: {  	[bflag:$0x3] =	sbarrier.arrive $0xFFFF  }
0x3e1: {  	_ =	shalt  }

// kernel: scatter_offload_async_start
scs
__scs_entry_jumppad:
0x0: {  	(pc) =	sbr.rel $0x88, $3  }
0x1: {  	(tag) =	ssettag $0x0;
	lr =	simm.s32 $0x1  }
0x2: {  	[smem:$0x3F95] =	sst lr;
	_ =	strace $0xD0000000  }
0x3: {  	_ = 	snop  }
0x4: {  	_ = 	snop  }
0x5: {  	_ = 	snop  }
0x6: {  	_ = 	snop  }
0x7: {  	_ = 	snop  }
__scs_overlays_trampoline_lowered:
0x8: {  	[smem:$0x3FA4] =	sst s0  }
0x9: {  	[smem:$0x3FA5] =	sst s1  }
0xa: {  	[smem:$0x3FA6] =	sst s2  }
0xb: {  	[smem:$0x3FA7] =	sst s3  }
0xc: {  	[smem:$0x3FA8] =	sst s4  }
0xd: {  	[smem:$0x3FA9] =	sst s5  }
0xe: {  	[smem:$0x3FAA] =	sst s6  }
0xf: {  	[smem:$0x3FAB] =	sst s7  }
0x10: {  	[smem:$0x3FAC] =	sst s8  }
0x11: {  	[smem:$0x3FAD] =	sst s9;
	s0 =	simm.s32 @!p0 $0x0  }
0x12: {  	s1 =	sld [smem:$0x3F93];
	s0 =	simm.s32 @p0 $0x1  }
0x13: {  	[smem:$0x3FAE] =	sst s0;
	s0 =	simm.s32 @!p1 $0x0  }
0x14: {  	s2 =	sld [smem:$0x3F92];
	s0 =	simm.s32 @p1 $0x1  }
0x15: {  	[smem:$0x3FAF] =	sst s0;
	s0 =	simm.s32 @!p2 $0x0  }
0x16: {  	s3 =	sld [smem:$0x3FDB];
	s0 =	simm.s32 @p2 $0x1  }
0x17: {  	s4 =	simm.s32 $0x1BF5;
	[smem:$0x3FB1] =	sst s0  }
0x18: {  	s0 =	sld [smem:$0x3F94];
	_ =	swait.ge [sflag:s4], $0x0  }
0x19: {  	s7 =	sld [smem:$0x3F95]  }
0x1a: {  	s8 =	sadd.s32 $0xFFFFE003, lr  }
0x1b: {  	s9 =	sadd.s32 $0xFFFFFEF7, lr;
	s5 =	simm.s32 $0xFFFFFFFF;
	p2 =	slt.u32 s8, $0xFFFFF086  }
0x1c: {  	p1 =	slt.u32 s9, $0xF7A;
	s5 =	simm.s32 @!p2 $0x0  }
0x1d: {  	s5 =	simm.s32 @p1 $0x1;
	p0 =	seq.s32 s7, s2  }
0x1e: {  	s7 =	smul.u32 @!p0 $0xF7A, s2;
	p2 =	seq.s32 @!p0 s5, $0x0  }
0x1f: {  	s9 =	smul.u32 $0xF7A, s1;
	s8 =	simm.s32 @!p0 $0x1BF5;
	p2 =	por !p2, p0  }
0x20: {  	[sflag:s8] =	ssyncset.s32 @!p0 $0xFFFFF086;
	s6 =	sadd.s32 @!p0 s3, s7;
	s7 =	simm.s32 @!p0 $0x108  }
0x21: {  	s3 =	sadd.s32 s3, s9;
	s6 =	sadd.s32 @!p0 $0x88, s6;
	s7 =	simm.s32 @p2 $0x1082  }
0x22: {  	[simem:s7], [sflag:s8] =	dma.local @!p0 [hbm:s6], $0xF7A  }
0x23: {  	s9 =	sor.u32 $0xD0000000, s2;
	s6 =	simm.s32 $0x108;
	_ =	swait.ge @!p0 [sflag:s8], $0x0  }
0x24: {  	s3 =	sadd.s32 $0x88, s3;
	s6 =	simm.s32 @!p1 $0x1082;
	[sflag:s4] =	ssyncset.s32 $0xFFFFF086  }
0x25: {  	[simem:s6], [sflag:s4] =	dma.local [hbm:s3], $0xF7A  }
0x26: {  	[smem:$0x3F95] =	sst s1;
	(tag) =	ssettag s2;
	_ =	strace s9  }
0x27: {  	s1 =	sld [smem:$0x3FA5]  }
0x28: {  	s2 =	sld [smem:$0x3FA6]  }
0x29: {  	s4 =	sld [smem:$0x3FA8]  }
0x2a: {  	p0 =	seq.s32 s5, $0x0;
	s5 =	sld [smem:$0x3FA9]  }
0x2b: {  	s6 =	sld [smem:$0x3FAA]  }
0x2c: {  	s7 =	sld [smem:$0x3FAB]  }
0x2d: {  	s3 =	simm.s32 $0x108;
	s8 =	sld [smem:$0x3FAC]  }
0x2e: {  	s3 =	simm.s32 @!p0 $0x1082;
	s9 =	sld [smem:$0x3FAD]  }
0x2f: {  	lr =	sadd.s32 s0, s3;
	s0 =	sld [smem:$0x3FA4]  }
0x30: {  	s3 =	sld [smem:$0x3FA7]  }
0x31: {  	[smem:$0x3FB0] =	sst s10  }
0x32: {  	s10 =	sld [smem:$0x3FAE];
	_ =	sdelay $0x3  }
0x33: {  	p0 =	seq.s32 s10, $0x1;
	s10 =	sld [smem:$0x3FB0];
	_ =	sdelay $0x3  }
0x34: {  	[smem:$0x3FB0] =	sst s10  }
0x35: {  	s10 =	sld [smem:$0x3FAF];
	_ =	sdelay $0x3  }
0x36: {  	p1 =	seq.s32 s10, $0x1;
	s10 =	sld [smem:$0x3FB0];
	_ =	sdelay $0x3  }
0x37: {  	[smem:$0x3FB0] =	sst s10  }
0x38: {  	s10 =	sld [smem:$0x3FB1]  }
0x39: {  	_ = 	snop;
	(pc) =	sbr.ind lr, $3  }
0x3a: {  	_ = 	snop  }
0x3b: {  	_ = 	snop  }
0x3c: {  	p2 =	seq.s32 s10, $0x1;
	s10 =	sld [smem:$0x3FB0]  }
0x3d: {  	_ =	shalt  }
0x3e: {  	_ =	shalt  }
0x3f: {  	_ =	shalt  }
0x40: {  	_ =	shalt  }
0x41: {  	_ =	shalt  }
0x42: {  	_ =	shalt  }
0x43: {  	_ =	shalt  }
0x44: {  	_ =	shalt  }
0x45: {  	_ =	shalt  }
0x46: {  	_ =	shalt  }
0x47: {  	_ =	shalt  }
0x48: {  	_ =	shalt  }
0x49: {  	_ =	shalt  }
0x4a: {  	_ =	shalt  }
0x4b: {  	_ =	shalt  }
0x4c: {  	_ =	shalt  }
0x4d: {  	_ =	shalt  }
0x4e: {  	_ =	shalt  }
0x4f: {  	_ =	shalt  }
0x50: {  	_ =	shalt  }
0x51: {  	_ =	shalt  }
0x52: {  	_ =	shalt  }
0x53: {  	_ =	shalt  }
0x54: {  	_ =	shalt  }
0x55: {  	_ =	shalt  }
0x56: {  	_ =	shalt  }
0x57: {  	_ =	shalt  }
0x58: {  	_ =	shalt  }
0x59: {  	_ =	shalt  }
0x5a: {  	_ =	shalt  }
0x5b: {  	_ =	shalt  }
0x5c: {  	_ =	shalt  }
0x5d: {  	_ =	shalt  }
0x5e: {  	_ =	shalt  }
0x5f: {  	_ =	shalt  }
0x60: {  	_ =	shalt  }
0x61: {  	_ =	shalt  }
0x62: {  	_ =	shalt  }
0x63: {  	_ =	shalt  }
0x64: {  	_ =	shalt  }
0x65: {  	_ =	shalt  }
0x66: {  	_ =	shalt  }
0x67: {  	_ =	shalt  }
0x68: {  	_ =	shalt  }
0x69: {  	_ =	shalt  }
0x6a: {  	_ =	shalt  }
0x6b: {  	_ =	shalt  }
0x6c: {  	_ =	shalt  }
0x6d: {  	_ =	shalt  }
0x6e: {  	_ =	shalt  }
0x6f: {  	_ =	shalt  }
0x70: {  	_ =	shalt  }
0x71: {  	_ =	shalt  }
0x72: {  	_ =	shalt  }
0x73: {  	_ =	shalt  }
0x74: {  	_ =	shalt  }
0x75: {  	_ =	shalt  }
0x76: {  	_ =	shalt  }
0x77: {  	_ =	shalt  }
0x78: {  	_ =	shalt  }
0x79: {  	_ =	shalt  }
0x7a: {  	_ =	shalt  }
0x7b: {  	_ =	shalt  }
0x7c: {  	_ =	shalt  }
0x7d: {  	_ =	shalt  }
0x7e: {  	_ =	shalt  }
0x7f: {  	_ =	shalt  }
0x80: {  	_ =	shalt  }
0x81: {  	_ =	shalt  }
0x82: {  	_ =	shalt  }
0x83: {  	_ =	shalt  }
0x84: {  	_ =	shalt  }
0x85: {  	_ =	shalt  }
0x86: {  	_ =	shalt  }
0x87: {  	_ =	shalt  }
.Lfunc_end0:
.L_simem_size_0:
called_computation_lowered:
.L_overlay_start_0:
0x88: {  	s2 =	sld [smem:$0x3FD9]  }
0x89: {  	s3 =	sld [smem:$0x3FFE];
	_ =	sdelay $0x1  }
0x8a: {  	s1 =	srdreg.scid  }
0x8b: {  	s0 =	sand.u32 $0x1, s1  }
0x8c: {  	s15 =	sshll.u32 s0, $0xA;
	s2 =	sadd.s32 s3, s2  }
0x8d: {  	s2 =	sadd.s32 s2, s15  }
0x8e: {  	[smem:$0x3FBC] =	sst s2  }
0x8f: {  	_ = 	snop  }
0x90: {  	(tm) =	ssettm $0x1  }
0x91: {  	s16 =	sld [smem:$0x3FFB];
	_ =	sdelay $0x3  }
0x92: {  	_ =	strace s16  }
0x93: {  	s2 =	sld [smem:$0x3FFC];
	_ =	sdelay $0x3  }
0x94: {  	_ =	strace s2  }
0x95: {  	s2 =	sld [smem:$0x3FFD];
	_ =	sdelay $0x3  }
0x96: {  	_ =	strace s2  }
0x97: {  	_ =	strace $0x8FFFFFFF  }
0x98: {  	s17 =	sld [smem:$0x3FDB];
	_ =	sdelay $0x1  }
0x99: {  	s18 =	simm.s32 $_scs_section_size  }
0x9a: {  	s4 =	simm.s32 $_size__tile_overlayer_lowered;
	s5 =	simm.s32 $_tile_overlayer_lowered  }
0x9b: {  	s21 =	simm.s32 $0x1BFF;
	s20 =	sshll.u32 s5, $0x1;
	s2 =	sadd.s32 s18, s17  }
0x9c: {  	s6 =	simm.s32 $0x0;
	s19 =	sshll.u32 s4, $0x1;
	s4 =	sadd.s32 s20, s2  }
0x9d: {  	[timem:s6], [sflag:s21] =	dma.local [hbm:s4], s19  }
0x9e: {  	_ =	swait.ge [sflag:s21], s19  }
0x9f: {  	s3 =	ssub.s32 $0x0, s19;
	[sflag:s21] =	ssyncset.done $0x0  }
0xa0: {  	[sflag:s21] =	ssyncadd.s32 s3;
	_ =	sdelay $0x1  }
0xa1: {  	s22 =	simm.s32 $0x1B8B  }
0xa2: {  	_ =	swait.ge [sflag:s22], $0x1  }
0xa3: {  	[sflag:s22] =	ssyncset.done $0x0  }
0xa4: {  	s23 =	sld [smem:$0x3FFE];
	[sflag:s22] =	ssyncadd.s32 $0xFFFFFFFF  }
0xa5: {  	s25 =	simm.s32 $0x1B8E;
	s24 =	sld [smem:$0x0]  }
0xa6: {  	s26 =	simm.s32 $execute0_lowered;
	[smem:$0x3FD2] =	sst s25  }
0xa7: {  	s5 =	sshll.u32 s26, $0x1;
	_ =	strace $0x80000054;
	[dreg:$0x1] =	wrdreg $0xFFFFFFFF  }
0xa8: {  	s28 =	simm.s32 $_size_execute0_lowered;
	s2 =	sadd.s32 s2, s5;
	[dreg:$0x0] =	wrdreg $0x0  }
0xa9: {  	s5 =	sshll.u32 s28, $0x1;
	[dreg:$0x2] =	wrdreg s2  }
0xaa: {  	[dreg:$0x3] =	wrdreg s5  }
0xab: {  	[dreg:$0x4] =	wrdreg $0xC0  }
0xac: {  	_ =	task [dreg:s6], $0x5FFFF  }
0xad: {  	[dreg:$0x1] =	wrdreg $0xFFFFFFFF  }
0xae: {  	[dreg:$0x0] =	wrdreg $0x60  }
0xaf: {  	[dreg:$0x2] =	wrdreg s23  }
0xb0: {  	[dreg:$0x3] =	wrdreg s1  }
0xb1: {  	[dreg:$0x4] =	wrdreg s24  }
0xb2: {  	[dreg:$0x5] =	wrdreg $0x9  }
0xb3: {  	_ =	task.clear_ibuf [dreg:s6], $0x6FFFF;
	_ =	strace $0x90000054  }
0xb4: {  	s29 =	simm.s32 $0x9;
	_ =	strace $0x80000056  }
0xb5: {  	_ =	swait.ge [sflag:s29], $0x1  }
0xb6: {  	[sflag:s29] =	ssyncadd.s32 $0xFFFFFFFF  }
0xb7: {  	_ =	strace $0x90000056  }
0xb8: {  	_ =	sfence  }
0xb9: {  	s30 =	sld [smem:$0x0];
	_ =	sdelay $0x2  }
0xba: {  	s31 =	sshll.u32 s1, $0xD;
	s1 =	sshrl.u32 s1, $0x2  }
0xbb: {  	s3 =	sand.u32 $0x4000, s31;
	s1 =	sadd.s32 s1, s30  }
0xbc: {  	s0 =	sor.u32 s3, s0;
	s1 =	sshll.u32 s1, $0x11  }
0xbd: {  	s0 =	sor.u32 s1, s0  }
0xbe: {  	s0 =	sadd.s32 $0x8F2B, s0  }
0xbf: {  	[sflag:s0] =	ssyncadd.remote.s32 $0x1  }
0xc0: {  	_ =	sfence.sel $0xFFFF  }
0xc1: {  	[dreg:$0x0] =	wrdreg $0xFFFFFFFF;
	(pc) =	sbr.abs _section_cstart, $3  }
0xc2: {  	[dreg:$0x1] =	wrdreg $0xFFFFFFFF  }
0xc3: {  	_ =	task.clear_ibuf [dreg:s6], $0x2FFFF;
	_ =	strace $0x9FFFFFFF  }
0xc4: {  	(tm) =	ssettm $0x7FFFFFFF  }
0xc5: {  	_ =	shalt  }
tec
execute0_lowered:
.L_overlay_start_1:
0x0: {  	(tag) =	ssettag $0x1  }
0x1: {  	s2 =	rddreg [dreg:$0x0]  }
0x2: {  	s3 =	rddreg [dreg:$0x1];
	_ =	strace $0x80000055;
	s0 =	simm.s32 $0x1  }
0x3: {  	v0 =	vimm.s32 $0x0;
	[sflag:s0] =	ssyncpa.u1 $0x0;
	s0 =	simm.s32 $0x108  }
0x4: {  	[tilespmem:s0+$0x70] =	vst v0  }
0x5: {  	[tilespmem:s0+$0x60] =	vst v0  }
0x6: {  	[tilespmem:s0+$0x50] =	vst v0  }
0x7: {  	[tilespmem:s0+$0x40] =	vst v0  }
0x8: {  	[tilespmem:s0+$0x30] =	vst v0  }
0x9: {  	s1 =	sadd.s32 $0x336400, s2;
	s15 =	sadd.s32 $0xE00, s2;
	s6 =	sadd.s32 $0xAE00, s2;
	[tilespmem:s0+$0x20] =	vst v0  }
0xa: {  	s14 =	sadd.s32 $0x5E00, s2;
	s5 =	sand.u32 $0x1, s3;
	s3 =	simm.s32 $0x40;
	[tilespmem:s0+$0x10] =	vst v0  }
.LBB2_1:
0xb: {  	s3 =	sadd.s32 $0x40, s3;
	[tilespmem:s0+$0x0] =	vst v0;
	s0 =	sadd.s32 $0x80, s0  }
0xc: {  	p0 =	slt.u32 s3, $0x3C40;
	[tilespmem:s0+$0x70] =	vst v0  }
0xd: {  	[tilespmem:s0+$0x60] =	vst v0  }
.Ltmp0:
0xe: {  	[tilespmem:s0+$0x50] =	vst v0;
	(pc) =	sbr.rel @p0 .LBB2_1-.Ltmp0, $4  }
0xf: {  	[tilespmem:s0+$0x40] =	vst v0  }
0x10: {  	[tilespmem:s0+$0x30] =	vst v0  }
0x11: {  	[tilespmem:s0+$0x20] =	vst v0  }
0x12: {  	[tilespmem:s0+$0x10] =	vst v0  }
0x13: {  	s9 =	stileid.u32  }
0x14: {  	s2 =	smul.u32 $0x15, s9  }
0x15: {  	s3 =	smin.u32 s9, $0x6  }
0x16: {  	s2 =	sadd.s32 s3, s2  }
0x17: {  	p0 =	slt.u32 s9, $0x6;
	s7 =	smul.u32 $0xF0, s2;
	s2 =	simm.s32 $0x14A0  }
0x18: {  	s2 =	simm.s32 @!p0 $0x13B0  }
0x19: {  	s2 =	sadd.s32 s2, s7  }
0x1a: {  	s8 =	smin.u32 s2, $0x14000  }
0x1b: {  	s2 =	ssub.s32 s8, s7  }
0x1c: {  	p0 =	sgt.s32 s2, $0x0  }
0x1d: {  	s29 =	simm.s32 $0x2;
	s10 =	simm.s32 $0x9;
	s2 =	simm.s32 @!p0 $0x0  }
0x1e: {  	s4 =	simm.s32 $0xA;
	s11 =	simm.s32 $0xB;
	s28 =	smulhi.u32 $0x88888889, s2  }
0x1f: {  	[dreg:$0x4] =	wrdreg s5;
	s31 =	smul.u32 $0x2800, s5;
	s12 =	simm.s32 $0x1  }
0x20: {  	s22 =	simm.s32 $0x0;
	s18 =	simm.s32 $0xC;
	s30 =	sshrl.u32 s28, $0x7  }
0x21: {  	s20 =	simm.s32 $0x0;
	s21 =	simm.s32 $0x0;
	s3 =	smul.u32 $0xF0, s30  }
.Ltmp1:
0x22: {  	[tilespmem:s0+$0x0] =	vst v0;
	v0 =	vimm.s32 $0xFFFFFFFF;
	[sflag:s29] =	ssyncpa.u1 $0x0;
	s16 =	sshll.u32 s9, $0x8;
	(pc) =	sbr.rel .LBB2_3-.Ltmp1, $4  }
0x23: {  	[tilespmem:$0xF208] =	vst v0;
	[sflag:s10] =	ssyncpa.u1 $0x0;
	p0 =	sne.s32 s2, s3;
	s2 =	simm.s32 $0x1  }
0x24: {  	s14 =	sadd.s32 s31, s14;
	[sflag:s4] =	ssyncpa.u1 $0x0;
	s2 =	simm.s32 @!p0 $0x0  }
0x25: {  	s15 =	sadd.s32 s31, s15;
	[sflag:s11] =	ssyncpa.u1 $0x0;
	s13 =	sadd.s32 s2, s30  }
0x26: {  	v0 =	vlaneseq.u32;
	s19 =	smov.u32 s7;
	p0 =	por $0x0, $0x0;
	s17 =	sadd.s32 $0x1, s13  }
.LBB2_18:
0x27: {  	s0 =	sshrl.u32 s31, $0x2  }
.LBB2_20:
0x28: {  	_ =	swait.ge [sflag:s18], s0  }
0x29: {  	s31 =	ssub.s32 $0x0, s0;
	v1 =	vmov s24;
	vm0 =	veq.s32 v0, $0x0;
	[sflag:s18] =	ssyncset.done $0x0  }
0x2a: {  	vm15 =	veq.s32 v0, $0x2;
	v1 =	vsel vm0, s30, v1;
	[sflag:s18] =	ssyncadd.s32 s31  }
0x2b: {  	v1 =	vsel vm15, s22, v1;
	[sflag:s18] =	ssyncpa.u1 $0x1  }
0x2c: {  	[tilespmem:$0xF208] =	vst v1  }
.LBB2_21:
0x2d: {  	s0 =	sadd.s32 $0xF0, s19  }
0x2e: {  	s2 =	smov.u32 s7;
	p1 =	slt.s32 s0, s8  }
0x2f: {  	s2 =	smov.u32 @p1 s0;
	p1 =	sne.s32 s21, s17  }
.Ltmp2:
0x30: {  	_ = 	snop;
	(pc) =	sbr.rel @!p1 .LBB2_22-.Ltmp2, $3  }
0x31: {  	_ =	sdelay $0x1  }
0x32: {  	s22 =	smov.u32 s20;
	s31 =	sadd.s32 $0x1, s21;
	s20 =	smov.u32 s19  }
0x33: {  	p0 =	por !p0, !p0;
	s21 =	smov.u32 s31;
	s19 =	smov.u32 s2  }
.LBB2_3:
0x34: {  	p1 =	sge.u32 s21, s13  }
0x35: {  	s0 =	smulhi.u32 @!p1 $0xAAAAAAAB, s21  }
0x36: {  	s2 =	smov.u32 s19;
	p2 =	sgt.s32 @!p1 s19, $0x13F10  }
0x37: {  	s3 =	sshra.s32 @!p1 s19, $0x1F;
	p2 =	por !p2, p1;
	s0 =	sshrl.u32 @!p1 s0, $0x1  }
0x38: {  	s3 =	sand.u32 @!p1 s3, s19;
	s2 =	simm.s32 @p2 $0x13F10;
	s0 =	smul.u32 @!p1 $0x3, s0  }
0x39: {  	s2 =	ssub.s32 @!p1 s2, s3  }
0x3a: {  	s2 =	sadd.s32 @!p1 $0xFFFEC0F0, s2;
	s0 =	ssub.s32 @!p1 s21, s0  }
0x3b: {  	s3 =	sshll.u32 @!p1 s2, $0x2;
	p2 =	sgt.s32 @!p1 s2, $0xEF;
	s0 =	smul.u32 @!p1 $0x3C0, s0  }
0x3c: {  	s4 =	sand.u32 @!p1 $0x7, s19;
	s2 =	ssub.s32 @!p1 $0x3C0, s3;
	p2 =	por !p2, p1  }
0x3d: {  	s3 =	sshrl.u32 @!p1 s19, $0x3;
	s2 =	sshrl.u32 @!p1 s2, $0x2;
	s0 =	sshrl.u32 @!p1 s0, $0x2  }
0x3e: {  	s3 =	sadd.s32 @!p1 s3, s14;
	s2 =	simm.s32 @!p2 $0x0;
	s0 =	sadd.s32 @!p1 $0x10248, s0  }
0x3f: {  	[tilespmem:s0], [sflag:$0xA] =	stream.linear.gather @!p1 [hbm4b:s3+s4], s2, $0x38;
	[tilespmem:$0x1F6F8] =	vst v63  }
0x40: {  	s0 =	sadd.s32 $0xFFFFFFFF, s21  }
0x41: {  	p1 =	sge.u32 s0, s13  }
0x42: {  	p2 =	sgt.s32 @!p1 s20, $0x13F10  }
0x43: {  	s2 =	smov.u32 s20;
	s3 =	sshra.s32 @!p1 s20, $0x1F;
	p2 =	por !p2, p1  }
0x44: {  	s3 =	sand.u32 @!p1 s3, s20;
	s2 =	simm.s32 @p2 $0x13F10  }
0x45: {  	s2 =	ssub.s32 @!p1 s2, s3  }
0x46: {  	s2 =	sadd.s32 @!p1 $0xFFFEC0F0, s2  }
0x47: {  	s4 =	sand.u32 @!p1 $0x1, s0;
	s3 =	sshll.u32 @!p1 s2, $0x2  }
0x48: {  	p2 =	sgt.s32 @!p1 s2, $0xEF;
	s2 =	ssub.s32 @!p1 $0x3C0, s3;
	s3 =	smulhi.u32 @!p1 $0xAAAAAAAB, s0  }
0x49: {  	s23 =	smul.u32 @!p1 $0x3C0, s4;
	p2 =	por !p2, p1;
	s2 =	sshrl.u32 @!p1 s2, $0x2  }
0x4a: {  	s5 =	simm.s32 @!p1 $0xA;
	s2 =	simm.s32 @!p2 $0x0;
	s3 =	sshrl.u32 @!p1 s3, $0x1  }
0x4b: {  	s23 =	sshrl.u32 @!p1 s23, $0x2;
	_ =	swait.ge @!p1 [sflag:s5], s2;
	s3 =	smul.u32 @!p1 $0x3, s3  }
0x4c: {  	s23 =	sadd.s32 @!p1 $0x10518, s23;
	s24 =	ssub.s32 @!p1 $0x0, s2;
	[sflag:s5] =	ssyncset.done @!p1 $0x0  }
0x4d: {  	[sflag:s5] =	ssyncadd.s32 @!p1 s24;
	s5 =	sshrl.u32 @!p1 s20, $0x3;
	s0 =	ssub.s32 @!p1 s0, s3  }
0x4e: {  	s24 =	sand.u32 @!p1 $0x7, s20;
	s5 =	sadd.s32 @!p1 s5, s15;
	s0 =	smul.u32 @!p1 $0x3C0, s0  }
0x4f: {  	[tilespmem:s23], [sflag:$0xB] =	stream.linear.gather @!p1 [hbm4b:s5+s24], s2, $0x38;
	[tilespmem:$0x1F6F8] =	vst v63  }
0x50: {  	s3 =	ssub.s32 @!p1 $0x14000, s20;
	s2 =	smul.u32 @!p1 $0x1E000, s4  }
0x51: {  	p2 =	slt.s32 @!p1 s3, $0xF0  }
0x52: {  	p2 =	por !p2, p1;
	s0 =	sshrl.u32 @!p1 s0, $0x2;
	s2 =	sshrl.u32 @!p1 s2, $0x2  }
0x53: {  	s3 =	simm.s32 @p2 $0xF0;
	s0 =	sadd.s32 @!p1 $0x10248, s0;
	s2 =	sor.u32 @!p1 $0x106F8, s2  }
0x54: {  	[tilespmem:s2], [sflag:$0x9] =	stream.indirect.gather @!p1 [hbm4b:s6+s3], $0x80, s0, s3, $0xb8;
	[tilespmem:$0x1F6F8] =	vst v63  }
0x55: {  	p1 =	slt.u32 s21, $0x2  }
.Ltmp3:
0x56: {  	_ = 	snop;
	(pc) =	sbr.rel @p1 .LBB2_21-.Ltmp3, $1  }
0x57: {  	_ =	sdelay $0x3  }
0x58: {  	p1 =	sgt.s32 s22, $0x13F10  }
0x59: {  	s0 =	smov.u32 s22;
	s2 =	sshra.s32 s22, $0x1F;
	s3 =	ssub.s32 $0x14000, s22  }
0x5a: {  	s0 =	simm.s32 @!p1 $0x13F10;
	s2 =	sand.u32 s2, s22;
	p1 =	slt.s32 s3, $0xF0  }
0x5b: {  	s0 =	ssub.s32 s0, s2;
	s3 =	simm.s32 @!p1 $0xF0  }
0x5c: {  	s0 =	sadd.s32 $0xFFFEC0F0, s0;
	s25 =	sshll.u32 s3, $0x7  }
0x5d: {  	s26 =	sshll.u32 s0, $0x2;
	s2 =	sand.u32 $0x3FFFFF80, s25  }
0x5e: {  	p1 =	sgt.s32 s0, $0xEF;
	s29 =	ssub.s32 $0x3C0, s26;
	_ =	swait.ge [sflag:s10], s2  }
0x5f: {  	s2 =	ssub.s32 $0x0, s2;
	[sflag:s10] =	ssyncset.done $0x0;
	s0 =	sshrl.u32 s29, $0x2  }
0x60: {  	[sflag:s10] =	ssyncadd.s32 s2;
	s0 =	simm.s32 @p1 $0x0  }
0x61: {  	_ =	swait.ge [sflag:s11], s0  }
0x62: {  	s0 =	ssub.s32 $0x0, s0;
	[sflag:s11] =	ssyncset.done $0x0  }
0x63: {  	[sflag:s11] =	ssyncadd.s32 s0  }
0x64: {  	v1 =	vld [tilespmem:$0xF208];
	_ =	sdelay $0x4  }
0x65: {  	(v2sf) =	vpush v1, $0x0  }
0x66: {  	(v2sf) =	vpush v1, $0x1  }
0x67: {  	(v2sf) =	vpush v1, $0x2;
	_ =	sdelay $0x3  }
0x68: {  	s0 =	sadd.s32 $0xF0, s22  }
0x69: {  	s2 =	ssub.s32 $0x28000, s22;
	p1 =	slt.s32 s8, s0  }
0x6a: {  	s0 =	smov.u32 @p1 s8;
	p1 =	sgt.s32 s2, $0x0  }
0x6b: {  	s26 =	ssub.s32 s0, s22;
	s2 =	simm.s32 @!p1 $0x0  }
0x6c: {  	p1 =	slt.s32 s2, s26  }
0x6d: {  	s26 =	smov.u32 @p1 s2  }
0x6e: {  	s25 =	simm.s32 $0x1;
	p1 =	slt.s32 s26, $0x1  }
.Ltmp4:
0x6f: {  	s25 =	simm.s32 @!p0 $0x0;
	(pc) =	sbr.rel @p1 .LBB2_8-.Ltmp4, $4  }
0x70: {  	s31 =	smul.u32 $0x3C0, s25  }
0x71: {  	s28 =	spop (v2sf)  }
0x72: {  	s0 =	sshrl.u32 s31, $0x2;
	s30 =	spop (v2sf)  }
0x73: {  	s23 =	sadd.s32 $0x10518, s0;
	s22 =	spop (v2sf)  }
0x74: {  	s0 =	smin.u32 s26, $0x10  }
0x75: {  	v1 =	vmov s0  }
0x76: {  	p2 =	sgt.s32 s26, $0x10;
	vm1 =	vgt.u32 v1, v0  }
.Ltmp5:
0x77: {  	_ = 	snop;
	(pc) =	sbr.rel @!p2 .LBB2_7-.Ltmp5, $2  }
0x78: {  	_ =	sdelay $0x2  }
0x79: {  	s4 =	simm.s32 $0x10;
	s24 =	sadd.s32 $0xFFFFFFF0, s26;
	s0 =	smov.u32 s23;
	vm0 =	vmmov vm1  }
.LBB2_6:
0x7a: {  	s2 =	smin.u32 s24, $0x10;
	s4 =	sadd.s32 $0x10, s4;
	v1 =	vld.msk [tilespmem:s0+$0x0 ss:$0x1], vm1  }
0x7b: {  	v2 =	vmov s2;
	p2 =	slt.s32 s4, s26  }
0x7c: {  	vm1 =	vgt.u32 v2, v0  }
.Ltmp6:
0x7d: {  	(pc) =	sbr.rel @p2 .LBB2_6-.Ltmp6, $3  }
0x7e: {  	_ =	sdelay $0x1  }
0x7f: {  	v1 =	vshll.u32 v1, $0x4  }
0x80: {  	s24 =	sadd.s32 $0xFFFFFFF0, s24;
	[tilespmem:s0+$0x0] =	vst.msk vm0, v1;
	s0 =	sadd.s32 $0x10, s0;
	vm0 =	vmmov vm1  }
.LBB2_7:
0x81: {  	_ =	sdelay $0x4  }
0x82: {  	v1 =	vld.msk [tilespmem:s0+$0x0 ss:$0x1], vm1;
	_ =	sdelay $0x4  }
0x83: {  	v1 =	vshll.u32 v1, $0x4  }
0x84: {  	[tilespmem:s0+$0x0] =	vst.msk vm0, v1  }
.LBB2_8:
0x85: {  	s0 =	sand.u32 $0x1, s21  }
0x86: {  	s0 =	smul.u32 $0xF0, s0  }
0x87: {  	p2 =	sne.s32 s30, $0xFFFFFFFF  }
0x88: {  	v1 =	vld.msk @!p2 [tilespmem:s0+$0x10518], $0x1;
	_ =	sdelay $0x4  }
0x89: {  	(v2sf) =	vpush @!p2 v1, $0x0;
	_ =	sdelay $0xc  }
.Ltmp7:
0x8a: {  	_ = 	snop;
	(pc) =	sbr.rel @p1 .LBB2_19-.Ltmp7, $4  }
0x8b: {  	_ = 	snop  }
0x8c: {  	s29 =	spop @!p2 (v2sf)  }
0x8d: {  	s22 =	simm.s32 @!p2 $0x0;
	s24 =	smov.u32 s29  }
0x8e: {  	[sflag:s18] =	ssyncpa.u1 $0x0;
	s29 =	smov.u32 @p2 s28;
	s24 =	smov.u32 @p2 s30  }
0x8f: {  	v1 =	vld.msk [tilespmem:s23+$0x0], $0x1;
	_ =	sdelay $0x4  }
0x90: {  	(v2sf) =	vpush v1, $0x0;
	_ =	sdelay $0xe  }
0x91: {  	s2 =	smul.u32 $0x1E000, s25;
	s0 =	spop (v2sf)  }
0x92: {  	s26 =	ssub.s32 $0x0, s26;
	p1 =	seq.s32 s29, s0  }
0x93: {  	s30 =	sadd.s32 $0x1, s26;
	s2 =	sshrl.u32 s2, $0x2;
	p2 =	sgt.s32 @!p1 s29, $0x0  }
0x94: {  	s25 =	sor.u32 $0x10738, s2;
	s2 =	smov.u32 s29;
	p2 =	por !p2, p1  }
0x95: {  	s2 =	simm.s32 @p2 $0x0;
	p2 =	seq.s32 s30, $0x0  }
.Ltmp8:
0x96: {  	_ = 	snop;
	(pc) =	sbr.rel @p2 .LBB2_11-.Ltmp8, $4  }
0x97: {  	_ = 	snop  }
0x98: {  	s28 =	simm.s32 $0x0;
	s31 =	sadd.s32 $0x1, s23;
	s2 =	smin.u32 @!p1 s2, $0x270F0  }
0x99: {  	s4 =	simm.s32 @!p1 $0x1;
	s5 =	simm.s32 @!p1 $0x7988;
	s3 =	sand.u32 @!p1 $0x3FFF8, s2  }
0x9a: {  	s4 =	smov.u32 @p1 s28;
	s2 =	sand.u32 @!p1 $0x7, s2;
	s3 =	sadd.s32 @!p1 s1, s3  }
.LBB2_10:
0x9b: {  	s9 =	smov.u32 s4  }
0x9c: {  	[tilespmem:s5], [sflag:$0x2] =	stream.linear.gather @!p1 [hbm4b:s3+s2], $0x80, $0x38;
	[tilespmem:$0x1F6F8] =	vst v63  }
0x9d: {  	s30 =	sadd.s32 $0x1, s30;
	s2 =	smov.u32 s0;
	v1 =	vld.msk [tilespmem:s31+$0x0], $0x1  }
0x9e: {  	p2 =	seq.s32 s30, $0x0;
	_ =	sdelay $0x3  }
0x9f: {  	(v2sf) =	vpush v1, $0x0;
	_ =	sdelay $0xe  }
0xa0: {  	s0 =	spop (v2sf)  }
0xa1: {  	p1 =	seq.s32 s2, s0  }
0xa2: {  	p3 =	sgt.s32 @!p1 s2, $0x0;
	s3 =	sshll.u32 @!p1 s4, $0x9;
	s4 =	sadd.s32 @!p1 $0x1, s4  }
.Ltmp9:
0xa3: {  	p3 =	por !p3, p1;
	s3 =	sshra.s32 @!p1 s3, $0x2;
	(pc) =	sbr.rel @!p2 .LBB2_10-.Ltmp9, $4  }
0xa4: {  	s4 =	smov.u32 @p1 s9;
	s2 =	simm.s32 @p3 $0x0;
	s5 =	sadd.s32 @!p1 $0x7988, s3  }
0xa5: {  	s2 =	smin.u32 @!p1 s2, $0x270F0  }
0xa6: {  	s3 =	sand.u32 @!p1 $0x3FFF8, s2;
	s2 =	sand.u32 @!p1 $0x7, s2  }
0xa7: {  	s31 =	sadd.s32 $0x1, s31;
	s3 =	sadd.s32 @!p1 s1, s3  }
.LBB2_11:
0xa8: {  	[tilespmem:s5], [sflag:$0x2] =	stream.linear.gather @!p1 [hbm4b:s3+s2], $0x80, $0x38;
	[tilespmem:$0x1F6F8] =	vst v63  }
.Ltmp10:
0xa9: {  	s0 =	sshll.u32 s4, $0x7;
	(pc) =	sbr.rel .LBB2_12-.Ltmp10, $4  }
0xaa: {  	s30 =	simm.s32 $0x2;
	s0 =	sand.u32 $0x3FFFFF80, s0  }
0xab: {  	_ =	swait.ge [sflag:s30], s0  }
0xac: {  	s0 =	ssub.s32 $0x0, s0;
	[sflag:s30] =	ssyncset.done $0x0  }
0xad: {  	s31 =	simm.s32 $0x0;
	[sflag:s30] =	ssyncadd.s32 s0  }
.LBB2_13:
0xae: {  	v1 =	vld [tilespmem:s25+$0xFFFFFFC0];
	_ =	sdelay $0x3  }
0xaf: {  	s0 =	sshra.s32 s0, $0x2  }
0xb0: {  	[tilespmem:s0+$0x108] =	vst.add.f32.msk $0xffff, v1  }
0xb1: {  	v1 =	vld [tilespmem:s25+$0xFFFFFFD0];
	_ =	sdelay $0x4  }
0xb2: {  	[tilespmem:s0+$0x118] =	vst.add.f32.msk $0xffff, v1  }
0xb3: {  	v1 =	vld [tilespmem:s25+$0xFFFFFFE0];
	_ =	sdelay $0x4  }
0xb4: {  	[tilespmem:s0+$0x128] =	vst.add.f32.msk $0xffff, v1  }
0xb5: {  	v1 =	vld [tilespmem:s25+$0xFFFFFFF0];
	_ =	sdelay $0x4  }
0xb6: {  	[tilespmem:s0+$0x138] =	vst.add.f32.msk $0xffff, v1  }
0xb7: {  	v1 =	vld [tilespmem:s25+$0x0];
	_ =	sdelay $0x4  }
0xb8: {  	[tilespmem:s0+$0x148] =	vst.add.f32.msk $0xffff, v1  }
0xb9: {  	v1 =	vld [tilespmem:s25+$0x10];
	_ =	sdelay $0x4  }
0xba: {  	[tilespmem:s0+$0x158] =	vst.add.f32.msk $0xffff, v1  }
0xbb: {  	v1 =	vld [tilespmem:s25+$0x20];
	_ =	sdelay $0x4  }
0xbc: {  	[tilespmem:s0+$0x168] =	vst.add.f32.msk $0xffff, v1  }
0xbd: {  	v1 =	vld [tilespmem:s25+$0x30];
	_ =	sdelay $0x4  }
0xbe: {  	[tilespmem:s0+$0x178] =	vst.add.f32.msk $0xffff, v1  }
.LBB2_17:
0xbf: {  	s26 =	sadd.s32 $0x1, s26  }
0xc0: {  	p1 =	seq.s32 s26, $0x0  }
.Ltmp11:
0xc1: {  	_ = 	snop;
	(pc) =	sbr.rel @p1 .LBB2_18-.Ltmp11, $2  }
0xc2: {  	_ =	sdelay $0x2  }
0xc3: {  	s23 =	sadd.s32 $0x1, s23;
	s25 =	sadd.s32 $0x80, s25;
	s29 =	smov.u32 s30  }
.LBB2_12:
0xc4: {  	v1 =	vld.msk [tilespmem:s23+$0x0], $0x1;
	_ =	sdelay $0x4  }
0xc5: {  	(v2sf) =	vpush v1, $0x0;
	_ =	sdelay $0xe  }
0xc6: {  	s30 =	spop (v2sf)  }
0xc7: {  	p1 =	sne.s32 s29, s30  }
.Ltmp12:
0xc8: {  	_ = 	snop;
	(pc) =	sbr.rel @!p1 .LBB2_13-.Ltmp12, $2  }
0xc9: {  	_ =	sdelay $0x2  }
0xca: {  	s0 =	sshll.u32 s22, $0x9  }
0xcb: {  	p1 =	seq.s32 s29, s24  }
.Ltmp13:
0xcc: {  	_ = 	snop;
	(pc) =	sbr.rel @!p1 .LBB2_15-.Ltmp13, $1  }
0xcd: {  	_ =	sdelay $0x3  }
0xce: {  	s0 =	sshra.s32 s0, $0x2  }
.Ltmp14:
0xcf: {  	s0 =	sadd.s32 $0x108, s0;
	(pc) =	sbr.rel .LBB2_16-.Ltmp14, $4  }
0xd0: {  	[spmem:s16] =	stream.linear.scatter [tilespmem:s0], [sflag:$0x1], $0x80, $0x38;
	[tilespmem:$0x1F6F8] =	vst v63  }
0xd1: {  	_ =	swait.ge [sflag:s12], $0x80  }
0xd2: {  	[sflag:s12] =	ssyncset.done $0x0  }
0xd3: {  	[sflag:s12] =	ssyncadd.s32 $0xFFFFFF80  }
.LBB2_15:
0xd4: {  	s2 =	sshll.u32 s28, $0x9  }
0xd5: {  	s2 =	sshra.s32 s2, $0x2  }
0xd6: {  	v1 =	vld [tilespmem:s2+$0x7988];
	_ =	sdelay $0x3  }
0xd7: {  	s0 =	sshra.s32 s0, $0x2  }
0xd8: {  	[tilespmem:s0+$0x108] =	vst.add.f32.msk $0xffff, v1  }
0xd9: {  	v1 =	vld [tilespmem:s2+$0x7998];
	_ =	sdelay $0x4  }
0xda: {  	[tilespmem:s0+$0x118] =	vst.add.f32.msk $0xffff, v1  }
0xdb: {  	v1 =	vld [tilespmem:s2+$0x79A8];
	_ =	sdelay $0x4  }
0xdc: {  	[tilespmem:s0+$0x128] =	vst.add.f32.msk $0xffff, v1  }
0xdd: {  	v1 =	vld [tilespmem:s2+$0x79B8];
	_ =	sdelay $0x4  }
0xde: {  	[tilespmem:s0+$0x138] =	vst.add.f32.msk $0xffff, v1  }
0xdf: {  	v1 =	vld [tilespmem:s2+$0x79C8];
	_ =	sdelay $0x4  }
0xe0: {  	[tilespmem:s0+$0x148] =	vst.add.f32.msk $0xffff, v1  }
0xe1: {  	v1 =	vld [tilespmem:s2+$0x79D8];
	_ =	sdelay $0x4  }
0xe2: {  	[tilespmem:s0+$0x158] =	vst.add.f32.msk $0xffff, v1  }
0xe3: {  	v1 =	vld [tilespmem:s2+$0x79E8];
	_ =	sdelay $0x4  }
0xe4: {  	[tilespmem:s0+$0x168] =	vst.add.f32.msk $0xffff, v1  }
0xe5: {  	v1 =	vld [tilespmem:s2+$0x79F8];
	_ =	sdelay $0x2  }
0xe6: {  	p1 =	sgt.u32 s29, $0x270F0  }
0xe7: {  	s2 =	sand.u32 @!p1 $0x3FFF8, s29  }
0xe8: {  	s3 =	sadd.s32 $0x108, s0;
	[tilespmem:s0+$0x178] =	vst.add.f32.msk $0xffff, v1;
	s0 =	sadd.s32 @!p1 s1, s2;
	s2 =	sand.u32 @!p1 $0x7, s29  }
0xe9: {  	[hbm4b:s0+s2] =	stream.linear.scatter @!p1 [tilespmem:s3], [sflag:$0xC], $0x80, $0x38;
	[tilespmem:$0x1F6F8] =	vst v63  }
0xea: {  	s0 =	simm.s32 $0x0  }
0xeb: {  	s0 =	simm.s32 @!p1 $0x200  }
0xec: {  	s31 =	sadd.s32 s0, s31  }
.LBB2_16:
0xed: {  	s0 =	sadd.s32 $0x1, s22  }
0xee: {  	s2 =	smulhi.u32 $0x88888889, s0;
	_ =	sdelay $0x1  }
0xef: {  	v1 =	vld [tilespmem:s25+$0xFFFFFFC0];
	s2 =	sshrl.u32 s2, $0x7  }
0xf0: {  	s2 =	smul.u32 $0xF0, s2;
	_ =	sdelay $0x1  }
0xf1: {  	s22 =	ssub.s32 s0, s2  }
0xf2: {  	s0 =	sshll.u32 s22, $0x7  }
0xf3: {  	[tilespmem:s0+$0x108] =	vst v1  }
0xf4: {  	v1 =	vld [tilespmem:s25+$0xFFFFFFD0];
	_ =	sdelay $0x4  }
0xf5: {  	[tilespmem:s0+$0x118] =	vst v1  }
0xf6: {  	v1 =	vld [tilespmem:s25+$0xFFFFFFE0];
	_ =	sdelay $0x4  }
0xf7: {  	[tilespmem:s0+$0x128] =	vst v1  }
0xf8: {  	v1 =	vld [tilespmem:s25+$0xFFFFFFF0];
	_ =	sdelay $0x4  }
0xf9: {  	[tilespmem:s0+$0x138] =	vst v1  }
0xfa: {  	v1 =	vld [tilespmem:s25+$0x0];
	_ =	sdelay $0x4  }
0xfb: {  	[tilespmem:s0+$0x148] =	vst v1  }
0xfc: {  	v1 =	vld [tilespmem:s25+$0x10];
	_ =	sdelay $0x4  }
0xfd: {  	[tilespmem:s0+$0x158] =	vst v1  }
0xfe: {  	v1 =	vld [tilespmem:s25+$0x20];
	_ =	sdelay $0x4  }
0xff: {  	[tilespmem:s0+$0x168] =	vst v1  }
0x100: {  	v1 =	vld [tilespmem:s25+$0x30]  }
.Ltmp15:
0x101: {  	_ = 	snop;
	(pc) =	sbr.rel .LBB2_17-.Ltmp15, $2  }
0x102: {  	_ =	sdelay $0x2  }
0x103: {  	s28 =	sadd.s32 $0x1, s28;
	[tilespmem:s0+$0x178] =	vst v1  }
.LBB2_19:
.Ltmp16:
0x104: {  	(pc) =	sbr.rel .LBB2_20-.Ltmp16, $4  }
0x105: {  	_ = 	snop  }
0x106: {  	s0 =	simm.s32 $0x2  }
0x107: {  	_ =	swait.ge [sflag:s0], $0x0  }
0x108: {  	s30 =	smov.u32 s29;
	[sflag:s0] =	ssyncset.done $0x0;
	s0 =	simm.s32 $0x0  }
.LBB2_22:
0x109: {  	_ =	sfence.sel $0x180000  }
0x10a: {  	s0 =	simm.s32 $0x9;
	[bflag:$0x0] =	sbarrier.arrive $0xFFFF  }
0x10b: {  	s24 =	simm.s32 $0xA;
	[sflag:s0] =	ssyncpa.u1 $0x1  }
0x10c: {  	s25 =	simm.s32 $0xB;
	[sflag:s24] =	ssyncpa.u1 $0x1  }
0x10d: {  	s26 =	simm.s32 $0x2;
	[sflag:s25] =	ssyncpa.u1 $0x1  }
0x10e: {  	[sflag:s26] =	ssyncpa.u1 $0x1  }
0x10f: {  	v0 =	vld [tilespmem:$0xF208];
	_ =	sdelay $0x4  }
0x110: {  	(v2sf) =	vpush v0, $0x0  }
0x111: {  	(v2sf) =	vpush v0, $0x1;
	_ =	sdelay $0x1  }
0x112: {  	(v2sf) =	vpush v0, $0x2;
	_ =	sdelay $0xb  }
0x113: {  	s0 =	spop (v2sf)  }
0x114: {  	s2 =	spop (v2sf)  }
0x115: {  	s3 =	smov.u32 s0;
	p0 =	sne.s32 s0, s2  }
0x116: {  	s4 =	spop (v2sf);
	s3 =	simm.s32 @!p0 $0xFFFFFFFF  }
0x117: {  	v2 =	vimm.s32 $0x1;
	v3 =	vlaneseq.u32;
	p0 =	seq.s32 s4, $0xFFFFFFFF;
	v1 =	vmov s3  }
0x118: {  	s16 =	stileid.u32;
	v0 =	vperm.xlane v0, v2;
	p1 =	sne.s32 @!p0 s0, s2;
	v1 =	vperm.xlane v1, v3  }
0x119: {  	vm0 =	vcmask $0x3F04;
	s6 =	simm.s32 $0xF208;
	s0 =	simm.s32 @!p0 $0x1;
	p1 =	por !p1, p0  }
0x11a: {  	s3 =	sshll.u32 s16, $0x1;
	s2 =	sshll.u32 @!p0 s4, $0x9;
	s0 =	simm.s32 @p1 $0x0;
	v0 =	vsel vm0, v1, v0  }
0x11b: {  	s5 =	sor.u32 $0x1000, s3;
	s2 =	sshra.s32 @!p0 s2, $0x2;
	s0 =	sor.u32 @!p0 s0, s3;
	[tilespmem:$0xF208] =	vst v0  }
0x11c: {  	[spmem:s5] =	stream.linear.scatter [tilespmem:s6], [sflag:$0x1], $0x2, $0x38;
	[tilespmem:$0x1F6F8] =	vst v63  }
0x11d: {  	s2 =	sadd.s32 @!p0 $0x108, s2;
	s0 =	sshll.u32 @!p0 s0, $0x7  }
0x11e: {  	[spmem:s0] =	stream.linear.scatter @!p0 [tilespmem:s2], [sflag:$0x1], $0x80, $0x38;
	[tilespmem:$0x1F6F8] =	vst v63  }
0x11f: {  	s0 =	simm.s32 @!p0 $0x82  }
0x120: {  	s28 =	simm.s32 $0x1;
	s0 =	simm.s32 @p0 $0x2  }
0x121: {  	_ =	swait.ge [sflag:s28], s0  }
0x122: {  	s0 =	ssub.s32 $0x0, s0;
	[sflag:s28] =	ssyncset.done $0x0  }
0x123: {  	p0 =	sne.s32 s16, $0x0;
	[sflag:s28] =	ssyncadd.s32 s0  }
.Ltmp17:
0x124: {  	_ =	sfence.stream.spmem;
	(pc) =	sbr.rel @p0 .LBB2_39-.Ltmp17, $4  }
0x125: {  	s29 =	simm.s32 $0x3;
	[bflag:$0x0] =	sbarrier.arrive $0xFFFF  }
0x126: {  	s30 =	simm.s32 $0x4;
	[sflag:s29] =	ssyncpa.u1 $0x1  }
0x127: {  	s31 =	simm.s32 $0x3C;
	[sflag:s30] =	ssyncpa.u1 $0x1  }
0x128: {  	s15 =	rddreg [dreg:$0x4];
	[sflag:s31] =	ssyncpa.u1 $0x1  }
0x129: {  	_ =	sfence.stream.spmem;
	s0 =	simm.s32 $0x5  }
0x12a: {  	s2 =	simm.s32 $0x1000;
	s3 =	simm.s32 $0xF218;
	[sflag:s0] =	ssyncpa.u1 $0x0  }
0x12b: {  	[tilespmem:s3], [sflag:$0x5] =	stream.linear.gather [spmem:s2], $0x20, $0x38;
	[tilespmem:$0x1F6F8] =	vst v63  }
0x12c: {  	s26 =	simm.s32 $0x0;
	s28 =	simm.s32 $0xF238  }
0x12d: {  	[tilespmem:s28], [sflag:$0x5] =	stream.linear.gather [spmem:s26], $0x1000, $0x38;
	[tilespmem:$0x1F6F8] =	vst v63  }
0x12e: {  	_ =	swait.ge [sflag:s0], $0x1020  }
0x12f: {  	[sflag:s0] =	ssyncset.done $0x0  }
0x130: {  	s29 =	simm.s32 $0x0;
	[sflag:s0] =	ssyncadd.s32 $0xFFFFEFE0  }
0x131: {  	v0 =	vld.msk [tilespmem:s29+$0xF218], $0x1;
	_ =	sdelay $0x1  }
0x132: {  	s30 =	simm.s32 $0x1  }
0x133: {  	v1 =	vld.msk [tilespmem:s30+$0xF218], $0x1;
	_ =	sdelay $0x1  }
0x134: {  	(v2sf) =	vpush v0, $0x0;
	_ =	sdelay $0x2  }
0x135: {  	(v2sf) =	vpush v1, $0x0;
	_ =	sdelay $0x2  }
0x136: {  	s31 =	simm.s32 $0x2  }
0x137: {  	v0 =	vld.msk [tilespmem:s31+$0xF218], $0x1;
	_ =	sdelay $0x2  }
0x138: {  	s4 =	simm.s32 $0xFFFFFFFF;
	s5 =	simm.s32 $0xFFFFFFFF;
	s0 =	simm.s32 $0xC  }
.LBB2_24:
0x139: {  	s2 =	smov.u32 s5;
	s3 =	smov.u32 s4  }
0x13a: {  	s4 =	sshra.s32 s0, $0x2;
	p1 =	sne.s32 s0, $0x7C;
	s0 =	sadd.s32 $0x4, s0;
	(v2sf) =	vpush v0, $0x0  }
0x13b: {  	v0 =	vld.msk [tilespmem:s4+$0xF218], $0x1  }
.Ltmp18:
0x13c: {  	(pc) =	sbr.rel @p1 .LBB2_24-.Ltmp18, $4  }
0x13d: {  	s5 =	spop (v2sf)  }
0x13e: {  	p2 =	sne.s32 s3, $0xFFFFFFFF;
	s4 =	smov.u32 s5  }
0x13f: {  	p3 =	seq.s32 s5, $0xFFFFFFFF;
	s4 =	smov.u32 @p2 s3  }
0x140: {  	s5 =	smov.u32 @p3 s2;
	s4 =	smov.u32 @p3 s3  }
0x141: {  	(v2sf) =	vpush v0, $0x0;
	_ =	sdelay $0x8  }
0x142: {  	s0 =	spop (v2sf)  }
0x143: {  	p1 =	sne.s32 s4, $0xFFFFFFFF;
	s2 =	smov.u32 s0  }
0x144: {  	s9 =	simm.s32 $0x6;
	p2 =	seq.s32 s0, $0xFFFFFFFF;
	s2 =	smov.u32 @p1 s4  }
0x145: {  	s6 =	simm.s32 $0x0;
	s2 =	smov.u32 @p2 s4;
	s3 =	spop (v2sf)  }
0x146: {  	s0 =	smov.u32 @p2 s5;
	p1 =	sne.s32 s2, $0xFFFFFFFF;
	s4 =	smov.u32 s3  }
.Ltmp19:
0x147: {  	p2 =	seq.s32 s3, $0xFFFFFFFF;
	s4 =	smov.u32 @p1 s2;
	(pc) =	sbr.rel .LBB2_26-.Ltmp19, $4  }
0x148: {  	s10 =	simm.s32 $0xF188;
	s4 =	smov.u32 @p2 s2;
	s7 =	spop (v2sf)  }
0x149: {  	s11 =	simm.s32 $0x0;
	p1 =	sne.s32 s4, $0xFFFFFFFF;
	s8 =	smov.u32 s7  }
0x14a: {  	s3 =	smov.u32 @p2 s0;
	p2 =	seq.s32 s7, $0xFFFFFFFF;
	s8 =	smov.u32 @p1 s4  }
0x14b: {  	[sflag:s9] =	ssyncpa.u1 $0x0;
	s7 =	smov.u32 @p2 s3;
	s8 =	smov.u32 @p2 s4  }
.LBB2_32:
0x14c: {  	p1 =	sgt.u32 s12, $0x270F0  }
0x14d: {  	p2 =	seq.s32 @!p1 s12, s8  }
0x14e: {  	p1 =	por p1, p2  }
0x14f: {  	p2 =	sne.s32 @!p1 s12, s7  }
0x150: {  	p1 =	por p1, !p2  }
0x151: {  	s0 =	sshll.u32 @p1 s11, $0x9  }
0x152: {  	s0 =	sand.u32 @!p1 $0x3FFF8, s12  }
0x153: {  	s2 =	sand.u32 @!p1 $0x7, s12;
	s0 =	sadd.s32 @!p1 s1, s0  }
0x154: {  	[tilespmem:s10], [sflag:$0x6] =	stream.linear.gather @!p1 [hbm4b:s0+s2], $0x80, $0x38;
	[tilespmem:$0x1F6F8] =	vst v63  }
0x155: {  	_ =	swait.ge @!p1 [sflag:s9], $0x80  }
0x156: {  	[sflag:s9] =	ssyncset.done @!p1 $0x0  }
0x157: {  	[sflag:s9] =	ssyncadd.s32 @!p1 $0xFFFFFF80  }
0x158: {  	v1 =	vld @!p1 [tilespmem:$0xF188];
	_ =	sdelay $0x2  }
0x159: {  	s0 =	sshll.u32 @!p1 s11, $0x9  }
0x15a: {  	s2 =	sshrl.u32 @!p1 s0, $0x2  }
0x15b: {  	[tilespmem:s2+$0xF238] =	vst.add.f32.msk @!p1 $0xffff, v1  }
0x15c: {  	v1 =	vld @!p1 [tilespmem:$0xF198];
	_ =	sdelay $0x4  }
0x15d: {  	[tilespmem:s2+$0xF248] =	vst.add.f32.msk @!p1 $0xffff, v1  }
0x15e: {  	v1 =	vld @!p1 [tilespmem:$0xF1A8];
	_ =	sdelay $0x4  }
0x15f: {  	[tilespmem:s2+$0xF258] =	vst.add.f32.msk @!p1 $0xffff, v1  }
0x160: {  	v1 =	vld @!p1 [tilespmem:$0xF1B8];
	_ =	sdelay $0x4  }
0x161: {  	[tilespmem:s2+$0xF268] =	vst.add.f32.msk @!p1 $0xffff, v1  }
0x162: {  	v1 =	vld @!p1 [tilespmem:$0xF1C8];
	_ =	sdelay $0x4  }
0x163: {  	[tilespmem:s2+$0xF278] =	vst.add.f32.msk @!p1 $0xffff, v1  }
0x164: {  	v1 =	vld @!p1 [tilespmem:$0xF1D8];
	_ =	sdelay $0x4  }
0x165: {  	[tilespmem:s2+$0xF288] =	vst.add.f32.msk @!p1 $0xffff, v1  }
0x166: {  	v1 =	vld @!p1 [tilespmem:$0xF1E8];
	_ =	sdelay $0x4  }
0x167: {  	[tilespmem:s2+$0xF298] =	vst.add.f32.msk @!p1 $0xffff, v1  }
0x168: {  	v1 =	vld @!p1 [tilespmem:$0xF1F8];
	_ =	sdelay $0x4  }
0x169: {  	[tilespmem:s2+$0xF2A8] =	vst.add.f32.msk @!p1 $0xffff, v1  }
0x16a: {  	s0 =	sshrl.u32 s0, $0x2;
	[tilespmem:s6+$0xF218] =	vst.msk $0x1, v0  }
0x16b: {  	v0 =	vld [tilespmem:s0+$0xF238];
	_ =	sdelay $0x2  }
0x16c: {  	s31 =	sshll.u32 s6, $0x9  }
0x16d: {  	s2 =	sshra.s32 s31, $0x2  }
0x16e: {  	[tilespmem:s2+$0xF238] =	vst v0  }
0x16f: {  	v0 =	vld [tilespmem:s0+$0xF248];
	_ =	sdelay $0x4  }
0x170: {  	[tilespmem:s2+$0xF248] =	vst v0  }
0x171: {  	v0 =	vld [tilespmem:s0+$0xF258];
	_ =	sdelay $0x4  }
0x172: {  	[tilespmem:s2+$0xF258] =	vst v0  }
0x173: {  	v0 =	vld [tilespmem:s0+$0xF268];
	_ =	sdelay $0x4  }
0x174: {  	[tilespmem:s2+$0xF268] =	vst v0  }
0x175: {  	v0 =	vld [tilespmem:s0+$0xF278];
	_ =	sdelay $0x4  }
0x176: {  	[tilespmem:s2+$0xF278] =	vst v0  }
0x177: {  	v0 =	vld [tilespmem:s0+$0xF288];
	_ =	sdelay $0x4  }
0x178: {  	[tilespmem:s2+$0xF288] =	vst v0  }
0x179: {  	v0 =	vld [tilespmem:s0+$0xF298];
	_ =	sdelay $0x4  }
0x17a: {  	[tilespmem:s2+$0xF298] =	vst v0  }
0x17b: {  	v0 =	vld [tilespmem:s0+$0xF2A8];
	_ =	sdelay $0x4  }
0x17c: {  	s6 =	sadd.s32 $0x1, s6;
	[tilespmem:s2+$0xF2A8] =	vst v0  }
.LBB2_33:
0x17d: {  	s11 =	sadd.s32 $0x1, s11  }
0x17e: {  	p1 =	sne.s32 s11, $0x20  }
.Ltmp20:
0x17f: {  	_ = 	snop;
	(pc) =	sbr.rel @!p1 .LBB2_34-.Ltmp20, $1  }
0x180: {  	_ =	sdelay $0x3  }
.LBB2_26:
0x181: {  	v0 =	vld.msk [tilespmem:s11+$0xF218], $0x1;
	_ =	sdelay $0x4  }
0x182: {  	(v2sf) =	vpush v0, $0x0;
	_ =	sdelay $0xe  }
0x183: {  	s12 =	spop (v2sf)  }
0x184: {  	p1 =	seq.s32 s12, $0xFFFFFFFF  }
.Ltmp21:
0x185: {  	_ = 	snop;
	(pc) =	sbr.rel @p1 .LBB2_33-.Ltmp21, $1  }
0x186: {  	_ =	sdelay $0x3  }
0x187: {  	p1 =	slt.s32 s6, $0x1  }
.Ltmp22:
0x188: {  	_ = 	snop;
	(pc) =	sbr.rel @p1 .LBB2_32-.Ltmp22, $1  }
0x189: {  	_ =	sdelay $0x3  }
0x18a: {  	s13 =	simm.s32 $0xF218;
	p1 =	por $0x0, $0x0  }
0x18b: {  	v1 =	vld.msk @!p1 [tilespmem:s13+$0x0], $0x1;
	_ =	sdelay $0x4  }
0x18c: {  	(v2sf) =	vpush @!p1 v1, $0x0;
	_ =	sdelay $0xd  }
0x18d: {  	p3 =	sne.s32 s6, $0x1  }
.Ltmp23:
0x18e: {  	s0 =	spop @!p1 (v2sf);
	(pc) =	sbr.rel @!p3 .LBB2_30-.Ltmp23, $4  }
0x18f: {  	p2 =	seq.s32 @!p1 s12, s0  }
0x190: {  	s14 =	simm.s32 $0x0;
	p2 =	por !p2, p1  }
0x191: {  	s2 =	simm.s32 $0xFFFFFFFF;
	s14 =	simm.s32 @p2 $0xFFFFFFFF  }
0x192: {  	s0 =	simm.s32 $0x1;
	s14 =	smov.u32 @p1 s2  }
.LBB2_29:
0x193: {  	s2 =	smov.u32 s14;
	p1 =	sne.s32 s14, $0xFFFFFFFF  }
0x194: {  	s13 =	sadd.s32 $0x1, s13;
	s14 =	smov.u32 s0;
	s0 =	sadd.s32 $0x1, s0  }
0x195: {  	p2 =	sne.s32 s6, s0;
	v1 =	vld.msk @!p1 [tilespmem:s13+$0x0], $0x1;
	_ =	sdelay $0x4  }
0x196: {  	(v2sf) =	vpush @!p1 v1, $0x0;
	_ =	sdelay $0xe  }
.Ltmp24:
0x197: {  	s3 =	spop @!p1 (v2sf);
	(pc) =	sbr.rel @p2 .LBB2_29-.Ltmp24, $4  }
0x198: {  	p3 =	seq.s32 @!p1 s12, s3  }
0x199: {  	p3 =	por !p3, p1  }
0x19a: {  	s14 =	simm.s32 @p3 $0xFFFFFFFF  }
0x19b: {  	s14 =	smov.u32 @p1 s2  }
.LBB2_30:
0x19c: {  	p1 =	seq.s32 s14, $0xFFFFFFFF  }
.Ltmp25:
0x19d: {  	_ = 	snop;
	(pc) =	sbr.rel @p1 .LBB2_32-.Ltmp25, $1  }
0x19e: {  	_ =	sdelay $0x3  }
0x19f: {  	s0 =	sshll.u32 s11, $0x7  }
0x1a0: {  	s0 =	sand.u32 $0x3FFFFF80, s0  }
0x1a1: {  	v0 =	vld [tilespmem:s0+$0xF238];
	_ =	sdelay $0x2  }
0x1a2: {  	s2 =	sshll.u32 s14, $0x9  }
0x1a3: {  	s2 =	sshra.s32 s2, $0x2  }
0x1a4: {  	[tilespmem:s2+$0xF238] =	vst.add.f32.msk $0xffff, v0  }
0x1a5: {  	v0 =	vld [tilespmem:s0+$0xF248];
	_ =	sdelay $0x4  }
0x1a6: {  	[tilespmem:s2+$0xF248] =	vst.add.f32.msk $0xffff, v0  }
0x1a7: {  	v0 =	vld [tilespmem:s0+$0xF258];
	_ =	sdelay $0x4  }
0x1a8: {  	[tilespmem:s2+$0xF258] =	vst.add.f32.msk $0xffff, v0  }
0x1a9: {  	v0 =	vld [tilespmem:s0+$0xF268];
	_ =	sdelay $0x4  }
0x1aa: {  	[tilespmem:s2+$0xF268] =	vst.add.f32.msk $0xffff, v0  }
0x1ab: {  	v0 =	vld [tilespmem:s0+$0xF278];
	_ =	sdelay $0x4  }
0x1ac: {  	[tilespmem:s2+$0xF278] =	vst.add.f32.msk $0xffff, v0  }
0x1ad: {  	v0 =	vld [tilespmem:s0+$0xF288];
	_ =	sdelay $0x4  }
0x1ae: {  	[tilespmem:s2+$0xF288] =	vst.add.f32.msk $0xffff, v0  }
0x1af: {  	v0 =	vld [tilespmem:s0+$0xF298];
	_ =	sdelay $0x4  }
0x1b0: {  	[tilespmem:s2+$0xF298] =	vst.add.f32.msk $0xffff, v0  }
0x1b1: {  	v0 =	vld [tilespmem:s0+$0xF2A8]  }
.Ltmp26:
0x1b2: {  	_ = 	snop;
	(pc) =	sbr.rel .LBB2_33-.Ltmp26, $2  }
0x1b3: {  	_ =	sdelay $0x2  }
0x1b4: {  	[tilespmem:s2+$0xF2A8] =	vst.add.f32.msk $0xffff, v0  }
.LBB2_34:
0x1b5: {  	s0 =	simm.s32 $0x6;
	p1 =	seq.s32 s6, $0x0  }
0x1b6: {  	[sflag:s0] =	ssyncpa.u1 $0x1;
	v0 =	vimm.s32 @p1 $0xFFFFFFFF  }
0x1b7: {  	s9 =	sadd.s32 $0xFFFFFFFF, s6;
	[tilespmem:$0x10238] =	vst @p1 v0  }
0x1b8: {  	v0 =	vld.msk @!p1 [tilespmem:s9+$0xF218], $0x1;
	_ =	sdelay $0x1  }
0x1b9: {  	v1 =	vld.msk @!p1 [tilespmem:$0xF218], $0x1;
	_ =	sdelay $0x2  }
0x1ba: {  	p2 =	seq.s32 @!p1 s9, $0x0;
	v0 =	vbroadcast @!p1 v0, $0x0  }
0x1bb: {  	vm0 =	vmmov @!p1 $0x1;
	p2 =	por !p2, p1  }
0x1bc: {  	v1 =	vnsel @!p1 vm0, $0xFFFFFFFF, v1;
	vm0 =	vcmask @!p1 $0x308;
	v0 =	vpsel !p2, $0xFFFFFFFF, v0  }
0x1bd: {  	p2 =	sne.s32 @!p1 s8, s7;
	v0 =	vsel @!p1 vm0, v1, v0  }
0x1be: {  	s0 =	simm.s32 @!p1 $0xF238;
	s2 =	simm.s32 @!p1 $0x0;
	p3 =	por !p2, p1;
	[tilespmem:$0x10238] =	vst @!p1 v0  }
0x1bf: {  	[spmem:s2] =	stream.linear.scatter @!p1 [tilespmem:s0], [sflag:$0x1], $0x80, $0x38;
	[tilespmem:$0x1F6F8] =	vst v63  }
0x1c0: {  	s0 =	sshll.u32 @!p3 s9, $0x9  }
0x1c1: {  	s0 =	sshra.s32 @!p3 s0, $0x2  }
0x1c2: {  	s2 =	simm.s32 @!p3 $0x80;
	s0 =	sadd.s32 @!p3 $0xF238, s0  }
0x1c3: {  	[spmem:s2] =	stream.linear.scatter @!p3 [tilespmem:s0], [sflag:$0x1], $0x80, $0x38;
	[tilespmem:$0x1F6F8] =	vst v63  }
0x1c4: {  	s0 =	simm.s32 @!p3 $0x1  }
0x1c5: {  	_ =	swait.ge @!p3 [sflag:s0], $0x100  }
0x1c6: {  	p1 =	por p2, p1;
	[sflag:s0] =	ssyncset.done @!p3 $0x0  }
0x1c7: {  	[sflag:s0] =	ssyncadd.s32 @!p3 $0xFFFFFF00;
	s0 =	simm.s32 @!p1 $0x1  }
0x1c8: {  	_ =	swait.ge @!p1 [sflag:s0], $0x80  }
0x1c9: {  	s29 =	simm.s32 $0x10238;
	[sflag:s0] =	ssyncset.done @!p1 $0x0  }
0x1ca: {  	s30 =	simm.s32 $0x1000;
	s31 =	simm.s32 $0x1;
	[sflag:s0] =	ssyncadd.s32 @!p1 $0xFFFFFF80  }
0x1cb: {  	[spmem:s30] =	stream.linear.scatter [tilespmem:s29], [sflag:$0x1], $0x10, $0x38;
	[tilespmem:$0x1F6F8] =	vst v63  }
0x1cc: {  	_ =	swait.ge [sflag:s31], $0x10  }
0x1cd: {  	[sflag:s31] =	ssyncset.done $0x0  }
0x1ce: {  	p1 =	seq.s32 s15, $0x0;
	s8 =	rddreg [dreg:$0x1];
	[sflag:s31] =	ssyncadd.s32 $0xFFFFFFF0  }
0x1cf: {  	s2 =	sshll.u32 @p1 s8, $0xE;
	s7 =	rddreg [dreg:$0x2]  }
0x1d0: {  	s0 =	sadd.s32 @p1 $0x15C3C, s2;
	s2 =	sshll.u32 @p1 s7, $0x11  }
0x1d1: {  	_ =	sfence.stream.spmem;
	s0 =	sor.u32 @p1 s2, s0  }
0x1d2: {  	[sflag:s0] =	ssyncadd.remote.s32 @p1 $0x1;
	s0 =	simm.s32 @p1 $0x4  }
0x1d3: {  	s3 =	simm.s32 @!p1 $0x3C;
	s2 =	sand.u32 $0xFFFFFFFE, s8;
	_ =	swait.ge @p1 [sflag:s0], $0x22  }
0x1d4: {  	s4 =	simm.s32 @!p1 $0x0;
	s2 =	sadd.s32 @!p1 $0x4, s2;
	[sflag:s0] =	ssyncset.done @p1 $0x0  }
0x1d5: {  	s5 =	simm.s32 @!p1 $0x100;
	[sflag:s0] =	ssyncadd.s32 @p1 $0xFFFFFFDE;
	s0 =	sshll.u32 @!p1 s2, $0x1A  }
0x1d6: {  	s2 =	sshll.u32 @!p1 s2, $0xD;
	s0 =	sor.u32 @!p1 s0, s7;
	_ =	swait.eq @!p1 [sflag:s3], $0x1  }
0x1d7: {  	s2 =	sor.u32 @!p1 $0x1C04, s2;
	s3 =	simm.s32 @!p1 $0x1C03;
	s0 =	sor.u32 @!p1 $0x80004000, s0  }
0x1d8: {  	[spmem:s5], [sflag:s2] =	dma.general @!p1 [spmem:s4], [sflag:s3], length:$0x20, [dreg:$0x0], stride_count:$0x0, ici_dest:s0, dma_misc:DstOpCode:WRITE  }
0x1d9: {  	p2 =	slt.s32 s9, $0x2;
	s4 =	simm.s32 @!p1 $0x200;
	s5 =	simm.s32 @!p1 $0x202  }
0x1da: {  	[spmem:s5], [sflag:s2] =	dma.general @!p1 [spmem:s4], [sflag:s3], length:$0x2, [dreg:$0x0], stride_count:$0x0, ici_dest:s0, dma_misc:DstOpCode:WRITE  }
.Ltmp27:
0x1db: {  	s0 =	simm.s32 @!p1 $0x3;
	(pc) =	sbr.rel @p2 .LBB2_38-.Ltmp27, $4  }
0x1dc: {  	s2 =	sshll.u32 @!p1 s8, $0xE;
	_ =	swait.ge @!p1 [sflag:s0], $0x22  }
0x1dd: {  	s3 =	sshll.u32 @!p1 s7, $0x11;
	s2 =	sadd.s32 @!p1 $0x11C3C, s2;
	[sflag:s0] =	ssyncset.done @!p1 $0x0  }
0x1de: {  	[sflag:s0] =	ssyncadd.s32 @!p1 $0xFFFFFFDE;
	s0 =	sor.u32 @!p1 s3, s2  }
0x1df: {  	[sflag:s0] =	ssyncadd.remote.s32 @!p1 $0xFFFFFFFF;
	s0 =	simm.s32 $0x0  }
0x1e0: {  	s0 =	simm.s32 $0xF219  }
0x1e1: {  	v0 =	vld.msk [tilespmem:s0+$0x0], $0x1;
	_ =	sdelay $0x4  }
0x1e2: {  	(v2sf) =	vpush v0, $0x0;
	_ =	sdelay $0xb  }
0x1e3: {  	s31 =	sadd.s32 $0xFFFFFFFE, s6  }
0x1e4: {  	s0 =	sadd.s32 $0xFFFFFFFF, s31  }
0x1e5: {  	p2 =	sne.s32 s0, $0x0  }
.Ltmp28:
0x1e6: {  	s2 =	spop (v2sf);
	(pc) =	sbr.rel @!p2 .LBB2_37-.Ltmp28, $4  }
0x1e7: {  	s4 =	simm.s32 $0xF2B8;
	s7 =	simm.s32 $0x0;
	p1 =	sgt.u32 s2, $0x270F0  }
0x1e8: {  	s5 =	simm.s32 $0x0;
	s6 =	simm.s32 $0xF21A;
	s3 =	sand.u32 @!p1 $0x3FFF8, s2  }
0x1e9: {  	s2 =	sand.u32 @!p1 $0x7, s2;
	s7 =	simm.s32 @!p1 $0x200;
	s3 =	sadd.s32 @!p1 s1, s3  }
0x1ea: {  	[hbm4b:s3+s2] =	stream.linear.scatter @!p1 [tilespmem:s4], [sflag:$0x5], $0x80, $0x38;
	[tilespmem:$0x1F6F8] =	vst v63  }
.LBB2_36:
0x1eb: {  	v0 =	vld.msk [tilespmem:s6+$0x0], $0x1;
	s0 =	sadd.s32 $0xFFFFFFFF, s0;
	s5 =	sadd.s32 s5, s7  }
0x1ec: {  	p1 =	sne.s32 s0, $0x0;
	_ =	sdelay $0x3  }
0x1ed: {  	(v2sf) =	vpush v0, $0x0;
	_ =	sdelay $0xe  }
.Ltmp29:
0x1ee: {  	s2 =	spop (v2sf);
	(pc) =	sbr.rel @p1 .LBB2_36-.Ltmp29, $4  }
0x1ef: {  	s7 =	simm.s32 $0x0;
	p2 =	sgt.u32 s2, $0x270F0  }
0x1f0: {  	s4 =	sadd.s32 $0x80, s4;
	s7 =	simm.s32 @!p2 $0x200;
	s3 =	sand.u32 @!p2 $0x3FFF8, s2  }
0x1f1: {  	s6 =	sadd.s32 $0x1, s6;
	s2 =	sand.u32 @!p2 $0x7, s2;
	s3 =	sadd.s32 @!p2 s1, s3  }
0x1f2: {  	[hbm4b:s3+s2] =	stream.linear.scatter @!p2 [tilespmem:s4], [sflag:$0x5], $0x80, $0x38;
	[tilespmem:$0x1F6F8] =	vst v63  }
.LBB2_37:
0x1f3: {  	s0 =	sadd.s32 s5, s7  }
0x1f4: {  	s0 =	sshrl.u32 s0, $0x2  }
.LBB2_38:
0x1f5: {  	s2 =	simm.s32 $0x5  }
0x1f6: {  	_ =	swait.ge [sflag:s2], s0  }
0x1f7: {  	s31 =	ssub.s32 $0x0, s0;
	[sflag:s2] =	ssyncset.done $0x0  }
0x1f8: {  	[sflag:s2] =	ssyncadd.s32 s31  }
0x1f9: {  	[sflag:s2] =	ssyncpa.u1 $0x1  }
.LBB2_39:
0x1fa: {  	s0 =	sor.u32 s15, s16  }
0x1fb: {  	p1 =	sne.s32 s0, $0x0  }
.Ltmp30:
0x1fc: {  	_ = 	snop;
	(pc) =	sbr.rel @p1 .LBB2_54-.Ltmp30, $3  }
0x1fd: {  	_ =	sdelay $0x1  }
0x1fe: {  	[bflag:$0x0] =	sbarrier.arrive $0xFFFF  }
0x1ff: {  	_ =	sfence  }
0x200: {  	s0 =	simm.s32 $0x7  }
0x201: {  	s2 =	simm.s32 $0x1000;
	s3 =	simm.s32 $0xF218;
	[sflag:s0] =	ssyncpa.u1 $0x0  }
0x202: {  	[tilespmem:s3], [sflag:$0x7] =	stream.linear.gather [spmem:s2], $0x20, $0x38;
	[tilespmem:$0x1F6F8] =	vst v63  }
0x203: {  	s30 =	simm.s32 $0xF238;
	s2 =	simm.s32 $0x0  }
0x204: {  	[tilespmem:s30], [sflag:$0x7] =	stream.linear.gather [spmem:s2], $0x1000, $0x38;
	[tilespmem:$0x1F6F8] =	vst v63  }
.Ltmp31:
0x205: {  	_ = 	snop;
	(pc) =	sbr.rel .LBB2_41-.Ltmp31, $4  }
0x206: {  	_ =	swait.ge [sflag:s0], $0x1020  }
0x207: {  	[sflag:s0] =	ssyncset.done $0x0  }
0x208: {  	s31 =	simm.s32 $0x8;
	[sflag:s0] =	ssyncadd.s32 $0xFFFFEFE0  }
0x209: {  	s3 =	simm.s32 $0x0;
	[sflag:s31] =	ssyncpa.u1 $0x0  }
.LBB2_47:
0x20a: {  	p1 =	slt.u32 s4, $0x270F1  }
0x20b: {  	s0 =	sand.u32 @p1 $0x3FFF8, s4  }
0x20c: {  	s4 =	sand.u32 @p1 $0x7, s4;
	s5 =	simm.s32 @p1 $0xF188;
	s0 =	sadd.s32 @p1 s1, s0  }
0x20d: {  	[tilespmem:s5], [sflag:$0x8] =	stream.linear.gather @p1 [hbm4b:s0+s4], $0x80, $0x38;
	[tilespmem:$0x1F6F8] =	vst v63  }
0x20e: {  	s0 =	simm.s32 @p1 $0x8  }
0x20f: {  	_ =	swait.ge @p1 [sflag:s0], $0x80  }
0x210: {  	[sflag:s0] =	ssyncset.done @p1 $0x0  }
0x211: {  	[sflag:s0] =	ssyncadd.s32 @p1 $0xFFFFFF80  }
0x212: {  	v1 =	vld @p1 [tilespmem:$0xF188];
	_ =	sdelay $0x2  }
0x213: {  	s0 =	sshll.u32 @p1 s3, $0x9  }
0x214: {  	s4 =	sshrl.u32 @p1 s0, $0x2  }
0x215: {  	[tilespmem:s4+$0xF238] =	vst.add.f32.msk @p1 $0xffff, v1  }
0x216: {  	v1 =	vld @p1 [tilespmem:$0xF198];
	_ =	sdelay $0x4  }
0x217: {  	[tilespmem:s4+$0xF248] =	vst.add.f32.msk @p1 $0xffff, v1  }
0x218: {  	v1 =	vld @p1 [tilespmem:$0xF1A8];
	_ =	sdelay $0x4  }
0x219: {  	[tilespmem:s4+$0xF258] =	vst.add.f32.msk @p1 $0xffff, v1  }
0x21a: {  	v1 =	vld @p1 [tilespmem:$0xF1B8];
	_ =	sdelay $0x4  }
0x21b: {  	[tilespmem:s4+$0xF268] =	vst.add.f32.msk @p1 $0xffff, v1  }
0x21c: {  	v1 =	vld @p1 [tilespmem:$0xF1C8];
	_ =	sdelay $0x4  }
0x21d: {  	[tilespmem:s4+$0xF278] =	vst.add.f32.msk @p1 $0xffff, v1  }
0x21e: {  	v1 =	vld @p1 [tilespmem:$0xF1D8];
	_ =	sdelay $0x4  }
0x21f: {  	[tilespmem:s4+$0xF288] =	vst.add.f32.msk @p1 $0xffff, v1  }
0x220: {  	v1 =	vld @p1 [tilespmem:$0xF1E8];
	_ =	sdelay $0x4  }
0x221: {  	[tilespmem:s4+$0xF298] =	vst.add.f32.msk @p1 $0xffff, v1  }
0x222: {  	v1 =	vld @p1 [tilespmem:$0xF1F8];
	_ =	sdelay $0x3  }
0x223: {  	s5 =	sshll.u32 @!p1 s3, $0x9  }
0x224: {  	s5 =	smov.u32 @p1 s0;
	[tilespmem:s4+$0xF2A8] =	vst.add.f32.msk @p1 $0xffff, v1  }
0x225: {  	s0 =	sshrl.u32 s5, $0x2;
	[tilespmem:s2+$0xF218] =	vst.msk $0x1, v0  }
0x226: {  	v0 =	vld [tilespmem:s0+$0xF238];
	_ =	sdelay $0x2  }
0x227: {  	s31 =	sshll.u32 s2, $0x9  }
0x228: {  	s4 =	sshra.s32 s31, $0x2  }
0x229: {  	[tilespmem:s4+$0xF238] =	vst v0  }
0x22a: {  	v0 =	vld [tilespmem:s0+$0xF248];
	_ =	sdelay $0x4  }
0x22b: {  	[tilespmem:s4+$0xF248] =	vst v0  }
0x22c: {  	v0 =	vld [tilespmem:s0+$0xF258];
	_ =	sdelay $0x4  }
0x22d: {  	[tilespmem:s4+$0xF258] =	vst v0  }
0x22e: {  	v0 =	vld [tilespmem:s0+$0xF268];
	_ =	sdelay $0x4  }
0x22f: {  	[tilespmem:s4+$0xF268] =	vst v0  }
0x230: {  	v0 =	vld [tilespmem:s0+$0xF278];
	_ =	sdelay $0x4  }
0x231: {  	[tilespmem:s4+$0xF278] =	vst v0  }
0x232: {  	v0 =	vld [tilespmem:s0+$0xF288];
	_ =	sdelay $0x4  }
0x233: {  	[tilespmem:s4+$0xF288] =	vst v0  }
0x234: {  	v0 =	vld [tilespmem:s0+$0xF298];
	_ =	sdelay $0x4  }
0x235: {  	[tilespmem:s4+$0xF298] =	vst v0  }
0x236: {  	v0 =	vld [tilespmem:s0+$0xF2A8];
	_ =	sdelay $0x4  }
0x237: {  	s2 =	sadd.s32 $0x1, s2;
	[tilespmem:s4+$0xF2A8] =	vst v0  }
.LBB2_48:
0x238: {  	s3 =	sadd.s32 $0x1, s3  }
0x239: {  	p1 =	sne.s32 s3, $0x20  }
.Ltmp32:
0x23a: {  	_ = 	snop;
	(pc) =	sbr.rel @!p1 .LBB2_49-.Ltmp32, $1  }
0x23b: {  	_ =	sdelay $0x3  }
.LBB2_41:
0x23c: {  	v0 =	vld.msk [tilespmem:s3+$0xF218], $0x1;
	_ =	sdelay $0x4  }
0x23d: {  	(v2sf) =	vpush v0, $0x0;
	_ =	sdelay $0xe  }
0x23e: {  	s4 =	spop (v2sf)  }
0x23f: {  	p1 =	seq.s32 s4, $0xFFFFFFFF  }
.Ltmp33:
0x240: {  	_ = 	snop;
	(pc) =	sbr.rel @p1 .LBB2_48-.Ltmp33, $1  }
0x241: {  	_ =	sdelay $0x3  }
0x242: {  	p1 =	slt.s32 s2, $0x1  }
.Ltmp34:
0x243: {  	_ = 	snop;
	(pc) =	sbr.rel @p1 .LBB2_47-.Ltmp34, $1  }
0x244: {  	_ =	sdelay $0x3  }
0x245: {  	s5 =	simm.s32 $0xF218;
	p1 =	por $0x0, $0x0  }
0x246: {  	v1 =	vld.msk @!p1 [tilespmem:s5+$0x0], $0x1;
	_ =	sdelay $0x4  }
0x247: {  	(v2sf) =	vpush @!p1 v1, $0x0;
	_ =	sdelay $0xd  }
0x248: {  	p3 =	sne.s32 s2, $0x1  }
.Ltmp35:
0x249: {  	s0 =	spop @!p1 (v2sf);
	(pc) =	sbr.rel @!p3 .LBB2_45-.Ltmp35, $4  }
0x24a: {  	p2 =	seq.s32 @!p1 s4, s0  }
0x24b: {  	s6 =	simm.s32 $0x0;
	p2 =	por !p2, p1  }
0x24c: {  	s7 =	simm.s32 $0xFFFFFFFF;
	s6 =	simm.s32 @p2 $0xFFFFFFFF  }
0x24d: {  	s0 =	simm.s32 $0x1;
	s6 =	smov.u32 @p1 s7  }
.LBB2_44:
0x24e: {  	s7 =	smov.u32 s6;
	p1 =	sne.s32 s6, $0xFFFFFFFF  }
0x24f: {  	s5 =	sadd.s32 $0x1, s5;
	s6 =	smov.u32 s0;
	s0 =	sadd.s32 $0x1, s0  }
0x250: {  	p2 =	sne.s32 s2, s0;
	v1 =	vld.msk @!p1 [tilespmem:s5+$0x0], $0x1;
	_ =	sdelay $0x4  }
0x251: {  	(v2sf) =	vpush @!p1 v1, $0x0;
	_ =	sdelay $0xe  }
.Ltmp36:
0x252: {  	s8 =	spop @!p1 (v2sf);
	(pc) =	sbr.rel @p2 .LBB2_44-.Ltmp36, $4  }
0x253: {  	p3 =	seq.s32 @!p1 s4, s8  }
0x254: {  	p3 =	por !p3, p1  }
0x255: {  	s6 =	simm.s32 @p3 $0xFFFFFFFF  }
0x256: {  	s6 =	smov.u32 @p1 s7  }
.LBB2_45:
0x257: {  	p1 =	seq.s32 s6, $0xFFFFFFFF  }
.Ltmp37:
0x258: {  	_ = 	snop;
	(pc) =	sbr.rel @p1 .LBB2_47-.Ltmp37, $1  }
0x259: {  	_ =	sdelay $0x3  }
0x25a: {  	s0 =	sshll.u32 s3, $0x7  }
0x25b: {  	s0 =	sand.u32 $0x3FFFFF80, s0  }
0x25c: {  	v0 =	vld [tilespmem:s0+$0xF238];
	_ =	sdelay $0x2  }
0x25d: {  	s4 =	sshll.u32 s6, $0x9  }
0x25e: {  	s4 =	sshra.s32 s4, $0x2  }
0x25f: {  	[tilespmem:s4+$0xF238] =	vst.add.f32.msk $0xffff, v0  }
0x260: {  	v0 =	vld [tilespmem:s0+$0xF248];
	_ =	sdelay $0x4  }
0x261: {  	[tilespmem:s4+$0xF248] =	vst.add.f32.msk $0xffff, v0  }
0x262: {  	v0 =	vld [tilespmem:s0+$0xF258];
	_ =	sdelay $0x4  }
0x263: {  	[tilespmem:s4+$0xF258] =	vst.add.f32.msk $0xffff, v0  }
0x264: {  	v0 =	vld [tilespmem:s0+$0xF268];
	_ =	sdelay $0x4  }
0x265: {  	[tilespmem:s4+$0xF268] =	vst.add.f32.msk $0xffff, v0  }
0x266: {  	v0 =	vld [tilespmem:s0+$0xF278];
	_ =	sdelay $0x4  }
0x267: {  	[tilespmem:s4+$0xF278] =	vst.add.f32.msk $0xffff, v0  }
0x268: {  	v0 =	vld [tilespmem:s0+$0xF288];
	_ =	sdelay $0x4  }
0x269: {  	[tilespmem:s4+$0xF288] =	vst.add.f32.msk $0xffff, v0  }
0x26a: {  	v0 =	vld [tilespmem:s0+$0xF298];
	_ =	sdelay $0x4  }
0x26b: {  	[tilespmem:s4+$0xF298] =	vst.add.f32.msk $0xffff, v0  }
0x26c: {  	v0 =	vld [tilespmem:s0+$0xF2A8]  }
.Ltmp38:
0x26d: {  	_ = 	snop;
	(pc) =	sbr.rel .LBB2_48-.Ltmp38, $2  }
0x26e: {  	_ =	sdelay $0x2  }
0x26f: {  	[tilespmem:s4+$0xF2A8] =	vst.add.f32.msk $0xffff, v0  }
.LBB2_49:
0x270: {  	p1 =	slt.s32 s2, $0x1  }
.Ltmp39:
0x271: {  	_ = 	snop;
	(pc) =	sbr.rel @p1 .LBB2_53-.Ltmp39, $3  }
0x272: {  	_ =	sdelay $0x1  }
0x273: {  	s0 =	simm.s32 $0x8  }
0x274: {  	s3 =	simm.s32 $0x0;
	[sflag:s0] =	ssyncpa.u1 $0x1  }
0x275: {  	s0 =	simm.s32 $0xF218  }
0x276: {  	v0 =	vld.msk [tilespmem:s0+$0x0], $0x1;
	_ =	sdelay $0x4  }
0x277: {  	(v2sf) =	vpush v0, $0x0;
	_ =	sdelay $0xe  }
0x278: {  	s0 =	sadd.s32 $0xFFFFFFFF, s2;
	s5 =	spop (v2sf)  }
0x279: {  	p2 =	sne.s32 s0, $0x0;
	p1 =	sgt.u32 s5, $0x270F0  }
.Ltmp40:
0x27a: {  	s6 =	sand.u32 @!p1 $0x3FFF8, s5;
	(pc) =	sbr.rel @!p2 .LBB2_52-.Ltmp40, $4  }
0x27b: {  	s4 =	simm.s32 $0xF238;
	s5 =	sand.u32 @!p1 $0x7, s5;
	s2 =	sadd.s32 @!p1 s1, s6  }
0x27c: {  	[hbm4b:s2+s5] =	stream.linear.scatter @!p1 [tilespmem:s4], [sflag:$0x7], $0x80, $0x38;
	[tilespmem:$0x1F6F8] =	vst v63  }
0x27d: {  	s5 =	simm.s32 $0x0  }
0x27e: {  	s2 =	simm.s32 $0xF219;
	s5 =	simm.s32 @!p1 $0x200  }
.LBB2_51:
0x27f: {  	v0 =	vld.msk [tilespmem:s2+$0x0], $0x1;
	s0 =	sadd.s32 $0xFFFFFFFF, s0;
	s3 =	sadd.s32 s3, s5  }
0x280: {  	p1 =	sne.s32 s0, $0x0;
	_ =	sdelay $0x3  }
0x281: {  	(v2sf) =	vpush v0, $0x0;
	_ =	sdelay $0xe  }
.Ltmp41:
0x282: {  	s6 =	spop (v2sf);
	(pc) =	sbr.rel @p1 .LBB2_51-.Ltmp41, $4  }
0x283: {  	s5 =	simm.s32 $0x0;
	p2 =	sgt.u32 s6, $0x270F0  }
0x284: {  	s4 =	sadd.s32 $0x80, s4;
	s5 =	simm.s32 @!p2 $0x200;
	s7 =	sand.u32 @!p2 $0x3FFF8, s6  }
0x285: {  	s2 =	sadd.s32 $0x1, s2;
	s6 =	sand.u32 @!p2 $0x7, s6;
	s7 =	sadd.s32 @!p2 s1, s7  }
0x286: {  	[hbm4b:s7+s6] =	stream.linear.scatter @!p2 [tilespmem:s4], [sflag:$0x7], $0x80, $0x38;
	[tilespmem:$0x1F6F8] =	vst v63  }
.LBB2_52:
0x287: {  	s0 =	sadd.s32 s3, s5  }
0x288: {  	s3 =	sshrl.u32 s0, $0x2  }
.LBB2_53:
0x289: {  	s0 =	simm.s32 $0x7  }
0x28a: {  	_ =	swait.ge [sflag:s0], s3  }
0x28b: {  	s1 =	ssub.s32 $0x0, s3;
	[sflag:s0] =	ssyncset.done $0x0  }
0x28c: {  	[sflag:s0] =	ssyncadd.s32 s1  }
0x28d: {  	[sflag:s0] =	ssyncpa.u1 $0x1  }
.LBB2_54:
0x28e: {  	_ =	sfence;
	s0 =	simm.s32 $0x1  }
0x28f: {  	[sflag:s0] =	ssyncpa.u1 $0x1  }
0x290: {  	_ =	strace $0x90000055  }
0x291: {  	[bflag:$0x2] =	sbarrier.arrive $0xFFFF  }
0x292: {  	s0 =	rddreg [dreg:$0x3]  }
0x293: {  	s0 =	sadd.s32 @!p0 $0x100000, s0  }
0x294: {  	[sflag:s0] =	ssyncadd.tile.s32 @!p0 $0x1;
	_ =	shalt  }
.Lfunc_end2:
_tile_overlayer_lowered:
.L_overlay_start_2:
0x295: {  	(tag) =	ssettag $0x2  }
0x296: {  	s0 =	rddreg [dreg:$0x0];
	s2 =	stileid.u32  }
0x297: {  	s1 =	rddreg [dreg:$0x1];
	p0 =	sne.s32 s2, $0x0  }
0x298: {  	s3 =	rddreg [dreg:$0x2];
	[bflag:$0x3] =	sbarrier.arrive $0xFFFF;
	s2 =	simm.s32 @!p0 $0x1C01  }
0x299: {  	[timem:s3], [sflag:s2] =	dma.local @!p0 [hbm:s0], s1  }
0x29a: {  	s0 =	simm.s32 @!p0 $0x1  }
0x29b: {  	_ =	swait.ge @!p0 [sflag:s0], s1  }
0x29c: {  	s1 =	ssub.s32 @!p0 $0x0, s1;
	[sflag:s0] =	ssyncset.done @!p0 $0x0  }
0x29d: {  	[sflag:s0] =	ssyncadd.s32 @!p0 s1  }
0x29e: {  	[bflag:$0x3] =	sbarrier.arrive $0xFFFF  }
0x29f: {  	_ =	shalt  }

</sc_bundles>
